<compile_context>
chip_gen: v7x
topology: tpu7x:2x2x1
jax: 0.10.2.dev20260603
libtpu: 0.0.44.dev20260713+nightly
codegen_flags: <defaults>
</compile_context>

<pallas_src>
import functools

import jax
import jax.numpy as jnp
from jax import lax
from jax.experimental import pallas as pl
from jax.experimental.pallas import tpu as pltpu
from jax.experimental.pallas import tpu_sc as plsc

_NUM_CLASSES = 21
_D = 8732
_BATCH = 8
_A = 20
_MATCH_THRESH = 0.5

_DP = 9216
_R, _C = 8, 1152
_NW = 32
_CHUNK = _DP // _NW
_NCH = _CHUNK // 16


def _sc_match_body(dcx_hbm, dcy_hbm, dw_hbm, dh_hbm, ann_hbm,
                   best_hbm, bwa_hbm, pmax_hbm, pidx_hbm,
                   dcx_v, dcy_v, dw_v, dh_v, annv, best_v, bwa_v,
                   pm_v, pi_v):
    f32 = jnp.float32
    wid = lax.axis_index("c") * 16 + lax.axis_index("s")
    base = wid * _CHUNK

    pltpu.sync_copy(dcx_hbm.at[pl.ds(base, _CHUNK)], dcx_v)
    pltpu.sync_copy(dcy_hbm.at[pl.ds(base, _CHUNK)], dcy_v)
    pltpu.sync_copy(dw_hbm.at[pl.ds(base, _CHUNK)], dw_v)
    pltpu.sync_copy(dh_hbm.at[pl.ds(base, _CHUNK)], dh_v)
    pltpu.sync_copy(ann_hbm, annv)

    alxs, alys, arxs, arys, aareas = [], [], [], [], []
    for h in range(2):
        acx = annv[pl.ds(h * 16, 16)]
        acy = annv[pl.ds(32 + h * 16, 16)]
        aw = annv[pl.ds(64 + h * 16, 16)]
        ah = annv[pl.ds(96 + h * 16, 16)]
        alx = jnp.maximum(acx - aw * 0.5, 0.0)
        aly = jnp.maximum(acy - ah * 0.5, 0.0)
        arx = jnp.minimum(acx + aw * 0.5, 1.0)
        ary = jnp.minimum(acy + ah * 0.5, 1.0)
        alxs.append(alx)
        alys.append(aly)
        arxs.append(arx)
        arys.append(ary)
        aareas.append((arx - alx) * (ary - aly))

    zeros = jnp.zeros((16,), f32)
    neg1 = jnp.full((16,), -1.0, f32)
    for a in range(_A):
        pm_v[pl.ds(a * 16, 16)] = neg1
        pi_v[pl.ds(a * 16, 16)] = zeros

    lane_f = lax.iota(jnp.int32, 16).astype(f32)
    base_f = base.astype(f32)

    def chunk_body(i, carry):
        off = i * 16
        s = pl.ds(off, 16)
        dcx = dcx_v[s]
        dcy = dcy_v[s]
        dw = dw_v[s]
        dh = dh_v[s]
        dlx = jnp.maximum(dcx - dw * 0.5, 0.0)
        dly = jnp.maximum(dcy - dh * 0.5, 0.0)
        drx = jnp.minimum(dcx + dw * 0.5, 1.0)
        dry = jnp.minimum(dcy + dh * 0.5, 1.0)
        darea = (drx - dlx) * (dry - dly)
        idxv = base_f + off.astype(f32) + lane_f

        best = neg1
        bwav = zeros
        for a in range(_A):
            h, l = divmod(a, 16)
            alx = alxs[h][l]
            aly = alys[h][l]
            arx = arxs[h][l]
            ary = arys[h][l]
            aarea = aareas[h][l]
            ix = jnp.maximum(jnp.minimum(drx, arx) - jnp.maximum(dlx, alx),
                             0.0)
            iy = jnp.maximum(jnp.minimum(dry, ary) - jnp.maximum(dly, aly),
                             0.0)
            inter = ix * iy
            iou = inter / (darea + aarea - inter + 1e-10)
            upd = iou > best
            bwav = jnp.where(upd, f32(a), bwav)
            best = jnp.where(upd, iou, best)
            sa = pl.ds(a * 16, 16)
            pm = pm_v[sa]
            pu = iou > pm
            pm_v[sa] = jnp.where(pu, iou, pm)
            pi_v[sa] = jnp.where(pu, idxv, pi_v[sa])
        best_v[s] = best
        bwa_v[s] = bwav
        return carry

    lax.fori_loop(0, _NCH, chunk_body, 0)

    pltpu.sync_copy(best_v, best_hbm.at[pl.ds(base, _CHUNK)])
    pltpu.sync_copy(bwa_v, bwa_hbm.at[pl.ds(base, _CHUNK)])
    pltpu.sync_copy(pm_v, pmax_hbm.at[pl.ds(wid * (_A * 16), _A * 16)])
    pltpu.sync_copy(pi_v, pidx_hbm.at[pl.ds(wid * (_A * 16), _A * 16)])


_sc_match = functools.partial(
    pl.kernel,
    out_type=[
        jax.ShapeDtypeStruct((_DP,), jnp.float32),
        jax.ShapeDtypeStruct((_DP,), jnp.float32),
        jax.ShapeDtypeStruct((_NW * _A * 16,), jnp.float32),
        jax.ShapeDtypeStruct((_NW * _A * 16,), jnp.float32),
    ],
    mesh=plsc.VectorSubcoreMesh(core_axis_name="c", subcore_axis_name="s"),
    scratch_types=[
        pltpu.VMEM((_CHUNK,), jnp.float32),
        pltpu.VMEM((_CHUNK,), jnp.float32),
        pltpu.VMEM((_CHUNK,), jnp.float32),
        pltpu.VMEM((_CHUNK,), jnp.float32),
        pltpu.VMEM((128,), jnp.float32),
        pltpu.VMEM((_CHUNK,), jnp.float32),
        pltpu.VMEM((_CHUNK,), jnp.float32),
        pltpu.VMEM((_A * 16,), jnp.float32),
        pltpu.VMEM((_A * 16,), jnp.float32),
    ],
)(_sc_match_body)


def _loss_kernel(ann_ref, db_ref, best_ref, bwa_ref, pmax_ref, pidx_ref,
                 pc_ref, po_ref, out_ref, matched_s, ccol_s, offs_s, acc_s):
    f32 = jnp.float32
    shp = (_R, _C)
    j = pl.program_id(0)

    @pl.when(j == 0)
    def _matching():
        _do_matching(ann_ref, db_ref, best_ref, bwa_ref, pmax_ref, pidx_ref,
                     matched_s, ccol_s, offs_s, acc_s)

    matched_f = matched_s[...]
    ccol = ccol_s[...]

    rows = [pc_ref[0, c] for c in range(_NUM_CLASSES)]
    m = rows[0]
    for c in range(1, _NUM_CLASSES):
        m = jnp.maximum(m, rows[c])
    z = jnp.zeros(shp, f32)
    e_true = jnp.zeros(shp, f32)
    for c in range(_NUM_CLASSES):
        e = jnp.exp(rows[c] - m)
        z = z + e
        e_true = jnp.where(ccol == f32(c), e, e_true)
    p = e_true / z
    p = jnp.clip(p, 1e-07, 1.0 - 1e-07)
    fl = -0.25 * jnp.log(p) * (1.0 - p) * (1.0 - p)
    step_sum = jnp.sum(fl * matched_f)
    reg = jnp.zeros(shp, f32)
    for k in range(4):
        d = po_ref[0, k] - offs_s[k]
        ad = jnp.abs(d)
        sl1 = jnp.where(ad < 1.0, 0.5 * d * d, ad - 0.5)
        reg = reg + sl1
    step_reg = jnp.sum(reg * matched_f)
    acc_s[0] = acc_s[0] + step_sum
    acc_s[1] = acc_s[1] + step_reg

    @pl.when(j == _BATCH - 1)
    def _final():
        inv = 1.0 / (f32(_BATCH) * acc_s[2])
        cls_loss = acc_s[0] * inv
        reg_loss = acc_s[1] * inv
        r_iota = lax.broadcasted_iota(jnp.int32, (8, 128), 0)
        l_iota = lax.broadcasted_iota(jnp.int32, (8, 128), 1)
        vals = jnp.where(l_iota == 0, cls_loss + reg_loss,
                         jnp.where(l_iota == 1, reg_loss,
                                   jnp.where(l_iota == 2, cls_loss, 0.0)))
        out_ref[:, :] = jnp.where(r_iota == 0, vals, 0.0)


def _do_matching(ann_ref, db_ref, best_ref, bwa_ref, pmax_ref, pidx_ref,
                 matched_s, ccol_s, offs_s, acc_s):
    f32 = jnp.float32
    shp = (_R, _C)
    d_iota = (lax.broadcasted_iota(jnp.int32, shp, 0) * _C
              + lax.broadcasted_iota(jnp.int32, shp, 1)).astype(f32)

    awb = []
    for a in range(_A):
        v = pmax_ref[pl.ds(a, 1), :]
        i = pidx_ref[pl.ds(a, 1), :]
        mv = jnp.max(v)
        awb.append(jnp.min(jnp.where(v == mv, i, f32(1e9))))

    best = best_ref[...]
    bwa = bwa_ref[...]
    matched = best >= _MATCH_THRESH
    for a in range(_A):
        hit = d_iota == awb[a]
        matched = jnp.logical_or(matched, hit)
        bwa = jnp.where(hit, f32(a), bwa)

    matched_f = matched.astype(f32)
    acc_s[0] = f32(0.0)
    acc_s[1] = f32(0.0)
    acc_s[2] = jnp.sum(matched_f)

    tcx = jnp.zeros(shp, f32)
    tcy = jnp.zeros(shp, f32)
    tw = jnp.zeros(shp, f32)
    th = jnp.zeros(shp, f32)
    tcls = jnp.zeros(shp, f32)
    for a in range(_A):
        sel = bwa == f32(a)
        tcx = jnp.where(sel, ann_ref[a, 2], tcx)
        tcy = jnp.where(sel, ann_ref[a, 3], tcy)
        tw = jnp.where(sel, ann_ref[a, 4], tw)
        th = jnp.where(sel, ann_ref[a, 5], th)
        tcls = jnp.where(sel, ann_ref[a, 1], tcls)

    dcx = db_ref[0]
    dcy = db_ref[1]
    dw = db_ref[2]
    dh = db_ref[3]
    safe_w = jnp.where(dw > 0.0, dw, 1.0)
    safe_h = jnp.where(dh > 0.0, dh, 1.0)
    offs_s[0] = (tcx - dcx) / (safe_w * 0.1)
    offs_s[1] = (tcy - dcy) / (safe_h * 0.1)
    offs_s[2] = jnp.log(jnp.where(tw > 0.0, tw, 1.0) / safe_w) * 5.0
    offs_s[3] = jnp.log(jnp.where(th > 0.0, th, 1.0) / safe_h) * 5.0

    ccol_s[...] = jnp.where(matched, tcls - 1.0, f32(-1.0))
    matched_s[...] = matched_f


@jax.jit
def kernel(predicted_offsets, predicted_classes, targets, default_boxes):
    f32 = jnp.float32
    ann = jnp.pad(targets[:_A], ((0, 0), (0, 2))).astype(f32)

    db_p = jnp.pad(default_boxes, ((0, _DP - _D), (0, 0)))
    ann_sc = jnp.pad(jnp.transpose(targets[:_A, 2:6]),
                     ((0, 0), (0, 32 - _A))).astype(f32).reshape(-1)

    best, bwa, pmax, pidx = _sc_match(
        db_p[:, 0], db_p[:, 1], db_p[:, 2], db_p[:, 3], ann_sc)
    best_t = best.reshape(_R, _C)
    bwa_t = bwa.reshape(_R, _C)
    pmax_t = jnp.pad(
        jnp.transpose(pmax.reshape(_NW, _A, 16), (1, 0, 2)).reshape(
            _A, _NW * 16), ((0, 4), (0, 0)))
    pidx_t = jnp.pad(
        jnp.transpose(pidx.reshape(_NW, _A, 16), (1, 0, 2)).reshape(
            _A, _NW * 16), ((0, 4), (0, 0)))

    db_t = jnp.transpose(db_p.reshape(_R, _C, 4), (2, 0, 1))

    pc_t = jnp.pad(predicted_classes,
                   ((0, 0), (0, _DP - _D), (0, 32 - _NUM_CLASSES)))
    pc_t = jnp.transpose(pc_t.reshape(_BATCH, _R, _C, 32),
                         (0, 3, 1, 2))

    po_t = jnp.pad(predicted_offsets, ((0, 0), (0, _DP - _D), (0, 0)))
    po_t = jnp.transpose(po_t.reshape(_BATCH, _R, _C, 4),
                         (0, 3, 1, 2))

    out = pl.pallas_call(
        _loss_kernel,
        grid=(_BATCH,),
        out_shape=jax.ShapeDtypeStruct((8, 128), f32),
        in_specs=[
            pl.BlockSpec(memory_space=pltpu.SMEM),
            pl.BlockSpec((4, _R, _C), lambda j: (0, 0, 0)),
            pl.BlockSpec((_R, _C), lambda j: (0, 0)),
            pl.BlockSpec((_R, _C), lambda j: (0, 0)),
            pl.BlockSpec((24, 512), lambda j: (0, 0)),
            pl.BlockSpec((24, 512), lambda j: (0, 0)),
            pl.BlockSpec((1, _NUM_CLASSES, _R, _C), lambda j: (j, 0, 0, 0)),
            pl.BlockSpec((1, 4, _R, _C), lambda j: (j, 0, 0, 0)),
        ],
        out_specs=pl.BlockSpec((8, 128), lambda j: (0, 0)),
        scratch_shapes=[
            pltpu.VMEM((_R, _C), f32),
            pltpu.VMEM((_R, _C), f32),
            pltpu.VMEM((4, _R, _C), f32),
            pltpu.SMEM((3,), f32),
        ],
    )(ann, db_t, best_t, bwa_t, pmax_t, pidx_t, pc_t, po_t)

    total = out[0, 0]
    reg_loss = out[0, 1]
    cls_loss = out[0, 2]
    return (total, reg_loss, cls_loss)

# --- scband reference (transcript-rebuilt; emitter-appended) ---
"""Pipeline reference for scband-ssdloss-30485677867331 (READ-ONLY COPY).

The authoritative reference and input builder live on the scoring server;
editing this copy changes nothing except your own understanding.
"""

import jax, jax.numpy as jnp
import numpy as np

NUM_CLASSES = 21
NUM_DEFAULT = 8732
BATCH = 8
NUM_ANN = 160
MATCH_THRESH = 0.5
NEG_RATIO = 3


def setup_inputs(seed: int = 0) -> dict:
    key = jax.random.key(seed)
    k1, k2, k3, k4, k5, k6, k7 = jax.random.split(key, 7)
    predicted_offsets = jax.random.normal(k1, (BATCH, NUM_DEFAULT, 4), dtype=jnp.float32)
    predicted_classes = jax.random.normal(k2, (BATCH, NUM_DEFAULT, NUM_CLASSES), dtype=jnp.float32)
    cxcy = jax.random.uniform(k3, (NUM_DEFAULT, 2), minval=0.05, maxval=0.95)
    wh = jax.random.uniform(k4, (NUM_DEFAULT, 2), minval=0.05, maxval=0.5)
    default_boxes = jnp.concatenate([cxcy, wh], axis=1).astype(jnp.float32)
    img_idx = jnp.repeat(jnp.arange(BATCH), NUM_ANN // BATCH).astype(jnp.float32)[:, None]
    cls = jax.random.randint(k5, (NUM_ANN, 1), 1, NUM_CLASSES + 1).astype(jnp.float32)
    bcxcy = jax.random.uniform(k6, (NUM_ANN, 2), minval=0.1, maxval=0.9)
    bwh = jax.random.uniform(k7, (NUM_ANN, 2), minval=0.05, maxval=0.4)
    targets = jnp.concatenate([img_idx, cls, bcxcy, bwh], axis=1).astype(jnp.float32)
    return {"predicted_offsets": predicted_offsets, "predicted_classes": predicted_classes,
            "targets": targets, "default_boxes": default_boxes}


def _center_to_points(c):
    lp = jnp.maximum(c[:, :2] - c[:, 2:] / 2.0, 0.0)
    rp = jnp.minimum(c[:, :2] + c[:, 2:] / 2.0, 1.0)
    return jnp.concatenate([lp, rp], axis=1)


def _iou(a, b):
    lt = jnp.maximum(a[..., :2], b[..., :2])
    rb = jnp.minimum(a[..., 2:], b[..., 2:])
    wh = jnp.maximum(rb - lt, 0.0)
    inter = wh[..., 0] * wh[..., 1]
    area_a = (a[..., 2] - a[..., 0]) * (a[..., 3] - a[..., 1])
    area_b = (b[..., 2] - b[..., 0]) * (b[..., 3] - b[..., 1])
    return inter / (area_a + area_b - inter + 1e-10)


def _match(default_boxes, annotations_boxes, match_thresh):
    num_ann = annotations_boxes.shape[0]
    db_pt = _center_to_points(default_boxes)
    an_pt = _center_to_points(annotations_boxes)
    ious = _iou(db_pt[None, :, :], an_pt[:, None, :])  # [A, D]
    annotation_with_box = jnp.argmax(ious, axis=1)  # [A]
    ious_max = jnp.max(ious, axis=0)  # [D]
    box_with_annotation = jnp.argmax(ious, axis=0)  # [D]
    matched = ious_max >= match_thresh
    matched = matched.at[annotation_with_box].set(True)
    box_with_annotation = box_with_annotation.at[annotation_with_box].set(jnp.arange(num_ann))
    return box_with_annotation, matched


def _compute_offsets(default_boxes, annotations_boxes, box_with_annotation_idx):
    matched = annotations_boxes[box_with_annotation_idx]
    offset_cx = (matched[:, :2] - default_boxes[:, :2]) / (default_boxes[:, 2:] * 0.1)
    offset_wh = jnp.log(matched[:, 2:] / default_boxes[:, 2:]) / 0.2
    return jnp.concatenate([offset_cx, offset_wh], axis=1)


def _focal_loss_none(x, y):
    t = jnp.eye(NUM_CLASSES + 1, dtype=jnp.float32)[y][:, 1:]
    logit = jax.nn.softmax(x, axis=1)
    logit = jnp.clip(logit, 1e-07, 1.0 - 1e-07)
    l = -1.0 * t * jnp.log(logit)
    return 0.25 * l * (1.0 - logit) ** 2


def _smooth_l1(pred, target):
    d = pred - target
    ad = jnp.abs(d)
    return jnp.where(ad < 1.0, 0.5 * d * d, ad - 0.5)


def _compute_loss(default_boxes, annotations_classes, annotations_boxes, predicted_classes, predicted_offsets):
    annotations_classes = annotations_classes.astype(jnp.int32)
    box_with_annotation, matched_bin = _match(default_boxes, annotations_boxes, MATCH_THRESH)
    D = matched_bin.shape[0]
    N = matched_bin.astype(jnp.int32).sum()
    true_offsets = _compute_offsets(default_boxes, annotations_boxes, box_with_annotation)
    pos_mask = matched_bin.astype(predicted_classes.dtype)
    regression_loss_sum = (_smooth_l1(predicted_offsets, true_offsets) * pos_mask[:, None]).sum()
    true_cls = jnp.where(matched_bin, annotations_classes[box_with_annotation], 0)
    total = _focal_loss_none(predicted_classes, true_cls)  # [D, C]
    pos_sum = (total * pos_mask[:, None]).sum()
    order = jnp.argsort(matched_bin.astype(jnp.int32), stable=True)  # non-matched rows first, ascending index
    neg_perm = total[order]  # rows [0, D-N) equal original neg
    M = D - N
    rowsum = neg_perm.sum(axis=1)
    hard = jnp.argsort(-neg_perm, axis=-1)
    hard = jnp.minimum(hard, M - 1)
    vals = rowsum[hard]  # [D, C]
    K = jnp.minimum(N * NEG_RATIO, M)
    row_mask = (jnp.arange(D) < K).astype(total.dtype)
    neg_hard_sum = (vals * row_mask[:, None]).sum()
    cls_loss = (pos_sum + neg_hard_sum) / N
    reg_loss = regression_loss_sum / N
    return cls_loss, reg_loss, matched_bin


def reference(predicted_offsets, predicted_classes, targets, default_boxes):
    batch_size = predicted_classes.shape[0]
    x = targets[:, 0]
    lens = (x[None, :] == jnp.arange(batch_size, dtype=x.dtype)[:, None]).sum(axis=1)
    per_img = targets.shape[0] // batch_size
    new_batch_size = batch_size
    classification_loss = 0.0
    localization_loss = 0.0
    for j in range(batch_size):
        if j >= lens.shape[0]:
            new_batch_size -= 1
            continue
        L = per_img
        ann = targets[:L]
        cl, lo, _mi = _compute_loss(default_boxes, ann[:, 1], ann[:, 2:],
                                    predicted_classes[j], predicted_offsets[j])
        classification_loss = classification_loss + cl
        localization_loss = localization_loss + lo
    localization_loss = localization_loss / new_batch_size
    classification_loss = classification_loss / new_batch_size
    total_loss = localization_loss + classification_loss
    return (total_loss, localization_loss, classification_loss)

if __name__ == "__main__":
    import jax
    _d = setup_inputs()
    print(jax.jit(kernel)(*tuple(_d.values())))

</pallas_src>

<mosaic_0001>
#map = affine_map<(d0, d1) -> (0)>
module attributes {stable_mosaic.version = 14 : i64} {
  func.func @_sc_match_body(%arg0: i32, %arg1: i32, %arg2: memref<9216xf32, #tpu.memory_space<hbm>>, %arg3: memref<9216xf32, #tpu.memory_space<hbm>>, %arg4: memref<9216xf32, #tpu.memory_space<hbm>>, %arg5: memref<9216xf32, #tpu.memory_space<hbm>>, %arg6: memref<128xf32, #tpu.memory_space<hbm>>, %arg7: memref<9216xf32, #tpu.memory_space<hbm>>, %arg8: memref<9216xf32, #tpu.memory_space<hbm>>, %arg9: memref<10240xf32, #tpu.memory_space<hbm>>, %arg10: memref<10240xf32, #tpu.memory_space<hbm>>, %arg11: memref<288xf32, #tpu.memory_space<vmem>>, %arg12: memref<288xf32, #tpu.memory_space<vmem>>, %arg13: memref<288xf32, #tpu.memory_space<vmem>>, %arg14: memref<288xf32, #tpu.memory_space<vmem>>, %arg15: memref<128xf32, #tpu.memory_space<vmem>>, %arg16: memref<288xf32, #tpu.memory_space<vmem>>, %arg17: memref<288xf32, #tpu.memory_space<vmem>>, %arg18: memref<320xf32, #tpu.memory_space<vmem>>, %arg19: memref<320xf32, #tpu.memory_space<vmem>>) attributes {dimension_semantics = [#tpu.dimension_semantics<core_parallel>, #tpu.dimension_semantics<subcore_parallel>], iteration_bounds = array<i64: 2, 16>, scalar_prefetch = 0 : i64, scratch_operands = 9 : i64, tpu.core_type = #tpu.core_type<sc_vector_subcore>, window_params = [{transform_indices = #map}, {transform_indices = #map}, {transform_indices = #map}, {transform_indices = #map}, {transform_indices = #map}, {transform_indices = #map}, {transform_indices = #map}, {transform_indices = #map}, {transform_indices = #map}]} {
    %mul3A = arith.constant 16 : i32
    %mul3A_0 = arith.muli %arg0, %mul3A : i32
    %add3A = arith.addi %mul3A_0, %arg1 : i32
    %mul3A_1 = arith.constant 288 : i32
    %mul3A_2 = arith.muli %add3A, %mul3A_1 : i32
    "tpu.region"() ({
      %run_scoped3A = tpu.sem_alloc : memref<!tpu.dma_semaphore, #tpu.memory_space<semaphore_mem>>
      %dma_start3A = tpu.memref_slice %arg2[%mul3A_2] : memref<9216xf32, #tpu.memory_space<hbm>> -> memref<288xf32, #tpu.memory_space<hbm>>
      %dma_start3A_257 = tpu.memref_slice %arg2[%mul3A_2] : memref<9216xf32, #tpu.memory_space<hbm>> -> memref<288xf32, #tpu.memory_space<hbm>>
      tpu.enqueue_dma source(%dma_start3A_257 : memref<288xf32, #tpu.memory_space<hbm>>) target(%arg11 : memref<288xf32, #tpu.memory_space<vmem>>) target_semaphore(%run_scoped3A : memref<!tpu.dma_semaphore, #tpu.memory_space<semaphore_mem>>)
      %dma_wait3A = tpu.memref_slice %arg2[%mul3A_2] : memref<9216xf32, #tpu.memory_space<hbm>> -> memref<288xf32, #tpu.memory_space<hbm>>
      %dma_wait3A_258 = tpu.memref_slice %arg2[%mul3A_2] : memref<9216xf32, #tpu.memory_space<hbm>> -> memref<288xf32, #tpu.memory_space<hbm>>
      tpu.wait_dma2 semaphore(%run_scoped3A : memref<!tpu.dma_semaphore, #tpu.memory_space<semaphore_mem>>) src(%dma_wait3A_258 : memref<288xf32, #tpu.memory_space<hbm>>) dst(%arg11 : memref<288xf32, #tpu.memory_space<vmem>>)
      tpu.yield
    }) : () -> ()
    "tpu.region"() ({
      %run_scoped3A = tpu.sem_alloc : memref<!tpu.dma_semaphore, #tpu.memory_space<semaphore_mem>>
      %dma_start3A = tpu.memref_slice %arg3[%mul3A_2] : memref<9216xf32, #tpu.memory_space<hbm>> -> memref<288xf32, #tpu.memory_space<hbm>>
      %dma_start3A_257 = tpu.memref_slice %arg3[%mul3A_2] : memref<9216xf32, #tpu.memory_space<hbm>> -> memref<288xf32, #tpu.memory_space<hbm>>
      tpu.enqueue_dma source(%dma_start3A_257 : memref<288xf32, #tpu.memory_space<hbm>>) target(%arg12 : memref<288xf32, #tpu.memory_space<vmem>>) target_semaphore(%run_scoped3A : memref<!tpu.dma_semaphore, #tpu.memory_space<semaphore_mem>>)
      %dma_wait3A = tpu.memref_slice %arg3[%mul3A_2] : memref<9216xf32, #tpu.memory_space<hbm>> -> memref<288xf32, #tpu.memory_space<hbm>>
      %dma_wait3A_258 = tpu.memref_slice %arg3[%mul3A_2] : memref<9216xf32, #tpu.memory_space<hbm>> -> memref<288xf32, #tpu.memory_space<hbm>>
      tpu.wait_dma2 semaphore(%run_scoped3A : memref<!tpu.dma_semaphore, #tpu.memory_space<semaphore_mem>>) src(%dma_wait3A_258 : memref<288xf32, #tpu.memory_space<hbm>>) dst(%arg12 : memref<288xf32, #tpu.memory_space<vmem>>)
      tpu.yield
    }) : () -> ()
    "tpu.region"() ({
      %run_scoped3A = tpu.sem_alloc : memref<!tpu.dma_semaphore, #tpu.memory_space<semaphore_mem>>
      %dma_start3A = tpu.memref_slice %arg4[%mul3A_2] : memref<9216xf32, #tpu.memory_space<hbm>> -> memref<288xf32, #tpu.memory_space<hbm>>
      %dma_start3A_257 = tpu.memref_slice %arg4[%mul3A_2] : memref<9216xf32, #tpu.memory_space<hbm>> -> memref<288xf32, #tpu.memory_space<hbm>>
      tpu.enqueue_dma source(%dma_start3A_257 : memref<288xf32, #tpu.memory_space<hbm>>) target(%arg13 : memref<288xf32, #tpu.memory_space<vmem>>) target_semaphore(%run_scoped3A : memref<!tpu.dma_semaphore, #tpu.memory_space<semaphore_mem>>)
      %dma_wait3A = tpu.memref_slice %arg4[%mul3A_2] : memref<9216xf32, #tpu.memory_space<hbm>> -> memref<288xf32, #tpu.memory_space<hbm>>
      %dma_wait3A_258 = tpu.memref_slice %arg4[%mul3A_2] : memref<9216xf32, #tpu.memory_space<hbm>> -> memref<288xf32, #tpu.memory_space<hbm>>
      tpu.wait_dma2 semaphore(%run_scoped3A : memref<!tpu.dma_semaphore, #tpu.memory_space<semaphore_mem>>) src(%dma_wait3A_258 : memref<288xf32, #tpu.memory_space<hbm>>) dst(%arg13 : memref<288xf32, #tpu.memory_space<vmem>>)
      tpu.yield
    }) : () -> ()
    "tpu.region"() ({
      %run_scoped3A = tpu.sem_alloc : memref<!tpu.dma_semaphore, #tpu.memory_space<semaphore_mem>>
      %dma_start3A = tpu.memref_slice %arg5[%mul3A_2] : memref<9216xf32, #tpu.memory_space<hbm>> -> memref<288xf32, #tpu.memory_space<hbm>>
      %dma_start3A_257 = tpu.memref_slice %arg5[%mul3A_2] : memref<9216xf32, #tpu.memory_space<hbm>> -> memref<288xf32, #tpu.memory_space<hbm>>
      tpu.enqueue_dma source(%dma_start3A_257 : memref<288xf32, #tpu.memory_space<hbm>>) target(%arg14 : memref<288xf32, #tpu.memory_space<vmem>>) target_semaphore(%run_scoped3A : memref<!tpu.dma_semaphore, #tpu.memory_space<semaphore_mem>>)
      %dma_wait3A = tpu.memref_slice %arg5[%mul3A_2] : memref<9216xf32, #tpu.memory_space<hbm>> -> memref<288xf32, #tpu.memory_space<hbm>>
      %dma_wait3A_258 = tpu.memref_slice %arg5[%mul3A_2] : memref<9216xf32, #tpu.memory_space<hbm>> -> memref<288xf32, #tpu.memory_space<hbm>>
      tpu.wait_dma2 semaphore(%run_scoped3A : memref<!tpu.dma_semaphore, #tpu.memory_space<semaphore_mem>>) src(%dma_wait3A_258 : memref<288xf32, #tpu.memory_space<hbm>>) dst(%arg14 : memref<288xf32, #tpu.memory_space<vmem>>)
      tpu.yield
    }) : () -> ()
    "tpu.region"() ({
      %run_scoped3A = tpu.sem_alloc : memref<!tpu.dma_semaphore, #tpu.memory_space<semaphore_mem>>
      tpu.enqueue_dma source(%arg6 : memref<128xf32, #tpu.memory_space<hbm>>) target(%arg15 : memref<128xf32, #tpu.memory_space<vmem>>) target_semaphore(%run_scoped3A : memref<!tpu.dma_semaphore, #tpu.memory_space<semaphore_mem>>)
      tpu.wait_dma2 semaphore(%run_scoped3A : memref<!tpu.dma_semaphore, #tpu.memory_space<semaphore_mem>>) src(%arg6 : memref<128xf32, #tpu.memory_space<hbm>>) dst(%arg15 : memref<128xf32, #tpu.memory_space<vmem>>)
      tpu.yield
    }) : () -> ()
    %get3A = arith.constant 0 : index
    %get3A_3 = tpu.vector_load %arg15[%get3A] {strides = array<i32>} : memref<128xf32, #tpu.memory_space<vmem>>, vector<16xf32>,
    %get3A_4 = vector.shape_cast %get3A_3 : vector<16xf32> to vector<16xf32>
    %get3A_5 = arith.constant 32 : index
    %get3A_6 = tpu.vector_load %arg15[%get3A_5] {strides = array<i32>} : memref<128xf32, #tpu.memory_space<vmem>>, vector<16xf32>,
    %get3A_7 = vector.shape_cast %get3A_6 : vector<16xf32> to vector<16xf32>
    %get3A_8 = arith.constant 64 : index
    %get3A_9 = tpu.vector_load %arg15[%get3A_8] {strides = array<i32>} : memref<128xf32, #tpu.memory_space<vmem>>, vector<16xf32>,
    %get3A_10 = vector.shape_cast %get3A_9 : vector<16xf32> to vector<16xf32>
    %get3A_11 = arith.constant 96 : index
    %get3A_12 = tpu.vector_load %arg15[%get3A_11] {strides = array<i32>} : memref<128xf32, #tpu.memory_space<vmem>>, vector<16xf32>,
    %get3A_13 = vector.shape_cast %get3A_12 : vector<16xf32> to vector<16xf32>
    %mul3A_14 = arith.constant 5.000000e-01 : f32
    %mul3A_15 = vector.broadcast %mul3A_14 : f32 to vector<16xf32>
    %mul3A_16 = arith.mulf %get3A_10, %mul3A_15 : vector<16xf32>
    %sub3A = arith.subf %get3A_4, %mul3A_16 : vector<16xf32>
    %max3A = arith.constant 0.000000e+00 : f32
    %max3A_17 = vector.broadcast %max3A : f32 to vector<16xf32>
    %max3A_18 = arith.maximumf %sub3A, %max3A_17 : vector<16xf32>
    %mul3A_19 = arith.constant 5.000000e-01 : f32
    %mul3A_20 = vector.broadcast %mul3A_19 : f32 to vector<16xf32>
    %mul3A_21 = arith.mulf %get3A_13, %mul3A_20 : vector<16xf32>
    %sub3A_22 = arith.subf %get3A_7, %mul3A_21 : vector<16xf32>
    %max3A_23 = arith.constant 0.000000e+00 : f32
    %max3A_24 = vector.broadcast %max3A_23 : f32 to vector<16xf32>
    %max3A_25 = arith.maximumf %sub3A_22, %max3A_24 : vector<16xf32>
    %mul3A_26 = arith.constant 5.000000e-01 : f32
    %mul3A_27 = vector.broadcast %mul3A_26 : f32 to vector<16xf32>
    %mul3A_28 = arith.mulf %get3A_10, %mul3A_27 : vector<16xf32>
    %add3A_29 = arith.addf %get3A_4, %mul3A_28 : vector<16xf32>
    %min3A = arith.constant 1.000000e+00 : f32
    %min3A_30 = vector.broadcast %min3A : f32 to vector<16xf32>
    %min3A_31 = arith.minimumf %add3A_29, %min3A_30 : vector<16xf32>
    %mul3A_32 = arith.constant 5.000000e-01 : f32
    %mul3A_33 = vector.broadcast %mul3A_32 : f32 to vector<16xf32>
    %mul3A_34 = arith.mulf %get3A_13, %mul3A_33 : vector<16xf32>
    %add3A_35 = arith.addf %get3A_7, %mul3A_34 : vector<16xf32>
    %min3A_36 = arith.constant 1.000000e+00 : f32
    %min3A_37 = vector.broadcast %min3A_36 : f32 to vector<16xf32>
    %min3A_38 = arith.minimumf %add3A_35, %min3A_37 : vector<16xf32>
    %sub3A_39 = arith.subf %min3A_31, %max3A_18 : vector<16xf32>
    %sub3A_40 = arith.subf %min3A_38, %max3A_25 : vector<16xf32>
    %mul3A_41 = arith.mulf %sub3A_39, %sub3A_40 : vector<16xf32>
    %get3A_42 = arith.constant 16 : index
    %get3A_43 = tpu.vector_load %arg15[%get3A_42] {strides = array<i32>} : memref<128xf32, #tpu.memory_space<vmem>>, vector<16xf32>,
    %get3A_44 = vector.shape_cast %get3A_43 : vector<16xf32> to vector<16xf32>
    %get3A_45 = arith.constant 48 : index
    %get3A_46 = tpu.vector_load %arg15[%get3A_45] {strides = array<i32>} : memref<128xf32, #tpu.memory_space<vmem>>, vector<16xf32>,
    %get3A_47 = vector.shape_cast %get3A_46 : vector<16xf32> to vector<16xf32>
    %get3A_48 = arith.constant 80 : index
    %get3A_49 = tpu.vector_load %arg15[%get3A_48] {strides = array<i32>} : memref<128xf32, #tpu.memory_space<vmem>>, vector<16xf32>,
    %get3A_50 = vector.shape_cast %get3A_49 : vector<16xf32> to vector<16xf32>
    %get3A_51 = arith.constant 112 : index
    %get3A_52 = tpu.vector_load %arg15[%get3A_51] {strides = array<i32>} : memref<128xf32, #tpu.memory_space<vmem>>, vector<16xf32>,
    %get3A_53 = vector.shape_cast %get3A_52 : vector<16xf32> to vector<16xf32>
    %mul3A_54 = arith.constant 5.000000e-01 : f32
    %mul3A_55 = vector.broadcast %mul3A_54 : f32 to vector<16xf32>
    %mul3A_56 = arith.mulf %get3A_50, %mul3A_55 : vector<16xf32>
    %sub3A_57 = arith.subf %get3A_44, %mul3A_56 : vector<16xf32>
    %max3A_58 = arith.constant 0.000000e+00 : f32
    %max3A_59 = vector.broadcast %max3A_58 : f32 to vector<16xf32>
    %max3A_60 = arith.maximumf %sub3A_57, %max3A_59 : vector<16xf32>
    %mul3A_61 = arith.constant 5.000000e-01 : f32
    %mul3A_62 = vector.broadcast %mul3A_61 : f32 to vector<16xf32>
    %mul3A_63 = arith.mulf %get3A_53, %mul3A_62 : vector<16xf32>
    %sub3A_64 = arith.subf %get3A_47, %mul3A_63 : vector<16xf32>
    %max3A_65 = arith.constant 0.000000e+00 : f32
    %max3A_66 = vector.broadcast %max3A_65 : f32 to vector<16xf32>
    %max3A_67 = arith.maximumf %sub3A_64, %max3A_66 : vector<16xf32>
    %mul3A_68 = arith.constant 5.000000e-01 : f32
    %mul3A_69 = vector.broadcast %mul3A_68 : f32 to vector<16xf32>
    %mul3A_70 = arith.mulf %get3A_50, %mul3A_69 : vector<16xf32>
    %add3A_71 = arith.addf %get3A_44, %mul3A_70 : vector<16xf32>
    %min3A_72 = arith.constant 1.000000e+00 : f32
    %min3A_73 = vector.broadcast %min3A_72 : f32 to vector<16xf32>
    %min3A_74 = arith.minimumf %add3A_71, %min3A_73 : vector<16xf32>
    %mul3A_75 = arith.constant 5.000000e-01 : f32
    %mul3A_76 = vector.broadcast %mul3A_75 : f32 to vector<16xf32>
    %mul3A_77 = arith.mulf %get3A_53, %mul3A_76 : vector<16xf32>
    %add3A_78 = arith.addf %get3A_47, %mul3A_77 : vector<16xf32>
    %min3A_79 = arith.constant 1.000000e+00 : f32
    %min3A_80 = vector.broadcast %min3A_79 : f32 to vector<16xf32>
    %min3A_81 = arith.minimumf %add3A_78, %min3A_80 : vector<16xf32>
    %sub3A_82 = arith.subf %min3A_74, %max3A_60 : vector<16xf32>
    %sub3A_83 = arith.subf %min3A_81, %max3A_67 : vector<16xf32>
    %mul3A_84 = arith.mulf %sub3A_82, %sub3A_83 : vector<16xf32>
    %broadcast_in_dim3A = arith.constant 0.000000e+00 : f32
    %broadcast_in_dim3A_85 = vector.broadcast %broadcast_in_dim3A : f32 to vector<16xf32>
    %broadcast_in_dim3A_86 = arith.constant -1.000000e+00 : f32
    %broadcast_in_dim3A_87 = vector.broadcast %broadcast_in_dim3A_86 : f32 to vector<16xf32>
    %swap3A = arith.constant 0 : index
    %swap3A_88 = tpu.vector_load %arg18[%swap3A] {strides = array<i32>} : memref<320xf32, #tpu.memory_space<vmem>>, vector<16xf32>,
    %swap3A_89 = vector.shape_cast %swap3A_88 : vector<16xf32> to vector<16xf32>
    %swap3A_90 = vector.shape_cast %broadcast_in_dim3A_87 : vector<16xf32> to vector<16xf32>
    tpu.vector_store %arg18[%swap3A], %swap3A_90 {strides = array<i32>} : memref<320xf32, #tpu.memory_space<vmem>>, vector<16xf32>,
    %swap3A_91 = arith.constant 0 : index
    %swap3A_92 = tpu.vector_load %arg19[%swap3A_91] {strides = array<i32>} : memref<320xf32, #tpu.memory_space<vmem>>, vector<16xf32>,
    %swap3A_93 = vector.shape_cast %swap3A_92 : vector<16xf32> to vector<16xf32>
    %swap3A_94 = vector.shape_cast %broadcast_in_dim3A_85 : vector<16xf32> to vector<16xf32>
    tpu.vector_store %arg19[%swap3A_91], %swap3A_94 {strides = array<i32>} : memref<320xf32, #tpu.memory_space<vmem>>, vector<16xf32>,
    %swap3A_95 = arith.constant 16 : index
    %swap3A_96 = tpu.vector_load %arg18[%swap3A_95] {strides = array<i32>} : memref<320xf32, #tpu.memory_space<vmem>>, vector<16xf32>,
    %swap3A_97 = vector.shape_cast %swap3A_96 : vector<16xf32> to vector<16xf32>
    %swap3A_98 = vector.shape_cast %broadcast_in_dim3A_87 : vector<16xf32> to vector<16xf32>
    tpu.vector_store %arg18[%swap3A_95], %swap3A_98 {strides = array<i32>} : memref<320xf32, #tpu.memory_space<vmem>>, vector<16xf32>,
    %swap3A_99 = arith.constant 16 : index
    %swap3A_100 = tpu.vector_load %arg19[%swap3A_99] {strides = array<i32>} : memref<320xf32, #tpu.memory_space<vmem>>, vector<16xf32>,
    %swap3A_101 = vector.shape_cast %swap3A_100 : vector<16xf32> to vector<16xf32>
    %swap3A_102 = vector.shape_cast %broadcast_in_dim3A_85 : vector<16xf32> to vector<16xf32>
    tpu.vector_store %arg19[%swap3A_99], %swap3A_102 {strides = array<i32>} : memref<320xf32, #tpu.memory_space<vmem>>, vector<16xf32>,
    %swap3A_103 = arith.constant 32 : index
    %swap3A_104 = tpu.vector_load %arg18[%swap3A_103] {strides = array<i32>} : memref<320xf32, #tpu.memory_space<vmem>>, vector<16xf32>,
    %swap3A_105 = vector.shape_cast %swap3A_104 : vector<16xf32> to vector<16xf32>
    %swap3A_106 = vector.shape_cast %broadcast_in_dim3A_87 : vector<16xf32> to vector<16xf32>
    tpu.vector_store %arg18[%swap3A_103], %swap3A_106 {strides = array<i32>} : memref<320xf32, #tpu.memory_space<vmem>>, vector<16xf32>,
    %swap3A_107 = arith.constant 32 : index
    %swap3A_108 = tpu.vector_load %arg19[%swap3A_107] {strides = array<i32>} : memref<320xf32, #tpu.memory_space<vmem>>, vector<16xf32>,
    %swap3A_109 = vector.shape_cast %swap3A_108 : vector<16xf32> to vector<16xf32>
    %swap3A_110 = vector.shape_cast %broadcast_in_dim3A_85 : vector<16xf32> to vector<16xf32>
    tpu.vector_store %arg19[%swap3A_107], %swap3A_110 {strides = array<i32>} : memref<320xf32, #tpu.memory_space<vmem>>, vector<16xf32>,
    %swap3A_111 = arith.constant 48 : index
    %swap3A_112 = tpu.vector_load %arg18[%swap3A_111] {strides = array<i32>} : memref<320xf32, #tpu.memory_space<vmem>>, vector<16xf32>,
    %swap3A_113 = vector.shape_cast %swap3A_112 : vector<16xf32> to vector<16xf32>
    %swap3A_114 = vector.shape_cast %broadcast_in_dim3A_87 : vector<16xf32> to vector<16xf32>
    tpu.vector_store %arg18[%swap3A_111], %swap3A_114 {strides = array<i32>} : memref<320xf32, #tpu.memory_space<vmem>>, vector<16xf32>,
    %swap3A_115 = arith.constant 48 : index
    %swap3A_116 = tpu.vector_load %arg19[%swap3A_115] {strides = array<i32>} : memref<320xf32, #tpu.memory_space<vmem>>, vector<16xf32>,
    %swap3A_117 = vector.shape_cast %swap3A_116 : vector<16xf32> to vector<16xf32>
    %swap3A_118 = vector.shape_cast %broadcast_in_dim3A_85 : vector<16xf32> to vector<16xf32>
    tpu.vector_store %arg19[%swap3A_115], %swap3A_118 {strides = array<i32>} : memref<320xf32, #tpu.memory_space<vmem>>, vector<16xf32>,
    %swap3A_119 = arith.constant 64 : index
    %swap3A_120 = tpu.vector_load %arg18[%swap3A_119] {strides = array<i32>} : memref<320xf32, #tpu.memory_space<vmem>>, vector<16xf32>,
    %swap3A_121 = vector.shape_cast %swap3A_120 : vector<16xf32> to vector<16xf32>
    %swap3A_122 = vector.shape_cast %broadcast_in_dim3A_87 : vector<16xf32> to vector<16xf32>
    tpu.vector_store %arg18[%swap3A_119], %swap3A_122 {strides = array<i32>} : memref<320xf32, #tpu.memory_space<vmem>>, vector<16xf32>,
    %swap3A_123 = arith.constant 64 : index
    %swap3A_124 = tpu.vector_load %arg19[%swap3A_123] {strides = array<i32>} : memref<320xf32, #tpu.memory_space<vmem>>, vector<16xf32>,
    %swap3A_125 = vector.shape_cast %swap3A_124 : vector<16xf32> to vector<16xf32>
    %swap3A_126 = vector.shape_cast %broadcast_in_dim3A_85 : vector<16xf32> to vector<16xf32>
    tpu.vector_store %arg19[%swap3A_123], %swap3A_126 {strides = array<i32>} : memref<320xf32, #tpu.memory_space<vmem>>, vector<16xf32>,
    %swap3A_127 = arith.constant 80 : index
    %swap3A_128 = tpu.vector_load %arg18[%swap3A_127] {strides = array<i32>} : memref<320xf32, #tpu.memory_space<vmem>>, vector<16xf32>,
    %swap3A_129 = vector.shape_cast %swap3A_128 : vector<16xf32> to vector<16xf32>
    %swap3A_130 = vector.shape_cast %broadcast_in_dim3A_87 : vector<16xf32> to vector<16xf32>
    tpu.vector_store %arg18[%swap3A_127], %swap3A_130 {strides = array<i32>} : memref<320xf32, #tpu.memory_space<vmem>>, vector<16xf32>,
    %swap3A_131 = arith.constant 80 : index
    %swap3A_132 = tpu.vector_load %arg19[%swap3A_131] {strides = array<i32>} : memref<320xf32, #tpu.memory_space<vmem>>, vector<16xf32>,
    %swap3A_133 = vector.shape_cast %swap3A_132 : vector<16xf32> to vector<16xf32>
    %swap3A_134 = vector.shape_cast %broadcast_in_dim3A_85 : vector<16xf32> to vector<16xf32>
    tpu.vector_store %arg19[%swap3A_131], %swap3A_134 {strides = array<i32>} : memref<320xf32, #tpu.memory_space<vmem>>, vector<16xf32>,
    %swap3A_135 = arith.constant 96 : index
    %swap3A_136 = tpu.vector_load %arg18[%swap3A_135] {strides = array<i32>} : memref<320xf32, #tpu.memory_space<vmem>>, vector<16xf32>,
    %swap3A_137 = vector.shape_cast %swap3A_136 : vector<16xf32> to vector<16xf32>
    %swap3A_138 = vector.shape_cast %broadcast_in_dim3A_87 : vector<16xf32> to vector<16xf32>
    tpu.vector_store %arg18[%swap3A_135], %swap3A_138 {strides = array<i32>} : memref<320xf32, #tpu.memory_space<vmem>>, vector<16xf32>,
    %swap3A_139 = arith.constant 96 : index
    %swap3A_140 = tpu.vector_load %arg19[%swap3A_139] {strides = array<i32>} : memref<320xf32, #tpu.memory_space<vmem>>, vector<16xf32>,
    %swap3A_141 = vector.shape_cast %swap3A_140 : vector<16xf32> to vector<16xf32>
    %swap3A_142 = vector.shape_cast %broadcast_in_dim3A_85 : vector<16xf32> to vector<16xf32>
    tpu.vector_store %arg19[%swap3A_139], %swap3A_142 {strides = array<i32>} : memref<320xf32, #tpu.memory_space<vmem>>, vector<16xf32>,
    %swap3A_143 = arith.constant 112 : index
    %swap3A_144 = tpu.vector_load %arg18[%swap3A_143] {strides = array<i32>} : memref<320xf32, #tpu.memory_space<vmem>>, vector<16xf32>,
    %swap3A_145 = vector.shape_cast %swap3A_144 : vector<16xf32> to vector<16xf32>
    %swap3A_146 = vector.shape_cast %broadcast_in_dim3A_87 : vector<16xf32> to vector<16xf32>
    tpu.vector_store %arg18[%swap3A_143], %swap3A_146 {strides = array<i32>} : memref<320xf32, #tpu.memory_space<vmem>>, vector<16xf32>,
    %swap3A_147 = arith.constant 112 : index
    %swap3A_148 = tpu.vector_load %arg19[%swap3A_147] {strides = array<i32>} : memref<320xf32, #tpu.memory_space<vmem>>, vector<16xf32>,
    %swap3A_149 = vector.shape_cast %swap3A_148 : vector<16xf32> to vector<16xf32>
    %swap3A_150 = vector.shape_cast %broadcast_in_dim3A_85 : vector<16xf32> to vector<16xf32>
    tpu.vector_store %arg19[%swap3A_147], %swap3A_150 {strides = array<i32>} : memref<320xf32, #tpu.memory_space<vmem>>, vector<16xf32>,
    %swap3A_151 = arith.constant 128 : index
    %swap3A_152 = tpu.vector_load %arg18[%swap3A_151] {strides = array<i32>} : memref<320xf32, #tpu.memory_space<vmem>>, vector<16xf32>,
    %swap3A_153 = vector.shape_cast %swap3A_152 : vector<16xf32> to vector<16xf32>
    %swap3A_154 = vector.shape_cast %broadcast_in_dim3A_87 : vector<16xf32> to vector<16xf32>
    tpu.vector_store %arg18[%swap3A_151], %swap3A_154 {strides = array<i32>} : memref<320xf32, #tpu.memory_space<vmem>>, vector<16xf32>,
    %swap3A_155 = arith.constant 128 : index
    %swap3A_156 = tpu.vector_load %arg19[%swap3A_155] {strides = array<i32>} : memref<320xf32, #tpu.memory_space<vmem>>, vector<16xf32>,
    %swap3A_157 = vector.shape_cast %swap3A_156 : vector<16xf32> to vector<16xf32>
    %swap3A_158 = vector.shape_cast %broadcast_in_dim3A_85 : vector<16xf32> to vector<16xf32>
    tpu.vector_store %arg19[%swap3A_155], %swap3A_158 {strides = array<i32>} : memref<320xf32, #tpu.memory_space<vmem>>, vector<16xf32>,
    %swap3A_159 = arith.constant 144 : index
    %swap3A_160 = tpu.vector_load %arg18[%swap3A_159] {strides = array<i32>} : memref<320xf32, #tpu.memory_space<vmem>>, vector<16xf32>,
    %swap3A_161 = vector.shape_cast %swap3A_160 : vector<16xf32> to vector<16xf32>
    %swap3A_162 = vector.shape_cast %broadcast_in_dim3A_87 : vector<16xf32> to vector<16xf32>
    tpu.vector_store %arg18[%swap3A_159], %swap3A_162 {strides = array<i32>} : memref<320xf32, #tpu.memory_space<vmem>>, vector<16xf32>,
    %swap3A_163 = arith.constant 144 : index
    %swap3A_164 = tpu.vector_load %arg19[%swap3A_163] {strides = array<i32>} : memref<320xf32, #tpu.memory_space<vmem>>, vector<16xf32>,
    %swap3A_165 = vector.shape_cast %swap3A_164 : vector<16xf32> to vector<16xf32>
    %swap3A_166 = vector.shape_cast %broadcast_in_dim3A_85 : vector<16xf32> to vector<16xf32>
    tpu.vector_store %arg19[%swap3A_163], %swap3A_166 {strides = array<i32>} : memref<320xf32, #tpu.memory_space<vmem>>, vector<16xf32>,
    %swap3A_167 = arith.constant 160 : index
    %swap3A_168 = tpu.vector_load %arg18[%swap3A_167] {strides = array<i32>} : memref<320xf32, #tpu.memory_space<vmem>>, vector<16xf32>,
    %swap3A_169 = vector.shape_cast %swap3A_168 : vector<16xf32> to vector<16xf32>
    %swap3A_170 = vector.shape_cast %broadcast_in_dim3A_87 : vector<16xf32> to vector<16xf32>
    tpu.vector_store %arg18[%swap3A_167], %swap3A_170 {strides = array<i32>} : memref<320xf32, #tpu.memory_space<vmem>>, vector<16xf32>,
    %swap3A_171 = arith.constant 160 : index
    %swap3A_172 = tpu.vector_load %arg19[%swap3A_171] {strides = array<i32>} : memref<320xf32, #tpu.memory_space<vmem>>, vector<16xf32>,
    %swap3A_173 = vector.shape_cast %swap3A_172 : vector<16xf32> to vector<16xf32>
    %swap3A_174 = vector.shape_cast %broadcast_in_dim3A_85 : vector<16xf32> to vector<16xf32>
    tpu.vector_store %arg19[%swap3A_171], %swap3A_174 {strides = array<i32>} : memref<320xf32, #tpu.memory_space<vmem>>, vector<16xf32>,
    %swap3A_175 = arith.constant 176 : index
    %swap3A_176 = tpu.vector_load %arg18[%swap3A_175] {strides = array<i32>} : memref<320xf32, #tpu.memory_space<vmem>>, vector<16xf32>,
    %swap3A_177 = vector.shape_cast %swap3A_176 : vector<16xf32> to vector<16xf32>
    %swap3A_178 = vector.shape_cast %broadcast_in_dim3A_87 : vector<16xf32> to vector<16xf32>
    tpu.vector_store %arg18[%swap3A_175], %swap3A_178 {strides = array<i32>} : memref<320xf32, #tpu.memory_space<vmem>>, vector<16xf32>,
    %swap3A_179 = arith.constant 176 : index
    %swap3A_180 = tpu.vector_load %arg19[%swap3A_179] {strides = array<i32>} : memref<320xf32, #tpu.memory_space<vmem>>, vector<16xf32>,
    %swap3A_181 = vector.shape_cast %swap3A_180 : vector<16xf32> to vector<16xf32>
    %swap3A_182 = vector.shape_cast %broadcast_in_dim3A_85 : vector<16xf32> to vector<16xf32>
    tpu.vector_store %arg19[%swap3A_179], %swap3A_182 {strides = array<i32>} : memref<320xf32, #tpu.memory_space<vmem>>, vector<16xf32>,
    %swap3A_183 = arith.constant 192 : index
    %swap3A_184 = tpu.vector_load %arg18[%swap3A_183] {strides = array<i32>} : memref<320xf32, #tpu.memory_space<vmem>>, vector<16xf32>,
    %swap3A_185 = vector.shape_cast %swap3A_184 : vector<16xf32> to vector<16xf32>
    %swap3A_186 = vector.shape_cast %broadcast_in_dim3A_87 : vector<16xf32> to vector<16xf32>
    tpu.vector_store %arg18[%swap3A_183], %swap3A_186 {strides = array<i32>} : memref<320xf32, #tpu.memory_space<vmem>>, vector<16xf32>,
    %swap3A_187 = arith.constant 192 : index
    %swap3A_188 = tpu.vector_load %arg19[%swap3A_187] {strides = array<i32>} : memref<320xf32, #tpu.memory_space<vmem>>, vector<16xf32>,
    %swap3A_189 = vector.shape_cast %swap3A_188 : vector<16xf32> to vector<16xf32>
    %swap3A_190 = vector.shape_cast %broadcast_in_dim3A_85 : vector<16xf32> to vector<16xf32>
    tpu.vector_store %arg19[%swap3A_187], %swap3A_190 {strides = array<i32>} : memref<320xf32, #tpu.memory_space<vmem>>, vector<16xf32>,
    %swap3A_191 = arith.constant 208 : index
    %swap3A_192 = tpu.vector_load %arg18[%swap3A_191] {strides = array<i32>} : memref<320xf32, #tpu.memory_space<vmem>>, vector<16xf32>,
    %swap3A_193 = vector.shape_cast %swap3A_192 : vector<16xf32> to vector<16xf32>
    %swap3A_194 = vector.shape_cast %broadcast_in_dim3A_87 : vector<16xf32> to vector<16xf32>
    tpu.vector_store %arg18[%swap3A_191], %swap3A_194 {strides = array<i32>} : memref<320xf32, #tpu.memory_space<vmem>>, vector<16xf32>,
    %swap3A_195 = arith.constant 208 : index
    %swap3A_196 = tpu.vector_load %arg19[%swap3A_195] {strides = array<i32>} : memref<320xf32, #tpu.memory_space<vmem>>, vector<16xf32>,
    %swap3A_197 = vector.shape_cast %swap3A_196 : vector<16xf32> to vector<16xf32>
    %swap3A_198 = vector.shape_cast %broadcast_in_dim3A_85 : vector<16xf32> to vector<16xf32>
    tpu.vector_store %arg19[%swap3A_195], %swap3A_198 {strides = array<i32>} : memref<320xf32, #tpu.memory_space<vmem>>, vector<16xf32>,
    %swap3A_199 = arith.constant 224 : index
    %swap3A_200 = tpu.vector_load %arg18[%swap3A_199] {strides = array<i32>} : memref<320xf32, #tpu.memory_space<vmem>>, vector<16xf32>,
    %swap3A_201 = vector.shape_cast %swap3A_200 : vector<16xf32> to vector<16xf32>
    %swap3A_202 = vector.shape_cast %broadcast_in_dim3A_87 : vector<16xf32> to vector<16xf32>
    tpu.vector_store %arg18[%swap3A_199], %swap3A_202 {strides = array<i32>} : memref<320xf32, #tpu.memory_space<vmem>>, vector<16xf32>,
    %swap3A_203 = arith.constant 224 : index
    %swap3A_204 = tpu.vector_load %arg19[%swap3A_203] {strides = array<i32>} : memref<320xf32, #tpu.memory_space<vmem>>, vector<16xf32>,
    %swap3A_205 = vector.shape_cast %swap3A_204 : vector<16xf32> to vector<16xf32>
    %swap3A_206 = vector.shape_cast %broadcast_in_dim3A_85 : vector<16xf32> to vector<16xf32>
    tpu.vector_store %arg19[%swap3A_203], %swap3A_206 {strides = array<i32>} : memref<320xf32, #tpu.memory_space<vmem>>, vector<16xf32>,
    %swap3A_207 = arith.constant 240 : index
    %swap3A_208 = tpu.vector_load %arg18[%swap3A_207] {strides = array<i32>} : memref<320xf32, #tpu.memory_space<vmem>>, vector<16xf32>,
    %swap3A_209 = vector.shape_cast %swap3A_208 : vector<16xf32> to vector<16xf32>
    %swap3A_210 = vector.shape_cast %broadcast_in_dim3A_87 : vector<16xf32> to vector<16xf32>
    tpu.vector_store %arg18[%swap3A_207], %swap3A_210 {strides = array<i32>} : memref<320xf32, #tpu.memory_space<vmem>>, vector<16xf32>,
    %swap3A_211 = arith.constant 240 : index
    %swap3A_212 = tpu.vector_load %arg19[%swap3A_211] {strides = array<i32>} : memref<320xf32, #tpu.memory_space<vmem>>, vector<16xf32>,
    %swap3A_213 = vector.shape_cast %swap3A_212 : vector<16xf32> to vector<16xf32>
    %swap3A_214 = vector.shape_cast %broadcast_in_dim3A_85 : vector<16xf32> to vector<16xf32>
    tpu.vector_store %arg19[%swap3A_211], %swap3A_214 {strides = array<i32>} : memref<320xf32, #tpu.memory_space<vmem>>, vector<16xf32>,
    %swap3A_215 = arith.constant 256 : index
    %swap3A_216 = tpu.vector_load %arg18[%swap3A_215] {strides = array<i32>} : memref<320xf32, #tpu.memory_space<vmem>>, vector<16xf32>,
    %swap3A_217 = vector.shape_cast %swap3A_216 : vector<16xf32> to vector<16xf32>
    %swap3A_218 = vector.shape_cast %broadcast_in_dim3A_87 : vector<16xf32> to vector<16xf32>
    tpu.vector_store %arg18[%swap3A_215], %swap3A_218 {strides = array<i32>} : memref<320xf32, #tpu.memory_space<vmem>>, vector<16xf32>,
    %swap3A_219 = arith.constant 256 : index
    %swap3A_220 = tpu.vector_load %arg19[%swap3A_219] {strides = array<i32>} : memref<320xf32, #tpu.memory_space<vmem>>, vector<16xf32>,
    %swap3A_221 = vector.shape_cast %swap3A_220 : vector<16xf32> to vector<16xf32>
    %swap3A_222 = vector.shape_cast %broadcast_in_dim3A_85 : vector<16xf32> to vector<16xf32>
    tpu.vector_store %arg19[%swap3A_219], %swap3A_222 {strides = array<i32>} : memref<320xf32, #tpu.memory_space<vmem>>, vector<16xf32>,
    %swap3A_223 = arith.constant 272 : index
    %swap3A_224 = tpu.vector_load %arg18[%swap3A_223] {strides = array<i32>} : memref<320xf32, #tpu.memory_space<vmem>>, vector<16xf32>,
    %swap3A_225 = vector.shape_cast %swap3A_224 : vector<16xf32> to vector<16xf32>
    %swap3A_226 = vector.shape_cast %broadcast_in_dim3A_87 : vector<16xf32> to vector<16xf32>
    tpu.vector_store %arg18[%swap3A_223], %swap3A_226 {strides = array<i32>} : memref<320xf32, #tpu.memory_space<vmem>>, vector<16xf32>,
    %swap3A_227 = arith.constant 272 : index
    %swap3A_228 = tpu.vector_load %arg19[%swap3A_227] {strides = array<i32>} : memref<320xf32, #tpu.memory_space<vmem>>, vector<16xf32>,
    %swap3A_229 = vector.shape_cast %swap3A_228 : vector<16xf32> to vector<16xf32>
    %swap3A_230 = vector.shape_cast %broadcast_in_dim3A_85 : vector<16xf32> to vector<16xf32>
    tpu.vector_store %arg19[%swap3A_227], %swap3A_230 {strides = array<i32>} : memref<320xf32, #tpu.memory_space<vmem>>, vector<16xf32>,
    %swap3A_231 = arith.constant 288 : index
    %swap3A_232 = tpu.vector_load %arg18[%swap3A_231] {strides = array<i32>} : memref<320xf32, #tpu.memory_space<vmem>>, vector<16xf32>,
    %swap3A_233 = vector.shape_cast %swap3A_232 : vector<16xf32> to vector<16xf32>
    %swap3A_234 = vector.shape_cast %broadcast_in_dim3A_87 : vector<16xf32> to vector<16xf32>
    tpu.vector_store %arg18[%swap3A_231], %swap3A_234 {strides = array<i32>} : memref<320xf32, #tpu.memory_space<vmem>>, vector<16xf32>,
    %swap3A_235 = arith.constant 288 : index
    %swap3A_236 = tpu.vector_load %arg19[%swap3A_235] {strides = array<i32>} : memref<320xf32, #tpu.memory_space<vmem>>, vector<16xf32>,
    %swap3A_237 = vector.shape_cast %swap3A_236 : vector<16xf32> to vector<16xf32>
    %swap3A_238 = vector.shape_cast %broadcast_in_dim3A_85 : vector<16xf32> to vector<16xf32>
    tpu.vector_store %arg19[%swap3A_235], %swap3A_238 {strides = array<i32>} : memref<320xf32, #tpu.memory_space<vmem>>, vector<16xf32>,
    %swap3A_239 = arith.constant 304 : index
    %swap3A_240 = tpu.vector_load %arg18[%swap3A_239] {strides = array<i32>} : memref<320xf32, #tpu.memory_space<vmem>>, vector<16xf32>,
    %swap3A_241 = vector.shape_cast %swap3A_240 : vector<16xf32> to vector<16xf32>
    %swap3A_242 = vector.shape_cast %broadcast_in_dim3A_87 : vector<16xf32> to vector<16xf32>
    tpu.vector_store %arg18[%swap3A_239], %swap3A_242 {strides = array<i32>} : memref<320xf32, #tpu.memory_space<vmem>>, vector<16xf32>,
    %swap3A_243 = arith.constant 304 : index
    %swap3A_244 = tpu.vector_load %arg19[%swap3A_243] {strides = array<i32>} : memref<320xf32, #tpu.memory_space<vmem>>, vector<16xf32>,
    %swap3A_245 = vector.shape_cast %swap3A_244 : vector<16xf32> to vector<16xf32>
    %swap3A_246 = vector.shape_cast %broadcast_in_dim3A_85 : vector<16xf32> to vector<16xf32>
    tpu.vector_store %arg19[%swap3A_243], %swap3A_246 {strides = array<i32>} : memref<320xf32, #tpu.memory_space<vmem>>, vector<16xf32>,
    %iota3A = tpu.iota {dimensions = array<i32: 0>} : vector<16xi32>
    %convert_element_type3A = arith.sitofp %iota3A : vector<16xi32> to vector<16xf32>
    %convert_element_type3A_247 = arith.sitofp %mul3A_2 : i32 to f32
    %scan3A = arith.constant 0 : i32
    %scan3A_248 = arith.constant 0 : i32
    %scan3A_249 = arith.constant 18 : i32
    %scan3A_250 = arith.addi %scan3A_248, %scan3A_249 : i32
    %scan3A_251 = arith.constant 1 : i32
    scf.for %scan3A_257 = %scan3A_248 to %scan3A_250 step %scan3A_251  : i32 {
      %mul3A_258 = arith.constant 16 : i32
      %mul3A_259 = arith.muli %scan3A_257, %mul3A_258 : i32
      %get3A_260 = arith.index_cast %mul3A_259 : i32 to index
      %get3A_261 = tpu.vector_load %arg11[%get3A_260] {strides = array<i32>} : memref<288xf32, #tpu.memory_space<vmem>>, vector<16xf32>,
      %get3A_262 = vector.shape_cast %get3A_261 : vector<16xf32> to vector<16xf32>
      %get3A_263 = arith.index_cast %mul3A_259 : i32 to index
      %get3A_264 = tpu.vector_load %arg12[%get3A_263] {strides = array<i32>} : memref<288xf32, #tpu.memory_space<vmem>>, vector<16xf32>,
      %get3A_265 = vector.shape_cast %get3A_264 : vector<16xf32> to vector<16xf32>
      %get3A_266 = arith.index_cast %mul3A_259 : i32 to index
      %get3A_267 = tpu.vector_load %arg13[%get3A_266] {strides = array<i32>} : memref<288xf32, #tpu.memory_space<vmem>>, vector<16xf32>,
      %get3A_268 = vector.shape_cast %get3A_267 : vector<16xf32> to vector<16xf32>
      %get3A_269 = arith.index_cast %mul3A_259 : i32 to index
      %get3A_270 = tpu.vector_load %arg14[%get3A_269] {strides = array<i32>} : memref<288xf32, #tpu.memory_space<vmem>>, vector<16xf32>,
      %get3A_271 = vector.shape_cast %get3A_270 : vector<16xf32> to vector<16xf32>
      %mul3A_272 = arith.constant 5.000000e-01 : f32
      %mul3A_273 = vector.broadcast %mul3A_272 : f32 to vector<16xf32>
      %mul3A_274 = arith.mulf %get3A_268, %mul3A_273 : vector<16xf32>
      %sub3A_275 = arith.subf %get3A_262, %mul3A_274 : vector<16xf32>
      %max3A_276 = arith.constant 0.000000e+00 : f32
      %max3A_277 = vector.broadcast %max3A_276 : f32 to vector<16xf32>
      %max3A_278 = arith.maximumf %sub3A_275, %max3A_277 : vector<16xf32>
      %mul3A_279 = arith.constant 5.000000e-01 : f32
      %mul3A_280 = vector.broadcast %mul3A_279 : f32 to vector<16xf32>
      %mul3A_281 = arith.mulf %get3A_271, %mul3A_280 : vector<16xf32>
      %sub3A_282 = arith.subf %get3A_265, %mul3A_281 : vector<16xf32>
      %max3A_283 = arith.constant 0.000000e+00 : f32
      %max3A_284 = vector.broadcast %max3A_283 : f32 to vector<16xf32>
      %max3A_285 = arith.maximumf %sub3A_282, %max3A_284 : vector<16xf32>
      %mul3A_286 = arith.constant 5.000000e-01 : f32
      %mul3A_287 = vector.broadcast %mul3A_286 : f32 to vector<16xf32>
      %mul3A_288 = arith.mulf %get3A_268, %mul3A_287 : vector<16xf32>
      %add3A_289 = arith.addf %get3A_262, %mul3A_288 : vector<16xf32>
      %min3A_290 = arith.constant 1.000000e+00 : f32
      %min3A_291 = vector.broadcast %min3A_290 : f32 to vector<16xf32>
      %min3A_292 = arith.minimumf %add3A_289, %min3A_291 : vector<16xf32>
      %mul3A_293 = arith.constant 5.000000e-01 : f32
      %mul3A_294 = vector.broadcast %mul3A_293 : f32 to vector<16xf32>
      %mul3A_295 = arith.mulf %get3A_271, %mul3A_294 : vector<16xf32>
      %add3A_296 = arith.addf %get3A_265, %mul3A_295 : vector<16xf32>
      %min3A_297 = arith.constant 1.000000e+00 : f32
      %min3A_298 = vector.broadcast %min3A_297 : f32 to vector<16xf32>
      %min3A_299 = arith.minimumf %add3A_296, %min3A_298 : vector<16xf32>
      %sub3A_300 = arith.subf %min3A_292, %max3A_278 : vector<16xf32>
      %sub3A_301 = arith.subf %min3A_299, %max3A_285 : vector<16xf32>
      %mul3A_302 = arith.mulf %sub3A_300, %sub3A_301 : vector<16xf32>
      %convert_element_type3A_303 = arith.sitofp %mul3A_259 : i32 to f32
      %add3A_304 = arith.addf %convert_element_type3A_247, %convert_element_type3A_303 : f32
      %add3A_305 = vector.broadcast %add3A_304 : f32 to vector<16xf32>
      %add3A_306 = arith.addf %add3A_305, %convert_element_type3A : vector<16xf32>
      %slice3A = vector.extract_strided_slice %max3A_18 {offsets = [0], sizes = [1], strides = [1]} : vector<16xf32> to vector<1xf32>
      %squeeze3A = vector.extract %slice3A[0] : f32 from vector<1xf32>
      %slice3A_307 = vector.extract_strided_slice %max3A_25 {offsets = [0], sizes = [1], strides = [1]} : vector<16xf32> to vector<1xf32>
      %squeeze3A_308 = vector.extract %slice3A_307[0] : f32 from vector<1xf32>
      %slice3A_309 = vector.extract_strided_slice %min3A_31 {offsets = [0], sizes = [1], strides = [1]} : vector<16xf32> to vector<1xf32>
      %squeeze3A_310 = vector.extract %slice3A_309[0] : f32 from vector<1xf32>
      %slice3A_311 = vector.extract_strided_slice %min3A_38 {offsets = [0], sizes = [1], strides = [1]} : vector<16xf32> to vector<1xf32>
      %squeeze3A_312 = vector.extract %slice3A_311[0] : f32 from vector<1xf32>
      %slice3A_313 = vector.extract_strided_slice %mul3A_41 {offsets = [0], sizes = [1], strides = [1]} : vector<16xf32> to vector<1xf32>
      %squeeze3A_314 = vector.extract %slice3A_313[0] : f32 from vector<1xf32>
      %min3A_315 = vector.broadcast %squeeze3A_310 : f32 to vector<16xf32>
      %min3A_316 = arith.minimumf %min3A_292, %min3A_315 : vector<16xf32>
      %max3A_317 = vector.broadcast %squeeze3A : f32 to vector<16xf32>
      %max3A_318 = arith.maximumf %max3A_278, %max3A_317 : vector<16xf32>
      %sub3A_319 = arith.subf %min3A_316, %max3A_318 : vector<16xf32>
      %max3A_320 = arith.constant 0.000000e+00 : f32
      %max3A_321 = vector.broadcast %max3A_320 : f32 to vector<16xf32>
      %max3A_322 = arith.maximumf %sub3A_319, %max3A_321 : vector<16xf32>
      %min3A_323 = vector.broadcast %squeeze3A_312 : f32 to vector<16xf32>
      %min3A_324 = arith.minimumf %min3A_299, %min3A_323 : vector<16xf32>
      %max3A_325 = vector.broadcast %squeeze3A_308 : f32 to vector<16xf32>
      %max3A_326 = arith.maximumf %max3A_285, %max3A_325 : vector<16xf32>
      %sub3A_327 = arith.subf %min3A_324, %max3A_326 : vector<16xf32>
      %max3A_328 = arith.constant 0.000000e+00 : f32
      %max3A_329 = vector.broadcast %max3A_328 : f32 to vector<16xf32>
      %max3A_330 = arith.maximumf %sub3A_327, %max3A_329 : vector<16xf32>
      %mul3A_331 = arith.mulf %max3A_322, %max3A_330 : vector<16xf32>
      %add3A_332 = vector.broadcast %squeeze3A_314 : f32 to vector<16xf32>
      %add3A_333 = arith.addf %mul3A_302, %add3A_332 : vector<16xf32>
      %sub3A_334 = arith.subf %add3A_333, %mul3A_331 : vector<16xf32>
      %add3A_335 = arith.constant 1.000000e-10 : f32
      %add3A_336 = vector.broadcast %add3A_335 : f32 to vector<16xf32>
      %add3A_337 = arith.addf %sub3A_334, %add3A_336 : vector<16xf32>
      %div3A = arith.divf %mul3A_331, %add3A_337 : vector<16xf32>
      %gt3A = arith.cmpf ogt, %div3A, %broadcast_in_dim3A_87 : vector<16xf32>
      %jit3A = arith.constant 0.000000e+00 : f32
      %broadcast_in_dim3A_338 = vector.broadcast %jit3A : f32 to vector<16xf32>
      %select_n3A = arith.select %gt3A, %broadcast_in_dim3A_338, %broadcast_in_dim3A_85 : vector<16xi1>, vector<16xf32>
      %select_n3A_339 = arith.select %gt3A, %div3A, %broadcast_in_dim3A_87 : vector<16xi1>, vector<16xf32>
      %get3A_340 = arith.constant 0 : index
      %get3A_341 = tpu.vector_load %arg18[%get3A_340] {strides = array<i32>} : memref<320xf32, #tpu.memory_space<vmem>>, vector<16xf32>,
      %get3A_342 = vector.shape_cast %get3A_341 : vector<16xf32> to vector<16xf32>
      %gt3A_343 = arith.cmpf ogt, %div3A, %get3A_342 : vector<16xf32>
      %select_n3A_344 = arith.select %gt3A_343, %div3A, %get3A_342 : vector<16xi1>, vector<16xf32>
      %swap3A_345 = arith.constant 0 : index
      %swap3A_346 = tpu.vector_load %arg18[%swap3A_345] {strides = array<i32>} : memref<320xf32, #tpu.memory_space<vmem>>, vector<16xf32>,
      %swap3A_347 = vector.shape_cast %swap3A_346 : vector<16xf32> to vector<16xf32>
      %swap3A_348 = vector.shape_cast %select_n3A_344 : vector<16xf32> to vector<16xf32>
      tpu.vector_store %arg18[%swap3A_345], %swap3A_348 {strides = array<i32>} : memref<320xf32, #tpu.memory_space<vmem>>, vector<16xf32>,
      %get3A_349 = arith.constant 0 : index
      %get3A_350 = tpu.vector_load %arg19[%get3A_349] {strides = array<i32>} : memref<320xf32, #tpu.memory_space<vmem>>, vector<16xf32>,
      %get3A_351 = vector.shape_cast %get3A_350 : vector<16xf32> to vector<16xf32>
      %select_n3A_352 = arith.select %gt3A_343, %add3A_306, %get3A_351 : vector<16xi1>, vector<16xf32>
      %swap3A_353 = arith.constant 0 : index
      %swap3A_354 = tpu.vector_load %arg19[%swap3A_353] {strides = array<i32>} : memref<320xf32, #tpu.memory_space<vmem>>, vector<16xf32>,
      %swap3A_355 = vector.shape_cast %swap3A_354 : vector<16xf32> to vector<16xf32>
      %swap3A_356 = vector.shape_cast %select_n3A_352 : vector<16xf32> to vector<16xf32>
      tpu.vector_store %arg19[%swap3A_353], %swap3A_356 {strides = array<i32>} : memref<320xf32, #tpu.memory_space<vmem>>, vector<16xf32>,
      %slice3A_357 = vector.extract_strided_slice %max3A_18 {offsets = [1], sizes = [1], strides = [1]} : vector<16xf32> to vector<1xf32>
      %squeeze3A_358 = vector.extract %slice3A_357[0] : f32 from vector<1xf32>
      %slice3A_359 = vector.extract_strided_slice %max3A_25 {offsets = [1], sizes = [1], strides = [1]} : vector<16xf32> to vector<1xf32>
      %squeeze3A_360 = vector.extract %slice3A_359[0] : f32 from vector<1xf32>
      %slice3A_361 = vector.extract_strided_slice %min3A_31 {offsets = [1], sizes = [1], strides = [1]} : vector<16xf32> to vector<1xf32>
      %squeeze3A_362 = vector.extract %slice3A_361[0] : f32 from vector<1xf32>
      %slice3A_363 = vector.extract_strided_slice %min3A_38 {offsets = [1], sizes = [1], strides = [1]} : vector<16xf32> to vector<1xf32>
      %squeeze3A_364 = vector.extract %slice3A_363[0] : f32 from vector<1xf32>
      %slice3A_365 = vector.extract_strided_slice %mul3A_41 {offsets = [1], sizes = [1], strides = [1]} : vector<16xf32> to vector<1xf32>
      %squeeze3A_366 = vector.extract %slice3A_365[0] : f32 from vector<1xf32>
      %min3A_367 = vector.broadcast %squeeze3A_362 : f32 to vector<16xf32>
      %min3A_368 = arith.minimumf %min3A_292, %min3A_367 : vector<16xf32>
      %max3A_369 = vector.broadcast %squeeze3A_358 : f32 to vector<16xf32>
      %max3A_370 = arith.maximumf %max3A_278, %max3A_369 : vector<16xf32>
      %sub3A_371 = arith.subf %min3A_368, %max3A_370 : vector<16xf32>
      %max3A_372 = arith.constant 0.000000e+00 : f32
      %max3A_373 = vector.broadcast %max3A_372 : f32 to vector<16xf32>
      %max3A_374 = arith.maximumf %sub3A_371, %max3A_373 : vector<16xf32>
      %min3A_375 = vector.broadcast %squeeze3A_364 : f32 to vector<16xf32>
      %min3A_376 = arith.minimumf %min3A_299, %min3A_375 : vector<16xf32>
      %max3A_377 = vector.broadcast %squeeze3A_360 : f32 to vector<16xf32>
      %max3A_378 = arith.maximumf %max3A_285, %max3A_377 : vector<16xf32>
      %sub3A_379 = arith.subf %min3A_376, %max3A_378 : vector<16xf32>
      %max3A_380 = arith.constant 0.000000e+00 : f32
      %max3A_381 = vector.broadcast %max3A_380 : f32 to vector<16xf32>
      %max3A_382 = arith.maximumf %sub3A_379, %max3A_381 : vector<16xf32>
      %mul3A_383 = arith.mulf %max3A_374, %max3A_382 : vector<16xf32>
      %add3A_384 = vector.broadcast %squeeze3A_366 : f32 to vector<16xf32>
      %add3A_385 = arith.addf %mul3A_302, %add3A_384 : vector<16xf32>
      %sub3A_386 = arith.subf %add3A_385, %mul3A_383 : vector<16xf32>
      %add3A_387 = arith.constant 1.000000e-10 : f32
      %add3A_388 = vector.broadcast %add3A_387 : f32 to vector<16xf32>
      %add3A_389 = arith.addf %sub3A_386, %add3A_388 : vector<16xf32>
      %div3A_390 = arith.divf %mul3A_383, %add3A_389 : vector<16xf32>
      %gt3A_391 = arith.cmpf ogt, %div3A_390, %select_n3A_339 : vector<16xf32>
      %jit3A_392 = arith.constant 1.000000e+00 : f32
      %broadcast_in_dim3A_393 = vector.broadcast %jit3A_392 : f32 to vector<16xf32>
      %select_n3A_394 = arith.select %gt3A_391, %broadcast_in_dim3A_393, %select_n3A : vector<16xi1>, vector<16xf32>
      %select_n3A_395 = arith.select %gt3A_391, %div3A_390, %select_n3A_339 : vector<16xi1>, vector<16xf32>
      %get3A_396 = arith.constant 16 : index
      %get3A_397 = tpu.vector_load %arg18[%get3A_396] {strides = array<i32>} : memref<320xf32, #tpu.memory_space<vmem>>, vector<16xf32>,
      %get3A_398 = vector.shape_cast %get3A_397 : vector<16xf32> to vector<16xf32>
      %gt3A_399 = arith.cmpf ogt, %div3A_390, %get3A_398 : vector<16xf32>
      %select_n3A_400 = arith.select %gt3A_399, %div3A_390, %get3A_398 : vector<16xi1>, vector<16xf32>
      %swap3A_401 = arith.constant 16 : index
      %swap3A_402 = tpu.vector_load %arg18[%swap3A_401] {strides = array<i32>} : memref<320xf32, #tpu.memory_space<vmem>>, vector<16xf32>,
      %swap3A_403 = vector.shape_cast %swap3A_402 : vector<16xf32> to vector<16xf32>
      %swap3A_404 = vector.shape_cast %select_n3A_400 : vector<16xf32> to vector<16xf32>
      tpu.vector_store %arg18[%swap3A_401], %swap3A_404 {strides = array<i32>} : memref<320xf32, #tpu.memory_space<vmem>>, vector<16xf32>,
      %get3A_405 = arith.constant 16 : index
      %get3A_406 = tpu.vector_load %arg19[%get3A_405] {strides = array<i32>} : memref<320xf32, #tpu.memory_space<vmem>>, vector<16xf32>,
      %get3A_407 = vector.shape_cast %get3A_406 : vector<16xf32> to vector<16xf32>
      %select_n3A_408 = arith.select %gt3A_399, %add3A_306, %get3A_407 : vector<16xi1>, vector<16xf32>
      %swap3A_409 = arith.constant 16 : index
      %swap3A_410 = tpu.vector_load %arg19[%swap3A_409] {strides = array<i32>} : memref<320xf32, #tpu.memory_space<vmem>>, vector<16xf32>,
      %swap3A_411 = vector.shape_cast %swap3A_410 : vector<16xf32> to vector<16xf32>
      %swap3A_412 = vector.shape_cast %select_n3A_408 : vector<16xf32> to vector<16xf32>
      tpu.vector_store %arg19[%swap3A_409], %swap3A_412 {strides = array<i32>} : memref<320xf32, #tpu.memory_space<vmem>>, vector<16xf32>,
      %slice3A_413 = vector.extract_strided_slice %max3A_18 {offsets = [2], sizes = [1], strides = [1]} : vector<16xf32> to vector<1xf32>
      %squeeze3A_414 = vector.extract %slice3A_413[0] : f32 from vector<1xf32>
      %slice3A_415 = vector.extract_strided_slice %max3A_25 {offsets = [2], sizes = [1], strides = [1]} : vector<16xf32> to vector<1xf32>
      %squeeze3A_416 = vector.extract %slice3A_415[0] : f32 from vector<1xf32>
      %slice3A_417 = vector.extract_strided_slice %min3A_31 {offsets = [2], sizes = [1], strides = [1]} : vector<16xf32> to vector<1xf32>
      %squeeze3A_418 = vector.extract %slice3A_417[0] : f32 from vector<1xf32>
      %slice3A_419 = vector.extract_strided_slice %min3A_38 {offsets = [2], sizes = [1], strides = [1]} : vector<16xf32> to vector<1xf32>
      %squeeze3A_420 = vector.extract %slice3A_419[0] : f32 from vector<1xf32>
      %slice3A_421 = vector.extract_strided_slice %mul3A_41 {offsets = [2], sizes = [1], strides = [1]} : vector<16xf32> to vector<1xf32>
      %squeeze3A_422 = vector.extract %slice3A_421[0] : f32 from vector<1xf32>
      %min3A_423 = vector.broadcast %squeeze3A_418 : f32 to vector<16xf32>
      %min3A_424 = arith.minimumf %min3A_292, %min3A_423 : vector<16xf32>
      %max3A_425 = vector.broadcast %squeeze3A_414 : f32 to vector<16xf32>
      %max3A_426 = arith.maximumf %max3A_278, %max3A_425 : vector<16xf32>
      %sub3A_427 = arith.subf %min3A_424, %max3A_426 : vector<16xf32>
      %max3A_428 = arith.constant 0.000000e+00 : f32
      %max3A_429 = vector.broadcast %max3A_428 : f32 to vector<16xf32>
      %max3A_430 = arith.maximumf %sub3A_427, %max3A_429 : vector<16xf32>
      %min3A_431 = vector.broadcast %squeeze3A_420 : f32 to vector<16xf32>
      %min3A_432 = arith.minimumf %min3A_299, %min3A_431 : vector<16xf32>
      %max3A_433 = vector.broadcast %squeeze3A_416 : f32 to vector<16xf32>
      %max3A_434 = arith.maximumf %max3A_285, %max3A_433 : vector<16xf32>
      %sub3A_435 = arith.subf %min3A_432, %max3A_434 : vector<16xf32>
      %max3A_436 = arith.constant 0.000000e+00 : f32
      %max3A_437 = vector.broadcast %max3A_436 : f32 to vector<16xf32>
      %max3A_438 = arith.maximumf %sub3A_435, %max3A_437 : vector<16xf32>
      %mul3A_439 = arith.mulf %max3A_430, %max3A_438 : vector<16xf32>
      %add3A_440 = vector.broadcast %squeeze3A_422 : f32 to vector<16xf32>
      %add3A_441 = arith.addf %mul3A_302, %add3A_440 : vector<16xf32>
      %sub3A_442 = arith.subf %add3A_441, %mul3A_439 : vector<16xf32>
      %add3A_443 = arith.constant 1.000000e-10 : f32
      %add3A_444 = vector.broadcast %add3A_443 : f32 to vector<16xf32>
      %add3A_445 = arith.addf %sub3A_442, %add3A_444 : vector<16xf32>
      %div3A_446 = arith.divf %mul3A_439, %add3A_445 : vector<16xf32>
      %gt3A_447 = arith.cmpf ogt, %div3A_446, %select_n3A_395 : vector<16xf32>
      %jit3A_448 = arith.constant 2.000000e+00 : f32
      %broadcast_in_dim3A_449 = vector.broadcast %jit3A_448 : f32 to vector<16xf32>
      %select_n3A_450 = arith.select %gt3A_447, %broadcast_in_dim3A_449, %select_n3A_394 : vector<16xi1>, vector<16xf32>
      %select_n3A_451 = arith.select %gt3A_447, %div3A_446, %select_n3A_395 : vector<16xi1>, vector<16xf32>
      %get3A_452 = arith.constant 32 : index
      %get3A_453 = tpu.vector_load %arg18[%get3A_452] {strides = array<i32>} : memref<320xf32, #tpu.memory_space<vmem>>, vector<16xf32>,
      %get3A_454 = vector.shape_cast %get3A_453 : vector<16xf32> to vector<16xf32>
      %gt3A_455 = arith.cmpf ogt, %div3A_446, %get3A_454 : vector<16xf32>
      %select_n3A_456 = arith.select %gt3A_455, %div3A_446, %get3A_454 : vector<16xi1>, vector<16xf32>
      %swap3A_457 = arith.constant 32 : index
      %swap3A_458 = tpu.vector_load %arg18[%swap3A_457] {strides = array<i32>} : memref<320xf32, #tpu.memory_space<vmem>>, vector<16xf32>,
      %swap3A_459 = vector.shape_cast %swap3A_458 : vector<16xf32> to vector<16xf32>
      %swap3A_460 = vector.shape_cast %select_n3A_456 : vector<16xf32> to vector<16xf32>
      tpu.vector_store %arg18[%swap3A_457], %swap3A_460 {strides = array<i32>} : memref<320xf32, #tpu.memory_space<vmem>>, vector<16xf32>,
      %get3A_461 = arith.constant 32 : index
      %get3A_462 = tpu.vector_load %arg19[%get3A_461] {strides = array<i32>} : memref<320xf32, #tpu.memory_space<vmem>>, vector<16xf32>,
      %get3A_463 = vector.shape_cast %get3A_462 : vector<16xf32> to vector<16xf32>
      %select_n3A_464 = arith.select %gt3A_455, %add3A_306, %get3A_463 : vector<16xi1>, vector<16xf32>
      %swap3A_465 = arith.constant 32 : index
      %swap3A_466 = tpu.vector_load %arg19[%swap3A_465] {strides = array<i32>} : memref<320xf32, #tpu.memory_space<vmem>>, vector<16xf32>,
      %swap3A_467 = vector.shape_cast %swap3A_466 : vector<16xf32> to vector<16xf32>
      %swap3A_468 = vector.shape_cast %select_n3A_464 : vector<16xf32> to vector<16xf32>
      tpu.vector_store %arg19[%swap3A_465], %swap3A_468 {strides = array<i32>} : memref<320xf32, #tpu.memory_space<vmem>>, vector<16xf32>,
      %slice3A_469 = vector.extract_strided_slice %max3A_18 {offsets = [3], sizes = [1], strides = [1]} : vector<16xf32> to vector<1xf32>
      %squeeze3A_470 = vector.extract %slice3A_469[0] : f32 from vector<1xf32>
      %slice3A_471 = vector.extract_strided_slice %max3A_25 {offsets = [3], sizes = [1], strides = [1]} : vector<16xf32> to vector<1xf32>
      %squeeze3A_472 = vector.extract %slice3A_471[0] : f32 from vector<1xf32>
      %slice3A_473 = vector.extract_strided_slice %min3A_31 {offsets = [3], sizes = [1], strides = [1]} : vector<16xf32> to vector<1xf32>
      %squeeze3A_474 = vector.extract %slice3A_473[0] : f32 from vector<1xf32>
      %slice3A_475 = vector.extract_strided_slice %min3A_38 {offsets = [3], sizes = [1], strides = [1]} : vector<16xf32> to vector<1xf32>
      %squeeze3A_476 = vector.extract %slice3A_475[0] : f32 from vector<1xf32>
      %slice3A_477 = vector.extract_strided_slice %mul3A_41 {offsets = [3], sizes = [1], strides = [1]} : vector<16xf32> to vector<1xf32>
      %squeeze3A_478 = vector.extract %slice3A_477[0] : f32 from vector<1xf32>
      %min3A_479 = vector.broadcast %squeeze3A_474 : f32 to vector<16xf32>
      %min3A_480 = arith.minimumf %min3A_292, %min3A_479 : vector<16xf32>
      %max3A_481 = vector.broadcast %squeeze3A_470 : f32 to vector<16xf32>
      %max3A_482 = arith.maximumf %max3A_278, %max3A_481 : vector<16xf32>
      %sub3A_483 = arith.subf %min3A_480, %max3A_482 : vector<16xf32>
      %max3A_484 = arith.constant 0.000000e+00 : f32
      %max3A_485 = vector.broadcast %max3A_484 : f32 to vector<16xf32>
      %max3A_486 = arith.maximumf %sub3A_483, %max3A_485 : vector<16xf32>
      %min3A_487 = vector.broadcast %squeeze3A_476 : f32 to vector<16xf32>
      %min3A_488 = arith.minimumf %min3A_299, %min3A_487 : vector<16xf32>
      %max3A_489 = vector.broadcast %squeeze3A_472 : f32 to vector<16xf32>
      %max3A_490 = arith.maximumf %max3A_285, %max3A_489 : vector<16xf32>
      %sub3A_491 = arith.subf %min3A_488, %max3A_490 : vector<16xf32>
      %max3A_492 = arith.constant 0.000000e+00 : f32
      %max3A_493 = vector.broadcast %max3A_492 : f32 to vector<16xf32>
      %max3A_494 = arith.maximumf %sub3A_491, %max3A_493 : vector<16xf32>
      %mul3A_495 = arith.mulf %max3A_486, %max3A_494 : vector<16xf32>
      %add3A_496 = vector.broadcast %squeeze3A_478 : f32 to vector<16xf32>
      %add3A_497 = arith.addf %mul3A_302, %add3A_496 : vector<16xf32>
      %sub3A_498 = arith.subf %add3A_497, %mul3A_495 : vector<16xf32>
      %add3A_499 = arith.constant 1.000000e-10 : f32
      %add3A_500 = vector.broadcast %add3A_499 : f32 to vector<16xf32>
      %add3A_501 = arith.addf %sub3A_498, %add3A_500 : vector<16xf32>
      %div3A_502 = arith.divf %mul3A_495, %add3A_501 : vector<16xf32>
      %gt3A_503 = arith.cmpf ogt, %div3A_502, %select_n3A_451 : vector<16xf32>
      %jit3A_504 = arith.constant 3.000000e+00 : f32
      %broadcast_in_dim3A_505 = vector.broadcast %jit3A_504 : f32 to vector<16xf32>
      %select_n3A_506 = arith.select %gt3A_503, %broadcast_in_dim3A_505, %select_n3A_450 : vector<16xi1>, vector<16xf32>
      %select_n3A_507 = arith.select %gt3A_503, %div3A_502, %select_n3A_451 : vector<16xi1>, vector<16xf32>
      %get3A_508 = arith.constant 48 : index
      %get3A_509 = tpu.vector_load %arg18[%get3A_508] {strides = array<i32>} : memref<320xf32, #tpu.memory_space<vmem>>, vector<16xf32>,
      %get3A_510 = vector.shape_cast %get3A_509 : vector<16xf32> to vector<16xf32>
      %gt3A_511 = arith.cmpf ogt, %div3A_502, %get3A_510 : vector<16xf32>
      %select_n3A_512 = arith.select %gt3A_511, %div3A_502, %get3A_510 : vector<16xi1>, vector<16xf32>
      %swap3A_513 = arith.constant 48 : index
      %swap3A_514 = tpu.vector_load %arg18[%swap3A_513] {strides = array<i32>} : memref<320xf32, #tpu.memory_space<vmem>>, vector<16xf32>,
      %swap3A_515 = vector.shape_cast %swap3A_514 : vector<16xf32> to vector<16xf32>
      %swap3A_516 = vector.shape_cast %select_n3A_512 : vector<16xf32> to vector<16xf32>
      tpu.vector_store %arg18[%swap3A_513], %swap3A_516 {strides = array<i32>} : memref<320xf32, #tpu.memory_space<vmem>>, vector<16xf32>,
      %get3A_517 = arith.constant 48 : index
      %get3A_518 = tpu.vector_load %arg19[%get3A_517] {strides = array<i32>} : memref<320xf32, #tpu.memory_space<vmem>>, vector<16xf32>,
      %get3A_519 = vector.shape_cast %get3A_518 : vector<16xf32> to vector<16xf32>
      %select_n3A_520 = arith.select %gt3A_511, %add3A_306, %get3A_519 : vector<16xi1>, vector<16xf32>
      %swap3A_521 = arith.constant 48 : index
      %swap3A_522 = tpu.vector_load %arg19[%swap3A_521] {strides = array<i32>} : memref<320xf32, #tpu.memory_space<vmem>>, vector<16xf32>,
      %swap3A_523 = vector.shape_cast %swap3A_522 : vector<16xf32> to vector<16xf32>
      %swap3A_524 = vector.shape_cast %select_n3A_520 : vector<16xf32> to vector<16xf32>
      tpu.vector_store %arg19[%swap3A_521], %swap3A_524 {strides = array<i32>} : memref<320xf32, #tpu.memory_space<vmem>>, vector<16xf32>,
      %slice3A_525 = vector.extract_strided_slice %max3A_18 {offsets = [4], sizes = [1], strides = [1]} : vector<16xf32> to vector<1xf32>
      %squeeze3A_526 = vector.extract %slice3A_525[0] : f32 from vector<1xf32>
      %slice3A_527 = vector.extract_strided_slice %max3A_25 {offsets = [4], sizes = [1], strides = [1]} : vector<16xf32> to vector<1xf32>
      %squeeze3A_528 = vector.extract %slice3A_527[0] : f32 from vector<1xf32>
      %slice3A_529 = vector.extract_strided_slice %min3A_31 {offsets = [4], sizes = [1], strides = [1]} : vector<16xf32> to vector<1xf32>
      %squeeze3A_530 = vector.extract %slice3A_529[0] : f32 from vector<1xf32>
      %slice3A_531 = vector.extract_strided_slice %min3A_38 {offsets = [4], sizes = [1], strides = [1]} : vector<16xf32> to vector<1xf32>
      %squeeze3A_532 = vector.extract %slice3A_531[0] : f32 from vector<1xf32>
      %slice3A_533 = vector.extract_strided_slice %mul3A_41 {offsets = [4], sizes = [1], strides = [1]} : vector<16xf32> to vector<1xf32>
      %squeeze3A_534 = vector.extract %slice3A_533[0] : f32 from vector<1xf32>
      %min3A_535 = vector.broadcast %squeeze3A_530 : f32 to vector<16xf32>
      %min3A_536 = arith.minimumf %min3A_292, %min3A_535 : vector<16xf32>
      %max3A_537 = vector.broadcast %squeeze3A_526 : f32 to vector<16xf32>
      %max3A_538 = arith.maximumf %max3A_278, %max3A_537 : vector<16xf32>
      %sub3A_539 = arith.subf %min3A_536, %max3A_538 : vector<16xf32>
      %max3A_540 = arith.constant 0.000000e+00 : f32
      %max3A_541 = vector.broadcast %max3A_540 : f32 to vector<16xf32>
      %max3A_542 = arith.maximumf %sub3A_539, %max3A_541 : vector<16xf32>
      %min3A_543 = vector.broadcast %squeeze3A_532 : f32 to vector<16xf32>
      %min3A_544 = arith.minimumf %min3A_299, %min3A_543 : vector<16xf32>
      %max3A_545 = vector.broadcast %squeeze3A_528 : f32 to vector<16xf32>
      %max3A_546 = arith.maximumf %max3A_285, %max3A_545 : vector<16xf32>
      %sub3A_547 = arith.subf %min3A_544, %max3A_546 : vector<16xf32>
      %max3A_548 = arith.constant 0.000000e+00 : f32
      %max3A_549 = vector.broadcast %max3A_548 : f32 to vector<16xf32>
      %max3A_550 = arith.maximumf %sub3A_547, %max3A_549 : vector<16xf32>
      %mul3A_551 = arith.mulf %max3A_542, %max3A_550 : vector<16xf32>
      %add3A_552 = vector.broadcast %squeeze3A_534 : f32 to vector<16xf32>
      %add3A_553 = arith.addf %mul3A_302, %add3A_552 : vector<16xf32>
      %sub3A_554 = arith.subf %add3A_553, %mul3A_551 : vector<16xf32>
      %add3A_555 = arith.constant 1.000000e-10 : f32
      %add3A_556 = vector.broadcast %add3A_555 : f32 to vector<16xf32>
      %add3A_557 = arith.addf %sub3A_554, %add3A_556 : vector<16xf32>
      %div3A_558 = arith.divf %mul3A_551, %add3A_557 : vector<16xf32>
      %gt3A_559 = arith.cmpf ogt, %div3A_558, %select_n3A_507 : vector<16xf32>
      %jit3A_560 = arith.constant 4.000000e+00 : f32
      %broadcast_in_dim3A_561 = vector.broadcast %jit3A_560 : f32 to vector<16xf32>
      %select_n3A_562 = arith.select %gt3A_559, %broadcast_in_dim3A_561, %select_n3A_506 : vector<16xi1>, vector<16xf32>
      %select_n3A_563 = arith.select %gt3A_559, %div3A_558, %select_n3A_507 : vector<16xi1>, vector<16xf32>
      %get3A_564 = arith.constant 64 : index
      %get3A_565 = tpu.vector_load %arg18[%get3A_564] {strides = array<i32>} : memref<320xf32, #tpu.memory_space<vmem>>, vector<16xf32>,
      %get3A_566 = vector.shape_cast %get3A_565 : vector<16xf32> to vector<16xf32>
      %gt3A_567 = arith.cmpf ogt, %div3A_558, %get3A_566 : vector<16xf32>
      %select_n3A_568 = arith.select %gt3A_567, %div3A_558, %get3A_566 : vector<16xi1>, vector<16xf32>
      %swap3A_569 = arith.constant 64 : index
      %swap3A_570 = tpu.vector_load %arg18[%swap3A_569] {strides = array<i32>} : memref<320xf32, #tpu.memory_space<vmem>>, vector<16xf32>,
      %swap3A_571 = vector.shape_cast %swap3A_570 : vector<16xf32> to vector<16xf32>
      %swap3A_572 = vector.shape_cast %select_n3A_568 : vector<16xf32> to vector<16xf32>
      tpu.vector_store %arg18[%swap3A_569], %swap3A_572 {strides = array<i32>} : memref<320xf32, #tpu.memory_space<vmem>>, vector<16xf32>,
      %get3A_573 = arith.constant 64 : index
      %get3A_574 = tpu.vector_load %arg19[%get3A_573] {strides = array<i32>} : memref<320xf32, #tpu.memory_space<vmem>>, vector<16xf32>,
      %get3A_575 = vector.shape_cast %get3A_574 : vector<16xf32> to vector<16xf32>
      %select_n3A_576 = arith.select %gt3A_567, %add3A_306, %get3A_575 : vector<16xi1>, vector<16xf32>
      %swap3A_577 = arith.constant 64 : index
      %swap3A_578 = tpu.vector_load %arg19[%swap3A_577] {strides = array<i32>} : memref<320xf32, #tpu.memory_space<vmem>>, vector<16xf32>,
      %swap3A_579 = vector.shape_cast %swap3A_578 : vector<16xf32> to vector<16xf32>
      %swap3A_580 = vector.shape_cast %select_n3A_576 : vector<16xf32> to vector<16xf32>
      tpu.vector_store %arg19[%swap3A_577], %swap3A_580 {strides = array<i32>} : memref<320xf32, #tpu.memory_space<vmem>>, vector<16xf32>,
      %slice3A_581 = vector.extract_strided_slice %max3A_18 {offsets = [5], sizes = [1], strides = [1]} : vector<16xf32> to vector<1xf32>
      %squeeze3A_582 = vector.extract %slice3A_581[0] : f32 from vector<1xf32>
      %slice3A_583 = vector.extract_strided_slice %max3A_25 {offsets = [5], sizes = [1], strides = [1]} : vector<16xf32> to vector<1xf32>
      %squeeze3A_584 = vector.extract %slice3A_583[0] : f32 from vector<1xf32>
      %slice3A_585 = vector.extract_strided_slice %min3A_31 {offsets = [5], sizes = [1], strides = [1]} : vector<16xf32> to vector<1xf32>
      %squeeze3A_586 = vector.extract %slice3A_585[0] : f32 from vector<1xf32>
      %slice3A_587 = vector.extract_strided_slice %min3A_38 {offsets = [5], sizes = [1], strides = [1]} : vector<16xf32> to vector<1xf32>
      %squeeze3A_588 = vector.extract %slice3A_587[0] : f32 from vector<1xf32>
      %slice3A_589 = vector.extract_strided_slice %mul3A_41 {offsets = [5], sizes = [1], strides = [1]} : vector<16xf32> to vector<1xf32>
      %squeeze3A_590 = vector.extract %slice3A_589[0] : f32 from vector<1xf32>
      %min3A_591 = vector.broadcast %squeeze3A_586 : f32 to vector<16xf32>
      %min3A_592 = arith.minimumf %min3A_292, %min3A_591 : vector<16xf32>
      %max3A_593 = vector.broadcast %squeeze3A_582 : f32 to vector<16xf32>
      %max3A_594 = arith.maximumf %max3A_278, %max3A_593 : vector<16xf32>
      %sub3A_595 = arith.subf %min3A_592, %max3A_594 : vector<16xf32>
      %max3A_596 = arith.constant 0.000000e+00 : f32
      %max3A_597 = vector.broadcast %max3A_596 : f32 to vector<16xf32>
      %max3A_598 = arith.maximumf %sub3A_595, %max3A_597 : vector<16xf32>
      %min3A_599 = vector.broadcast %squeeze3A_588 : f32 to vector<16xf32>
      %min3A_600 = arith.minimumf %min3A_299, %min3A_599 : vector<16xf32>
      %max3A_601 = vector.broadcast %squeeze3A_584 : f32 to vector<16xf32>
      %max3A_602 = arith.maximumf %max3A_285, %max3A_601 : vector<16xf32>
      %sub3A_603 = arith.subf %min3A_600, %max3A_602 : vector<16xf32>
      %max3A_604 = arith.constant 0.000000e+00 : f32
      %max3A_605 = vector.broadcast %max3A_604 : f32 to vector<16xf32>
      %max3A_606 = arith.maximumf %sub3A_603, %max3A_605 : vector<16xf32>
      %mul3A_607 = arith.mulf %max3A_598, %max3A_606 : vector<16xf32>
      %add3A_608 = vector.broadcast %squeeze3A_590 : f32 to vector<16xf32>
      %add3A_609 = arith.addf %mul3A_302, %add3A_608 : vector<16xf32>
      %sub3A_610 = arith.subf %add3A_609, %mul3A_607 : vector<16xf32>
      %add3A_611 = arith.constant 1.000000e-10 : f32
      %add3A_612 = vector.broadcast %add3A_611 : f32 to vector<16xf32>
      %add3A_613 = arith.addf %sub3A_610, %add3A_612 : vector<16xf32>
      %div3A_614 = arith.divf %mul3A_607, %add3A_613 : vector<16xf32>
      %gt3A_615 = arith.cmpf ogt, %div3A_614, %select_n3A_563 : vector<16xf32>
      %jit3A_616 = arith.constant 5.000000e+00 : f32
      %broadcast_in_dim3A_617 = vector.broadcast %jit3A_616 : f32 to vector<16xf32>
      %select_n3A_618 = arith.select %gt3A_615, %broadcast_in_dim3A_617, %select_n3A_562 : vector<16xi1>, vector<16xf32>
      %select_n3A_619 = arith.select %gt3A_615, %div3A_614, %select_n3A_563 : vector<16xi1>, vector<16xf32>
      %get3A_620 = arith.constant 80 : index
      %get3A_621 = tpu.vector_load %arg18[%get3A_620] {strides = array<i32>} : memref<320xf32, #tpu.memory_space<vmem>>, vector<16xf32>,
      %get3A_622 = vector.shape_cast %get3A_621 : vector<16xf32> to vector<16xf32>
      %gt3A_623 = arith.cmpf ogt, %div3A_614, %get3A_622 : vector<16xf32>
      %select_n3A_624 = arith.select %gt3A_623, %div3A_614, %get3A_622 : vector<16xi1>, vector<16xf32>
      %swap3A_625 = arith.constant 80 : index
      %swap3A_626 = tpu.vector_load %arg18[%swap3A_625] {strides = array<i32>} : memref<320xf32, #tpu.memory_space<vmem>>, vector<16xf32>,
      %swap3A_627 = vector.shape_cast %swap3A_626 : vector<16xf32> to vector<16xf32>
      %swap3A_628 = vector.shape_cast %select_n3A_624 : vector<16xf32> to vector<16xf32>
      tpu.vector_store %arg18[%swap3A_625], %swap3A_628 {strides = array<i32>} : memref<320xf32, #tpu.memory_space<vmem>>, vector<16xf32>,
      %get3A_629 = arith.constant 80 : index
      %get3A_630 = tpu.vector_load %arg19[%get3A_629] {strides = array<i32>} : memref<320xf32, #tpu.memory_space<vmem>>, vector<16xf32>,
      %get3A_631 = vector.shape_cast %get3A_630 : vector<16xf32> to vector<16xf32>
      %select_n3A_632 = arith.select %gt3A_623, %add3A_306, %get3A_631 : vector<16xi1>, vector<16xf32>
      %swap3A_633 = arith.constant 80 : index
      %swap3A_634 = tpu.vector_load %arg19[%swap3A_633] {strides = array<i32>} : memref<320xf32, #tpu.memory_space<vmem>>, vector<16xf32>,
      %swap3A_635 = vector.shape_cast %swap3A_634 : vector<16xf32> to vector<16xf32>
      %swap3A_636 = vector.shape_cast %select_n3A_632 : vector<16xf32> to vector<16xf32>
      tpu.vector_store %arg19[%swap3A_633], %swap3A_636 {strides = array<i32>} : memref<320xf32, #tpu.memory_space<vmem>>, vector<16xf32>,
      %slice3A_637 = vector.extract_strided_slice %max3A_18 {offsets = [6], sizes = [1], strides = [1]} : vector<16xf32> to vector<1xf32>
      %squeeze3A_638 = vector.extract %slice3A_637[0] : f32 from vector<1xf32>
      %slice3A_639 = vector.extract_strided_slice %max3A_25 {offsets = [6], sizes = [1], strides = [1]} : vector<16xf32> to vector<1xf32>
      %squeeze3A_640 = vector.extract %slice3A_639[0] : f32 from vector<1xf32>
      %slice3A_641 = vector.extract_strided_slice %min3A_31 {offsets = [6], sizes = [1], strides = [1]} : vector<16xf32> to vector<1xf32>
      %squeeze3A_642 = vector.extract %slice3A_641[0] : f32 from vector<1xf32>
      %slice3A_643 = vector.extract_strided_slice %min3A_38 {offsets = [6], sizes = [1], strides = [1]} : vector<16xf32> to vector<1xf32>
      %squeeze3A_644 = vector.extract %slice3A_643[0] : f32 from vector<1xf32>
      %slice3A_645 = vector.extract_strided_slice %mul3A_41 {offsets = [6], sizes = [1], strides = [1]} : vector<16xf32> to vector<1xf32>
      %squeeze3A_646 = vector.extract %slice3A_645[0] : f32 from vector<1xf32>
      %min3A_647 = vector.broadcast %squeeze3A_642 : f32 to vector<16xf32>
      %min3A_648 = arith.minimumf %min3A_292, %min3A_647 : vector<16xf32>
      %max3A_649 = vector.broadcast %squeeze3A_638 : f32 to vector<16xf32>
      %max3A_650 = arith.maximumf %max3A_278, %max3A_649 : vector<16xf32>
      %sub3A_651 = arith.subf %min3A_648, %max3A_650 : vector<16xf32>
      %max3A_652 = arith.constant 0.000000e+00 : f32
      %max3A_653 = vector.broadcast %max3A_652 : f32 to vector<16xf32>
      %max3A_654 = arith.maximumf %sub3A_651, %max3A_653 : vector<16xf32>
      %min3A_655 = vector.broadcast %squeeze3A_644 : f32 to vector<16xf32>
      %min3A_656 = arith.minimumf %min3A_299, %min3A_655 : vector<16xf32>
      %max3A_657 = vector.broadcast %squeeze3A_640 : f32 to vector<16xf32>
      %max3A_658 = arith.maximumf %max3A_285, %max3A_657 : vector<16xf32>
      %sub3A_659 = arith.subf %min3A_656, %max3A_658 : vector<16xf32>
      %max3A_660 = arith.constant 0.000000e+00 : f32
      %max3A_661 = vector.broadcast %max3A_660 : f32 to vector<16xf32>
      %max3A_662 = arith.maximumf %sub3A_659, %max3A_661 : vector<16xf32>
      %mul3A_663 = arith.mulf %max3A_654, %max3A_662 : vector<16xf32>
      %add3A_664 = vector.broadcast %squeeze3A_646 : f32 to vector<16xf32>
      %add3A_665 = arith.addf %mul3A_302, %add3A_664 : vector<16xf32>
      %sub3A_666 = arith.subf %add3A_665, %mul3A_663 : vector<16xf32>
      %add3A_667 = arith.constant 1.000000e-10 : f32
      %add3A_668 = vector.broadcast %add3A_667 : f32 to vector<16xf32>
      %add3A_669 = arith.addf %sub3A_666, %add3A_668 : vector<16xf32>
      %div3A_670 = arith.divf %mul3A_663, %add3A_669 : vector<16xf32>
      %gt3A_671 = arith.cmpf ogt, %div3A_670, %select_n3A_619 : vector<16xf32>
      %jit3A_672 = arith.constant 6.000000e+00 : f32
      %broadcast_in_dim3A_673 = vector.broadcast %jit3A_672 : f32 to vector<16xf32>
      %select_n3A_674 = arith.select %gt3A_671, %broadcast_in_dim3A_673, %select_n3A_618 : vector<16xi1>, vector<16xf32>
      %select_n3A_675 = arith.select %gt3A_671, %div3A_670, %select_n3A_619 : vector<16xi1>, vector<16xf32>
      %get3A_676 = arith.constant 96 : index
      %get3A_677 = tpu.vector_load %arg18[%get3A_676] {strides = array<i32>} : memref<320xf32, #tpu.memory_space<vmem>>, vector<16xf32>,
      %get3A_678 = vector.shape_cast %get3A_677 : vector<16xf32> to vector<16xf32>
      %gt3A_679 = arith.cmpf ogt, %div3A_670, %get3A_678 : vector<16xf32>
      %select_n3A_680 = arith.select %gt3A_679, %div3A_670, %get3A_678 : vector<16xi1>, vector<16xf32>
      %swap3A_681 = arith.constant 96 : index
      %swap3A_682 = tpu.vector_load %arg18[%swap3A_681] {strides = array<i32>} : memref<320xf32, #tpu.memory_space<vmem>>, vector<16xf32>,
      %swap3A_683 = vector.shape_cast %swap3A_682 : vector<16xf32> to vector<16xf32>
      %swap3A_684 = vector.shape_cast %select_n3A_680 : vector<16xf32> to vector<16xf32>
      tpu.vector_store %arg18[%swap3A_681], %swap3A_684 {strides = array<i32>} : memref<320xf32, #tpu.memory_space<vmem>>, vector<16xf32>,
      %get3A_685 = arith.constant 96 : index
      %get3A_686 = tpu.vector_load %arg19[%get3A_685] {strides = array<i32>} : memref<320xf32, #tpu.memory_space<vmem>>, vector<16xf32>,
      %get3A_687 = vector.shape_cast %get3A_686 : vector<16xf32> to vector<16xf32>
      %select_n3A_688 = arith.select %gt3A_679, %add3A_306, %get3A_687 : vector<16xi1>, vector<16xf32>
      %swap3A_689 = arith.constant 96 : index
      %swap3A_690 = tpu.vector_load %arg19[%swap3A_689] {strides = array<i32>} : memref<320xf32, #tpu.memory_space<vmem>>, vector<16xf32>,
      %swap3A_691 = vector.shape_cast %swap3A_690 : vector<16xf32> to vector<16xf32>
      %swap3A_692 = vector.shape_cast %select_n3A_688 : vector<16xf32> to vector<16xf32>
      tpu.vector_store %arg19[%swap3A_689], %swap3A_692 {strides = array<i32>} : memref<320xf32, #tpu.memory_space<vmem>>, vector<16xf32>,
      %slice3A_693 = vector.extract_strided_slice %max3A_18 {offsets = [7], sizes = [1], strides = [1]} : vector<16xf32> to vector<1xf32>
      %squeeze3A_694 = vector.extract %slice3A_693[0] : f32 from vector<1xf32>
      %slice3A_695 = vector.extract_strided_slice %max3A_25 {offsets = [7], sizes = [1], strides = [1]} : vector<16xf32> to vector<1xf32>
      %squeeze3A_696 = vector.extract %slice3A_695[0] : f32 from vector<1xf32>
      %slice3A_697 = vector.extract_strided_slice %min3A_31 {offsets = [7], sizes = [1], strides = [1]} : vector<16xf32> to vector<1xf32>
      %squeeze3A_698 = vector.extract %slice3A_697[0] : f32 from vector<1xf32>
      %slice3A_699 = vector.extract_strided_slice %min3A_38 {offsets = [7], sizes = [1], strides = [1]} : vector<16xf32> to vector<1xf32>
      %squeeze3A_700 = vector.extract %slice3A_699[0] : f32 from vector<1xf32>
      %slice3A_701 = vector.extract_strided_slice %mul3A_41 {offsets = [7], sizes = [1], strides = [1]} : vector<16xf32> to vector<1xf32>
      %squeeze3A_702 = vector.extract %slice3A_701[0] : f32 from vector<1xf32>
      %min3A_703 = vector.broadcast %squeeze3A_698 : f32 to vector<16xf32>
      %min3A_704 = arith.minimumf %min3A_292, %min3A_703 : vector<16xf32>
      %max3A_705 = vector.broadcast %squeeze3A_694 : f32 to vector<16xf32>
      %max3A_706 = arith.maximumf %max3A_278, %max3A_705 : vector<16xf32>
      %sub3A_707 = arith.subf %min3A_704, %max3A_706 : vector<16xf32>
      %max3A_708 = arith.constant 0.000000e+00 : f32
      %max3A_709 = vector.broadcast %max3A_708 : f32 to vector<16xf32>
      %max3A_710 = arith.maximumf %sub3A_707, %max3A_709 : vector<16xf32>
      %min3A_711 = vector.broadcast %squeeze3A_700 : f32 to vector<16xf32>
      %min3A_712 = arith.minimumf %min3A_299, %min3A_711 : vector<16xf32>
      %max3A_713 = vector.broadcast %squeeze3A_696 : f32 to vector<16xf32>
      %max3A_714 = arith.maximumf %max3A_285, %max3A_713 : vector<16xf32>
      %sub3A_715 = arith.subf %min3A_712, %max3A_714 : vector<16xf32>
      %max3A_716 = arith.constant 0.000000e+00 : f32
      %max3A_717 = vector.broadcast %max3A_716 : f32 to vector<16xf32>
      %max3A_718 = arith.maximumf %sub3A_715, %max3A_717 : vector<16xf32>
      %mul3A_719 = arith.mulf %max3A_710, %max3A_718 : vector<16xf32>
      %add3A_720 = vector.broadcast %squeeze3A_702 : f32 to vector<16xf32>
      %add3A_721 = arith.addf %mul3A_302, %add3A_720 : vector<16xf32>
      %sub3A_722 = arith.subf %add3A_721, %mul3A_719 : vector<16xf32>
      %add3A_723 = arith.constant 1.000000e-10 : f32
      %add3A_724 = vector.broadcast %add3A_723 : f32 to vector<16xf32>
      %add3A_725 = arith.addf %sub3A_722, %add3A_724 : vector<16xf32>
      %div3A_726 = arith.divf %mul3A_719, %add3A_725 : vector<16xf32>
      %gt3A_727 = arith.cmpf ogt, %div3A_726, %select_n3A_675 : vector<16xf32>
      %jit3A_728 = arith.constant 7.000000e+00 : f32
      %broadcast_in_dim3A_729 = vector.broadcast %jit3A_728 : f32 to vector<16xf32>
      %select_n3A_730 = arith.select %gt3A_727, %broadcast_in_dim3A_729, %select_n3A_674 : vector<16xi1>, vector<16xf32>
      %select_n3A_731 = arith.select %gt3A_727, %div3A_726, %select_n3A_675 : vector<16xi1>, vector<16xf32>
      %get3A_732 = arith.constant 112 : index
      %get3A_733 = tpu.vector_load %arg18[%get3A_732] {strides = array<i32>} : memref<320xf32, #tpu.memory_space<vmem>>, vector<16xf32>,
      %get3A_734 = vector.shape_cast %get3A_733 : vector<16xf32> to vector<16xf32>
      %gt3A_735 = arith.cmpf ogt, %div3A_726, %get3A_734 : vector<16xf32>
      %select_n3A_736 = arith.select %gt3A_735, %div3A_726, %get3A_734 : vector<16xi1>, vector<16xf32>
      %swap3A_737 = arith.constant 112 : index
      %swap3A_738 = tpu.vector_load %arg18[%swap3A_737] {strides = array<i32>} : memref<320xf32, #tpu.memory_space<vmem>>, vector<16xf32>,
      %swap3A_739 = vector.shape_cast %swap3A_738 : vector<16xf32> to vector<16xf32>
      %swap3A_740 = vector.shape_cast %select_n3A_736 : vector<16xf32> to vector<16xf32>
      tpu.vector_store %arg18[%swap3A_737], %swap3A_740 {strides = array<i32>} : memref<320xf32, #tpu.memory_space<vmem>>, vector<16xf32>,
      %get3A_741 = arith.constant 112 : index
      %get3A_742 = tpu.vector_load %arg19[%get3A_741] {strides = array<i32>} : memref<320xf32, #tpu.memory_space<vmem>>, vector<16xf32>,
      %get3A_743 = vector.shape_cast %get3A_742 : vector<16xf32> to vector<16xf32>
      %select_n3A_744 = arith.select %gt3A_735, %add3A_306, %get3A_743 : vector<16xi1>, vector<16xf32>
      %swap3A_745 = arith.constant 112 : index
      %swap3A_746 = tpu.vector_load %arg19[%swap3A_745] {strides = array<i32>} : memref<320xf32, #tpu.memory_space<vmem>>, vector<16xf32>,
      %swap3A_747 = vector.shape_cast %swap3A_746 : vector<16xf32> to vector<16xf32>
      %swap3A_748 = vector.shape_cast %select_n3A_744 : vector<16xf32> to vector<16xf32>
      tpu.vector_store %arg19[%swap3A_745], %swap3A_748 {strides = array<i32>} : memref<320xf32, #tpu.memory_space<vmem>>, vector<16xf32>,
      %slice3A_749 = vector.extract_strided_slice %max3A_18 {offsets = [8], sizes = [1], strides = [1]} : vector<16xf32> to vector<1xf32>
      %squeeze3A_750 = vector.extract %slice3A_749[0] : f32 from vector<1xf32>
      %slice3A_751 = vector.extract_strided_slice %max3A_25 {offsets = [8], sizes = [1], strides = [1]} : vector<16xf32> to vector<1xf32>
      %squeeze3A_752 = vector.extract %slice3A_751[0] : f32 from vector<1xf32>
      %slice3A_753 = vector.extract_strided_slice %min3A_31 {offsets = [8], sizes = [1], strides = [1]} : vector<16xf32> to vector<1xf32>
      %squeeze3A_754 = vector.extract %slice3A_753[0] : f32 from vector<1xf32>
      %slice3A_755 = vector.extract_strided_slice %min3A_38 {offsets = [8], sizes = [1], strides = [1]} : vector<16xf32> to vector<1xf32>
      %squeeze3A_756 = vector.extract %slice3A_755[0] : f32 from vector<1xf32>
      %slice3A_757 = vector.extract_strided_slice %mul3A_41 {offsets = [8], sizes = [1], strides = [1]} : vector<16xf32> to vector<1xf32>
      %squeeze3A_758 = vector.extract %slice3A_757[0] : f32 from vector<1xf32>
      %min3A_759 = vector.broadcast %squeeze3A_754 : f32 to vector<16xf32>
      %min3A_760 = arith.minimumf %min3A_292, %min3A_759 : vector<16xf32>
      %max3A_761 = vector.broadcast %squeeze3A_750 : f32 to vector<16xf32>
      %max3A_762 = arith.maximumf %max3A_278, %max3A_761 : vector<16xf32>
      %sub3A_763 = arith.subf %min3A_760, %max3A_762 : vector<16xf32>
      %max3A_764 = arith.constant 0.000000e+00 : f32
      %max3A_765 = vector.broadcast %max3A_764 : f32 to vector<16xf32>
      %max3A_766 = arith.maximumf %sub3A_763, %max3A_765 : vector<16xf32>
      %min3A_767 = vector.broadcast %squeeze3A_756 : f32 to vector<16xf32>
      %min3A_768 = arith.minimumf %min3A_299, %min3A_767 : vector<16xf32>
      %max3A_769 = vector.broadcast %squeeze3A_752 : f32 to vector<16xf32>
      %max3A_770 = arith.maximumf %max3A_285, %max3A_769 : vector<16xf32>
      %sub3A_771 = arith.subf %min3A_768, %max3A_770 : vector<16xf32>
      %max3A_772 = arith.constant 0.000000e+00 : f32
      %max3A_773 = vector.broadcast %max3A_772 : f32 to vector<16xf32>
      %max3A_774 = arith.maximumf %sub3A_771, %max3A_773 : vector<16xf32>
      %mul3A_775 = arith.mulf %max3A_766, %max3A_774 : vector<16xf32>
      %add3A_776 = vector.broadcast %squeeze3A_758 : f32 to vector<16xf32>
      %add3A_777 = arith.addf %mul3A_302, %add3A_776 : vector<16xf32>
      %sub3A_778 = arith.subf %add3A_777, %mul3A_775 : vector<16xf32>
      %add3A_779 = arith.constant 1.000000e-10 : f32
      %add3A_780 = vector.broadcast %add3A_779 : f32 to vector<16xf32>
      %add3A_781 = arith.addf %sub3A_778, %add3A_780 : vector<16xf32>
      %div3A_782 = arith.divf %mul3A_775, %add3A_781 : vector<16xf32>
      %gt3A_783 = arith.cmpf ogt, %div3A_782, %select_n3A_731 : vector<16xf32>
      %jit3A_784 = arith.constant 8.000000e+00 : f32
      %broadcast_in_dim3A_785 = vector.broadcast %jit3A_784 : f32 to vector<16xf32>
      %select_n3A_786 = arith.select %gt3A_783, %broadcast_in_dim3A_785, %select_n3A_730 : vector<16xi1>, vector<16xf32>
      %select_n3A_787 = arith.select %gt3A_783, %div3A_782, %select_n3A_731 : vector<16xi1>, vector<16xf32>
      %get3A_788 = arith.constant 128 : index
      %get3A_789 = tpu.vector_load %arg18[%get3A_788] {strides = array<i32>} : memref<320xf32, #tpu.memory_space<vmem>>, vector<16xf32>,
      %get3A_790 = vector.shape_cast %get3A_789 : vector<16xf32> to vector<16xf32>
      %gt3A_791 = arith.cmpf ogt, %div3A_782, %get3A_790 : vector<16xf32>
      %select_n3A_792 = arith.select %gt3A_791, %div3A_782, %get3A_790 : vector<16xi1>, vector<16xf32>
      %swap3A_793 = arith.constant 128 : index
      %swap3A_794 = tpu.vector_load %arg18[%swap3A_793] {strides = array<i32>} : memref<320xf32, #tpu.memory_space<vmem>>, vector<16xf32>,
      %swap3A_795 = vector.shape_cast %swap3A_794 : vector<16xf32> to vector<16xf32>
      %swap3A_796 = vector.shape_cast %select_n3A_792 : vector<16xf32> to vector<16xf32>
      tpu.vector_store %arg18[%swap3A_793], %swap3A_796 {strides = array<i32>} : memref<320xf32, #tpu.memory_space<vmem>>, vector<16xf32>,
      %get3A_797 = arith.constant 128 : index
      %get3A_798 = tpu.vector_load %arg19[%get3A_797] {strides = array<i32>} : memref<320xf32, #tpu.memory_space<vmem>>, vector<16xf32>,
      %get3A_799 = vector.shape_cast %get3A_798 : vector<16xf32> to vector<16xf32>
      %select_n3A_800 = arith.select %gt3A_791, %add3A_306, %get3A_799 : vector<16xi1>, vector<16xf32>
      %swap3A_801 = arith.constant 128 : index
      %swap3A_802 = tpu.vector_load %arg19[%swap3A_801] {strides = array<i32>} : memref<320xf32, #tpu.memory_space<vmem>>, vector<16xf32>,
      %swap3A_803 = vector.shape_cast %swap3A_802 : vector<16xf32> to vector<16xf32>
      %swap3A_804 = vector.shape_cast %select_n3A_800 : vector<16xf32> to vector<16xf32>
      tpu.vector_store %arg19[%swap3A_801], %swap3A_804 {strides = array<i32>} : memref<320xf32, #tpu.memory_space<vmem>>, vector<16xf32>,
      %slice3A_805 = vector.extract_strided_slice %max3A_18 {offsets = [9], sizes = [1], strides = [1]} : vector<16xf32> to vector<1xf32>
      %squeeze3A_806 = vector.extract %slice3A_805[0] : f32 from vector<1xf32>
      %slice3A_807 = vector.extract_strided_slice %max3A_25 {offsets = [9], sizes = [1], strides = [1]} : vector<16xf32> to vector<1xf32>
      %squeeze3A_808 = vector.extract %slice3A_807[0] : f32 from vector<1xf32>
      %slice3A_809 = vector.extract_strided_slice %min3A_31 {offsets = [9], sizes = [1], strides = [1]} : vector<16xf32> to vector<1xf32>
      %squeeze3A_810 = vector.extract %slice3A_809[0] : f32 from vector<1xf32>
      %slice3A_811 = vector.extract_strided_slice %min3A_38 {offsets = [9], sizes = [1], strides = [1]} : vector<16xf32> to vector<1xf32>
      %squeeze3A_812 = vector.extract %slice3A_811[0] : f32 from vector<1xf32>
      %slice3A_813 = vector.extract_strided_slice %mul3A_41 {offsets = [9], sizes = [1], strides = [1]} : vector<16xf32> to vector<1xf32>
      %squeeze3A_814 = vector.extract %slice3A_813[0] : f32 from vector<1xf32>
      %min3A_815 = vector.broadcast %squeeze3A_810 : f32 to vector<16xf32>
      %min3A_816 = arith.minimumf %min3A_292, %min3A_815 : vector<16xf32>
      %max3A_817 = vector.broadcast %squeeze3A_806 : f32 to vector<16xf32>
      %max3A_818 = arith.maximumf %max3A_278, %max3A_817 : vector<16xf32>
      %sub3A_819 = arith.subf %min3A_816, %max3A_818 : vector<16xf32>
      %max3A_820 = arith.constant 0.000000e+00 : f32
      %max3A_821 = vector.broadcast %max3A_820 : f32 to vector<16xf32>
      %max3A_822 = arith.maximumf %sub3A_819, %max3A_821 : vector<16xf32>
      %min3A_823 = vector.broadcast %squeeze3A_812 : f32 to vector<16xf32>
      %min3A_824 = arith.minimumf %min3A_299, %min3A_823 : vector<16xf32>
      %max3A_825 = vector.broadcast %squeeze3A_808 : f32 to vector<16xf32>
      %max3A_826 = arith.maximumf %max3A_285, %max3A_825 : vector<16xf32>
      %sub3A_827 = arith.subf %min3A_824, %max3A_826 : vector<16xf32>
      %max3A_828 = arith.constant 0.000000e+00 : f32
      %max3A_829 = vector.broadcast %max3A_828 : f32 to vector<16xf32>
      %max3A_830 = arith.maximumf %sub3A_827, %max3A_829 : vector<16xf32>
      %mul3A_831 = arith.mulf %max3A_822, %max3A_830 : vector<16xf32>
      %add3A_832 = vector.broadcast %squeeze3A_814 : f32 to vector<16xf32>
      %add3A_833 = arith.addf %mul3A_302, %add3A_832 : vector<16xf32>
      %sub3A_834 = arith.subf %add3A_833, %mul3A_831 : vector<16xf32>
      %add3A_835 = arith.constant 1.000000e-10 : f32
      %add3A_836 = vector.broadcast %add3A_835 : f32 to vector<16xf32>
      %add3A_837 = arith.addf %sub3A_834, %add3A_836 : vector<16xf32>
      %div3A_838 = arith.divf %mul3A_831, %add3A_837 : vector<16xf32>
      %gt3A_839 = arith.cmpf ogt, %div3A_838, %select_n3A_787 : vector<16xf32>
      %jit3A_840 = arith.constant 9.000000e+00 : f32
      %broadcast_in_dim3A_841 = vector.broadcast %jit3A_840 : f32 to vector<16xf32>
      %select_n3A_842 = arith.select %gt3A_839, %broadcast_in_dim3A_841, %select_n3A_786 : vector<16xi1>, vector<16xf32>
      %select_n3A_843 = arith.select %gt3A_839, %div3A_838, %select_n3A_787 : vector<16xi1>, vector<16xf32>
      %get3A_844 = arith.constant 144 : index
      %get3A_845 = tpu.vector_load %arg18[%get3A_844] {strides = array<i32>} : memref<320xf32, #tpu.memory_space<vmem>>, vector<16xf32>,
      %get3A_846 = vector.shape_cast %get3A_845 : vector<16xf32> to vector<16xf32>
      %gt3A_847 = arith.cmpf ogt, %div3A_838, %get3A_846 : vector<16xf32>
      %select_n3A_848 = arith.select %gt3A_847, %div3A_838, %get3A_846 : vector<16xi1>, vector<16xf32>
      %swap3A_849 = arith.constant 144 : index
      %swap3A_850 = tpu.vector_load %arg18[%swap3A_849] {strides = array<i32>} : memref<320xf32, #tpu.memory_space<vmem>>, vector<16xf32>,
      %swap3A_851 = vector.shape_cast %swap3A_850 : vector<16xf32> to vector<16xf32>
      %swap3A_852 = vector.shape_cast %select_n3A_848 : vector<16xf32> to vector<16xf32>
      tpu.vector_store %arg18[%swap3A_849], %swap3A_852 {strides = array<i32>} : memref<320xf32, #tpu.memory_space<vmem>>, vector<16xf32>,
      %get3A_853 = arith.constant 144 : index
      %get3A_854 = tpu.vector_load %arg19[%get3A_853] {strides = array<i32>} : memref<320xf32, #tpu.memory_space<vmem>>, vector<16xf32>,
      %get3A_855 = vector.shape_cast %get3A_854 : vector<16xf32> to vector<16xf32>
      %select_n3A_856 = arith.select %gt3A_847, %add3A_306, %get3A_855 : vector<16xi1>, vector<16xf32>
      %swap3A_857 = arith.constant 144 : index
      %swap3A_858 = tpu.vector_load %arg19[%swap3A_857] {strides = array<i32>} : memref<320xf32, #tpu.memory_space<vmem>>, vector<16xf32>,
      %swap3A_859 = vector.shape_cast %swap3A_858 : vector<16xf32> to vector<16xf32>
      %swap3A_860 = vector.shape_cast %select_n3A_856 : vector<16xf32> to vector<16xf32>
      tpu.vector_store %arg19[%swap3A_857], %swap3A_860 {strides = array<i32>} : memref<320xf32, #tpu.memory_space<vmem>>, vector<16xf32>,
      %slice3A_861 = vector.extract_strided_slice %max3A_18 {offsets = [10], sizes = [1], strides = [1]} : vector<16xf32> to vector<1xf32>
      %squeeze3A_862 = vector.extract %slice3A_861[0] : f32 from vector<1xf32>
      %slice3A_863 = vector.extract_strided_slice %max3A_25 {offsets = [10], sizes = [1], strides = [1]} : vector<16xf32> to vector<1xf32>
      %squeeze3A_864 = vector.extract %slice3A_863[0] : f32 from vector<1xf32>
      %slice3A_865 = vector.extract_strided_slice %min3A_31 {offsets = [10], sizes = [1], strides = [1]} : vector<16xf32> to vector<1xf32>
      %squeeze3A_866 = vector.extract %slice3A_865[0] : f32 from vector<1xf32>
      %slice3A_867 = vector.extract_strided_slice %min3A_38 {offsets = [10], sizes = [1], strides = [1]} : vector<16xf32> to vector<1xf32>
      %squeeze3A_868 = vector.extract %slice3A_867[0] : f32 from vector<1xf32>
      %slice3A_869 = vector.extract_strided_slice %mul3A_41 {offsets = [10], sizes = [1], strides = [1]} : vector<16xf32> to vector<1xf32>
      %squeeze3A_870 = vector.extract %slice3A_869[0] : f32 from vector<1xf32>
      %min3A_871 = vector.broadcast %squeeze3A_866 : f32 to vector<16xf32>
      %min3A_872 = arith.minimumf %min3A_292, %min3A_871 : vector<16xf32>
      %max3A_873 = vector.broadcast %squeeze3A_862 : f32 to vector<16xf32>
      %max3A_874 = arith.maximumf %max3A_278, %max3A_873 : vector<16xf32>
      %sub3A_875 = arith.subf %min3A_872, %max3A_874 : vector<16xf32>
      %max3A_876 = arith.constant 0.000000e+00 : f32
      %max3A_877 = vector.broadcast %max3A_876 : f32 to vector<16xf32>
      %max3A_878 = arith.maximumf %sub3A_875, %max3A_877 : vector<16xf32>
      %min3A_879 = vector.broadcast %squeeze3A_868 : f32 to vector<16xf32>
      %min3A_880 = arith.minimumf %min3A_299, %min3A_879 : vector<16xf32>
      %max3A_881 = vector.broadcast %squeeze3A_864 : f32 to vector<16xf32>
      %max3A_882 = arith.maximumf %max3A_285, %max3A_881 : vector<16xf32>
      %sub3A_883 = arith.subf %min3A_880, %max3A_882 : vector<16xf32>
      %max3A_884 = arith.constant 0.000000e+00 : f32
      %max3A_885 = vector.broadcast %max3A_884 : f32 to vector<16xf32>
      %max3A_886 = arith.maximumf %sub3A_883, %max3A_885 : vector<16xf32>
      %mul3A_887 = arith.mulf %max3A_878, %max3A_886 : vector<16xf32>
      %add3A_888 = vector.broadcast %squeeze3A_870 : f32 to vector<16xf32>
      %add3A_889 = arith.addf %mul3A_302, %add3A_888 : vector<16xf32>
      %sub3A_890 = arith.subf %add3A_889, %mul3A_887 : vector<16xf32>
      %add3A_891 = arith.constant 1.000000e-10 : f32
      %add3A_892 = vector.broadcast %add3A_891 : f32 to vector<16xf32>
      %add3A_893 = arith.addf %sub3A_890, %add3A_892 : vector<16xf32>
      %div3A_894 = arith.divf %mul3A_887, %add3A_893 : vector<16xf32>
      %gt3A_895 = arith.cmpf ogt, %div3A_894, %select_n3A_843 : vector<16xf32>
      %jit3A_896 = arith.constant 1.000000e+01 : f32
      %broadcast_in_dim3A_897 = vector.broadcast %jit3A_896 : f32 to vector<16xf32>
      %select_n3A_898 = arith.select %gt3A_895, %broadcast_in_dim3A_897, %select_n3A_842 : vector<16xi1>, vector<16xf32>
      %select_n3A_899 = arith.select %gt3A_895, %div3A_894, %select_n3A_843 : vector<16xi1>, vector<16xf32>
      %get3A_900 = arith.constant 160 : index
      %get3A_901 = tpu.vector_load %arg18[%get3A_900] {strides = array<i32>} : memref<320xf32, #tpu.memory_space<vmem>>, vector<16xf32>,
      %get3A_902 = vector.shape_cast %get3A_901 : vector<16xf32> to vector<16xf32>
      %gt3A_903 = arith.cmpf ogt, %div3A_894, %get3A_902 : vector<16xf32>
      %select_n3A_904 = arith.select %gt3A_903, %div3A_894, %get3A_902 : vector<16xi1>, vector<16xf32>
      %swap3A_905 = arith.constant 160 : index
      %swap3A_906 = tpu.vector_load %arg18[%swap3A_905] {strides = array<i32>} : memref<320xf32, #tpu.memory_space<vmem>>, vector<16xf32>,
      %swap3A_907 = vector.shape_cast %swap3A_906 : vector<16xf32> to vector<16xf32>
      %swap3A_908 = vector.shape_cast %select_n3A_904 : vector<16xf32> to vector<16xf32>
      tpu.vector_store %arg18[%swap3A_905], %swap3A_908 {strides = array<i32>} : memref<320xf32, #tpu.memory_space<vmem>>, vector<16xf32>,
      %get3A_909 = arith.constant 160 : index
      %get3A_910 = tpu.vector_load %arg19[%get3A_909] {strides = array<i32>} : memref<320xf32, #tpu.memory_space<vmem>>, vector<16xf32>,
      %get3A_911 = vector.shape_cast %get3A_910 : vector<16xf32> to vector<16xf32>
      %select_n3A_912 = arith.select %gt3A_903, %add3A_306, %get3A_911 : vector<16xi1>, vector<16xf32>
      %swap3A_913 = arith.constant 160 : index
      %swap3A_914 = tpu.vector_load %arg19[%swap3A_913] {strides = array<i32>} : memref<320xf32, #tpu.memory_space<vmem>>, vector<16xf32>,
      %swap3A_915 = vector.shape_cast %swap3A_914 : vector<16xf32> to vector<16xf32>
      %swap3A_916 = vector.shape_cast %select_n3A_912 : vector<16xf32> to vector<16xf32>
      tpu.vector_store %arg19[%swap3A_913], %swap3A_916 {strides = array<i32>} : memref<320xf32, #tpu.memory_space<vmem>>, vector<16xf32>,
      %slice3A_917 = vector.extract_strided_slice %max3A_18 {offsets = [11], sizes = [1], strides = [1]} : vector<16xf32> to vector<1xf32>
      %squeeze3A_918 = vector.extract %slice3A_917[0] : f32 from vector<1xf32>
      %slice3A_919 = vector.extract_strided_slice %max3A_25 {offsets = [11], sizes = [1], strides = [1]} : vector<16xf32> to vector<1xf32>
      %squeeze3A_920 = vector.extract %slice3A_919[0] : f32 from vector<1xf32>
      %slice3A_921 = vector.extract_strided_slice %min3A_31 {offsets = [11], sizes = [1], strides = [1]} : vector<16xf32> to vector<1xf32>
      %squeeze3A_922 = vector.extract %slice3A_921[0] : f32 from vector<1xf32>
      %slice3A_923 = vector.extract_strided_slice %min3A_38 {offsets = [11], sizes = [1], strides = [1]} : vector<16xf32> to vector<1xf32>
      %squeeze3A_924 = vector.extract %slice3A_923[0] : f32 from vector<1xf32>
      %slice3A_925 = vector.extract_strided_slice %mul3A_41 {offsets = [11], sizes = [1], strides = [1]} : vector<16xf32> to vector<1xf32>
      %squeeze3A_926 = vector.extract %slice3A_925[0] : f32 from vector<1xf32>
      %min3A_927 = vector.broadcast %squeeze3A_922 : f32 to vector<16xf32>
      %min3A_928 = arith.minimumf %min3A_292, %min3A_927 : vector<16xf32>
      %max3A_929 = vector.broadcast %squeeze3A_918 : f32 to vector<16xf32>
      %max3A_930 = arith.maximumf %max3A_278, %max3A_929 : vector<16xf32>
      %sub3A_931 = arith.subf %min3A_928, %max3A_930 : vector<16xf32>
      %max3A_932 = arith.constant 0.000000e+00 : f32
      %max3A_933 = vector.broadcast %max3A_932 : f32 to vector<16xf32>
      %max3A_934 = arith.maximumf %sub3A_931, %max3A_933 : vector<16xf32>
      %min3A_935 = vector.broadcast %squeeze3A_924 : f32 to vector<16xf32>
      %min3A_936 = arith.minimumf %min3A_299, %min3A_935 : vector<16xf32>
      %max3A_937 = vector.broadcast %squeeze3A_920 : f32 to vector<16xf32>
      %max3A_938 = arith.maximumf %max3A_285, %max3A_937 : vector<16xf32>
      %sub3A_939 = arith.subf %min3A_936, %max3A_938 : vector<16xf32>
      %max3A_940 = arith.constant 0.000000e+00 : f32
      %max3A_941 = vector.broadcast %max3A_940 : f32 to vector<16xf32>
      %max3A_942 = arith.maximumf %sub3A_939, %max3A_941 : vector<16xf32>
      %mul3A_943 = arith.mulf %max3A_934, %max3A_942 : vector<16xf32>
      %add3A_944 = vector.broadcast %squeeze3A_926 : f32 to vector<16xf32>
      %add3A_945 = arith.addf %mul3A_302, %add3A_944 : vector<16xf32>
      %sub3A_946 = arith.subf %add3A_945, %mul3A_943 : vector<16xf32>
      %add3A_947 = arith.constant 1.000000e-10 : f32
      %add3A_948 = vector.broadcast %add3A_947 : f32 to vector<16xf32>
      %add3A_949 = arith.addf %sub3A_946, %add3A_948 : vector<16xf32>
      %div3A_950 = arith.divf %mul3A_943, %add3A_949 : vector<16xf32>
      %gt3A_951 = arith.cmpf ogt, %div3A_950, %select_n3A_899 : vector<16xf32>
      %jit3A_952 = arith.constant 1.100000e+01 : f32
      %broadcast_in_dim3A_953 = vector.broadcast %jit3A_952 : f32 to vector<16xf32>
      %select_n3A_954 = arith.select %gt3A_951, %broadcast_in_dim3A_953, %select_n3A_898 : vector<16xi1>, vector<16xf32>
      %select_n3A_955 = arith.select %gt3A_951, %div3A_950, %select_n3A_899 : vector<16xi1>, vector<16xf32>
      %get3A_956 = arith.constant 176 : index
      %get3A_957 = tpu.vector_load %arg18[%get3A_956] {strides = array<i32>} : memref<320xf32, #tpu.memory_space<vmem>>, vector<16xf32>,
      %get3A_958 = vector.shape_cast %get3A_957 : vector<16xf32> to vector<16xf32>
      %gt3A_959 = arith.cmpf ogt, %div3A_950, %get3A_958 : vector<16xf32>
      %select_n3A_960 = arith.select %gt3A_959, %div3A_950, %get3A_958 : vector<16xi1>, vector<16xf32>
      %swap3A_961 = arith.constant 176 : index
      %swap3A_962 = tpu.vector_load %arg18[%swap3A_961] {strides = array<i32>} : memref<320xf32, #tpu.memory_space<vmem>>, vector<16xf32>,
      %swap3A_963 = vector.shape_cast %swap3A_962 : vector<16xf32> to vector<16xf32>
      %swap3A_964 = vector.shape_cast %select_n3A_960 : vector<16xf32> to vector<16xf32>
      tpu.vector_store %arg18[%swap3A_961], %swap3A_964 {strides = array<i32>} : memref<320xf32, #tpu.memory_space<vmem>>, vector<16xf32>,
      %get3A_965 = arith.constant 176 : index
      %get3A_966 = tpu.vector_load %arg19[%get3A_965] {strides = array<i32>} : memref<320xf32, #tpu.memory_space<vmem>>, vector<16xf32>,
      %get3A_967 = vector.shape_cast %get3A_966 : vector<16xf32> to vector<16xf32>
      %select_n3A_968 = arith.select %gt3A_959, %add3A_306, %get3A_967 : vector<16xi1>, vector<16xf32>
      %swap3A_969 = arith.constant 176 : index
      %swap3A_970 = tpu.vector_load %arg19[%swap3A_969] {strides = array<i32>} : memref<320xf32, #tpu.memory_space<vmem>>, vector<16xf32>,
      %swap3A_971 = vector.shape_cast %swap3A_970 : vector<16xf32> to vector<16xf32>
      %swap3A_972 = vector.shape_cast %select_n3A_968 : vector<16xf32> to vector<16xf32>
      tpu.vector_store %arg19[%swap3A_969], %swap3A_972 {strides = array<i32>} : memref<320xf32, #tpu.memory_space<vmem>>, vector<16xf32>,
      %slice3A_973 = vector.extract_strided_slice %max3A_18 {offsets = [12], sizes = [1], strides = [1]} : vector<16xf32> to vector<1xf32>
      %squeeze3A_974 = vector.extract %slice3A_973[0] : f32 from vector<1xf32>
      %slice3A_975 = vector.extract_strided_slice %max3A_25 {offsets = [12], sizes = [1], strides = [1]} : vector<16xf32> to vector<1xf32>
      %squeeze3A_976 = vector.extract %slice3A_975[0] : f32 from vector<1xf32>
      %slice3A_977 = vector.extract_strided_slice %min3A_31 {offsets = [12], sizes = [1], strides = [1]} : vector<16xf32> to vector<1xf32>
      %squeeze3A_978 = vector.extract %slice3A_977[0] : f32 from vector<1xf32>
      %slice3A_979 = vector.extract_strided_slice %min3A_38 {offsets = [12], sizes = [1], strides = [1]} : vector<16xf32> to vector<1xf32>
      %squeeze3A_980 = vector.extract %slice3A_979[0] : f32 from vector<1xf32>
      %slice3A_981 = vector.extract_strided_slice %mul3A_41 {offsets = [12], sizes = [1], strides = [1]} : vector<16xf32> to vector<1xf32>
      %squeeze3A_982 = vector.extract %slice3A_981[0] : f32 from vector<1xf32>
      %min3A_983 = vector.broadcast %squeeze3A_978 : f32 to vector<16xf32>
      %min3A_984 = arith.minimumf %min3A_292, %min3A_983 : vector<16xf32>
      %max3A_985 = vector.broadcast %squeeze3A_974 : f32 to vector<16xf32>
      %max3A_986 = arith.maximumf %max3A_278, %max3A_985 : vector<16xf32>
      %sub3A_987 = arith.subf %min3A_984, %max3A_986 : vector<16xf32>
      %max3A_988 = arith.constant 0.000000e+00 : f32
      %max3A_989 = vector.broadcast %max3A_988 : f32 to vector<16xf32>
      %max3A_990 = arith.maximumf %sub3A_987, %max3A_989 : vector<16xf32>
      %min3A_991 = vector.broadcast %squeeze3A_980 : f32 to vector<16xf32>
      %min3A_992 = arith.minimumf %min3A_299, %min3A_991 : vector<16xf32>
      %max3A_993 = vector.broadcast %squeeze3A_976 : f32 to vector<16xf32>
      %max3A_994 = arith.maximumf %max3A_285, %max3A_993 : vector<16xf32>
      %sub3A_995 = arith.subf %min3A_992, %max3A_994 : vector<16xf32>
      %max3A_996 = arith.constant 0.000000e+00 : f32
      %max3A_997 = vector.broadcast %max3A_996 : f32 to vector<16xf32>
      %max3A_998 = arith.maximumf %sub3A_995, %max3A_997 : vector<16xf32>
      %mul3A_999 = arith.mulf %max3A_990, %max3A_998 : vector<16xf32>
      %add3A_1000 = vector.broadcast %squeeze3A_982 : f32 to vector<16xf32>
      %add3A_1001 = arith.addf %mul3A_302, %add3A_1000 : vector<16xf32>
      %sub3A_1002 = arith.subf %add3A_1001, %mul3A_999 : vector<16xf32>
      %add3A_1003 = arith.constant 1.000000e-10 : f32
      %add3A_1004 = vector.broadcast %add3A_1003 : f32 to vector<16xf32>
      %add3A_1005 = arith.addf %sub3A_1002, %add3A_1004 : vector<16xf32>
      %div3A_1006 = arith.divf %mul3A_999, %add3A_1005 : vector<16xf32>
      %gt3A_1007 = arith.cmpf ogt, %div3A_1006, %select_n3A_955 : vector<16xf32>
      %jit3A_1008 = arith.constant 1.200000e+01 : f32
      %broadcast_in_dim3A_1009 = vector.broadcast %jit3A_1008 : f32 to vector<16xf32>
      %select_n3A_1010 = arith.select %gt3A_1007, %broadcast_in_dim3A_1009, %select_n3A_954 : vector<16xi1>, vector<16xf32>
      %select_n3A_1011 = arith.select %gt3A_1007, %div3A_1006, %select_n3A_955 : vector<16xi1>, vector<16xf32>
      %get3A_1012 = arith.constant 192 : index
      %get3A_1013 = tpu.vector_load %arg18[%get3A_1012] {strides = array<i32>} : memref<320xf32, #tpu.memory_space<vmem>>, vector<16xf32>,
      %get3A_1014 = vector.shape_cast %get3A_1013 : vector<16xf32> to vector<16xf32>
      %gt3A_1015 = arith.cmpf ogt, %div3A_1006, %get3A_1014 : vector<16xf32>
      %select_n3A_1016 = arith.select %gt3A_1015, %div3A_1006, %get3A_1014 : vector<16xi1>, vector<16xf32>
      %swap3A_1017 = arith.constant 192 : index
      %swap3A_1018 = tpu.vector_load %arg18[%swap3A_1017] {strides = array<i32>} : memref<320xf32, #tpu.memory_space<vmem>>, vector<16xf32>,
      %swap3A_1019 = vector.shape_cast %swap3A_1018 : vector<16xf32> to vector<16xf32>
      %swap3A_1020 = vector.shape_cast %select_n3A_1016 : vector<16xf32> to vector<16xf32>
      tpu.vector_store %arg18[%swap3A_1017], %swap3A_1020 {strides = array<i32>} : memref<320xf32, #tpu.memory_space<vmem>>, vector<16xf32>,
      %get3A_1021 = arith.constant 192 : index
      %get3A_1022 = tpu.vector_load %arg19[%get3A_1021] {strides = array<i32>} : memref<320xf32, #tpu.memory_space<vmem>>, vector<16xf32>,
      %get3A_1023 = vector.shape_cast %get3A_1022 : vector<16xf32> to vector<16xf32>
      %select_n3A_1024 = arith.select %gt3A_1015, %add3A_306, %get3A_1023 : vector<16xi1>, vector<16xf32>
      %swap3A_1025 = arith.constant 192 : index
      %swap3A_1026 = tpu.vector_load %arg19[%swap3A_1025] {strides = array<i32>} : memref<320xf32, #tpu.memory_space<vmem>>, vector<16xf32>,
      %swap3A_1027 = vector.shape_cast %swap3A_1026 : vector<16xf32> to vector<16xf32>
      %swap3A_1028 = vector.shape_cast %select_n3A_1024 : vector<16xf32> to vector<16xf32>
      tpu.vector_store %arg19[%swap3A_1025], %swap3A_1028 {strides = array<i32>} : memref<320xf32, #tpu.memory_space<vmem>>, vector<16xf32>,
      %slice3A_1029 = vector.extract_strided_slice %max3A_18 {offsets = [13], sizes = [1], strides = [1]} : vector<16xf32> to vector<1xf32>
      %squeeze3A_1030 = vector.extract %slice3A_1029[0] : f32 from vector<1xf32>
      %slice3A_1031 = vector.extract_strided_slice %max3A_25 {offsets = [13], sizes = [1], strides = [1]} : vector<16xf32> to vector<1xf32>
      %squeeze3A_1032 = vector.extract %slice3A_1031[0] : f32 from vector<1xf32>
      %slice3A_1033 = vector.extract_strided_slice %min3A_31 {offsets = [13], sizes = [1], strides = [1]} : vector<16xf32> to vector<1xf32>
      %squeeze3A_1034 = vector.extract %slice3A_1033[0] : f32 from vector<1xf32>
      %slice3A_1035 = vector.extract_strided_slice %min3A_38 {offsets = [13], sizes = [1], strides = [1]} : vector<16xf32> to vector<1xf32>
      %squeeze3A_1036 = vector.extract %slice3A_1035[0] : f32 from vector<1xf32>
      %slice3A_1037 = vector.extract_strided_slice %mul3A_41 {offsets = [13], sizes = [1], strides = [1]} : vector<16xf32> to vector<1xf32>
      %squeeze3A_1038 = vector.extract %slice3A_1037[0] : f32 from vector<1xf32>
      %min3A_1039 = vector.broadcast %squeeze3A_1034 : f32 to vector<16xf32>
      %min3A_1040 = arith.minimumf %min3A_292, %min3A_1039 : vector<16xf32>
      %max3A_1041 = vector.broadcast %squeeze3A_1030 : f32 to vector<16xf32>
      %max3A_1042 = arith.maximumf %max3A_278, %max3A_1041 : vector<16xf32>
      %sub3A_1043 = arith.subf %min3A_1040, %max3A_1042 : vector<16xf32>
      %max3A_1044 = arith.constant 0.000000e+00 : f32
      %max3A_1045 = vector.broadcast %max3A_1044 : f32 to vector<16xf32>
      %max3A_1046 = arith.maximumf %sub3A_1043, %max3A_1045 : vector<16xf32>
      %min3A_1047 = vector.broadcast %squeeze3A_1036 : f32 to vector<16xf32>
      %min3A_1048 = arith.minimumf %min3A_299, %min3A_1047 : vector<16xf32>
      %max3A_1049 = vector.broadcast %squeeze3A_1032 : f32 to vector<16xf32>
      %max3A_1050 = arith.maximumf %max3A_285, %max3A_1049 : vector<16xf32>
      %sub3A_1051 = arith.subf %min3A_1048, %max3A_1050 : vector<16xf32>
      %max3A_1052 = arith.constant 0.000000e+00 : f32
      %max3A_1053 = vector.broadcast %max3A_1052 : f32 to vector<16xf32>
      %max3A_1054 = arith.maximumf %sub3A_1051, %max3A_1053 : vector<16xf32>
      %mul3A_1055 = arith.mulf %max3A_1046, %max3A_1054 : vector<16xf32>
      %add3A_1056 = vector.broadcast %squeeze3A_1038 : f32 to vector<16xf32>
      %add3A_1057 = arith.addf %mul3A_302, %add3A_1056 : vector<16xf32>
      %sub3A_1058 = arith.subf %add3A_1057, %mul3A_1055 : vector<16xf32>
      %add3A_1059 = arith.constant 1.000000e-10 : f32
      %add3A_1060 = vector.broadcast %add3A_1059 : f32 to vector<16xf32>
      %add3A_1061 = arith.addf %sub3A_1058, %add3A_1060 : vector<16xf32>
      %div3A_1062 = arith.divf %mul3A_1055, %add3A_1061 : vector<16xf32>
      %gt3A_1063 = arith.cmpf ogt, %div3A_1062, %select_n3A_1011 : vector<16xf32>
      %jit3A_1064 = arith.constant 1.300000e+01 : f32
      %broadcast_in_dim3A_1065 = vector.broadcast %jit3A_1064 : f32 to vector<16xf32>
      %select_n3A_1066 = arith.select %gt3A_1063, %broadcast_in_dim3A_1065, %select_n3A_1010 : vector<16xi1>, vector<16xf32>
      %select_n3A_1067 = arith.select %gt3A_1063, %div3A_1062, %select_n3A_1011 : vector<16xi1>, vector<16xf32>
      %get3A_1068 = arith.constant 208 : index
      %get3A_1069 = tpu.vector_load %arg18[%get3A_1068] {strides = array<i32>} : memref<320xf32, #tpu.memory_space<vmem>>, vector<16xf32>,
      %get3A_1070 = vector.shape_cast %get3A_1069 : vector<16xf32> to vector<16xf32>
      %gt3A_1071 = arith.cmpf ogt, %div3A_1062, %get3A_1070 : vector<16xf32>
      %select_n3A_1072 = arith.select %gt3A_1071, %div3A_1062, %get3A_1070 : vector<16xi1>, vector<16xf32>
      %swap3A_1073 = arith.constant 208 : index
      %swap3A_1074 = tpu.vector_load %arg18[%swap3A_1073] {strides = array<i32>} : memref<320xf32, #tpu.memory_space<vmem>>, vector<16xf32>,
      %swap3A_1075 = vector.shape_cast %swap3A_1074 : vector<16xf32> to vector<16xf32>
      %swap3A_1076 = vector.shape_cast %select_n3A_1072 : vector<16xf32> to vector<16xf32>
      tpu.vector_store %arg18[%swap3A_1073], %swap3A_1076 {strides = array<i32>} : memref<320xf32, #tpu.memory_space<vmem>>, vector<16xf32>,
      %get3A_1077 = arith.constant 208 : index
      %get3A_1078 = tpu.vector_load %arg19[%get3A_1077] {strides = array<i32>} : memref<320xf32, #tpu.memory_space<vmem>>, vector<16xf32>,
      %get3A_1079 = vector.shape_cast %get3A_1078 : vector<16xf32> to vector<16xf32>
      %select_n3A_1080 = arith.select %gt3A_1071, %add3A_306, %get3A_1079 : vector<16xi1>, vector<16xf32>
      %swap3A_1081 = arith.constant 208 : index
      %swap3A_1082 = tpu.vector_load %arg19[%swap3A_1081] {strides = array<i32>} : memref<320xf32, #tpu.memory_space<vmem>>, vector<16xf32>,
      %swap3A_1083 = vector.shape_cast %swap3A_1082 : vector<16xf32> to vector<16xf32>
      %swap3A_1084 = vector.shape_cast %select_n3A_1080 : vector<16xf32> to vector<16xf32>
      tpu.vector_store %arg19[%swap3A_1081], %swap3A_1084 {strides = array<i32>} : memref<320xf32, #tpu.memory_space<vmem>>, vector<16xf32>,
      %slice3A_1085 = vector.extract_strided_slice %max3A_18 {offsets = [14], sizes = [1], strides = [1]} : vector<16xf32> to vector<1xf32>
      %squeeze3A_1086 = vector.extract %slice3A_1085[0] : f32 from vector<1xf32>
      %slice3A_1087 = vector.extract_strided_slice %max3A_25 {offsets = [14], sizes = [1], strides = [1]} : vector<16xf32> to vector<1xf32>
      %squeeze3A_1088 = vector.extract %slice3A_1087[0] : f32 from vector<1xf32>
      %slice3A_1089 = vector.extract_strided_slice %min3A_31 {offsets = [14], sizes = [1], strides = [1]} : vector<16xf32> to vector<1xf32>
      %squeeze3A_1090 = vector.extract %slice3A_1089[0] : f32 from vector<1xf32>
      %slice3A_1091 = vector.extract_strided_slice %min3A_38 {offsets = [14], sizes = [1], strides = [1]} : vector<16xf32> to vector<1xf32>
      %squeeze3A_1092 = vector.extract %slice3A_1091[0] : f32 from vector<1xf32>
      %slice3A_1093 = vector.extract_strided_slice %mul3A_41 {offsets = [14], sizes = [1], strides = [1]} : vector<16xf32> to vector<1xf32>
      %squeeze3A_1094 = vector.extract %slice3A_1093[0] : f32 from vector<1xf32>
      %min3A_1095 = vector.broadcast %squeeze3A_1090 : f32 to vector<16xf32>
      %min3A_1096 = arith.minimumf %min3A_292, %min3A_1095 : vector<16xf32>
      %max3A_1097 = vector.broadcast %squeeze3A_1086 : f32 to vector<16xf32>
      %max3A_1098 = arith.maximumf %max3A_278, %max3A_1097 : vector<16xf32>
      %sub3A_1099 = arith.subf %min3A_1096, %max3A_1098 : vector<16xf32>
      %max3A_1100 = arith.constant 0.000000e+00 : f32
      %max3A_1101 = vector.broadcast %max3A_1100 : f32 to vector<16xf32>
      %max3A_1102 = arith.maximumf %sub3A_1099, %max3A_1101 : vector<16xf32>
      %min3A_1103 = vector.broadcast %squeeze3A_1092 : f32 to vector<16xf32>
      %min3A_1104 = arith.minimumf %min3A_299, %min3A_1103 : vector<16xf32>
      %max3A_1105 = vector.broadcast %squeeze3A_1088 : f32 to vector<16xf32>
      %max3A_1106 = arith.maximumf %max3A_285, %max3A_1105 : vector<16xf32>
      %sub3A_1107 = arith.subf %min3A_1104, %max3A_1106 : vector<16xf32>
      %max3A_1108 = arith.constant 0.000000e+00 : f32
      %max3A_1109 = vector.broadcast %max3A_1108 : f32 to vector<16xf32>
      %max3A_1110 = arith.maximumf %sub3A_1107, %max3A_1109 : vector<16xf32>
      %mul3A_1111 = arith.mulf %max3A_1102, %max3A_1110 : vector<16xf32>
      %add3A_1112 = vector.broadcast %squeeze3A_1094 : f32 to vector<16xf32>
      %add3A_1113 = arith.addf %mul3A_302, %add3A_1112 : vector<16xf32>
      %sub3A_1114 = arith.subf %add3A_1113, %mul3A_1111 : vector<16xf32>
      %add3A_1115 = arith.constant 1.000000e-10 : f32
      %add3A_1116 = vector.broadcast %add3A_1115 : f32 to vector<16xf32>
      %add3A_1117 = arith.addf %sub3A_1114, %add3A_1116 : vector<16xf32>
      %div3A_1118 = arith.divf %mul3A_1111, %add3A_1117 : vector<16xf32>
      %gt3A_1119 = arith.cmpf ogt, %div3A_1118, %select_n3A_1067 : vector<16xf32>
      %jit3A_1120 = arith.constant 1.400000e+01 : f32
      %broadcast_in_dim3A_1121 = vector.broadcast %jit3A_1120 : f32 to vector<16xf32>
      %select_n3A_1122 = arith.select %gt3A_1119, %broadcast_in_dim3A_1121, %select_n3A_1066 : vector<16xi1>, vector<16xf32>
      %select_n3A_1123 = arith.select %gt3A_1119, %div3A_1118, %select_n3A_1067 : vector<16xi1>, vector<16xf32>
      %get3A_1124 = arith.constant 224 : index
      %get3A_1125 = tpu.vector_load %arg18[%get3A_1124] {strides = array<i32>} : memref<320xf32, #tpu.memory_space<vmem>>, vector<16xf32>,
      %get3A_1126 = vector.shape_cast %get3A_1125 : vector<16xf32> to vector<16xf32>
      %gt3A_1127 = arith.cmpf ogt, %div3A_1118, %get3A_1126 : vector<16xf32>
      %select_n3A_1128 = arith.select %gt3A_1127, %div3A_1118, %get3A_1126 : vector<16xi1>, vector<16xf32>
      %swap3A_1129 = arith.constant 224 : index
      %swap3A_1130 = tpu.vector_load %arg18[%swap3A_1129] {strides = array<i32>} : memref<320xf32, #tpu.memory_space<vmem>>, vector<16xf32>,
      %swap3A_1131 = vector.shape_cast %swap3A_1130 : vector<16xf32> to vector<16xf32>
      %swap3A_1132 = vector.shape_cast %select_n3A_1128 : vector<16xf32> to vector<16xf32>
      tpu.vector_store %arg18[%swap3A_1129], %swap3A_1132 {strides = array<i32>} : memref<320xf32, #tpu.memory_space<vmem>>, vector<16xf32>,
      %get3A_1133 = arith.constant 224 : index
      %get3A_1134 = tpu.vector_load %arg19[%get3A_1133] {strides = array<i32>} : memref<320xf32, #tpu.memory_space<vmem>>, vector<16xf32>,
      %get3A_1135 = vector.shape_cast %get3A_1134 : vector<16xf32> to vector<16xf32>
      %select_n3A_1136 = arith.select %gt3A_1127, %add3A_306, %get3A_1135 : vector<16xi1>, vector<16xf32>
      %swap3A_1137 = arith.constant 224 : index
      %swap3A_1138 = tpu.vector_load %arg19[%swap3A_1137] {strides = array<i32>} : memref<320xf32, #tpu.memory_space<vmem>>, vector<16xf32>,
      %swap3A_1139 = vector.shape_cast %swap3A_1138 : vector<16xf32> to vector<16xf32>
      %swap3A_1140 = vector.shape_cast %select_n3A_1136 : vector<16xf32> to vector<16xf32>
      tpu.vector_store %arg19[%swap3A_1137], %swap3A_1140 {strides = array<i32>} : memref<320xf32, #tpu.memory_space<vmem>>, vector<16xf32>,
      %slice3A_1141 = vector.extract_strided_slice %max3A_18 {offsets = [15], sizes = [1], strides = [1]} : vector<16xf32> to vector<1xf32>
      %squeeze3A_1142 = vector.extract %slice3A_1141[0] : f32 from vector<1xf32>
      %slice3A_1143 = vector.extract_strided_slice %max3A_25 {offsets = [15], sizes = [1], strides = [1]} : vector<16xf32> to vector<1xf32>
      %squeeze3A_1144 = vector.extract %slice3A_1143[0] : f32 from vector<1xf32>
      %slice3A_1145 = vector.extract_strided_slice %min3A_31 {offsets = [15], sizes = [1], strides = [1]} : vector<16xf32> to vector<1xf32>
      %squeeze3A_1146 = vector.extract %slice3A_1145[0] : f32 from vector<1xf32>
      %slice3A_1147 = vector.extract_strided_slice %min3A_38 {offsets = [15], sizes = [1], strides = [1]} : vector<16xf32> to vector<1xf32>
      %squeeze3A_1148 = vector.extract %slice3A_1147[0] : f32 from vector<1xf32>
      %slice3A_1149 = vector.extract_strided_slice %mul3A_41 {offsets = [15], sizes = [1], strides = [1]} : vector<16xf32> to vector<1xf32>
      %squeeze3A_1150 = vector.extract %slice3A_1149[0] : f32 from vector<1xf32>
      %min3A_1151 = vector.broadcast %squeeze3A_1146 : f32 to vector<16xf32>
      %min3A_1152 = arith.minimumf %min3A_292, %min3A_1151 : vector<16xf32>
      %max3A_1153 = vector.broadcast %squeeze3A_1142 : f32 to vector<16xf32>
      %max3A_1154 = arith.maximumf %max3A_278, %max3A_1153 : vector<16xf32>
      %sub3A_1155 = arith.subf %min3A_1152, %max3A_1154 : vector<16xf32>
      %max3A_1156 = arith.constant 0.000000e+00 : f32
      %max3A_1157 = vector.broadcast %max3A_1156 : f32 to vector<16xf32>
      %max3A_1158 = arith.maximumf %sub3A_1155, %max3A_1157 : vector<16xf32>
      %min3A_1159 = vector.broadcast %squeeze3A_1148 : f32 to vector<16xf32>
      %min3A_1160 = arith.minimumf %min3A_299, %min3A_1159 : vector<16xf32>
      %max3A_1161 = vector.broadcast %squeeze3A_1144 : f32 to vector<16xf32>
      %max3A_1162 = arith.maximumf %max3A_285, %max3A_1161 : vector<16xf32>
      %sub3A_1163 = arith.subf %min3A_1160, %max3A_1162 : vector<16xf32>
      %max3A_1164 = arith.constant 0.000000e+00 : f32
      %max3A_1165 = vector.broadcast %max3A_1164 : f32 to vector<16xf32>
      %max3A_1166 = arith.maximumf %sub3A_1163, %max3A_1165 : vector<16xf32>
      %mul3A_1167 = arith.mulf %max3A_1158, %max3A_1166 : vector<16xf32>
      %add3A_1168 = vector.broadcast %squeeze3A_1150 : f32 to vector<16xf32>
      %add3A_1169 = arith.addf %mul3A_302, %add3A_1168 : vector<16xf32>
      %sub3A_1170 = arith.subf %add3A_1169, %mul3A_1167 : vector<16xf32>
      %add3A_1171 = arith.constant 1.000000e-10 : f32
      %add3A_1172 = vector.broadcast %add3A_1171 : f32 to vector<16xf32>
      %add3A_1173 = arith.addf %sub3A_1170, %add3A_1172 : vector<16xf32>
      %div3A_1174 = arith.divf %mul3A_1167, %add3A_1173 : vector<16xf32>
      %gt3A_1175 = arith.cmpf ogt, %div3A_1174, %select_n3A_1123 : vector<16xf32>
      %jit3A_1176 = arith.constant 1.500000e+01 : f32
      %broadcast_in_dim3A_1177 = vector.broadcast %jit3A_1176 : f32 to vector<16xf32>
      %select_n3A_1178 = arith.select %gt3A_1175, %broadcast_in_dim3A_1177, %select_n3A_1122 : vector<16xi1>, vector<16xf32>
      %select_n3A_1179 = arith.select %gt3A_1175, %div3A_1174, %select_n3A_1123 : vector<16xi1>, vector<16xf32>
      %get3A_1180 = arith.constant 240 : index
      %get3A_1181 = tpu.vector_load %arg18[%get3A_1180] {strides = array<i32>} : memref<320xf32, #tpu.memory_space<vmem>>, vector<16xf32>,
      %get3A_1182 = vector.shape_cast %get3A_1181 : vector<16xf32> to vector<16xf32>
      %gt3A_1183 = arith.cmpf ogt, %div3A_1174, %get3A_1182 : vector<16xf32>
      %select_n3A_1184 = arith.select %gt3A_1183, %div3A_1174, %get3A_1182 : vector<16xi1>, vector<16xf32>
      %swap3A_1185 = arith.constant 240 : index
      %swap3A_1186 = tpu.vector_load %arg18[%swap3A_1185] {strides = array<i32>} : memref<320xf32, #tpu.memory_space<vmem>>, vector<16xf32>,
      %swap3A_1187 = vector.shape_cast %swap3A_1186 : vector<16xf32> to vector<16xf32>
      %swap3A_1188 = vector.shape_cast %select_n3A_1184 : vector<16xf32> to vector<16xf32>
      tpu.vector_store %arg18[%swap3A_1185], %swap3A_1188 {strides = array<i32>} : memref<320xf32, #tpu.memory_space<vmem>>, vector<16xf32>,
      %get3A_1189 = arith.constant 240 : index
      %get3A_1190 = tpu.vector_load %arg19[%get3A_1189] {strides = array<i32>} : memref<320xf32, #tpu.memory_space<vmem>>, vector<16xf32>,
      %get3A_1191 = vector.shape_cast %get3A_1190 : vector<16xf32> to vector<16xf32>
      %select_n3A_1192 = arith.select %gt3A_1183, %add3A_306, %get3A_1191 : vector<16xi1>, vector<16xf32>
      %swap3A_1193 = arith.constant 240 : index
      %swap3A_1194 = tpu.vector_load %arg19[%swap3A_1193] {strides = array<i32>} : memref<320xf32, #tpu.memory_space<vmem>>, vector<16xf32>,
      %swap3A_1195 = vector.shape_cast %swap3A_1194 : vector<16xf32> to vector<16xf32>
      %swap3A_1196 = vector.shape_cast %select_n3A_1192 : vector<16xf32> to vector<16xf32>
      tpu.vector_store %arg19[%swap3A_1193], %swap3A_1196 {strides = array<i32>} : memref<320xf32, #tpu.memory_space<vmem>>, vector<16xf32>,
      %slice3A_1197 = vector.extract_strided_slice %max3A_60 {offsets = [0], sizes = [1], strides = [1]} : vector<16xf32> to vector<1xf32>
      %squeeze3A_1198 = vector.extract %slice3A_1197[0] : f32 from vector<1xf32>
      %slice3A_1199 = vector.extract_strided_slice %max3A_67 {offsets = [0], sizes = [1], strides = [1]} : vector<16xf32> to vector<1xf32>
      %squeeze3A_1200 = vector.extract %slice3A_1199[0] : f32 from vector<1xf32>
      %slice3A_1201 = vector.extract_strided_slice %min3A_74 {offsets = [0], sizes = [1], strides = [1]} : vector<16xf32> to vector<1xf32>
      %squeeze3A_1202 = vector.extract %slice3A_1201[0] : f32 from vector<1xf32>
      %slice3A_1203 = vector.extract_strided_slice %min3A_81 {offsets = [0], sizes = [1], strides = [1]} : vector<16xf32> to vector<1xf32>
      %squeeze3A_1204 = vector.extract %slice3A_1203[0] : f32 from vector<1xf32>
      %slice3A_1205 = vector.extract_strided_slice %mul3A_84 {offsets = [0], sizes = [1], strides = [1]} : vector<16xf32> to vector<1xf32>
      %squeeze3A_1206 = vector.extract %slice3A_1205[0] : f32 from vector<1xf32>
      %min3A_1207 = vector.broadcast %squeeze3A_1202 : f32 to vector<16xf32>
      %min3A_1208 = arith.minimumf %min3A_292, %min3A_1207 : vector<16xf32>
      %max3A_1209 = vector.broadcast %squeeze3A_1198 : f32 to vector<16xf32>
      %max3A_1210 = arith.maximumf %max3A_278, %max3A_1209 : vector<16xf32>
      %sub3A_1211 = arith.subf %min3A_1208, %max3A_1210 : vector<16xf32>
      %max3A_1212 = arith.constant 0.000000e+00 : f32
      %max3A_1213 = vector.broadcast %max3A_1212 : f32 to vector<16xf32>
      %max3A_1214 = arith.maximumf %sub3A_1211, %max3A_1213 : vector<16xf32>
      %min3A_1215 = vector.broadcast %squeeze3A_1204 : f32 to vector<16xf32>
      %min3A_1216 = arith.minimumf %min3A_299, %min3A_1215 : vector<16xf32>
      %max3A_1217 = vector.broadcast %squeeze3A_1200 : f32 to vector<16xf32>
      %max3A_1218 = arith.maximumf %max3A_285, %max3A_1217 : vector<16xf32>
      %sub3A_1219 = arith.subf %min3A_1216, %max3A_1218 : vector<16xf32>
      %max3A_1220 = arith.constant 0.000000e+00 : f32
      %max3A_1221 = vector.broadcast %max3A_1220 : f32 to vector<16xf32>
      %max3A_1222 = arith.maximumf %sub3A_1219, %max3A_1221 : vector<16xf32>
      %mul3A_1223 = arith.mulf %max3A_1214, %max3A_1222 : vector<16xf32>
      %add3A_1224 = vector.broadcast %squeeze3A_1206 : f32 to vector<16xf32>
      %add3A_1225 = arith.addf %mul3A_302, %add3A_1224 : vector<16xf32>
      %sub3A_1226 = arith.subf %add3A_1225, %mul3A_1223 : vector<16xf32>
      %add3A_1227 = arith.constant 1.000000e-10 : f32
      %add3A_1228 = vector.broadcast %add3A_1227 : f32 to vector<16xf32>
      %add3A_1229 = arith.addf %sub3A_1226, %add3A_1228 : vector<16xf32>
      %div3A_1230 = arith.divf %mul3A_1223, %add3A_1229 : vector<16xf32>
      %gt3A_1231 = arith.cmpf ogt, %div3A_1230, %select_n3A_1179 : vector<16xf32>
      %jit3A_1232 = arith.constant 1.600000e+01 : f32
      %broadcast_in_dim3A_1233 = vector.broadcast %jit3A_1232 : f32 to vector<16xf32>
      %select_n3A_1234 = arith.select %gt3A_1231, %broadcast_in_dim3A_1233, %select_n3A_1178 : vector<16xi1>, vector<16xf32>
      %select_n3A_1235 = arith.select %gt3A_1231, %div3A_1230, %select_n3A_1179 : vector<16xi1>, vector<16xf32>
      %get3A_1236 = arith.constant 256 : index
      %get3A_1237 = tpu.vector_load %arg18[%get3A_1236] {strides = array<i32>} : memref<320xf32, #tpu.memory_space<vmem>>, vector<16xf32>,
      %get3A_1238 = vector.shape_cast %get3A_1237 : vector<16xf32> to vector<16xf32>
      %gt3A_1239 = arith.cmpf ogt, %div3A_1230, %get3A_1238 : vector<16xf32>
      %select_n3A_1240 = arith.select %gt3A_1239, %div3A_1230, %get3A_1238 : vector<16xi1>, vector<16xf32>
      %swap3A_1241 = arith.constant 256 : index
      %swap3A_1242 = tpu.vector_load %arg18[%swap3A_1241] {strides = array<i32>} : memref<320xf32, #tpu.memory_space<vmem>>, vector<16xf32>,
      %swap3A_1243 = vector.shape_cast %swap3A_1242 : vector<16xf32> to vector<16xf32>
      %swap3A_1244 = vector.shape_cast %select_n3A_1240 : vector<16xf32> to vector<16xf32>
      tpu.vector_store %arg18[%swap3A_1241], %swap3A_1244 {strides = array<i32>} : memref<320xf32, #tpu.memory_space<vmem>>, vector<16xf32>,
      %get3A_1245 = arith.constant 256 : index
      %get3A_1246 = tpu.vector_load %arg19[%get3A_1245] {strides = array<i32>} : memref<320xf32, #tpu.memory_space<vmem>>, vector<16xf32>,
      %get3A_1247 = vector.shape_cast %get3A_1246 : vector<16xf32> to vector<16xf32>
      %select_n3A_1248 = arith.select %gt3A_1239, %add3A_306, %get3A_1247 : vector<16xi1>, vector<16xf32>
      %swap3A_1249 = arith.constant 256 : index
      %swap3A_1250 = tpu.vector_load %arg19[%swap3A_1249] {strides = array<i32>} : memref<320xf32, #tpu.memory_space<vmem>>, vector<16xf32>,
      %swap3A_1251 = vector.shape_cast %swap3A_1250 : vector<16xf32> to vector<16xf32>
      %swap3A_1252 = vector.shape_cast %select_n3A_1248 : vector<16xf32> to vector<16xf32>
      tpu.vector_store %arg19[%swap3A_1249], %swap3A_1252 {strides = array<i32>} : memref<320xf32, #tpu.memory_space<vmem>>, vector<16xf32>,
      %slice3A_1253 = vector.extract_strided_slice %max3A_60 {offsets = [1], sizes = [1], strides = [1]} : vector<16xf32> to vector<1xf32>
      %squeeze3A_1254 = vector.extract %slice3A_1253[0] : f32 from vector<1xf32>
      %slice3A_1255 = vector.extract_strided_slice %max3A_67 {offsets = [1], sizes = [1], strides = [1]} : vector<16xf32> to vector<1xf32>
      %squeeze3A_1256 = vector.extract %slice3A_1255[0] : f32 from vector<1xf32>
      %slice3A_1257 = vector.extract_strided_slice %min3A_74 {offsets = [1], sizes = [1], strides = [1]} : vector<16xf32> to vector<1xf32>
      %squeeze3A_1258 = vector.extract %slice3A_1257[0] : f32 from vector<1xf32>
      %slice3A_1259 = vector.extract_strided_slice %min3A_81 {offsets = [1], sizes = [1], strides = [1]} : vector<16xf32> to vector<1xf32>
      %squeeze3A_1260 = vector.extract %slice3A_1259[0] : f32 from vector<1xf32>
      %slice3A_1261 = vector.extract_strided_slice %mul3A_84 {offsets = [1], sizes = [1], strides = [1]} : vector<16xf32> to vector<1xf32>
      %squeeze3A_1262 = vector.extract %slice3A_1261[0] : f32 from vector<1xf32>
      %min3A_1263 = vector.broadcast %squeeze3A_1258 : f32 to vector<16xf32>
      %min3A_1264 = arith.minimumf %min3A_292, %min3A_1263 : vector<16xf32>
      %max3A_1265 = vector.broadcast %squeeze3A_1254 : f32 to vector<16xf32>
      %max3A_1266 = arith.maximumf %max3A_278, %max3A_1265 : vector<16xf32>
      %sub3A_1267 = arith.subf %min3A_1264, %max3A_1266 : vector<16xf32>
      %max3A_1268 = arith.constant 0.000000e+00 : f32
      %max3A_1269 = vector.broadcast %max3A_1268 : f32 to vector<16xf32>
      %max3A_1270 = arith.maximumf %sub3A_1267, %max3A_1269 : vector<16xf32>
      %min3A_1271 = vector.broadcast %squeeze3A_1260 : f32 to vector<16xf32>
      %min3A_1272 = arith.minimumf %min3A_299, %min3A_1271 : vector<16xf32>
      %max3A_1273 = vector.broadcast %squeeze3A_1256 : f32 to vector<16xf32>
      %max3A_1274 = arith.maximumf %max3A_285, %max3A_1273 : vector<16xf32>
      %sub3A_1275 = arith.subf %min3A_1272, %max3A_1274 : vector<16xf32>
      %max3A_1276 = arith.constant 0.000000e+00 : f32
      %max3A_1277 = vector.broadcast %max3A_1276 : f32 to vector<16xf32>
      %max3A_1278 = arith.maximumf %sub3A_1275, %max3A_1277 : vector<16xf32>
      %mul3A_1279 = arith.mulf %max3A_1270, %max3A_1278 : vector<16xf32>
      %add3A_1280 = vector.broadcast %squeeze3A_1262 : f32 to vector<16xf32>
      %add3A_1281 = arith.addf %mul3A_302, %add3A_1280 : vector<16xf32>
      %sub3A_1282 = arith.subf %add3A_1281, %mul3A_1279 : vector<16xf32>
      %add3A_1283 = arith.constant 1.000000e-10 : f32
      %add3A_1284 = vector.broadcast %add3A_1283 : f32 to vector<16xf32>
      %add3A_1285 = arith.addf %sub3A_1282, %add3A_1284 : vector<16xf32>
      %div3A_1286 = arith.divf %mul3A_1279, %add3A_1285 : vector<16xf32>
      %gt3A_1287 = arith.cmpf ogt, %div3A_1286, %select_n3A_1235 : vector<16xf32>
      %jit3A_1288 = arith.constant 1.700000e+01 : f32
      %broadcast_in_dim3A_1289 = vector.broadcast %jit3A_1288 : f32 to vector<16xf32>
      %select_n3A_1290 = arith.select %gt3A_1287, %broadcast_in_dim3A_1289, %select_n3A_1234 : vector<16xi1>, vector<16xf32>
      %select_n3A_1291 = arith.select %gt3A_1287, %div3A_1286, %select_n3A_1235 : vector<16xi1>, vector<16xf32>
      %get3A_1292 = arith.constant 272 : index
      %get3A_1293 = tpu.vector_load %arg18[%get3A_1292] {strides = array<i32>} : memref<320xf32, #tpu.memory_space<vmem>>, vector<16xf32>,
      %get3A_1294 = vector.shape_cast %get3A_1293 : vector<16xf32> to vector<16xf32>
      %gt3A_1295 = arith.cmpf ogt, %div3A_1286, %get3A_1294 : vector<16xf32>
      %select_n3A_1296 = arith.select %gt3A_1295, %div3A_1286, %get3A_1294 : vector<16xi1>, vector<16xf32>
      %swap3A_1297 = arith.constant 272 : index
      %swap3A_1298 = tpu.vector_load %arg18[%swap3A_1297] {strides = array<i32>} : memref<320xf32, #tpu.memory_space<vmem>>, vector<16xf32>,
      %swap3A_1299 = vector.shape_cast %swap3A_1298 : vector<16xf32> to vector<16xf32>
      %swap3A_1300 = vector.shape_cast %select_n3A_1296 : vector<16xf32> to vector<16xf32>
      tpu.vector_store %arg18[%swap3A_1297], %swap3A_1300 {strides = array<i32>} : memref<320xf32, #tpu.memory_space<vmem>>, vector<16xf32>,
      %get3A_1301 = arith.constant 272 : index
      %get3A_1302 = tpu.vector_load %arg19[%get3A_1301] {strides = array<i32>} : memref<320xf32, #tpu.memory_space<vmem>>, vector<16xf32>,
      %get3A_1303 = vector.shape_cast %get3A_1302 : vector<16xf32> to vector<16xf32>
      %select_n3A_1304 = arith.select %gt3A_1295, %add3A_306, %get3A_1303 : vector<16xi1>, vector<16xf32>
      %swap3A_1305 = arith.constant 272 : index
      %swap3A_1306 = tpu.vector_load %arg19[%swap3A_1305] {strides = array<i32>} : memref<320xf32, #tpu.memory_space<vmem>>, vector<16xf32>,
      %swap3A_1307 = vector.shape_cast %swap3A_1306 : vector<16xf32> to vector<16xf32>
      %swap3A_1308 = vector.shape_cast %select_n3A_1304 : vector<16xf32> to vector<16xf32>
      tpu.vector_store %arg19[%swap3A_1305], %swap3A_1308 {strides = array<i32>} : memref<320xf32, #tpu.memory_space<vmem>>, vector<16xf32>,
      %slice3A_1309 = vector.extract_strided_slice %max3A_60 {offsets = [2], sizes = [1], strides = [1]} : vector<16xf32> to vector<1xf32>
      %squeeze3A_1310 = vector.extract %slice3A_1309[0] : f32 from vector<1xf32>
      %slice3A_1311 = vector.extract_strided_slice %max3A_67 {offsets = [2], sizes = [1], strides = [1]} : vector<16xf32> to vector<1xf32>
      %squeeze3A_1312 = vector.extract %slice3A_1311[0] : f32 from vector<1xf32>
      %slice3A_1313 = vector.extract_strided_slice %min3A_74 {offsets = [2], sizes = [1], strides = [1]} : vector<16xf32> to vector<1xf32>
      %squeeze3A_1314 = vector.extract %slice3A_1313[0] : f32 from vector<1xf32>
      %slice3A_1315 = vector.extract_strided_slice %min3A_81 {offsets = [2], sizes = [1], strides = [1]} : vector<16xf32> to vector<1xf32>
      %squeeze3A_1316 = vector.extract %slice3A_1315[0] : f32 from vector<1xf32>
      %slice3A_1317 = vector.extract_strided_slice %mul3A_84 {offsets = [2], sizes = [1], strides = [1]} : vector<16xf32> to vector<1xf32>
      %squeeze3A_1318 = vector.extract %slice3A_1317[0] : f32 from vector<1xf32>
      %min3A_1319 = vector.broadcast %squeeze3A_1314 : f32 to vector<16xf32>
      %min3A_1320 = arith.minimumf %min3A_292, %min3A_1319 : vector<16xf32>
      %max3A_1321 = vector.broadcast %squeeze3A_1310 : f32 to vector<16xf32>
      %max3A_1322 = arith.maximumf %max3A_278, %max3A_1321 : vector<16xf32>
      %sub3A_1323 = arith.subf %min3A_1320, %max3A_1322 : vector<16xf32>
      %max3A_1324 = arith.constant 0.000000e+00 : f32
      %max3A_1325 = vector.broadcast %max3A_1324 : f32 to vector<16xf32>
      %max3A_1326 = arith.maximumf %sub3A_1323, %max3A_1325 : vector<16xf32>
      %min3A_1327 = vector.broadcast %squeeze3A_1316 : f32 to vector<16xf32>
      %min3A_1328 = arith.minimumf %min3A_299, %min3A_1327 : vector<16xf32>
      %max3A_1329 = vector.broadcast %squeeze3A_1312 : f32 to vector<16xf32>
      %max3A_1330 = arith.maximumf %max3A_285, %max3A_1329 : vector<16xf32>
      %sub3A_1331 = arith.subf %min3A_1328, %max3A_1330 : vector<16xf32>
      %max3A_1332 = arith.constant 0.000000e+00 : f32
      %max3A_1333 = vector.broadcast %max3A_1332 : f32 to vector<16xf32>
      %max3A_1334 = arith.maximumf %sub3A_1331, %max3A_1333 : vector<16xf32>
      %mul3A_1335 = arith.mulf %max3A_1326, %max3A_1334 : vector<16xf32>
      %add3A_1336 = vector.broadcast %squeeze3A_1318 : f32 to vector<16xf32>
      %add3A_1337 = arith.addf %mul3A_302, %add3A_1336 : vector<16xf32>
      %sub3A_1338 = arith.subf %add3A_1337, %mul3A_1335 : vector<16xf32>
      %add3A_1339 = arith.constant 1.000000e-10 : f32
      %add3A_1340 = vector.broadcast %add3A_1339 : f32 to vector<16xf32>
      %add3A_1341 = arith.addf %sub3A_1338, %add3A_1340 : vector<16xf32>
      %div3A_1342 = arith.divf %mul3A_1335, %add3A_1341 : vector<16xf32>
      %gt3A_1343 = arith.cmpf ogt, %div3A_1342, %select_n3A_1291 : vector<16xf32>
      %jit3A_1344 = arith.constant 1.800000e+01 : f32
      %broadcast_in_dim3A_1345 = vector.broadcast %jit3A_1344 : f32 to vector<16xf32>
      %select_n3A_1346 = arith.select %gt3A_1343, %broadcast_in_dim3A_1345, %select_n3A_1290 : vector<16xi1>, vector<16xf32>
      %select_n3A_1347 = arith.select %gt3A_1343, %div3A_1342, %select_n3A_1291 : vector<16xi1>, vector<16xf32>
      %get3A_1348 = arith.constant 288 : index
      %get3A_1349 = tpu.vector_load %arg18[%get3A_1348] {strides = array<i32>} : memref<320xf32, #tpu.memory_space<vmem>>, vector<16xf32>,
      %get3A_1350 = vector.shape_cast %get3A_1349 : vector<16xf32> to vector<16xf32>
      %gt3A_1351 = arith.cmpf ogt, %div3A_1342, %get3A_1350 : vector<16xf32>
      %select_n3A_1352 = arith.select %gt3A_1351, %div3A_1342, %get3A_1350 : vector<16xi1>, vector<16xf32>
      %swap3A_1353 = arith.constant 288 : index
      %swap3A_1354 = tpu.vector_load %arg18[%swap3A_1353] {strides = array<i32>} : memref<320xf32, #tpu.memory_space<vmem>>, vector<16xf32>,
      %swap3A_1355 = vector.shape_cast %swap3A_1354 : vector<16xf32> to vector<16xf32>
      %swap3A_1356 = vector.shape_cast %select_n3A_1352 : vector<16xf32> to vector<16xf32>
      tpu.vector_store %arg18[%swap3A_1353], %swap3A_1356 {strides = array<i32>} : memref<320xf32, #tpu.memory_space<vmem>>, vector<16xf32>,
      %get3A_1357 = arith.constant 288 : index
      %get3A_1358 = tpu.vector_load %arg19[%get3A_1357] {strides = array<i32>} : memref<320xf32, #tpu.memory_space<vmem>>, vector<16xf32>,
      %get3A_1359 = vector.shape_cast %get3A_1358 : vector<16xf32> to vector<16xf32>
      %select_n3A_1360 = arith.select %gt3A_1351, %add3A_306, %get3A_1359 : vector<16xi1>, vector<16xf32>
      %swap3A_1361 = arith.constant 288 : index
      %swap3A_1362 = tpu.vector_load %arg19[%swap3A_1361] {strides = array<i32>} : memref<320xf32, #tpu.memory_space<vmem>>, vector<16xf32>,
      %swap3A_1363 = vector.shape_cast %swap3A_1362 : vector<16xf32> to vector<16xf32>
      %swap3A_1364 = vector.shape_cast %select_n3A_1360 : vector<16xf32> to vector<16xf32>
      tpu.vector_store %arg19[%swap3A_1361], %swap3A_1364 {strides = array<i32>} : memref<320xf32, #tpu.memory_space<vmem>>, vector<16xf32>,
      %slice3A_1365 = vector.extract_strided_slice %max3A_60 {offsets = [3], sizes = [1], strides = [1]} : vector<16xf32> to vector<1xf32>
      %squeeze3A_1366 = vector.extract %slice3A_1365[0] : f32 from vector<1xf32>
      %slice3A_1367 = vector.extract_strided_slice %max3A_67 {offsets = [3], sizes = [1], strides = [1]} : vector<16xf32> to vector<1xf32>
      %squeeze3A_1368 = vector.extract %slice3A_1367[0] : f32 from vector<1xf32>
      %slice3A_1369 = vector.extract_strided_slice %min3A_74 {offsets = [3], sizes = [1], strides = [1]} : vector<16xf32> to vector<1xf32>
      %squeeze3A_1370 = vector.extract %slice3A_1369[0] : f32 from vector<1xf32>
      %slice3A_1371 = vector.extract_strided_slice %min3A_81 {offsets = [3], sizes = [1], strides = [1]} : vector<16xf32> to vector<1xf32>
      %squeeze3A_1372 = vector.extract %slice3A_1371[0] : f32 from vector<1xf32>
      %slice3A_1373 = vector.extract_strided_slice %mul3A_84 {offsets = [3], sizes = [1], strides = [1]} : vector<16xf32> to vector<1xf32>
      %squeeze3A_1374 = vector.extract %slice3A_1373[0] : f32 from vector<1xf32>
      %min3A_1375 = vector.broadcast %squeeze3A_1370 : f32 to vector<16xf32>
      %min3A_1376 = arith.minimumf %min3A_292, %min3A_1375 : vector<16xf32>
      %max3A_1377 = vector.broadcast %squeeze3A_1366 : f32 to vector<16xf32>
      %max3A_1378 = arith.maximumf %max3A_278, %max3A_1377 : vector<16xf32>
      %sub3A_1379 = arith.subf %min3A_1376, %max3A_1378 : vector<16xf32>
      %max3A_1380 = arith.constant 0.000000e+00 : f32
      %max3A_1381 = vector.broadcast %max3A_1380 : f32 to vector<16xf32>
      %max3A_1382 = arith.maximumf %sub3A_1379, %max3A_1381 : vector<16xf32>
      %min3A_1383 = vector.broadcast %squeeze3A_1372 : f32 to vector<16xf32>
      %min3A_1384 = arith.minimumf %min3A_299, %min3A_1383 : vector<16xf32>
      %max3A_1385 = vector.broadcast %squeeze3A_1368 : f32 to vector<16xf32>
      %max3A_1386 = arith.maximumf %max3A_285, %max3A_1385 : vector<16xf32>
      %sub3A_1387 = arith.subf %min3A_1384, %max3A_1386 : vector<16xf32>
      %max3A_1388 = arith.constant 0.000000e+00 : f32
      %max3A_1389 = vector.broadcast %max3A_1388 : f32 to vector<16xf32>
      %max3A_1390 = arith.maximumf %sub3A_1387, %max3A_1389 : vector<16xf32>
      %mul3A_1391 = arith.mulf %max3A_1382, %max3A_1390 : vector<16xf32>
      %add3A_1392 = vector.broadcast %squeeze3A_1374 : f32 to vector<16xf32>
      %add3A_1393 = arith.addf %mul3A_302, %add3A_1392 : vector<16xf32>
      %sub3A_1394 = arith.subf %add3A_1393, %mul3A_1391 : vector<16xf32>
      %add3A_1395 = arith.constant 1.000000e-10 : f32
      %add3A_1396 = vector.broadcast %add3A_1395 : f32 to vector<16xf32>
      %add3A_1397 = arith.addf %sub3A_1394, %add3A_1396 : vector<16xf32>
      %div3A_1398 = arith.divf %mul3A_1391, %add3A_1397 : vector<16xf32>
      %gt3A_1399 = arith.cmpf ogt, %div3A_1398, %select_n3A_1347 : vector<16xf32>
      %jit3A_1400 = arith.constant 1.900000e+01 : f32
      %broadcast_in_dim3A_1401 = vector.broadcast %jit3A_1400 : f32 to vector<16xf32>
      %select_n3A_1402 = arith.select %gt3A_1399, %broadcast_in_dim3A_1401, %select_n3A_1346 : vector<16xi1>, vector<16xf32>
      %select_n3A_1403 = arith.select %gt3A_1399, %div3A_1398, %select_n3A_1347 : vector<16xi1>, vector<16xf32>
      %get3A_1404 = arith.constant 304 : index
      %get3A_1405 = tpu.vector_load %arg18[%get3A_1404] {strides = array<i32>} : memref<320xf32, #tpu.memory_space<vmem>>, vector<16xf32>,
      %get3A_1406 = vector.shape_cast %get3A_1405 : vector<16xf32> to vector<16xf32>
      %gt3A_1407 = arith.cmpf ogt, %div3A_1398, %get3A_1406 : vector<16xf32>
      %select_n3A_1408 = arith.select %gt3A_1407, %div3A_1398, %get3A_1406 : vector<16xi1>, vector<16xf32>
      %swap3A_1409 = arith.constant 304 : index
      %swap3A_1410 = tpu.vector_load %arg18[%swap3A_1409] {strides = array<i32>} : memref<320xf32, #tpu.memory_space<vmem>>, vector<16xf32>,
      %swap3A_1411 = vector.shape_cast %swap3A_1410 : vector<16xf32> to vector<16xf32>
      %swap3A_1412 = vector.shape_cast %select_n3A_1408 : vector<16xf32> to vector<16xf32>
      tpu.vector_store %arg18[%swap3A_1409], %swap3A_1412 {strides = array<i32>} : memref<320xf32, #tpu.memory_space<vmem>>, vector<16xf32>,
      %get3A_1413 = arith.constant 304 : index
      %get3A_1414 = tpu.vector_load %arg19[%get3A_1413] {strides = array<i32>} : memref<320xf32, #tpu.memory_space<vmem>>, vector<16xf32>,
      %get3A_1415 = vector.shape_cast %get3A_1414 : vector<16xf32> to vector<16xf32>
      %select_n3A_1416 = arith.select %gt3A_1407, %add3A_306, %get3A_1415 : vector<16xi1>, vector<16xf32>
      %swap3A_1417 = arith.constant 304 : index
      %swap3A_1418 = tpu.vector_load %arg19[%swap3A_1417] {strides = array<i32>} : memref<320xf32, #tpu.memory_space<vmem>>, vector<16xf32>,
      %swap3A_1419 = vector.shape_cast %swap3A_1418 : vector<16xf32> to vector<16xf32>
      %swap3A_1420 = vector.shape_cast %select_n3A_1416 : vector<16xf32> to vector<16xf32>
      tpu.vector_store %arg19[%swap3A_1417], %swap3A_1420 {strides = array<i32>} : memref<320xf32, #tpu.memory_space<vmem>>, vector<16xf32>,
      %swap3A_1421 = arith.index_cast %mul3A_259 : i32 to index
      %swap3A_1422 = tpu.vector_load %arg16[%swap3A_1421] {strides = array<i32>} : memref<288xf32, #tpu.memory_space<vmem>>, vector<16xf32>,
      %swap3A_1423 = vector.shape_cast %swap3A_1422 : vector<16xf32> to vector<16xf32>
      %swap3A_1424 = vector.shape_cast %select_n3A_1403 : vector<16xf32> to vector<16xf32>
      tpu.vector_store %arg16[%swap3A_1421], %swap3A_1424 {strides = array<i32>} : memref<288xf32, #tpu.memory_space<vmem>>, vector<16xf32>,
      %swap3A_1425 = arith.index_cast %mul3A_259 : i32 to index
      %swap3A_1426 = tpu.vector_load %arg17[%swap3A_1425] {strides = array<i32>} : memref<288xf32, #tpu.memory_space<vmem>>, vector<16xf32>,
      %swap3A_1427 = vector.shape_cast %swap3A_1426 : vector<16xf32> to vector<16xf32>
      %swap3A_1428 = vector.shape_cast %select_n3A_1402 : vector<16xf32> to vector<16xf32>
      tpu.vector_store %arg17[%swap3A_1425], %swap3A_1428 {strides = array<i32>} : memref<288xf32, #tpu.memory_space<vmem>>, vector<16xf32>,
    }
    %scan3A_252 = arith.constant 18 : i32
    "tpu.region"() ({
      %run_scoped3A = tpu.sem_alloc : memref<!tpu.dma_semaphore, #tpu.memory_space<semaphore_mem>>
      %dma_start3A = tpu.memref_slice %arg7[%mul3A_2] : memref<9216xf32, #tpu.memory_space<hbm>> -> memref<288xf32, #tpu.memory_space<hbm>>
      %dma_start3A_257 = tpu.memref_slice %arg7[%mul3A_2] : memref<9216xf32, #tpu.memory_space<hbm>> -> memref<288xf32, #tpu.memory_space<hbm>>
      tpu.enqueue_dma source(%arg16 : memref<288xf32, #tpu.memory_space<vmem>>) target(%dma_start3A_257 : memref<288xf32, #tpu.memory_space<hbm>>) target_semaphore(%run_scoped3A : memref<!tpu.dma_semaphore, #tpu.memory_space<semaphore_mem>>)
      %dma_wait3A = tpu.memref_slice %arg7[%mul3A_2] : memref<9216xf32, #tpu.memory_space<hbm>> -> memref<288xf32, #tpu.memory_space<hbm>>
      %dma_wait3A_258 = tpu.memref_slice %arg7[%mul3A_2] : memref<9216xf32, #tpu.memory_space<hbm>> -> memref<288xf32, #tpu.memory_space<hbm>>
      tpu.wait_dma2 semaphore(%run_scoped3A : memref<!tpu.dma_semaphore, #tpu.memory_space<semaphore_mem>>) src(%arg16 : memref<288xf32, #tpu.memory_space<vmem>>) dst(%dma_wait3A_258 : memref<288xf32, #tpu.memory_space<hbm>>)
      tpu.yield
    }) : () -> ()
    "tpu.region"() ({
      %run_scoped3A = tpu.sem_alloc : memref<!tpu.dma_semaphore, #tpu.memory_space<semaphore_mem>>
      %dma_start3A = tpu.memref_slice %arg8[%mul3A_2] : memref<9216xf32, #tpu.memory_space<hbm>> -> memref<288xf32, #tpu.memory_space<hbm>>
      %dma_start3A_257 = tpu.memref_slice %arg8[%mul3A_2] : memref<9216xf32, #tpu.memory_space<hbm>> -> memref<288xf32, #tpu.memory_space<hbm>>
      tpu.enqueue_dma source(%arg17 : memref<288xf32, #tpu.memory_space<vmem>>) target(%dma_start3A_257 : memref<288xf32, #tpu.memory_space<hbm>>) target_semaphore(%run_scoped3A : memref<!tpu.dma_semaphore, #tpu.memory_space<semaphore_mem>>)
      %dma_wait3A = tpu.memref_slice %arg8[%mul3A_2] : memref<9216xf32, #tpu.memory_space<hbm>> -> memref<288xf32, #tpu.memory_space<hbm>>
      %dma_wait3A_258 = tpu.memref_slice %arg8[%mul3A_2] : memref<9216xf32, #tpu.memory_space<hbm>> -> memref<288xf32, #tpu.memory_space<hbm>>
      tpu.wait_dma2 semaphore(%run_scoped3A : memref<!tpu.dma_semaphore, #tpu.memory_space<semaphore_mem>>) src(%arg17 : memref<288xf32, #tpu.memory_space<vmem>>) dst(%dma_wait3A_258 : memref<288xf32, #tpu.memory_space<hbm>>)
      tpu.yield
    }) : () -> ()
    %mul3A_253 = arith.constant 320 : i32
    %mul3A_254 = arith.muli %add3A, %mul3A_253 : i32
    "tpu.region"() ({
      %run_scoped3A = tpu.sem_alloc : memref<!tpu.dma_semaphore, #tpu.memory_space<semaphore_mem>>
      %dma_start3A = tpu.memref_slice %arg9[%mul3A_254] : memref<10240xf32, #tpu.memory_space<hbm>> -> memref<320xf32, #tpu.memory_space<hbm>>
      %dma_start3A_257 = tpu.memref_slice %arg9[%mul3A_254] : memref<10240xf32, #tpu.memory_space<hbm>> -> memref<320xf32, #tpu.memory_space<hbm>>
      tpu.enqueue_dma source(%arg18 : memref<320xf32, #tpu.memory_space<vmem>>) target(%dma_start3A_257 : memref<320xf32, #tpu.memory_space<hbm>>) target_semaphore(%run_scoped3A : memref<!tpu.dma_semaphore, #tpu.memory_space<semaphore_mem>>)
      %dma_wait3A = tpu.memref_slice %arg9[%mul3A_254] : memref<10240xf32, #tpu.memory_space<hbm>> -> memref<320xf32, #tpu.memory_space<hbm>>
      %dma_wait3A_258 = tpu.memref_slice %arg9[%mul3A_254] : memref<10240xf32, #tpu.memory_space<hbm>> -> memref<320xf32, #tpu.memory_space<hbm>>
      tpu.wait_dma2 semaphore(%run_scoped3A : memref<!tpu.dma_semaphore, #tpu.memory_space<semaphore_mem>>) src(%arg18 : memref<320xf32, #tpu.memory_space<vmem>>) dst(%dma_wait3A_258 : memref<320xf32, #tpu.memory_space<hbm>>)
      tpu.yield
    }) : () -> ()
    %mul3A_255 = arith.constant 320 : i32
    %mul3A_256 = arith.muli %add3A, %mul3A_255 : i32
    "tpu.region"() ({
      %run_scoped3A = tpu.sem_alloc : memref<!tpu.dma_semaphore, #tpu.memory_space<semaphore_mem>>
      %dma_start3A = tpu.memref_slice %arg10[%mul3A_256] : memref<10240xf32, #tpu.memory_space<hbm>> -> memref<320xf32, #tpu.memory_space<hbm>>
      %dma_start3A_257 = tpu.memref_slice %arg10[%mul3A_256] : memref<10240xf32, #tpu.memory_space<hbm>> -> memref<320xf32, #tpu.memory_space<hbm>>
      tpu.enqueue_dma source(%arg19 : memref<320xf32, #tpu.memory_space<vmem>>) target(%dma_start3A_257 : memref<320xf32, #tpu.memory_space<hbm>>) target_semaphore(%run_scoped3A : memref<!tpu.dma_semaphore, #tpu.memory_space<semaphore_mem>>)
      %dma_wait3A = tpu.memref_slice %arg10[%mul3A_256] : memref<10240xf32, #tpu.memory_space<hbm>> -> memref<320xf32, #tpu.memory_space<hbm>>
      %dma_wait3A_258 = tpu.memref_slice %arg10[%mul3A_256] : memref<10240xf32, #tpu.memory_space<hbm>> -> memref<320xf32, #tpu.memory_space<hbm>>
      tpu.wait_dma2 semaphore(%run_scoped3A : memref<!tpu.dma_semaphore, #tpu.memory_space<semaphore_mem>>) src(%arg19 : memref<320xf32, #tpu.memory_space<vmem>>) dst(%dma_wait3A_258 : memref<320xf32, #tpu.memory_space<hbm>>)
      tpu.yield
    }) : () -> ()
    return
  }
}

module attributes {stable_mosaic.version = 14 : i64} {
  func.func @_loss_kernel(%arg0: i32, %arg1: memref<20x8xf32, #tpu.memory_space<smem>>, %arg2: memref<4x8x1152xf32, #tpu.memory_space<vmem>>, %arg3: memref<8x1152xf32, #tpu.memory_space<vmem>>, %arg4: memref<8x1152xf32, #tpu.memory_space<vmem>>, %arg5: memref<24x512xf32, #tpu.memory_space<vmem>>, %arg6: memref<24x512xf32, #tpu.memory_space<vmem>>, %arg7: memref<1x21x8x1152xf32, #tpu.memory_space<vmem>>, %arg8: memref<1x4x8x1152xf32, #tpu.memory_space<vmem>>, %arg9: memref<8x128xf32, #tpu.memory_space<vmem>>, %arg10: memref<8x1152xf32, #tpu.memory_space<vmem>>, %arg11: memref<8x1152xf32, #tpu.memory_space<vmem>>, %arg12: memref<4x8x1152xf32, #tpu.memory_space<vmem>>, %arg13: memref<3xf32, #tpu.memory_space<smem>>) attributes {dimension_semantics = [#tpu.dimension_semantics<arbitrary>], iteration_bounds = array<i64: 8>, scalar_prefetch = 0 : i64, scratch_operands = 4 : i64, tpu.core_type = #tpu.core_type<tc>, window_params = [{transform_indices = @transform_0, window_bounds = array<i64: 20, 8>}, {pipeline_mode = #tpu.pipeline_mode<synchronous>, transform_indices = @transform_1, window_bounds = array<i64: 4, 8, 1152>}, {pipeline_mode = #tpu.pipeline_mode<synchronous>, transform_indices = @transform_2, window_bounds = array<i64: 8, 1152>}, {pipeline_mode = #tpu.pipeline_mode<synchronous>, transform_indices = @transform_3, window_bounds = array<i64: 8, 1152>}, {pipeline_mode = #tpu.pipeline_mode<synchronous>, transform_indices = @transform_4, window_bounds = array<i64: 24, 512>}, {pipeline_mode = #tpu.pipeline_mode<synchronous>, transform_indices = @transform_5, window_bounds = array<i64: 24, 512>}, {transform_indices = @transform_6, window_bounds = array<i64: 1, 21, 8, 1152>}, {transform_indices = @transform_7, window_bounds = array<i64: 1, 4, 8, 1152>}, {pipeline_mode = #tpu.pipeline_mode<synchronous>, transform_indices = @transform_8, window_bounds = array<i64: 8, 128>}]} {
    %eq3A = arith.constant 0 : i32
    %eq3A_0 = arith.cmpi eq, %arg0, %eq3A : i32
    %convert_element_type3A = arith.extui %eq3A_0 : i1 to i32
    %cond3A = arith.constant 0 : i32
    %cond3A_1 = arith.cmpi ne, %convert_element_type3A, %cond3A : i32
    scf.if %cond3A_1 {
      %iota3A = tpu.iota {dimensions = array<i32: 0>} : vector<8x1152xi32>
      %mul3A_437 = arith.constant 1152 : i32
      %mul3A_438 = vector.broadcast %mul3A_437 : i32 to vector<8x1152xi32>
      %mul3A_439 = arith.muli %iota3A, %mul3A_438 : vector<8x1152xi32>
      %iota3A_440 = tpu.iota {dimensions = array<i32: 1>} : vector<8x1152xi32>
      %add3A_441 = arith.addi %mul3A_439, %iota3A_440 : vector<8x1152xi32>
      %convert_element_type3A_442 = arith.sitofp %add3A_441 : vector<8x1152xi32> to vector<8x1152xf32>
      %get3A_443 = arith.constant 0 : index
      %get3A_444 = arith.constant 0 : index
      %get3A_445 = vector.load %arg5[%get3A_443, %get3A_444] : memref<24x512xf32, #tpu.memory_space<vmem>>, vector<1x512xf32>
      %get3A_446 = arith.constant 0 : index
      %get3A_447 = arith.constant 0 : index
      %get3A_448 = vector.load %arg6[%get3A_446, %get3A_447] : memref<24x512xf32, #tpu.memory_space<vmem>>, vector<1x512xf32>
      %reduce_max3A = vector.shape_cast %get3A_445 : vector<1x512xf32> to vector<1x1x512xf32>
      %reduce_max3A_449 = arith.constant dense<0xFF800000> : vector<1xf32>
      %reduce_max3A_450 = vector.multi_reduction <maximumf>, %reduce_max3A, %reduce_max3A_449 [1, 2] : vector<1x1x512xf32> to vector<1xf32>
      %reduce_max3A_451 = vector.shape_cast %reduce_max3A_450 : vector<1xf32> to vector<1x1x1xf32>
      %reduce_max3A_452 = vector.extract %reduce_max3A_451[0, 0, 0] : f32 from vector<1x1x1xf32>
      %eq3A_453 = vector.broadcast %reduce_max3A_452 : f32 to vector<1x512xf32>
      %eq3A_454 = arith.cmpf oeq, %get3A_445, %eq3A_453 : vector<1x512xf32>
      %jit3A_455 = arith.constant 1.000000e+09 : f32
      %broadcast_in_dim3A_456 = vector.broadcast %jit3A_455 : f32 to vector<1x512xf32>
      %select_n3A_457 = arith.select %eq3A_454, %get3A_448, %broadcast_in_dim3A_456 : vector<1x512xi1>, vector<1x512xf32>
      %reduce_min3A = vector.shape_cast %select_n3A_457 : vector<1x512xf32> to vector<1x1x512xf32>
      %reduce_min3A_458 = arith.constant dense<0x7F800000> : vector<1xf32>
      %reduce_min3A_459 = vector.multi_reduction <minimumf>, %reduce_min3A, %reduce_min3A_458 [1, 2] : vector<1x1x512xf32> to vector<1xf32>
      %reduce_min3A_460 = vector.shape_cast %reduce_min3A_459 : vector<1xf32> to vector<1x1x1xf32>
      %reduce_min3A_461 = vector.extract %reduce_min3A_460[0, 0, 0] : f32 from vector<1x1x1xf32>
      %get3A_462 = arith.constant 1 : index
      %get3A_463 = arith.constant 0 : index
      %get3A_464 = vector.load %arg5[%get3A_462, %get3A_463] : memref<24x512xf32, #tpu.memory_space<vmem>>, vector<1x512xf32>
      %get3A_465 = arith.constant 1 : index
      %get3A_466 = arith.constant 0 : index
      %get3A_467 = vector.load %arg6[%get3A_465, %get3A_466] : memref<24x512xf32, #tpu.memory_space<vmem>>, vector<1x512xf32>
      %reduce_max3A_468 = vector.shape_cast %get3A_464 : vector<1x512xf32> to vector<1x1x512xf32>
      %reduce_max3A_469 = arith.constant dense<0xFF800000> : vector<1xf32>
      %reduce_max3A_470 = vector.multi_reduction <maximumf>, %reduce_max3A_468, %reduce_max3A_469 [1, 2] : vector<1x1x512xf32> to vector<1xf32>
      %reduce_max3A_471 = vector.shape_cast %reduce_max3A_470 : vector<1xf32> to vector<1x1x1xf32>
      %reduce_max3A_472 = vector.extract %reduce_max3A_471[0, 0, 0] : f32 from vector<1x1x1xf32>
      %eq3A_473 = vector.broadcast %reduce_max3A_472 : f32 to vector<1x512xf32>
      %eq3A_474 = arith.cmpf oeq, %get3A_464, %eq3A_473 : vector<1x512xf32>
      %jit3A_475 = arith.constant 1.000000e+09 : f32
      %broadcast_in_dim3A_476 = vector.broadcast %jit3A_475 : f32 to vector<1x512xf32>
      %select_n3A_477 = arith.select %eq3A_474, %get3A_467, %broadcast_in_dim3A_476 : vector<1x512xi1>, vector<1x512xf32>
      %reduce_min3A_478 = vector.shape_cast %select_n3A_477 : vector<1x512xf32> to vector<1x1x512xf32>
      %reduce_min3A_479 = arith.constant dense<0x7F800000> : vector<1xf32>
      %reduce_min3A_480 = vector.multi_reduction <minimumf>, %reduce_min3A_478, %reduce_min3A_479 [1, 2] : vector<1x1x512xf32> to vector<1xf32>
      %reduce_min3A_481 = vector.shape_cast %reduce_min3A_480 : vector<1xf32> to vector<1x1x1xf32>
      %reduce_min3A_482 = vector.extract %reduce_min3A_481[0, 0, 0] : f32 from vector<1x1x1xf32>
      %get3A_483 = arith.constant 2 : index
      %get3A_484 = arith.constant 0 : index
      %get3A_485 = vector.load %arg5[%get3A_483, %get3A_484] : memref<24x512xf32, #tpu.memory_space<vmem>>, vector<1x512xf32>
      %get3A_486 = arith.constant 2 : index
      %get3A_487 = arith.constant 0 : index
      %get3A_488 = vector.load %arg6[%get3A_486, %get3A_487] : memref<24x512xf32, #tpu.memory_space<vmem>>, vector<1x512xf32>
      %reduce_max3A_489 = vector.shape_cast %get3A_485 : vector<1x512xf32> to vector<1x1x512xf32>
      %reduce_max3A_490 = arith.constant dense<0xFF800000> : vector<1xf32>
      %reduce_max3A_491 = vector.multi_reduction <maximumf>, %reduce_max3A_489, %reduce_max3A_490 [1, 2] : vector<1x1x512xf32> to vector<1xf32>
      %reduce_max3A_492 = vector.shape_cast %reduce_max3A_491 : vector<1xf32> to vector<1x1x1xf32>
      %reduce_max3A_493 = vector.extract %reduce_max3A_492[0, 0, 0] : f32 from vector<1x1x1xf32>
      %eq3A_494 = vector.broadcast %reduce_max3A_493 : f32 to vector<1x512xf32>
      %eq3A_495 = arith.cmpf oeq, %get3A_485, %eq3A_494 : vector<1x512xf32>
      %jit3A_496 = arith.constant 1.000000e+09 : f32
      %broadcast_in_dim3A_497 = vector.broadcast %jit3A_496 : f32 to vector<1x512xf32>
      %select_n3A_498 = arith.select %eq3A_495, %get3A_488, %broadcast_in_dim3A_497 : vector<1x512xi1>, vector<1x512xf32>
      %reduce_min3A_499 = vector.shape_cast %select_n3A_498 : vector<1x512xf32> to vector<1x1x512xf32>
      %reduce_min3A_500 = arith.constant dense<0x7F800000> : vector<1xf32>
      %reduce_min3A_501 = vector.multi_reduction <minimumf>, %reduce_min3A_499, %reduce_min3A_500 [1, 2] : vector<1x1x512xf32> to vector<1xf32>
      %reduce_min3A_502 = vector.shape_cast %reduce_min3A_501 : vector<1xf32> to vector<1x1x1xf32>
      %reduce_min3A_503 = vector.extract %reduce_min3A_502[0, 0, 0] : f32 from vector<1x1x1xf32>
      %get3A_504 = arith.constant 3 : index
      %get3A_505 = arith.constant 0 : index
      %get3A_506 = vector.load %arg5[%get3A_504, %get3A_505] : memref<24x512xf32, #tpu.memory_space<vmem>>, vector<1x512xf32>
      %get3A_507 = arith.constant 3 : index
      %get3A_508 = arith.constant 0 : index
      %get3A_509 = vector.load %arg6[%get3A_507, %get3A_508] : memref<24x512xf32, #tpu.memory_space<vmem>>, vector<1x512xf32>
      %reduce_max3A_510 = vector.shape_cast %get3A_506 : vector<1x512xf32> to vector<1x1x512xf32>
      %reduce_max3A_511 = arith.constant dense<0xFF800000> : vector<1xf32>
      %reduce_max3A_512 = vector.multi_reduction <maximumf>, %reduce_max3A_510, %reduce_max3A_511 [1, 2] : vector<1x1x512xf32> to vector<1xf32>
      %reduce_max3A_513 = vector.shape_cast %reduce_max3A_512 : vector<1xf32> to vector<1x1x1xf32>
      %reduce_max3A_514 = vector.extract %reduce_max3A_513[0, 0, 0] : f32 from vector<1x1x1xf32>
      %eq3A_515 = vector.broadcast %reduce_max3A_514 : f32 to vector<1x512xf32>
      %eq3A_516 = arith.cmpf oeq, %get3A_506, %eq3A_515 : vector<1x512xf32>
      %jit3A_517 = arith.constant 1.000000e+09 : f32
      %broadcast_in_dim3A_518 = vector.broadcast %jit3A_517 : f32 to vector<1x512xf32>
      %select_n3A_519 = arith.select %eq3A_516, %get3A_509, %broadcast_in_dim3A_518 : vector<1x512xi1>, vector<1x512xf32>
      %reduce_min3A_520 = vector.shape_cast %select_n3A_519 : vector<1x512xf32> to vector<1x1x512xf32>
      %reduce_min3A_521 = arith.constant dense<0x7F800000> : vector<1xf32>
      %reduce_min3A_522 = vector.multi_reduction <minimumf>, %reduce_min3A_520, %reduce_min3A_521 [1, 2] : vector<1x1x512xf32> to vector<1xf32>
      %reduce_min3A_523 = vector.shape_cast %reduce_min3A_522 : vector<1xf32> to vector<1x1x1xf32>
      %reduce_min3A_524 = vector.extract %reduce_min3A_523[0, 0, 0] : f32 from vector<1x1x1xf32>
      %get3A_525 = arith.constant 4 : index
      %get3A_526 = arith.constant 0 : index
      %get3A_527 = vector.load %arg5[%get3A_525, %get3A_526] : memref<24x512xf32, #tpu.memory_space<vmem>>, vector<1x512xf32>
      %get3A_528 = arith.constant 4 : index
      %get3A_529 = arith.constant 0 : index
      %get3A_530 = vector.load %arg6[%get3A_528, %get3A_529] : memref<24x512xf32, #tpu.memory_space<vmem>>, vector<1x512xf32>
      %reduce_max3A_531 = vector.shape_cast %get3A_527 : vector<1x512xf32> to vector<1x1x512xf32>
      %reduce_max3A_532 = arith.constant dense<0xFF800000> : vector<1xf32>
      %reduce_max3A_533 = vector.multi_reduction <maximumf>, %reduce_max3A_531, %reduce_max3A_532 [1, 2] : vector<1x1x512xf32> to vector<1xf32>
      %reduce_max3A_534 = vector.shape_cast %reduce_max3A_533 : vector<1xf32> to vector<1x1x1xf32>
      %reduce_max3A_535 = vector.extract %reduce_max3A_534[0, 0, 0] : f32 from vector<1x1x1xf32>
      %eq3A_536 = vector.broadcast %reduce_max3A_535 : f32 to vector<1x512xf32>
      %eq3A_537 = arith.cmpf oeq, %get3A_527, %eq3A_536 : vector<1x512xf32>
      %jit3A_538 = arith.constant 1.000000e+09 : f32
      %broadcast_in_dim3A_539 = vector.broadcast %jit3A_538 : f32 to vector<1x512xf32>
      %select_n3A_540 = arith.select %eq3A_537, %get3A_530, %broadcast_in_dim3A_539 : vector<1x512xi1>, vector<1x512xf32>
      %reduce_min3A_541 = vector.shape_cast %select_n3A_540 : vector<1x512xf32> to vector<1x1x512xf32>
      %reduce_min3A_542 = arith.constant dense<0x7F800000> : vector<1xf32>
      %reduce_min3A_543 = vector.multi_reduction <minimumf>, %reduce_min3A_541, %reduce_min3A_542 [1, 2] : vector<1x1x512xf32> to vector<1xf32>
      %reduce_min3A_544 = vector.shape_cast %reduce_min3A_543 : vector<1xf32> to vector<1x1x1xf32>
      %reduce_min3A_545 = vector.extract %reduce_min3A_544[0, 0, 0] : f32 from vector<1x1x1xf32>
      %get3A_546 = arith.constant 5 : index
      %get3A_547 = arith.constant 0 : index
      %get3A_548 = vector.load %arg5[%get3A_546, %get3A_547] : memref<24x512xf32, #tpu.memory_space<vmem>>, vector<1x512xf32>
      %get3A_549 = arith.constant 5 : index
      %get3A_550 = arith.constant 0 : index
      %get3A_551 = vector.load %arg6[%get3A_549, %get3A_550] : memref<24x512xf32, #tpu.memory_space<vmem>>, vector<1x512xf32>
      %reduce_max3A_552 = vector.shape_cast %get3A_548 : vector<1x512xf32> to vector<1x1x512xf32>
      %reduce_max3A_553 = arith.constant dense<0xFF800000> : vector<1xf32>
      %reduce_max3A_554 = vector.multi_reduction <maximumf>, %reduce_max3A_552, %reduce_max3A_553 [1, 2] : vector<1x1x512xf32> to vector<1xf32>
      %reduce_max3A_555 = vector.shape_cast %reduce_max3A_554 : vector<1xf32> to vector<1x1x1xf32>
      %reduce_max3A_556 = vector.extract %reduce_max3A_555[0, 0, 0] : f32 from vector<1x1x1xf32>
      %eq3A_557 = vector.broadcast %reduce_max3A_556 : f32 to vector<1x512xf32>
      %eq3A_558 = arith.cmpf oeq, %get3A_548, %eq3A_557 : vector<1x512xf32>
      %jit3A_559 = arith.constant 1.000000e+09 : f32
      %broadcast_in_dim3A_560 = vector.broadcast %jit3A_559 : f32 to vector<1x512xf32>
      %select_n3A_561 = arith.select %eq3A_558, %get3A_551, %broadcast_in_dim3A_560 : vector<1x512xi1>, vector<1x512xf32>
      %reduce_min3A_562 = vector.shape_cast %select_n3A_561 : vector<1x512xf32> to vector<1x1x512xf32>
      %reduce_min3A_563 = arith.constant dense<0x7F800000> : vector<1xf32>
      %reduce_min3A_564 = vector.multi_reduction <minimumf>, %reduce_min3A_562, %reduce_min3A_563 [1, 2] : vector<1x1x512xf32> to vector<1xf32>
      %reduce_min3A_565 = vector.shape_cast %reduce_min3A_564 : vector<1xf32> to vector<1x1x1xf32>
      %reduce_min3A_566 = vector.extract %reduce_min3A_565[0, 0, 0] : f32 from vector<1x1x1xf32>
      %get3A_567 = arith.constant 6 : index
      %get3A_568 = arith.constant 0 : index
      %get3A_569 = vector.load %arg5[%get3A_567, %get3A_568] : memref<24x512xf32, #tpu.memory_space<vmem>>, vector<1x512xf32>
      %get3A_570 = arith.constant 6 : index
      %get3A_571 = arith.constant 0 : index
      %get3A_572 = vector.load %arg6[%get3A_570, %get3A_571] : memref<24x512xf32, #tpu.memory_space<vmem>>, vector<1x512xf32>
      %reduce_max3A_573 = vector.shape_cast %get3A_569 : vector<1x512xf32> to vector<1x1x512xf32>
      %reduce_max3A_574 = arith.constant dense<0xFF800000> : vector<1xf32>
      %reduce_max3A_575 = vector.multi_reduction <maximumf>, %reduce_max3A_573, %reduce_max3A_574 [1, 2] : vector<1x1x512xf32> to vector<1xf32>
      %reduce_max3A_576 = vector.shape_cast %reduce_max3A_575 : vector<1xf32> to vector<1x1x1xf32>
      %reduce_max3A_577 = vector.extract %reduce_max3A_576[0, 0, 0] : f32 from vector<1x1x1xf32>
      %eq3A_578 = vector.broadcast %reduce_max3A_577 : f32 to vector<1x512xf32>
      %eq3A_579 = arith.cmpf oeq, %get3A_569, %eq3A_578 : vector<1x512xf32>
      %jit3A_580 = arith.constant 1.000000e+09 : f32
      %broadcast_in_dim3A_581 = vector.broadcast %jit3A_580 : f32 to vector<1x512xf32>
      %select_n3A_582 = arith.select %eq3A_579, %get3A_572, %broadcast_in_dim3A_581 : vector<1x512xi1>, vector<1x512xf32>
      %reduce_min3A_583 = vector.shape_cast %select_n3A_582 : vector<1x512xf32> to vector<1x1x512xf32>
      %reduce_min3A_584 = arith.constant dense<0x7F800000> : vector<1xf32>
      %reduce_min3A_585 = vector.multi_reduction <minimumf>, %reduce_min3A_583, %reduce_min3A_584 [1, 2] : vector<1x1x512xf32> to vector<1xf32>
      %reduce_min3A_586 = vector.shape_cast %reduce_min3A_585 : vector<1xf32> to vector<1x1x1xf32>
      %reduce_min3A_587 = vector.extract %reduce_min3A_586[0, 0, 0] : f32 from vector<1x1x1xf32>
      %get3A_588 = arith.constant 7 : index
      %get3A_589 = arith.constant 0 : index
      %get3A_590 = vector.load %arg5[%get3A_588, %get3A_589] : memref<24x512xf32, #tpu.memory_space<vmem>>, vector<1x512xf32>
      %get3A_591 = arith.constant 7 : index
      %get3A_592 = arith.constant 0 : index
      %get3A_593 = vector.load %arg6[%get3A_591, %get3A_592] : memref<24x512xf32, #tpu.memory_space<vmem>>, vector<1x512xf32>
      %reduce_max3A_594 = vector.shape_cast %get3A_590 : vector<1x512xf32> to vector<1x1x512xf32>
      %reduce_max3A_595 = arith.constant dense<0xFF800000> : vector<1xf32>
      %reduce_max3A_596 = vector.multi_reduction <maximumf>, %reduce_max3A_594, %reduce_max3A_595 [1, 2] : vector<1x1x512xf32> to vector<1xf32>
      %reduce_max3A_597 = vector.shape_cast %reduce_max3A_596 : vector<1xf32> to vector<1x1x1xf32>
      %reduce_max3A_598 = vector.extract %reduce_max3A_597[0, 0, 0] : f32 from vector<1x1x1xf32>
      %eq3A_599 = vector.broadcast %reduce_max3A_598 : f32 to vector<1x512xf32>
      %eq3A_600 = arith.cmpf oeq, %get3A_590, %eq3A_599 : vector<1x512xf32>
      %jit3A_601 = arith.constant 1.000000e+09 : f32
      %broadcast_in_dim3A_602 = vector.broadcast %jit3A_601 : f32 to vector<1x512xf32>
      %select_n3A_603 = arith.select %eq3A_600, %get3A_593, %broadcast_in_dim3A_602 : vector<1x512xi1>, vector<1x512xf32>
      %reduce_min3A_604 = vector.shape_cast %select_n3A_603 : vector<1x512xf32> to vector<1x1x512xf32>
      %reduce_min3A_605 = arith.constant dense<0x7F800000> : vector<1xf32>
      %reduce_min3A_606 = vector.multi_reduction <minimumf>, %reduce_min3A_604, %reduce_min3A_605 [1, 2] : vector<1x1x512xf32> to vector<1xf32>
      %reduce_min3A_607 = vector.shape_cast %reduce_min3A_606 : vector<1xf32> to vector<1x1x1xf32>
      %reduce_min3A_608 = vector.extract %reduce_min3A_607[0, 0, 0] : f32 from vector<1x1x1xf32>
      %get3A_609 = arith.constant 8 : index
      %get3A_610 = arith.constant 0 : index
      %get3A_611 = vector.load %arg5[%get3A_609, %get3A_610] : memref<24x512xf32, #tpu.memory_space<vmem>>, vector<1x512xf32>
      %get3A_612 = arith.constant 8 : index
      %get3A_613 = arith.constant 0 : index
      %get3A_614 = vector.load %arg6[%get3A_612, %get3A_613] : memref<24x512xf32, #tpu.memory_space<vmem>>, vector<1x512xf32>
      %reduce_max3A_615 = vector.shape_cast %get3A_611 : vector<1x512xf32> to vector<1x1x512xf32>
      %reduce_max3A_616 = arith.constant dense<0xFF800000> : vector<1xf32>
      %reduce_max3A_617 = vector.multi_reduction <maximumf>, %reduce_max3A_615, %reduce_max3A_616 [1, 2] : vector<1x1x512xf32> to vector<1xf32>
      %reduce_max3A_618 = vector.shape_cast %reduce_max3A_617 : vector<1xf32> to vector<1x1x1xf32>
      %reduce_max3A_619 = vector.extract %reduce_max3A_618[0, 0, 0] : f32 from vector<1x1x1xf32>
      %eq3A_620 = vector.broadcast %reduce_max3A_619 : f32 to vector<1x512xf32>
      %eq3A_621 = arith.cmpf oeq, %get3A_611, %eq3A_620 : vector<1x512xf32>
      %jit3A_622 = arith.constant 1.000000e+09 : f32
      %broadcast_in_dim3A_623 = vector.broadcast %jit3A_622 : f32 to vector<1x512xf32>
      %select_n3A_624 = arith.select %eq3A_621, %get3A_614, %broadcast_in_dim3A_623 : vector<1x512xi1>, vector<1x512xf32>
      %reduce_min3A_625 = vector.shape_cast %select_n3A_624 : vector<1x512xf32> to vector<1x1x512xf32>
      %reduce_min3A_626 = arith.constant dense<0x7F800000> : vector<1xf32>
      %reduce_min3A_627 = vector.multi_reduction <minimumf>, %reduce_min3A_625, %reduce_min3A_626 [1, 2] : vector<1x1x512xf32> to vector<1xf32>
      %reduce_min3A_628 = vector.shape_cast %reduce_min3A_627 : vector<1xf32> to vector<1x1x1xf32>
      %reduce_min3A_629 = vector.extract %reduce_min3A_628[0, 0, 0] : f32 from vector<1x1x1xf32>
      %get3A_630 = arith.constant 9 : index
      %get3A_631 = arith.constant 0 : index
      %get3A_632 = vector.load %arg5[%get3A_630, %get3A_631] : memref<24x512xf32, #tpu.memory_space<vmem>>, vector<1x512xf32>
      %get3A_633 = arith.constant 9 : index
      %get3A_634 = arith.constant 0 : index
      %get3A_635 = vector.load %arg6[%get3A_633, %get3A_634] : memref<24x512xf32, #tpu.memory_space<vmem>>, vector<1x512xf32>
      %reduce_max3A_636 = vector.shape_cast %get3A_632 : vector<1x512xf32> to vector<1x1x512xf32>
      %reduce_max3A_637 = arith.constant dense<0xFF800000> : vector<1xf32>
      %reduce_max3A_638 = vector.multi_reduction <maximumf>, %reduce_max3A_636, %reduce_max3A_637 [1, 2] : vector<1x1x512xf32> to vector<1xf32>
      %reduce_max3A_639 = vector.shape_cast %reduce_max3A_638 : vector<1xf32> to vector<1x1x1xf32>
      %reduce_max3A_640 = vector.extract %reduce_max3A_639[0, 0, 0] : f32 from vector<1x1x1xf32>
      %eq3A_641 = vector.broadcast %reduce_max3A_640 : f32 to vector<1x512xf32>
      %eq3A_642 = arith.cmpf oeq, %get3A_632, %eq3A_641 : vector<1x512xf32>
      %jit3A_643 = arith.constant 1.000000e+09 : f32
      %broadcast_in_dim3A_644 = vector.broadcast %jit3A_643 : f32 to vector<1x512xf32>
      %select_n3A_645 = arith.select %eq3A_642, %get3A_635, %broadcast_in_dim3A_644 : vector<1x512xi1>, vector<1x512xf32>
      %reduce_min3A_646 = vector.shape_cast %select_n3A_645 : vector<1x512xf32> to vector<1x1x512xf32>
      %reduce_min3A_647 = arith.constant dense<0x7F800000> : vector<1xf32>
      %reduce_min3A_648 = vector.multi_reduction <minimumf>, %reduce_min3A_646, %reduce_min3A_647 [1, 2] : vector<1x1x512xf32> to vector<1xf32>
      %reduce_min3A_649 = vector.shape_cast %reduce_min3A_648 : vector<1xf32> to vector<1x1x1xf32>
      %reduce_min3A_650 = vector.extract %reduce_min3A_649[0, 0, 0] : f32 from vector<1x1x1xf32>
      %get3A_651 = arith.constant 10 : index
      %get3A_652 = arith.constant 0 : index
      %get3A_653 = vector.load %arg5[%get3A_651, %get3A_652] : memref<24x512xf32, #tpu.memory_space<vmem>>, vector<1x512xf32>
      %get3A_654 = arith.constant 10 : index
      %get3A_655 = arith.constant 0 : index
      %get3A_656 = vector.load %arg6[%get3A_654, %get3A_655] : memref<24x512xf32, #tpu.memory_space<vmem>>, vector<1x512xf32>
      %reduce_max3A_657 = vector.shape_cast %get3A_653 : vector<1x512xf32> to vector<1x1x512xf32>
      %reduce_max3A_658 = arith.constant dense<0xFF800000> : vector<1xf32>
      %reduce_max3A_659 = vector.multi_reduction <maximumf>, %reduce_max3A_657, %reduce_max3A_658 [1, 2] : vector<1x1x512xf32> to vector<1xf32>
      %reduce_max3A_660 = vector.shape_cast %reduce_max3A_659 : vector<1xf32> to vector<1x1x1xf32>
      %reduce_max3A_661 = vector.extract %reduce_max3A_660[0, 0, 0] : f32 from vector<1x1x1xf32>
      %eq3A_662 = vector.broadcast %reduce_max3A_661 : f32 to vector<1x512xf32>
      %eq3A_663 = arith.cmpf oeq, %get3A_653, %eq3A_662 : vector<1x512xf32>
      %jit3A_664 = arith.constant 1.000000e+09 : f32
      %broadcast_in_dim3A_665 = vector.broadcast %jit3A_664 : f32 to vector<1x512xf32>
      %select_n3A_666 = arith.select %eq3A_663, %get3A_656, %broadcast_in_dim3A_665 : vector<1x512xi1>, vector<1x512xf32>
      %reduce_min3A_667 = vector.shape_cast %select_n3A_666 : vector<1x512xf32> to vector<1x1x512xf32>
      %reduce_min3A_668 = arith.constant dense<0x7F800000> : vector<1xf32>
      %reduce_min3A_669 = vector.multi_reduction <minimumf>, %reduce_min3A_667, %reduce_min3A_668 [1, 2] : vector<1x1x512xf32> to vector<1xf32>
      %reduce_min3A_670 = vector.shape_cast %reduce_min3A_669 : vector<1xf32> to vector<1x1x1xf32>
      %reduce_min3A_671 = vector.extract %reduce_min3A_670[0, 0, 0] : f32 from vector<1x1x1xf32>
      %get3A_672 = arith.constant 11 : index
      %get3A_673 = arith.constant 0 : index
      %get3A_674 = vector.load %arg5[%get3A_672, %get3A_673] : memref<24x512xf32, #tpu.memory_space<vmem>>, vector<1x512xf32>
      %get3A_675 = arith.constant 11 : index
      %get3A_676 = arith.constant 0 : index
      %get3A_677 = vector.load %arg6[%get3A_675, %get3A_676] : memref<24x512xf32, #tpu.memory_space<vmem>>, vector<1x512xf32>
      %reduce_max3A_678 = vector.shape_cast %get3A_674 : vector<1x512xf32> to vector<1x1x512xf32>
      %reduce_max3A_679 = arith.constant dense<0xFF800000> : vector<1xf32>
      %reduce_max3A_680 = vector.multi_reduction <maximumf>, %reduce_max3A_678, %reduce_max3A_679 [1, 2] : vector<1x1x512xf32> to vector<1xf32>
      %reduce_max3A_681 = vector.shape_cast %reduce_max3A_680 : vector<1xf32> to vector<1x1x1xf32>
      %reduce_max3A_682 = vector.extract %reduce_max3A_681[0, 0, 0] : f32 from vector<1x1x1xf32>
      %eq3A_683 = vector.broadcast %reduce_max3A_682 : f32 to vector<1x512xf32>
      %eq3A_684 = arith.cmpf oeq, %get3A_674, %eq3A_683 : vector<1x512xf32>
      %jit3A_685 = arith.constant 1.000000e+09 : f32
      %broadcast_in_dim3A_686 = vector.broadcast %jit3A_685 : f32 to vector<1x512xf32>
      %select_n3A_687 = arith.select %eq3A_684, %get3A_677, %broadcast_in_dim3A_686 : vector<1x512xi1>, vector<1x512xf32>
      %reduce_min3A_688 = vector.shape_cast %select_n3A_687 : vector<1x512xf32> to vector<1x1x512xf32>
      %reduce_min3A_689 = arith.constant dense<0x7F800000> : vector<1xf32>
      %reduce_min3A_690 = vector.multi_reduction <minimumf>, %reduce_min3A_688, %reduce_min3A_689 [1, 2] : vector<1x1x512xf32> to vector<1xf32>
      %reduce_min3A_691 = vector.shape_cast %reduce_min3A_690 : vector<1xf32> to vector<1x1x1xf32>
      %reduce_min3A_692 = vector.extract %reduce_min3A_691[0, 0, 0] : f32 from vector<1x1x1xf32>
      %get3A_693 = arith.constant 12 : index
      %get3A_694 = arith.constant 0 : index
      %get3A_695 = vector.load %arg5[%get3A_693, %get3A_694] : memref<24x512xf32, #tpu.memory_space<vmem>>, vector<1x512xf32>
      %get3A_696 = arith.constant 12 : index
      %get3A_697 = arith.constant 0 : index
      %get3A_698 = vector.load %arg6[%get3A_696, %get3A_697] : memref<24x512xf32, #tpu.memory_space<vmem>>, vector<1x512xf32>
      %reduce_max3A_699 = vector.shape_cast %get3A_695 : vector<1x512xf32> to vector<1x1x512xf32>
      %reduce_max3A_700 = arith.constant dense<0xFF800000> : vector<1xf32>
      %reduce_max3A_701 = vector.multi_reduction <maximumf>, %reduce_max3A_699, %reduce_max3A_700 [1, 2] : vector<1x1x512xf32> to vector<1xf32>
      %reduce_max3A_702 = vector.shape_cast %reduce_max3A_701 : vector<1xf32> to vector<1x1x1xf32>
      %reduce_max3A_703 = vector.extract %reduce_max3A_702[0, 0, 0] : f32 from vector<1x1x1xf32>
      %eq3A_704 = vector.broadcast %reduce_max3A_703 : f32 to vector<1x512xf32>
      %eq3A_705 = arith.cmpf oeq, %get3A_695, %eq3A_704 : vector<1x512xf32>
      %jit3A_706 = arith.constant 1.000000e+09 : f32
      %broadcast_in_dim3A_707 = vector.broadcast %jit3A_706 : f32 to vector<1x512xf32>
      %select_n3A_708 = arith.select %eq3A_705, %get3A_698, %broadcast_in_dim3A_707 : vector<1x512xi1>, vector<1x512xf32>
      %reduce_min3A_709 = vector.shape_cast %select_n3A_708 : vector<1x512xf32> to vector<1x1x512xf32>
      %reduce_min3A_710 = arith.constant dense<0x7F800000> : vector<1xf32>
      %reduce_min3A_711 = vector.multi_reduction <minimumf>, %reduce_min3A_709, %reduce_min3A_710 [1, 2] : vector<1x1x512xf32> to vector<1xf32>
      %reduce_min3A_712 = vector.shape_cast %reduce_min3A_711 : vector<1xf32> to vector<1x1x1xf32>
      %reduce_min3A_713 = vector.extract %reduce_min3A_712[0, 0, 0] : f32 from vector<1x1x1xf32>
      %get3A_714 = arith.constant 13 : index
      %get3A_715 = arith.constant 0 : index
      %get3A_716 = vector.load %arg5[%get3A_714, %get3A_715] : memref<24x512xf32, #tpu.memory_space<vmem>>, vector<1x512xf32>
      %get3A_717 = arith.constant 13 : index
      %get3A_718 = arith.constant 0 : index
      %get3A_719 = vector.load %arg6[%get3A_717, %get3A_718] : memref<24x512xf32, #tpu.memory_space<vmem>>, vector<1x512xf32>
      %reduce_max3A_720 = vector.shape_cast %get3A_716 : vector<1x512xf32> to vector<1x1x512xf32>
      %reduce_max3A_721 = arith.constant dense<0xFF800000> : vector<1xf32>
      %reduce_max3A_722 = vector.multi_reduction <maximumf>, %reduce_max3A_720, %reduce_max3A_721 [1, 2] : vector<1x1x512xf32> to vector<1xf32>
      %reduce_max3A_723 = vector.shape_cast %reduce_max3A_722 : vector<1xf32> to vector<1x1x1xf32>
      %reduce_max3A_724 = vector.extract %reduce_max3A_723[0, 0, 0] : f32 from vector<1x1x1xf32>
      %eq3A_725 = vector.broadcast %reduce_max3A_724 : f32 to vector<1x512xf32>
      %eq3A_726 = arith.cmpf oeq, %get3A_716, %eq3A_725 : vector<1x512xf32>
      %jit3A_727 = arith.constant 1.000000e+09 : f32
      %broadcast_in_dim3A_728 = vector.broadcast %jit3A_727 : f32 to vector<1x512xf32>
      %select_n3A_729 = arith.select %eq3A_726, %get3A_719, %broadcast_in_dim3A_728 : vector<1x512xi1>, vector<1x512xf32>
      %reduce_min3A_730 = vector.shape_cast %select_n3A_729 : vector<1x512xf32> to vector<1x1x512xf32>
      %reduce_min3A_731 = arith.constant dense<0x7F800000> : vector<1xf32>
      %reduce_min3A_732 = vector.multi_reduction <minimumf>, %reduce_min3A_730, %reduce_min3A_731 [1, 2] : vector<1x1x512xf32> to vector<1xf32>
      %reduce_min3A_733 = vector.shape_cast %reduce_min3A_732 : vector<1xf32> to vector<1x1x1xf32>
      %reduce_min3A_734 = vector.extract %reduce_min3A_733[0, 0, 0] : f32 from vector<1x1x1xf32>
      %get3A_735 = arith.constant 14 : index
      %get3A_736 = arith.constant 0 : index
      %get3A_737 = vector.load %arg5[%get3A_735, %get3A_736] : memref<24x512xf32, #tpu.memory_space<vmem>>, vector<1x512xf32>
      %get3A_738 = arith.constant 14 : index
      %get3A_739 = arith.constant 0 : index
      %get3A_740 = vector.load %arg6[%get3A_738, %get3A_739] : memref<24x512xf32, #tpu.memory_space<vmem>>, vector<1x512xf32>
      %reduce_max3A_741 = vector.shape_cast %get3A_737 : vector<1x512xf32> to vector<1x1x512xf32>
      %reduce_max3A_742 = arith.constant dense<0xFF800000> : vector<1xf32>
      %reduce_max3A_743 = vector.multi_reduction <maximumf>, %reduce_max3A_741, %reduce_max3A_742 [1, 2] : vector<1x1x512xf32> to vector<1xf32>
      %reduce_max3A_744 = vector.shape_cast %reduce_max3A_743 : vector<1xf32> to vector<1x1x1xf32>
      %reduce_max3A_745 = vector.extract %reduce_max3A_744[0, 0, 0] : f32 from vector<1x1x1xf32>
      %eq3A_746 = vector.broadcast %reduce_max3A_745 : f32 to vector<1x512xf32>
      %eq3A_747 = arith.cmpf oeq, %get3A_737, %eq3A_746 : vector<1x512xf32>
      %jit3A_748 = arith.constant 1.000000e+09 : f32
      %broadcast_in_dim3A_749 = vector.broadcast %jit3A_748 : f32 to vector<1x512xf32>
      %select_n3A_750 = arith.select %eq3A_747, %get3A_740, %broadcast_in_dim3A_749 : vector<1x512xi1>, vector<1x512xf32>
      %reduce_min3A_751 = vector.shape_cast %select_n3A_750 : vector<1x512xf32> to vector<1x1x512xf32>
      %reduce_min3A_752 = arith.constant dense<0x7F800000> : vector<1xf32>
      %reduce_min3A_753 = vector.multi_reduction <minimumf>, %reduce_min3A_751, %reduce_min3A_752 [1, 2] : vector<1x1x512xf32> to vector<1xf32>
      %reduce_min3A_754 = vector.shape_cast %reduce_min3A_753 : vector<1xf32> to vector<1x1x1xf32>
      %reduce_min3A_755 = vector.extract %reduce_min3A_754[0, 0, 0] : f32 from vector<1x1x1xf32>
      %get3A_756 = arith.constant 15 : index
      %get3A_757 = arith.constant 0 : index
      %get3A_758 = vector.load %arg5[%get3A_756, %get3A_757] : memref<24x512xf32, #tpu.memory_space<vmem>>, vector<1x512xf32>
      %get3A_759 = arith.constant 15 : index
      %get3A_760 = arith.constant 0 : index
      %get3A_761 = vector.load %arg6[%get3A_759, %get3A_760] : memref<24x512xf32, #tpu.memory_space<vmem>>, vector<1x512xf32>
      %reduce_max3A_762 = vector.shape_cast %get3A_758 : vector<1x512xf32> to vector<1x1x512xf32>
      %reduce_max3A_763 = arith.constant dense<0xFF800000> : vector<1xf32>
      %reduce_max3A_764 = vector.multi_reduction <maximumf>, %reduce_max3A_762, %reduce_max3A_763 [1, 2] : vector<1x1x512xf32> to vector<1xf32>
      %reduce_max3A_765 = vector.shape_cast %reduce_max3A_764 : vector<1xf32> to vector<1x1x1xf32>
      %reduce_max3A_766 = vector.extract %reduce_max3A_765[0, 0, 0] : f32 from vector<1x1x1xf32>
      %eq3A_767 = vector.broadcast %reduce_max3A_766 : f32 to vector<1x512xf32>
      %eq3A_768 = arith.cmpf oeq, %get3A_758, %eq3A_767 : vector<1x512xf32>
      %jit3A_769 = arith.constant 1.000000e+09 : f32
      %broadcast_in_dim3A_770 = vector.broadcast %jit3A_769 : f32 to vector<1x512xf32>
      %select_n3A_771 = arith.select %eq3A_768, %get3A_761, %broadcast_in_dim3A_770 : vector<1x512xi1>, vector<1x512xf32>
      %reduce_min3A_772 = vector.shape_cast %select_n3A_771 : vector<1x512xf32> to vector<1x1x512xf32>
      %reduce_min3A_773 = arith.constant dense<0x7F800000> : vector<1xf32>
      %reduce_min3A_774 = vector.multi_reduction <minimumf>, %reduce_min3A_772, %reduce_min3A_773 [1, 2] : vector<1x1x512xf32> to vector<1xf32>
      %reduce_min3A_775 = vector.shape_cast %reduce_min3A_774 : vector<1xf32> to vector<1x1x1xf32>
      %reduce_min3A_776 = vector.extract %reduce_min3A_775[0, 0, 0] : f32 from vector<1x1x1xf32>
      %get3A_777 = arith.constant 16 : index
      %get3A_778 = arith.constant 0 : index
      %get3A_779 = vector.load %arg5[%get3A_777, %get3A_778] : memref<24x512xf32, #tpu.memory_space<vmem>>, vector<1x512xf32>
      %get3A_780 = arith.constant 16 : index
      %get3A_781 = arith.constant 0 : index
      %get3A_782 = vector.load %arg6[%get3A_780, %get3A_781] : memref<24x512xf32, #tpu.memory_space<vmem>>, vector<1x512xf32>
      %reduce_max3A_783 = vector.shape_cast %get3A_779 : vector<1x512xf32> to vector<1x1x512xf32>
      %reduce_max3A_784 = arith.constant dense<0xFF800000> : vector<1xf32>
      %reduce_max3A_785 = vector.multi_reduction <maximumf>, %reduce_max3A_783, %reduce_max3A_784 [1, 2] : vector<1x1x512xf32> to vector<1xf32>
      %reduce_max3A_786 = vector.shape_cast %reduce_max3A_785 : vector<1xf32> to vector<1x1x1xf32>
      %reduce_max3A_787 = vector.extract %reduce_max3A_786[0, 0, 0] : f32 from vector<1x1x1xf32>
      %eq3A_788 = vector.broadcast %reduce_max3A_787 : f32 to vector<1x512xf32>
      %eq3A_789 = arith.cmpf oeq, %get3A_779, %eq3A_788 : vector<1x512xf32>
      %jit3A_790 = arith.constant 1.000000e+09 : f32
      %broadcast_in_dim3A_791 = vector.broadcast %jit3A_790 : f32 to vector<1x512xf32>
      %select_n3A_792 = arith.select %eq3A_789, %get3A_782, %broadcast_in_dim3A_791 : vector<1x512xi1>, vector<1x512xf32>
      %reduce_min3A_793 = vector.shape_cast %select_n3A_792 : vector<1x512xf32> to vector<1x1x512xf32>
      %reduce_min3A_794 = arith.constant dense<0x7F800000> : vector<1xf32>
      %reduce_min3A_795 = vector.multi_reduction <minimumf>, %reduce_min3A_793, %reduce_min3A_794 [1, 2] : vector<1x1x512xf32> to vector<1xf32>
      %reduce_min3A_796 = vector.shape_cast %reduce_min3A_795 : vector<1xf32> to vector<1x1x1xf32>
      %reduce_min3A_797 = vector.extract %reduce_min3A_796[0, 0, 0] : f32 from vector<1x1x1xf32>
      %get3A_798 = arith.constant 17 : index
      %get3A_799 = arith.constant 0 : index
      %get3A_800 = vector.load %arg5[%get3A_798, %get3A_799] : memref<24x512xf32, #tpu.memory_space<vmem>>, vector<1x512xf32>
      %get3A_801 = arith.constant 17 : index
      %get3A_802 = arith.constant 0 : index
      %get3A_803 = vector.load %arg6[%get3A_801, %get3A_802] : memref<24x512xf32, #tpu.memory_space<vmem>>, vector<1x512xf32>
      %reduce_max3A_804 = vector.shape_cast %get3A_800 : vector<1x512xf32> to vector<1x1x512xf32>
      %reduce_max3A_805 = arith.constant dense<0xFF800000> : vector<1xf32>
      %reduce_max3A_806 = vector.multi_reduction <maximumf>, %reduce_max3A_804, %reduce_max3A_805 [1, 2] : vector<1x1x512xf32> to vector<1xf32>
      %reduce_max3A_807 = vector.shape_cast %reduce_max3A_806 : vector<1xf32> to vector<1x1x1xf32>
      %reduce_max3A_808 = vector.extract %reduce_max3A_807[0, 0, 0] : f32 from vector<1x1x1xf32>
      %eq3A_809 = vector.broadcast %reduce_max3A_808 : f32 to vector<1x512xf32>
      %eq3A_810 = arith.cmpf oeq, %get3A_800, %eq3A_809 : vector<1x512xf32>
      %jit3A_811 = arith.constant 1.000000e+09 : f32
      %broadcast_in_dim3A_812 = vector.broadcast %jit3A_811 : f32 to vector<1x512xf32>
      %select_n3A_813 = arith.select %eq3A_810, %get3A_803, %broadcast_in_dim3A_812 : vector<1x512xi1>, vector<1x512xf32>
      %reduce_min3A_814 = vector.shape_cast %select_n3A_813 : vector<1x512xf32> to vector<1x1x512xf32>
      %reduce_min3A_815 = arith.constant dense<0x7F800000> : vector<1xf32>
      %reduce_min3A_816 = vector.multi_reduction <minimumf>, %reduce_min3A_814, %reduce_min3A_815 [1, 2] : vector<1x1x512xf32> to vector<1xf32>
      %reduce_min3A_817 = vector.shape_cast %reduce_min3A_816 : vector<1xf32> to vector<1x1x1xf32>
      %reduce_min3A_818 = vector.extract %reduce_min3A_817[0, 0, 0] : f32 from vector<1x1x1xf32>
      %get3A_819 = arith.constant 18 : index
      %get3A_820 = arith.constant 0 : index
      %get3A_821 = vector.load %arg5[%get3A_819, %get3A_820] : memref<24x512xf32, #tpu.memory_space<vmem>>, vector<1x512xf32>
      %get3A_822 = arith.constant 18 : index
      %get3A_823 = arith.constant 0 : index
      %get3A_824 = vector.load %arg6[%get3A_822, %get3A_823] : memref<24x512xf32, #tpu.memory_space<vmem>>, vector<1x512xf32>
      %reduce_max3A_825 = vector.shape_cast %get3A_821 : vector<1x512xf32> to vector<1x1x512xf32>
      %reduce_max3A_826 = arith.constant dense<0xFF800000> : vector<1xf32>
      %reduce_max3A_827 = vector.multi_reduction <maximumf>, %reduce_max3A_825, %reduce_max3A_826 [1, 2] : vector<1x1x512xf32> to vector<1xf32>
      %reduce_max3A_828 = vector.shape_cast %reduce_max3A_827 : vector<1xf32> to vector<1x1x1xf32>
      %reduce_max3A_829 = vector.extract %reduce_max3A_828[0, 0, 0] : f32 from vector<1x1x1xf32>
      %eq3A_830 = vector.broadcast %reduce_max3A_829 : f32 to vector<1x512xf32>
      %eq3A_831 = arith.cmpf oeq, %get3A_821, %eq3A_830 : vector<1x512xf32>
      %jit3A_832 = arith.constant 1.000000e+09 : f32
      %broadcast_in_dim3A_833 = vector.broadcast %jit3A_832 : f32 to vector<1x512xf32>
      %select_n3A_834 = arith.select %eq3A_831, %get3A_824, %broadcast_in_dim3A_833 : vector<1x512xi1>, vector<1x512xf32>
      %reduce_min3A_835 = vector.shape_cast %select_n3A_834 : vector<1x512xf32> to vector<1x1x512xf32>
      %reduce_min3A_836 = arith.constant dense<0x7F800000> : vector<1xf32>
      %reduce_min3A_837 = vector.multi_reduction <minimumf>, %reduce_min3A_835, %reduce_min3A_836 [1, 2] : vector<1x1x512xf32> to vector<1xf32>
      %reduce_min3A_838 = vector.shape_cast %reduce_min3A_837 : vector<1xf32> to vector<1x1x1xf32>
      %reduce_min3A_839 = vector.extract %reduce_min3A_838[0, 0, 0] : f32 from vector<1x1x1xf32>
      %get3A_840 = arith.constant 19 : index
      %get3A_841 = arith.constant 0 : index
      %get3A_842 = vector.load %arg5[%get3A_840, %get3A_841] : memref<24x512xf32, #tpu.memory_space<vmem>>, vector<1x512xf32>
      %get3A_843 = arith.constant 19 : index
      %get3A_844 = arith.constant 0 : index
      %get3A_845 = vector.load %arg6[%get3A_843, %get3A_844] : memref<24x512xf32, #tpu.memory_space<vmem>>, vector<1x512xf32>
      %reduce_max3A_846 = vector.shape_cast %get3A_842 : vector<1x512xf32> to vector<1x1x512xf32>
      %reduce_max3A_847 = arith.constant dense<0xFF800000> : vector<1xf32>
      %reduce_max3A_848 = vector.multi_reduction <maximumf>, %reduce_max3A_846, %reduce_max3A_847 [1, 2] : vector<1x1x512xf32> to vector<1xf32>
      %reduce_max3A_849 = vector.shape_cast %reduce_max3A_848 : vector<1xf32> to vector<1x1x1xf32>
      %reduce_max3A_850 = vector.extract %reduce_max3A_849[0, 0, 0] : f32 from vector<1x1x1xf32>
      %eq3A_851 = vector.broadcast %reduce_max3A_850 : f32 to vector<1x512xf32>
      %eq3A_852 = arith.cmpf oeq, %get3A_842, %eq3A_851 : vector<1x512xf32>
      %jit3A_853 = arith.constant 1.000000e+09 : f32
      %broadcast_in_dim3A_854 = vector.broadcast %jit3A_853 : f32 to vector<1x512xf32>
      %select_n3A_855 = arith.select %eq3A_852, %get3A_845, %broadcast_in_dim3A_854 : vector<1x512xi1>, vector<1x512xf32>
      %reduce_min3A_856 = vector.shape_cast %select_n3A_855 : vector<1x512xf32> to vector<1x1x512xf32>
      %reduce_min3A_857 = arith.constant dense<0x7F800000> : vector<1xf32>
      %reduce_min3A_858 = vector.multi_reduction <minimumf>, %reduce_min3A_856, %reduce_min3A_857 [1, 2] : vector<1x1x512xf32> to vector<1xf32>
      %reduce_min3A_859 = vector.shape_cast %reduce_min3A_858 : vector<1xf32> to vector<1x1x1xf32>
      %reduce_min3A_860 = vector.extract %reduce_min3A_859[0, 0, 0] : f32 from vector<1x1x1xf32>
      %get3A_861 = arith.constant 0 : index
      %get3A_862 = arith.constant 0 : index
      %get3A_863 = vector.load %arg3[%get3A_861, %get3A_862] : memref<8x1152xf32, #tpu.memory_space<vmem>>, vector<8x1152xf32>
      %get3A_864 = arith.constant 0 : index
      %get3A_865 = arith.constant 0 : index
      %get3A_866 = vector.load %arg4[%get3A_864, %get3A_865] : memref<8x1152xf32, #tpu.memory_space<vmem>>, vector<8x1152xf32>
      %ge3A = arith.constant 5.000000e-01 : f32
      %ge3A_867 = vector.broadcast %ge3A : f32 to vector<8x1152xf32>
      %ge3A_868 = arith.cmpf oge, %get3A_863, %ge3A_867 : vector<8x1152xf32>
      %eq3A_869 = vector.broadcast %reduce_min3A_461 : f32 to vector<8x1152xf32>
      %eq3A_870 = arith.cmpf oeq, %convert_element_type3A_442, %eq3A_869 : vector<8x1152xf32>
      %or3A = arith.ori %ge3A_868, %eq3A_870 : vector<8x1152xi1>
      %jit3A_871 = arith.constant 0.000000e+00 : f32
      %broadcast_in_dim3A_872 = vector.broadcast %jit3A_871 : f32 to vector<8x1152xf32>
      %select_n3A_873 = arith.select %eq3A_870, %broadcast_in_dim3A_872, %get3A_866 : vector<8x1152xi1>, vector<8x1152xf32>
      %eq3A_874 = vector.broadcast %reduce_min3A_482 : f32 to vector<8x1152xf32>
      %eq3A_875 = arith.cmpf oeq, %convert_element_type3A_442, %eq3A_874 : vector<8x1152xf32>
      %or3A_876 = arith.ori %or3A, %eq3A_875 : vector<8x1152xi1>
      %jit3A_877 = arith.constant 1.000000e+00 : f32
      %broadcast_in_dim3A_878 = vector.broadcast %jit3A_877 : f32 to vector<8x1152xf32>
      %select_n3A_879 = arith.select %eq3A_875, %broadcast_in_dim3A_878, %select_n3A_873 : vector<8x1152xi1>, vector<8x1152xf32>
      %eq3A_880 = vector.broadcast %reduce_min3A_503 : f32 to vector<8x1152xf32>
      %eq3A_881 = arith.cmpf oeq, %convert_element_type3A_442, %eq3A_880 : vector<8x1152xf32>
      %or3A_882 = arith.ori %or3A_876, %eq3A_881 : vector<8x1152xi1>
      %jit3A_883 = arith.constant 2.000000e+00 : f32
      %broadcast_in_dim3A_884 = vector.broadcast %jit3A_883 : f32 to vector<8x1152xf32>
      %select_n3A_885 = arith.select %eq3A_881, %broadcast_in_dim3A_884, %select_n3A_879 : vector<8x1152xi1>, vector<8x1152xf32>
      %eq3A_886 = vector.broadcast %reduce_min3A_524 : f32 to vector<8x1152xf32>
      %eq3A_887 = arith.cmpf oeq, %convert_element_type3A_442, %eq3A_886 : vector<8x1152xf32>
      %or3A_888 = arith.ori %or3A_882, %eq3A_887 : vector<8x1152xi1>
      %jit3A_889 = arith.constant 3.000000e+00 : f32
      %broadcast_in_dim3A_890 = vector.broadcast %jit3A_889 : f32 to vector<8x1152xf32>
      %select_n3A_891 = arith.select %eq3A_887, %broadcast_in_dim3A_890, %select_n3A_885 : vector<8x1152xi1>, vector<8x1152xf32>
      %eq3A_892 = vector.broadcast %reduce_min3A_545 : f32 to vector<8x1152xf32>
      %eq3A_893 = arith.cmpf oeq, %convert_element_type3A_442, %eq3A_892 : vector<8x1152xf32>
      %or3A_894 = arith.ori %or3A_888, %eq3A_893 : vector<8x1152xi1>
      %jit3A_895 = arith.constant 4.000000e+00 : f32
      %broadcast_in_dim3A_896 = vector.broadcast %jit3A_895 : f32 to vector<8x1152xf32>
      %select_n3A_897 = arith.select %eq3A_893, %broadcast_in_dim3A_896, %select_n3A_891 : vector<8x1152xi1>, vector<8x1152xf32>
      %eq3A_898 = vector.broadcast %reduce_min3A_566 : f32 to vector<8x1152xf32>
      %eq3A_899 = arith.cmpf oeq, %convert_element_type3A_442, %eq3A_898 : vector<8x1152xf32>
      %or3A_900 = arith.ori %or3A_894, %eq3A_899 : vector<8x1152xi1>
      %jit3A_901 = arith.constant 5.000000e+00 : f32
      %broadcast_in_dim3A_902 = vector.broadcast %jit3A_901 : f32 to vector<8x1152xf32>
      %select_n3A_903 = arith.select %eq3A_899, %broadcast_in_dim3A_902, %select_n3A_897 : vector<8x1152xi1>, vector<8x1152xf32>
      %eq3A_904 = vector.broadcast %reduce_min3A_587 : f32 to vector<8x1152xf32>
      %eq3A_905 = arith.cmpf oeq, %convert_element_type3A_442, %eq3A_904 : vector<8x1152xf32>
      %or3A_906 = arith.ori %or3A_900, %eq3A_905 : vector<8x1152xi1>
      %jit3A_907 = arith.constant 6.000000e+00 : f32
      %broadcast_in_dim3A_908 = vector.broadcast %jit3A_907 : f32 to vector<8x1152xf32>
      %select_n3A_909 = arith.select %eq3A_905, %broadcast_in_dim3A_908, %select_n3A_903 : vector<8x1152xi1>, vector<8x1152xf32>
      %eq3A_910 = vector.broadcast %reduce_min3A_608 : f32 to vector<8x1152xf32>
      %eq3A_911 = arith.cmpf oeq, %convert_element_type3A_442, %eq3A_910 : vector<8x1152xf32>
      %or3A_912 = arith.ori %or3A_906, %eq3A_911 : vector<8x1152xi1>
      %jit3A_913 = arith.constant 7.000000e+00 : f32
      %broadcast_in_dim3A_914 = vector.broadcast %jit3A_913 : f32 to vector<8x1152xf32>
      %select_n3A_915 = arith.select %eq3A_911, %broadcast_in_dim3A_914, %select_n3A_909 : vector<8x1152xi1>, vector<8x1152xf32>
      %eq3A_916 = vector.broadcast %reduce_min3A_629 : f32 to vector<8x1152xf32>
      %eq3A_917 = arith.cmpf oeq, %convert_element_type3A_442, %eq3A_916 : vector<8x1152xf32>
      %or3A_918 = arith.ori %or3A_912, %eq3A_917 : vector<8x1152xi1>
      %jit3A_919 = arith.constant 8.000000e+00 : f32
      %broadcast_in_dim3A_920 = vector.broadcast %jit3A_919 : f32 to vector<8x1152xf32>
      %select_n3A_921 = arith.select %eq3A_917, %broadcast_in_dim3A_920, %select_n3A_915 : vector<8x1152xi1>, vector<8x1152xf32>
      %eq3A_922 = vector.broadcast %reduce_min3A_650 : f32 to vector<8x1152xf32>
      %eq3A_923 = arith.cmpf oeq, %convert_element_type3A_442, %eq3A_922 : vector<8x1152xf32>
      %or3A_924 = arith.ori %or3A_918, %eq3A_923 : vector<8x1152xi1>
      %jit3A_925 = arith.constant 9.000000e+00 : f32
      %broadcast_in_dim3A_926 = vector.broadcast %jit3A_925 : f32 to vector<8x1152xf32>
      %select_n3A_927 = arith.select %eq3A_923, %broadcast_in_dim3A_926, %select_n3A_921 : vector<8x1152xi1>, vector<8x1152xf32>
      %eq3A_928 = vector.broadcast %reduce_min3A_671 : f32 to vector<8x1152xf32>
      %eq3A_929 = arith.cmpf oeq, %convert_element_type3A_442, %eq3A_928 : vector<8x1152xf32>
      %or3A_930 = arith.ori %or3A_924, %eq3A_929 : vector<8x1152xi1>
      %jit3A_931 = arith.constant 1.000000e+01 : f32
      %broadcast_in_dim3A_932 = vector.broadcast %jit3A_931 : f32 to vector<8x1152xf32>
      %select_n3A_933 = arith.select %eq3A_929, %broadcast_in_dim3A_932, %select_n3A_927 : vector<8x1152xi1>, vector<8x1152xf32>
      %eq3A_934 = vector.broadcast %reduce_min3A_692 : f32 to vector<8x1152xf32>
      %eq3A_935 = arith.cmpf oeq, %convert_element_type3A_442, %eq3A_934 : vector<8x1152xf32>
      %or3A_936 = arith.ori %or3A_930, %eq3A_935 : vector<8x1152xi1>
      %jit3A_937 = arith.constant 1.100000e+01 : f32
      %broadcast_in_dim3A_938 = vector.broadcast %jit3A_937 : f32 to vector<8x1152xf32>
      %select_n3A_939 = arith.select %eq3A_935, %broadcast_in_dim3A_938, %select_n3A_933 : vector<8x1152xi1>, vector<8x1152xf32>
      %eq3A_940 = vector.broadcast %reduce_min3A_713 : f32 to vector<8x1152xf32>
      %eq3A_941 = arith.cmpf oeq, %convert_element_type3A_442, %eq3A_940 : vector<8x1152xf32>
      %or3A_942 = arith.ori %or3A_936, %eq3A_941 : vector<8x1152xi1>
      %jit3A_943 = arith.constant 1.200000e+01 : f32
      %broadcast_in_dim3A_944 = vector.broadcast %jit3A_943 : f32 to vector<8x1152xf32>
      %select_n3A_945 = arith.select %eq3A_941, %broadcast_in_dim3A_944, %select_n3A_939 : vector<8x1152xi1>, vector<8x1152xf32>
      %eq3A_946 = vector.broadcast %reduce_min3A_734 : f32 to vector<8x1152xf32>
      %eq3A_947 = arith.cmpf oeq, %convert_element_type3A_442, %eq3A_946 : vector<8x1152xf32>
      %or3A_948 = arith.ori %or3A_942, %eq3A_947 : vector<8x1152xi1>
      %jit3A_949 = arith.constant 1.300000e+01 : f32
      %broadcast_in_dim3A_950 = vector.broadcast %jit3A_949 : f32 to vector<8x1152xf32>
      %select_n3A_951 = arith.select %eq3A_947, %broadcast_in_dim3A_950, %select_n3A_945 : vector<8x1152xi1>, vector<8x1152xf32>
      %eq3A_952 = vector.broadcast %reduce_min3A_755 : f32 to vector<8x1152xf32>
      %eq3A_953 = arith.cmpf oeq, %convert_element_type3A_442, %eq3A_952 : vector<8x1152xf32>
      %or3A_954 = arith.ori %or3A_948, %eq3A_953 : vector<8x1152xi1>
      %jit3A_955 = arith.constant 1.400000e+01 : f32
      %broadcast_in_dim3A_956 = vector.broadcast %jit3A_955 : f32 to vector<8x1152xf32>
      %select_n3A_957 = arith.select %eq3A_953, %broadcast_in_dim3A_956, %select_n3A_951 : vector<8x1152xi1>, vector<8x1152xf32>
      %eq3A_958 = vector.broadcast %reduce_min3A_776 : f32 to vector<8x1152xf32>
      %eq3A_959 = arith.cmpf oeq, %convert_element_type3A_442, %eq3A_958 : vector<8x1152xf32>
      %or3A_960 = arith.ori %or3A_954, %eq3A_959 : vector<8x1152xi1>
      %jit3A_961 = arith.constant 1.500000e+01 : f32
      %broadcast_in_dim3A_962 = vector.broadcast %jit3A_961 : f32 to vector<8x1152xf32>
      %select_n3A_963 = arith.select %eq3A_959, %broadcast_in_dim3A_962, %select_n3A_957 : vector<8x1152xi1>, vector<8x1152xf32>
      %eq3A_964 = vector.broadcast %reduce_min3A_797 : f32 to vector<8x1152xf32>
      %eq3A_965 = arith.cmpf oeq, %convert_element_type3A_442, %eq3A_964 : vector<8x1152xf32>
      %or3A_966 = arith.ori %or3A_960, %eq3A_965 : vector<8x1152xi1>
      %jit3A_967 = arith.constant 1.600000e+01 : f32
      %broadcast_in_dim3A_968 = vector.broadcast %jit3A_967 : f32 to vector<8x1152xf32>
      %select_n3A_969 = arith.select %eq3A_965, %broadcast_in_dim3A_968, %select_n3A_963 : vector<8x1152xi1>, vector<8x1152xf32>
      %eq3A_970 = vector.broadcast %reduce_min3A_818 : f32 to vector<8x1152xf32>
      %eq3A_971 = arith.cmpf oeq, %convert_element_type3A_442, %eq3A_970 : vector<8x1152xf32>
      %or3A_972 = arith.ori %or3A_966, %eq3A_971 : vector<8x1152xi1>
      %jit3A_973 = arith.constant 1.700000e+01 : f32
      %broadcast_in_dim3A_974 = vector.broadcast %jit3A_973 : f32 to vector<8x1152xf32>
      %select_n3A_975 = arith.select %eq3A_971, %broadcast_in_dim3A_974, %select_n3A_969 : vector<8x1152xi1>, vector<8x1152xf32>
      %eq3A_976 = vector.broadcast %reduce_min3A_839 : f32 to vector<8x1152xf32>
      %eq3A_977 = arith.cmpf oeq, %convert_element_type3A_442, %eq3A_976 : vector<8x1152xf32>
      %or3A_978 = arith.ori %or3A_972, %eq3A_977 : vector<8x1152xi1>
      %jit3A_979 = arith.constant 1.800000e+01 : f32
      %broadcast_in_dim3A_980 = vector.broadcast %jit3A_979 : f32 to vector<8x1152xf32>
      %select_n3A_981 = arith.select %eq3A_977, %broadcast_in_dim3A_980, %select_n3A_975 : vector<8x1152xi1>, vector<8x1152xf32>
      %eq3A_982 = vector.broadcast %reduce_min3A_860 : f32 to vector<8x1152xf32>
      %eq3A_983 = arith.cmpf oeq, %convert_element_type3A_442, %eq3A_982 : vector<8x1152xf32>
      %or3A_984 = arith.ori %or3A_978, %eq3A_983 : vector<8x1152xi1>
      %jit3A_985 = arith.constant 1.900000e+01 : f32
      %broadcast_in_dim3A_986 = vector.broadcast %jit3A_985 : f32 to vector<8x1152xf32>
      %select_n3A_987 = arith.select %eq3A_983, %broadcast_in_dim3A_986, %select_n3A_981 : vector<8x1152xi1>, vector<8x1152xf32>
      %convert_element_type3A_988 = arith.extui %or3A_984 : vector<8x1152xi1> to vector<8x1152xi32>
      %convert_element_type3A_989 = arith.sitofp %convert_element_type3A_988 : vector<8x1152xi32> to vector<8x1152xf32>
      %swap3A_990 = arith.constant 0.000000e+00 : f32
      %swap3A_991 = arith.constant 0 : index
      %swap3A_992 = memref.load %arg13[%swap3A_991] : memref<3xf32, #tpu.memory_space<smem>>
      memref.store %swap3A_990, %arg13[%swap3A_991] : memref<3xf32, #tpu.memory_space<smem>>
      %swap3A_993 = arith.constant 0.000000e+00 : f32
      %swap3A_994 = arith.constant 1 : index
      %swap3A_995 = memref.load %arg13[%swap3A_994] : memref<3xf32, #tpu.memory_space<smem>>
      memref.store %swap3A_993, %arg13[%swap3A_994] : memref<3xf32, #tpu.memory_space<smem>>
      %reduce_sum3A_996 = vector.shape_cast %convert_element_type3A_989 : vector<8x1152xf32> to vector<1x8x1152xf32>
      %reduce_sum3A_997 = arith.constant dense<0.000000e+00> : vector<1xf32>
      %reduce_sum3A_998 = vector.multi_reduction <add>, %reduce_sum3A_996, %reduce_sum3A_997 [1, 2] : vector<1x8x1152xf32> to vector<1xf32>
      %reduce_sum3A_999 = vector.shape_cast %reduce_sum3A_998 : vector<1xf32> to vector<1x1x1xf32>
      %reduce_sum3A_1000 = vector.extract %reduce_sum3A_999[0, 0, 0] : f32 from vector<1x1x1xf32>
      %swap3A_1001 = arith.constant 2 : index
      %swap3A_1002 = memref.load %arg13[%swap3A_1001] : memref<3xf32, #tpu.memory_space<smem>>
      memref.store %reduce_sum3A_1000, %arg13[%swap3A_1001] : memref<3xf32, #tpu.memory_space<smem>>
      %broadcast_in_dim3A_1003 = arith.constant 0.000000e+00 : f32
      %broadcast_in_dim3A_1004 = vector.broadcast %broadcast_in_dim3A_1003 : f32 to vector<8x1152xf32>
      %broadcast_in_dim3A_1005 = arith.constant 0.000000e+00 : f32
      %broadcast_in_dim3A_1006 = vector.broadcast %broadcast_in_dim3A_1005 : f32 to vector<8x1152xf32>
      %broadcast_in_dim3A_1007 = arith.constant 0.000000e+00 : f32
      %broadcast_in_dim3A_1008 = vector.broadcast %broadcast_in_dim3A_1007 : f32 to vector<8x1152xf32>
      %broadcast_in_dim3A_1009 = arith.constant 0.000000e+00 : f32
      %broadcast_in_dim3A_1010 = vector.broadcast %broadcast_in_dim3A_1009 : f32 to vector<8x1152xf32>
      %broadcast_in_dim3A_1011 = arith.constant 0.000000e+00 : f32
      %broadcast_in_dim3A_1012 = vector.broadcast %broadcast_in_dim3A_1011 : f32 to vector<8x1152xf32>
      %eq3A_1013 = arith.constant 0.000000e+00 : f32
      %eq3A_1014 = vector.broadcast %eq3A_1013 : f32 to vector<8x1152xf32>
      %eq3A_1015 = arith.cmpf oeq, %select_n3A_987, %eq3A_1014 : vector<8x1152xf32>
      %get3A_1016 = arith.constant 0 : index
      %get3A_1017 = arith.constant 2 : index
      %get3A_1018 = memref.load %arg1[%get3A_1016, %get3A_1017] : memref<20x8xf32, #tpu.memory_space<smem>>
      %broadcast_in_dim3A_1019 = vector.broadcast %get3A_1018 : f32 to vector<8x1152xf32>
      %select_n3A_1020 = arith.select %eq3A_1015, %broadcast_in_dim3A_1019, %broadcast_in_dim3A_1004 : vector<8x1152xi1>, vector<8x1152xf32>
      %get3A_1021 = arith.constant 0 : index
      %get3A_1022 = arith.constant 3 : index
      %get3A_1023 = memref.load %arg1[%get3A_1021, %get3A_1022] : memref<20x8xf32, #tpu.memory_space<smem>>
      %broadcast_in_dim3A_1024 = vector.broadcast %get3A_1023 : f32 to vector<8x1152xf32>
      %select_n3A_1025 = arith.select %eq3A_1015, %broadcast_in_dim3A_1024, %broadcast_in_dim3A_1006 : vector<8x1152xi1>, vector<8x1152xf32>
      %get3A_1026 = arith.constant 0 : index
      %get3A_1027 = arith.constant 4 : index
      %get3A_1028 = memref.load %arg1[%get3A_1026, %get3A_1027] : memref<20x8xf32, #tpu.memory_space<smem>>
      %broadcast_in_dim3A_1029 = vector.broadcast %get3A_1028 : f32 to vector<8x1152xf32>
      %select_n3A_1030 = arith.select %eq3A_1015, %broadcast_in_dim3A_1029, %broadcast_in_dim3A_1008 : vector<8x1152xi1>, vector<8x1152xf32>
      %get3A_1031 = arith.constant 0 : index
      %get3A_1032 = arith.constant 5 : index
      %get3A_1033 = memref.load %arg1[%get3A_1031, %get3A_1032] : memref<20x8xf32, #tpu.memory_space<smem>>
      %broadcast_in_dim3A_1034 = vector.broadcast %get3A_1033 : f32 to vector<8x1152xf32>
      %select_n3A_1035 = arith.select %eq3A_1015, %broadcast_in_dim3A_1034, %broadcast_in_dim3A_1010 : vector<8x1152xi1>, vector<8x1152xf32>
      %get3A_1036 = arith.constant 0 : index
      %get3A_1037 = arith.constant 1 : index
      %get3A_1038 = memref.load %arg1[%get3A_1036, %get3A_1037] : memref<20x8xf32, #tpu.memory_space<smem>>
      %broadcast_in_dim3A_1039 = vector.broadcast %get3A_1038 : f32 to vector<8x1152xf32>
      %select_n3A_1040 = arith.select %eq3A_1015, %broadcast_in_dim3A_1039, %broadcast_in_dim3A_1012 : vector<8x1152xi1>, vector<8x1152xf32>
      %eq3A_1041 = arith.constant 1.000000e+00 : f32
      %eq3A_1042 = vector.broadcast %eq3A_1041 : f32 to vector<8x1152xf32>
      %eq3A_1043 = arith.cmpf oeq, %select_n3A_987, %eq3A_1042 : vector<8x1152xf32>
      %get3A_1044 = arith.constant 1 : index
      %get3A_1045 = arith.constant 2 : index
      %get3A_1046 = memref.load %arg1[%get3A_1044, %get3A_1045] : memref<20x8xf32, #tpu.memory_space<smem>>
      %broadcast_in_dim3A_1047 = vector.broadcast %get3A_1046 : f32 to vector<8x1152xf32>
      %select_n3A_1048 = arith.select %eq3A_1043, %broadcast_in_dim3A_1047, %select_n3A_1020 : vector<8x1152xi1>, vector<8x1152xf32>
      %get3A_1049 = arith.constant 1 : index
      %get3A_1050 = arith.constant 3 : index
      %get3A_1051 = memref.load %arg1[%get3A_1049, %get3A_1050] : memref<20x8xf32, #tpu.memory_space<smem>>
      %broadcast_in_dim3A_1052 = vector.broadcast %get3A_1051 : f32 to vector<8x1152xf32>
      %select_n3A_1053 = arith.select %eq3A_1043, %broadcast_in_dim3A_1052, %select_n3A_1025 : vector<8x1152xi1>, vector<8x1152xf32>
      %get3A_1054 = arith.constant 1 : index
      %get3A_1055 = arith.constant 4 : index
      %get3A_1056 = memref.load %arg1[%get3A_1054, %get3A_1055] : memref<20x8xf32, #tpu.memory_space<smem>>
      %broadcast_in_dim3A_1057 = vector.broadcast %get3A_1056 : f32 to vector<8x1152xf32>
      %select_n3A_1058 = arith.select %eq3A_1043, %broadcast_in_dim3A_1057, %select_n3A_1030 : vector<8x1152xi1>, vector<8x1152xf32>
      %get3A_1059 = arith.constant 1 : index
      %get3A_1060 = arith.constant 5 : index
      %get3A_1061 = memref.load %arg1[%get3A_1059, %get3A_1060] : memref<20x8xf32, #tpu.memory_space<smem>>
      %broadcast_in_dim3A_1062 = vector.broadcast %get3A_1061 : f32 to vector<8x1152xf32>
      %select_n3A_1063 = arith.select %eq3A_1043, %broadcast_in_dim3A_1062, %select_n3A_1035 : vector<8x1152xi1>, vector<8x1152xf32>
      %get3A_1064 = arith.constant 1 : index
      %get3A_1065 = arith.constant 1 : index
      %get3A_1066 = memref.load %arg1[%get3A_1064, %get3A_1065] : memref<20x8xf32, #tpu.memory_space<smem>>
      %broadcast_in_dim3A_1067 = vector.broadcast %get3A_1066 : f32 to vector<8x1152xf32>
      %select_n3A_1068 = arith.select %eq3A_1043, %broadcast_in_dim3A_1067, %select_n3A_1040 : vector<8x1152xi1>, vector<8x1152xf32>
      %eq3A_1069 = arith.constant 2.000000e+00 : f32
      %eq3A_1070 = vector.broadcast %eq3A_1069 : f32 to vector<8x1152xf32>
      %eq3A_1071 = arith.cmpf oeq, %select_n3A_987, %eq3A_1070 : vector<8x1152xf32>
      %get3A_1072 = arith.constant 2 : index
      %get3A_1073 = arith.constant 2 : index
      %get3A_1074 = memref.load %arg1[%get3A_1072, %get3A_1073] : memref<20x8xf32, #tpu.memory_space<smem>>
      %broadcast_in_dim3A_1075 = vector.broadcast %get3A_1074 : f32 to vector<8x1152xf32>
      %select_n3A_1076 = arith.select %eq3A_1071, %broadcast_in_dim3A_1075, %select_n3A_1048 : vector<8x1152xi1>, vector<8x1152xf32>
      %get3A_1077 = arith.constant 2 : index
      %get3A_1078 = arith.constant 3 : index
      %get3A_1079 = memref.load %arg1[%get3A_1077, %get3A_1078] : memref<20x8xf32, #tpu.memory_space<smem>>
      %broadcast_in_dim3A_1080 = vector.broadcast %get3A_1079 : f32 to vector<8x1152xf32>
      %select_n3A_1081 = arith.select %eq3A_1071, %broadcast_in_dim3A_1080, %select_n3A_1053 : vector<8x1152xi1>, vector<8x1152xf32>
      %get3A_1082 = arith.constant 2 : index
      %get3A_1083 = arith.constant 4 : index
      %get3A_1084 = memref.load %arg1[%get3A_1082, %get3A_1083] : memref<20x8xf32, #tpu.memory_space<smem>>
      %broadcast_in_dim3A_1085 = vector.broadcast %get3A_1084 : f32 to vector<8x1152xf32>
      %select_n3A_1086 = arith.select %eq3A_1071, %broadcast_in_dim3A_1085, %select_n3A_1058 : vector<8x1152xi1>, vector<8x1152xf32>
      %get3A_1087 = arith.constant 2 : index
      %get3A_1088 = arith.constant 5 : index
      %get3A_1089 = memref.load %arg1[%get3A_1087, %get3A_1088] : memref<20x8xf32, #tpu.memory_space<smem>>
      %broadcast_in_dim3A_1090 = vector.broadcast %get3A_1089 : f32 to vector<8x1152xf32>
      %select_n3A_1091 = arith.select %eq3A_1071, %broadcast_in_dim3A_1090, %select_n3A_1063 : vector<8x1152xi1>, vector<8x1152xf32>
      %get3A_1092 = arith.constant 2 : index
      %get3A_1093 = arith.constant 1 : index
      %get3A_1094 = memref.load %arg1[%get3A_1092, %get3A_1093] : memref<20x8xf32, #tpu.memory_space<smem>>
      %broadcast_in_dim3A_1095 = vector.broadcast %get3A_1094 : f32 to vector<8x1152xf32>
      %select_n3A_1096 = arith.select %eq3A_1071, %broadcast_in_dim3A_1095, %select_n3A_1068 : vector<8x1152xi1>, vector<8x1152xf32>
      %eq3A_1097 = arith.constant 3.000000e+00 : f32
      %eq3A_1098 = vector.broadcast %eq3A_1097 : f32 to vector<8x1152xf32>
      %eq3A_1099 = arith.cmpf oeq, %select_n3A_987, %eq3A_1098 : vector<8x1152xf32>
      %get3A_1100 = arith.constant 3 : index
      %get3A_1101 = arith.constant 2 : index
      %get3A_1102 = memref.load %arg1[%get3A_1100, %get3A_1101] : memref<20x8xf32, #tpu.memory_space<smem>>
      %broadcast_in_dim3A_1103 = vector.broadcast %get3A_1102 : f32 to vector<8x1152xf32>
      %select_n3A_1104 = arith.select %eq3A_1099, %broadcast_in_dim3A_1103, %select_n3A_1076 : vector<8x1152xi1>, vector<8x1152xf32>
      %get3A_1105 = arith.constant 3 : index
      %get3A_1106 = arith.constant 3 : index
      %get3A_1107 = memref.load %arg1[%get3A_1105, %get3A_1106] : memref<20x8xf32, #tpu.memory_space<smem>>
      %broadcast_in_dim3A_1108 = vector.broadcast %get3A_1107 : f32 to vector<8x1152xf32>
      %select_n3A_1109 = arith.select %eq3A_1099, %broadcast_in_dim3A_1108, %select_n3A_1081 : vector<8x1152xi1>, vector<8x1152xf32>
      %get3A_1110 = arith.constant 3 : index
      %get3A_1111 = arith.constant 4 : index
      %get3A_1112 = memref.load %arg1[%get3A_1110, %get3A_1111] : memref<20x8xf32, #tpu.memory_space<smem>>
      %broadcast_in_dim3A_1113 = vector.broadcast %get3A_1112 : f32 to vector<8x1152xf32>
      %select_n3A_1114 = arith.select %eq3A_1099, %broadcast_in_dim3A_1113, %select_n3A_1086 : vector<8x1152xi1>, vector<8x1152xf32>
      %get3A_1115 = arith.constant 3 : index
      %get3A_1116 = arith.constant 5 : index
      %get3A_1117 = memref.load %arg1[%get3A_1115, %get3A_1116] : memref<20x8xf32, #tpu.memory_space<smem>>
      %broadcast_in_dim3A_1118 = vector.broadcast %get3A_1117 : f32 to vector<8x1152xf32>
      %select_n3A_1119 = arith.select %eq3A_1099, %broadcast_in_dim3A_1118, %select_n3A_1091 : vector<8x1152xi1>, vector<8x1152xf32>
      %get3A_1120 = arith.constant 3 : index
      %get3A_1121 = arith.constant 1 : index
      %get3A_1122 = memref.load %arg1[%get3A_1120, %get3A_1121] : memref<20x8xf32, #tpu.memory_space<smem>>
      %broadcast_in_dim3A_1123 = vector.broadcast %get3A_1122 : f32 to vector<8x1152xf32>
      %select_n3A_1124 = arith.select %eq3A_1099, %broadcast_in_dim3A_1123, %select_n3A_1096 : vector<8x1152xi1>, vector<8x1152xf32>
      %eq3A_1125 = arith.constant 4.000000e+00 : f32
      %eq3A_1126 = vector.broadcast %eq3A_1125 : f32 to vector<8x1152xf32>
      %eq3A_1127 = arith.cmpf oeq, %select_n3A_987, %eq3A_1126 : vector<8x1152xf32>
      %get3A_1128 = arith.constant 4 : index
      %get3A_1129 = arith.constant 2 : index
      %get3A_1130 = memref.load %arg1[%get3A_1128, %get3A_1129] : memref<20x8xf32, #tpu.memory_space<smem>>
      %broadcast_in_dim3A_1131 = vector.broadcast %get3A_1130 : f32 to vector<8x1152xf32>
      %select_n3A_1132 = arith.select %eq3A_1127, %broadcast_in_dim3A_1131, %select_n3A_1104 : vector<8x1152xi1>, vector<8x1152xf32>
      %get3A_1133 = arith.constant 4 : index
      %get3A_1134 = arith.constant 3 : index
      %get3A_1135 = memref.load %arg1[%get3A_1133, %get3A_1134] : memref<20x8xf32, #tpu.memory_space<smem>>
      %broadcast_in_dim3A_1136 = vector.broadcast %get3A_1135 : f32 to vector<8x1152xf32>
      %select_n3A_1137 = arith.select %eq3A_1127, %broadcast_in_dim3A_1136, %select_n3A_1109 : vector<8x1152xi1>, vector<8x1152xf32>
      %get3A_1138 = arith.constant 4 : index
      %get3A_1139 = arith.constant 4 : index
      %get3A_1140 = memref.load %arg1[%get3A_1138, %get3A_1139] : memref<20x8xf32, #tpu.memory_space<smem>>
      %broadcast_in_dim3A_1141 = vector.broadcast %get3A_1140 : f32 to vector<8x1152xf32>
      %select_n3A_1142 = arith.select %eq3A_1127, %broadcast_in_dim3A_1141, %select_n3A_1114 : vector<8x1152xi1>, vector<8x1152xf32>
      %get3A_1143 = arith.constant 4 : index
      %get3A_1144 = arith.constant 5 : index
      %get3A_1145 = memref.load %arg1[%get3A_1143, %get3A_1144] : memref<20x8xf32, #tpu.memory_space<smem>>
      %broadcast_in_dim3A_1146 = vector.broadcast %get3A_1145 : f32 to vector<8x1152xf32>
      %select_n3A_1147 = arith.select %eq3A_1127, %broadcast_in_dim3A_1146, %select_n3A_1119 : vector<8x1152xi1>, vector<8x1152xf32>
      %get3A_1148 = arith.constant 4 : index
      %get3A_1149 = arith.constant 1 : index
      %get3A_1150 = memref.load %arg1[%get3A_1148, %get3A_1149] : memref<20x8xf32, #tpu.memory_space<smem>>
      %broadcast_in_dim3A_1151 = vector.broadcast %get3A_1150 : f32 to vector<8x1152xf32>
      %select_n3A_1152 = arith.select %eq3A_1127, %broadcast_in_dim3A_1151, %select_n3A_1124 : vector<8x1152xi1>, vector<8x1152xf32>
      %eq3A_1153 = arith.constant 5.000000e+00 : f32
      %eq3A_1154 = vector.broadcast %eq3A_1153 : f32 to vector<8x1152xf32>
      %eq3A_1155 = arith.cmpf oeq, %select_n3A_987, %eq3A_1154 : vector<8x1152xf32>
      %get3A_1156 = arith.constant 5 : index
      %get3A_1157 = arith.constant 2 : index
      %get3A_1158 = memref.load %arg1[%get3A_1156, %get3A_1157] : memref<20x8xf32, #tpu.memory_space<smem>>
      %broadcast_in_dim3A_1159 = vector.broadcast %get3A_1158 : f32 to vector<8x1152xf32>
      %select_n3A_1160 = arith.select %eq3A_1155, %broadcast_in_dim3A_1159, %select_n3A_1132 : vector<8x1152xi1>, vector<8x1152xf32>
      %get3A_1161 = arith.constant 5 : index
      %get3A_1162 = arith.constant 3 : index
      %get3A_1163 = memref.load %arg1[%get3A_1161, %get3A_1162] : memref<20x8xf32, #tpu.memory_space<smem>>
      %broadcast_in_dim3A_1164 = vector.broadcast %get3A_1163 : f32 to vector<8x1152xf32>
      %select_n3A_1165 = arith.select %eq3A_1155, %broadcast_in_dim3A_1164, %select_n3A_1137 : vector<8x1152xi1>, vector<8x1152xf32>
      %get3A_1166 = arith.constant 5 : index
      %get3A_1167 = arith.constant 4 : index
      %get3A_1168 = memref.load %arg1[%get3A_1166, %get3A_1167] : memref<20x8xf32, #tpu.memory_space<smem>>
      %broadcast_in_dim3A_1169 = vector.broadcast %get3A_1168 : f32 to vector<8x1152xf32>
      %select_n3A_1170 = arith.select %eq3A_1155, %broadcast_in_dim3A_1169, %select_n3A_1142 : vector<8x1152xi1>, vector<8x1152xf32>
      %get3A_1171 = arith.constant 5 : index
      %get3A_1172 = arith.constant 5 : index
      %get3A_1173 = memref.load %arg1[%get3A_1171, %get3A_1172] : memref<20x8xf32, #tpu.memory_space<smem>>
      %broadcast_in_dim3A_1174 = vector.broadcast %get3A_1173 : f32 to vector<8x1152xf32>
      %select_n3A_1175 = arith.select %eq3A_1155, %broadcast_in_dim3A_1174, %select_n3A_1147 : vector<8x1152xi1>, vector<8x1152xf32>
      %get3A_1176 = arith.constant 5 : index
      %get3A_1177 = arith.constant 1 : index
      %get3A_1178 = memref.load %arg1[%get3A_1176, %get3A_1177] : memref<20x8xf32, #tpu.memory_space<smem>>
      %broadcast_in_dim3A_1179 = vector.broadcast %get3A_1178 : f32 to vector<8x1152xf32>
      %select_n3A_1180 = arith.select %eq3A_1155, %broadcast_in_dim3A_1179, %select_n3A_1152 : vector<8x1152xi1>, vector<8x1152xf32>
      %eq3A_1181 = arith.constant 6.000000e+00 : f32
      %eq3A_1182 = vector.broadcast %eq3A_1181 : f32 to vector<8x1152xf32>
      %eq3A_1183 = arith.cmpf oeq, %select_n3A_987, %eq3A_1182 : vector<8x1152xf32>
      %get3A_1184 = arith.constant 6 : index
      %get3A_1185 = arith.constant 2 : index
      %get3A_1186 = memref.load %arg1[%get3A_1184, %get3A_1185] : memref<20x8xf32, #tpu.memory_space<smem>>
      %broadcast_in_dim3A_1187 = vector.broadcast %get3A_1186 : f32 to vector<8x1152xf32>
      %select_n3A_1188 = arith.select %eq3A_1183, %broadcast_in_dim3A_1187, %select_n3A_1160 : vector<8x1152xi1>, vector<8x1152xf32>
      %get3A_1189 = arith.constant 6 : index
      %get3A_1190 = arith.constant 3 : index
      %get3A_1191 = memref.load %arg1[%get3A_1189, %get3A_1190] : memref<20x8xf32, #tpu.memory_space<smem>>
      %broadcast_in_dim3A_1192 = vector.broadcast %get3A_1191 : f32 to vector<8x1152xf32>
      %select_n3A_1193 = arith.select %eq3A_1183, %broadcast_in_dim3A_1192, %select_n3A_1165 : vector<8x1152xi1>, vector<8x1152xf32>
      %get3A_1194 = arith.constant 6 : index
      %get3A_1195 = arith.constant 4 : index
      %get3A_1196 = memref.load %arg1[%get3A_1194, %get3A_1195] : memref<20x8xf32, #tpu.memory_space<smem>>
      %broadcast_in_dim3A_1197 = vector.broadcast %get3A_1196 : f32 to vector<8x1152xf32>
      %select_n3A_1198 = arith.select %eq3A_1183, %broadcast_in_dim3A_1197, %select_n3A_1170 : vector<8x1152xi1>, vector<8x1152xf32>
      %get3A_1199 = arith.constant 6 : index
      %get3A_1200 = arith.constant 5 : index
      %get3A_1201 = memref.load %arg1[%get3A_1199, %get3A_1200] : memref<20x8xf32, #tpu.memory_space<smem>>
      %broadcast_in_dim3A_1202 = vector.broadcast %get3A_1201 : f32 to vector<8x1152xf32>
      %select_n3A_1203 = arith.select %eq3A_1183, %broadcast_in_dim3A_1202, %select_n3A_1175 : vector<8x1152xi1>, vector<8x1152xf32>
      %get3A_1204 = arith.constant 6 : index
      %get3A_1205 = arith.constant 1 : index
      %get3A_1206 = memref.load %arg1[%get3A_1204, %get3A_1205] : memref<20x8xf32, #tpu.memory_space<smem>>
      %broadcast_in_dim3A_1207 = vector.broadcast %get3A_1206 : f32 to vector<8x1152xf32>
      %select_n3A_1208 = arith.select %eq3A_1183, %broadcast_in_dim3A_1207, %select_n3A_1180 : vector<8x1152xi1>, vector<8x1152xf32>
      %eq3A_1209 = arith.constant 7.000000e+00 : f32
      %eq3A_1210 = vector.broadcast %eq3A_1209 : f32 to vector<8x1152xf32>
      %eq3A_1211 = arith.cmpf oeq, %select_n3A_987, %eq3A_1210 : vector<8x1152xf32>
      %get3A_1212 = arith.constant 7 : index
      %get3A_1213 = arith.constant 2 : index
      %get3A_1214 = memref.load %arg1[%get3A_1212, %get3A_1213] : memref<20x8xf32, #tpu.memory_space<smem>>
      %broadcast_in_dim3A_1215 = vector.broadcast %get3A_1214 : f32 to vector<8x1152xf32>
      %select_n3A_1216 = arith.select %eq3A_1211, %broadcast_in_dim3A_1215, %select_n3A_1188 : vector<8x1152xi1>, vector<8x1152xf32>
      %get3A_1217 = arith.constant 7 : index
      %get3A_1218 = arith.constant 3 : index
      %get3A_1219 = memref.load %arg1[%get3A_1217, %get3A_1218] : memref<20x8xf32, #tpu.memory_space<smem>>
      %broadcast_in_dim3A_1220 = vector.broadcast %get3A_1219 : f32 to vector<8x1152xf32>
      %select_n3A_1221 = arith.select %eq3A_1211, %broadcast_in_dim3A_1220, %select_n3A_1193 : vector<8x1152xi1>, vector<8x1152xf32>
      %get3A_1222 = arith.constant 7 : index
      %get3A_1223 = arith.constant 4 : index
      %get3A_1224 = memref.load %arg1[%get3A_1222, %get3A_1223] : memref<20x8xf32, #tpu.memory_space<smem>>
      %broadcast_in_dim3A_1225 = vector.broadcast %get3A_1224 : f32 to vector<8x1152xf32>
      %select_n3A_1226 = arith.select %eq3A_1211, %broadcast_in_dim3A_1225, %select_n3A_1198 : vector<8x1152xi1>, vector<8x1152xf32>
      %get3A_1227 = arith.constant 7 : index
      %get3A_1228 = arith.constant 5 : index
      %get3A_1229 = memref.load %arg1[%get3A_1227, %get3A_1228] : memref<20x8xf32, #tpu.memory_space<smem>>
      %broadcast_in_dim3A_1230 = vector.broadcast %get3A_1229 : f32 to vector<8x1152xf32>
      %select_n3A_1231 = arith.select %eq3A_1211, %broadcast_in_dim3A_1230, %select_n3A_1203 : vector<8x1152xi1>, vector<8x1152xf32>
      %get3A_1232 = arith.constant 7 : index
      %get3A_1233 = arith.constant 1 : index
      %get3A_1234 = memref.load %arg1[%get3A_1232, %get3A_1233] : memref<20x8xf32, #tpu.memory_space<smem>>
      %broadcast_in_dim3A_1235 = vector.broadcast %get3A_1234 : f32 to vector<8x1152xf32>
      %select_n3A_1236 = arith.select %eq3A_1211, %broadcast_in_dim3A_1235, %select_n3A_1208 : vector<8x1152xi1>, vector<8x1152xf32>
      %eq3A_1237 = arith.constant 8.000000e+00 : f32
      %eq3A_1238 = vector.broadcast %eq3A_1237 : f32 to vector<8x1152xf32>
      %eq3A_1239 = arith.cmpf oeq, %select_n3A_987, %eq3A_1238 : vector<8x1152xf32>
      %get3A_1240 = arith.constant 8 : index
      %get3A_1241 = arith.constant 2 : index
      %get3A_1242 = memref.load %arg1[%get3A_1240, %get3A_1241] : memref<20x8xf32, #tpu.memory_space<smem>>
      %broadcast_in_dim3A_1243 = vector.broadcast %get3A_1242 : f32 to vector<8x1152xf32>
      %select_n3A_1244 = arith.select %eq3A_1239, %broadcast_in_dim3A_1243, %select_n3A_1216 : vector<8x1152xi1>, vector<8x1152xf32>
      %get3A_1245 = arith.constant 8 : index
      %get3A_1246 = arith.constant 3 : index
      %get3A_1247 = memref.load %arg1[%get3A_1245, %get3A_1246] : memref<20x8xf32, #tpu.memory_space<smem>>
      %broadcast_in_dim3A_1248 = vector.broadcast %get3A_1247 : f32 to vector<8x1152xf32>
      %select_n3A_1249 = arith.select %eq3A_1239, %broadcast_in_dim3A_1248, %select_n3A_1221 : vector<8x1152xi1>, vector<8x1152xf32>
      %get3A_1250 = arith.constant 8 : index
      %get3A_1251 = arith.constant 4 : index
      %get3A_1252 = memref.load %arg1[%get3A_1250, %get3A_1251] : memref<20x8xf32, #tpu.memory_space<smem>>
      %broadcast_in_dim3A_1253 = vector.broadcast %get3A_1252 : f32 to vector<8x1152xf32>
      %select_n3A_1254 = arith.select %eq3A_1239, %broadcast_in_dim3A_1253, %select_n3A_1226 : vector<8x1152xi1>, vector<8x1152xf32>
      %get3A_1255 = arith.constant 8 : index
      %get3A_1256 = arith.constant 5 : index
      %get3A_1257 = memref.load %arg1[%get3A_1255, %get3A_1256] : memref<20x8xf32, #tpu.memory_space<smem>>
      %broadcast_in_dim3A_1258 = vector.broadcast %get3A_1257 : f32 to vector<8x1152xf32>
      %select_n3A_1259 = arith.select %eq3A_1239, %broadcast_in_dim3A_1258, %select_n3A_1231 : vector<8x1152xi1>, vector<8x1152xf32>
      %get3A_1260 = arith.constant 8 : index
      %get3A_1261 = arith.constant 1 : index
      %get3A_1262 = memref.load %arg1[%get3A_1260, %get3A_1261] : memref<20x8xf32, #tpu.memory_space<smem>>
      %broadcast_in_dim3A_1263 = vector.broadcast %get3A_1262 : f32 to vector<8x1152xf32>
      %select_n3A_1264 = arith.select %eq3A_1239, %broadcast_in_dim3A_1263, %select_n3A_1236 : vector<8x1152xi1>, vector<8x1152xf32>
      %eq3A_1265 = arith.constant 9.000000e+00 : f32
      %eq3A_1266 = vector.broadcast %eq3A_1265 : f32 to vector<8x1152xf32>
      %eq3A_1267 = arith.cmpf oeq, %select_n3A_987, %eq3A_1266 : vector<8x1152xf32>
      %get3A_1268 = arith.constant 9 : index
      %get3A_1269 = arith.constant 2 : index
      %get3A_1270 = memref.load %arg1[%get3A_1268, %get3A_1269] : memref<20x8xf32, #tpu.memory_space<smem>>
      %broadcast_in_dim3A_1271 = vector.broadcast %get3A_1270 : f32 to vector<8x1152xf32>
      %select_n3A_1272 = arith.select %eq3A_1267, %broadcast_in_dim3A_1271, %select_n3A_1244 : vector<8x1152xi1>, vector<8x1152xf32>
      %get3A_1273 = arith.constant 9 : index
      %get3A_1274 = arith.constant 3 : index
      %get3A_1275 = memref.load %arg1[%get3A_1273, %get3A_1274] : memref<20x8xf32, #tpu.memory_space<smem>>
      %broadcast_in_dim3A_1276 = vector.broadcast %get3A_1275 : f32 to vector<8x1152xf32>
      %select_n3A_1277 = arith.select %eq3A_1267, %broadcast_in_dim3A_1276, %select_n3A_1249 : vector<8x1152xi1>, vector<8x1152xf32>
      %get3A_1278 = arith.constant 9 : index
      %get3A_1279 = arith.constant 4 : index
      %get3A_1280 = memref.load %arg1[%get3A_1278, %get3A_1279] : memref<20x8xf32, #tpu.memory_space<smem>>
      %broadcast_in_dim3A_1281 = vector.broadcast %get3A_1280 : f32 to vector<8x1152xf32>
      %select_n3A_1282 = arith.select %eq3A_1267, %broadcast_in_dim3A_1281, %select_n3A_1254 : vector<8x1152xi1>, vector<8x1152xf32>
      %get3A_1283 = arith.constant 9 : index
      %get3A_1284 = arith.constant 5 : index
      %get3A_1285 = memref.load %arg1[%get3A_1283, %get3A_1284] : memref<20x8xf32, #tpu.memory_space<smem>>
      %broadcast_in_dim3A_1286 = vector.broadcast %get3A_1285 : f32 to vector<8x1152xf32>
      %select_n3A_1287 = arith.select %eq3A_1267, %broadcast_in_dim3A_1286, %select_n3A_1259 : vector<8x1152xi1>, vector<8x1152xf32>
      %get3A_1288 = arith.constant 9 : index
      %get3A_1289 = arith.constant 1 : index
      %get3A_1290 = memref.load %arg1[%get3A_1288, %get3A_1289] : memref<20x8xf32, #tpu.memory_space<smem>>
      %broadcast_in_dim3A_1291 = vector.broadcast %get3A_1290 : f32 to vector<8x1152xf32>
      %select_n3A_1292 = arith.select %eq3A_1267, %broadcast_in_dim3A_1291, %select_n3A_1264 : vector<8x1152xi1>, vector<8x1152xf32>
      %eq3A_1293 = arith.constant 1.000000e+01 : f32
      %eq3A_1294 = vector.broadcast %eq3A_1293 : f32 to vector<8x1152xf32>
      %eq3A_1295 = arith.cmpf oeq, %select_n3A_987, %eq3A_1294 : vector<8x1152xf32>
      %get3A_1296 = arith.constant 10 : index
      %get3A_1297 = arith.constant 2 : index
      %get3A_1298 = memref.load %arg1[%get3A_1296, %get3A_1297] : memref<20x8xf32, #tpu.memory_space<smem>>
      %broadcast_in_dim3A_1299 = vector.broadcast %get3A_1298 : f32 to vector<8x1152xf32>
      %select_n3A_1300 = arith.select %eq3A_1295, %broadcast_in_dim3A_1299, %select_n3A_1272 : vector<8x1152xi1>, vector<8x1152xf32>
      %get3A_1301 = arith.constant 10 : index
      %get3A_1302 = arith.constant 3 : index
      %get3A_1303 = memref.load %arg1[%get3A_1301, %get3A_1302] : memref<20x8xf32, #tpu.memory_space<smem>>
      %broadcast_in_dim3A_1304 = vector.broadcast %get3A_1303 : f32 to vector<8x1152xf32>
      %select_n3A_1305 = arith.select %eq3A_1295, %broadcast_in_dim3A_1304, %select_n3A_1277 : vector<8x1152xi1>, vector<8x1152xf32>
      %get3A_1306 = arith.constant 10 : index
      %get3A_1307 = arith.constant 4 : index
      %get3A_1308 = memref.load %arg1[%get3A_1306, %get3A_1307] : memref<20x8xf32, #tpu.memory_space<smem>>
      %broadcast_in_dim3A_1309 = vector.broadcast %get3A_1308 : f32 to vector<8x1152xf32>
      %select_n3A_1310 = arith.select %eq3A_1295, %broadcast_in_dim3A_1309, %select_n3A_1282 : vector<8x1152xi1>, vector<8x1152xf32>
      %get3A_1311 = arith.constant 10 : index
      %get3A_1312 = arith.constant 5 : index
      %get3A_1313 = memref.load %arg1[%get3A_1311, %get3A_1312] : memref<20x8xf32, #tpu.memory_space<smem>>
      %broadcast_in_dim3A_1314 = vector.broadcast %get3A_1313 : f32 to vector<8x1152xf32>
      %select_n3A_1315 = arith.select %eq3A_1295, %broadcast_in_dim3A_1314, %select_n3A_1287 : vector<8x1152xi1>, vector<8x1152xf32>
      %get3A_1316 = arith.constant 10 : index
      %get3A_1317 = arith.constant 1 : index
      %get3A_1318 = memref.load %arg1[%get3A_1316, %get3A_1317] : memref<20x8xf32, #tpu.memory_space<smem>>
      %broadcast_in_dim3A_1319 = vector.broadcast %get3A_1318 : f32 to vector<8x1152xf32>
      %select_n3A_1320 = arith.select %eq3A_1295, %broadcast_in_dim3A_1319, %select_n3A_1292 : vector<8x1152xi1>, vector<8x1152xf32>
      %eq3A_1321 = arith.constant 1.100000e+01 : f32
      %eq3A_1322 = vector.broadcast %eq3A_1321 : f32 to vector<8x1152xf32>
      %eq3A_1323 = arith.cmpf oeq, %select_n3A_987, %eq3A_1322 : vector<8x1152xf32>
      %get3A_1324 = arith.constant 11 : index
      %get3A_1325 = arith.constant 2 : index
      %get3A_1326 = memref.load %arg1[%get3A_1324, %get3A_1325] : memref<20x8xf32, #tpu.memory_space<smem>>
      %broadcast_in_dim3A_1327 = vector.broadcast %get3A_1326 : f32 to vector<8x1152xf32>
      %select_n3A_1328 = arith.select %eq3A_1323, %broadcast_in_dim3A_1327, %select_n3A_1300 : vector<8x1152xi1>, vector<8x1152xf32>
      %get3A_1329 = arith.constant 11 : index
      %get3A_1330 = arith.constant 3 : index
      %get3A_1331 = memref.load %arg1[%get3A_1329, %get3A_1330] : memref<20x8xf32, #tpu.memory_space<smem>>
      %broadcast_in_dim3A_1332 = vector.broadcast %get3A_1331 : f32 to vector<8x1152xf32>
      %select_n3A_1333 = arith.select %eq3A_1323, %broadcast_in_dim3A_1332, %select_n3A_1305 : vector<8x1152xi1>, vector<8x1152xf32>
      %get3A_1334 = arith.constant 11 : index
      %get3A_1335 = arith.constant 4 : index
      %get3A_1336 = memref.load %arg1[%get3A_1334, %get3A_1335] : memref<20x8xf32, #tpu.memory_space<smem>>
      %broadcast_in_dim3A_1337 = vector.broadcast %get3A_1336 : f32 to vector<8x1152xf32>
      %select_n3A_1338 = arith.select %eq3A_1323, %broadcast_in_dim3A_1337, %select_n3A_1310 : vector<8x1152xi1>, vector<8x1152xf32>
      %get3A_1339 = arith.constant 11 : index
      %get3A_1340 = arith.constant 5 : index
      %get3A_1341 = memref.load %arg1[%get3A_1339, %get3A_1340] : memref<20x8xf32, #tpu.memory_space<smem>>
      %broadcast_in_dim3A_1342 = vector.broadcast %get3A_1341 : f32 to vector<8x1152xf32>
      %select_n3A_1343 = arith.select %eq3A_1323, %broadcast_in_dim3A_1342, %select_n3A_1315 : vector<8x1152xi1>, vector<8x1152xf32>
      %get3A_1344 = arith.constant 11 : index
      %get3A_1345 = arith.constant 1 : index
      %get3A_1346 = memref.load %arg1[%get3A_1344, %get3A_1345] : memref<20x8xf32, #tpu.memory_space<smem>>
      %broadcast_in_dim3A_1347 = vector.broadcast %get3A_1346 : f32 to vector<8x1152xf32>
      %select_n3A_1348 = arith.select %eq3A_1323, %broadcast_in_dim3A_1347, %select_n3A_1320 : vector<8x1152xi1>, vector<8x1152xf32>
      %eq3A_1349 = arith.constant 1.200000e+01 : f32
      %eq3A_1350 = vector.broadcast %eq3A_1349 : f32 to vector<8x1152xf32>
      %eq3A_1351 = arith.cmpf oeq, %select_n3A_987, %eq3A_1350 : vector<8x1152xf32>
      %get3A_1352 = arith.constant 12 : index
      %get3A_1353 = arith.constant 2 : index
      %get3A_1354 = memref.load %arg1[%get3A_1352, %get3A_1353] : memref<20x8xf32, #tpu.memory_space<smem>>
      %broadcast_in_dim3A_1355 = vector.broadcast %get3A_1354 : f32 to vector<8x1152xf32>
      %select_n3A_1356 = arith.select %eq3A_1351, %broadcast_in_dim3A_1355, %select_n3A_1328 : vector<8x1152xi1>, vector<8x1152xf32>
      %get3A_1357 = arith.constant 12 : index
      %get3A_1358 = arith.constant 3 : index
      %get3A_1359 = memref.load %arg1[%get3A_1357, %get3A_1358] : memref<20x8xf32, #tpu.memory_space<smem>>
      %broadcast_in_dim3A_1360 = vector.broadcast %get3A_1359 : f32 to vector<8x1152xf32>
      %select_n3A_1361 = arith.select %eq3A_1351, %broadcast_in_dim3A_1360, %select_n3A_1333 : vector<8x1152xi1>, vector<8x1152xf32>
      %get3A_1362 = arith.constant 12 : index
      %get3A_1363 = arith.constant 4 : index
      %get3A_1364 = memref.load %arg1[%get3A_1362, %get3A_1363] : memref<20x8xf32, #tpu.memory_space<smem>>
      %broadcast_in_dim3A_1365 = vector.broadcast %get3A_1364 : f32 to vector<8x1152xf32>
      %select_n3A_1366 = arith.select %eq3A_1351, %broadcast_in_dim3A_1365, %select_n3A_1338 : vector<8x1152xi1>, vector<8x1152xf32>
      %get3A_1367 = arith.constant 12 : index
      %get3A_1368 = arith.constant 5 : index
      %get3A_1369 = memref.load %arg1[%get3A_1367, %get3A_1368] : memref<20x8xf32, #tpu.memory_space<smem>>
      %broadcast_in_dim3A_1370 = vector.broadcast %get3A_1369 : f32 to vector<8x1152xf32>
      %select_n3A_1371 = arith.select %eq3A_1351, %broadcast_in_dim3A_1370, %select_n3A_1343 : vector<8x1152xi1>, vector<8x1152xf32>
      %get3A_1372 = arith.constant 12 : index
      %get3A_1373 = arith.constant 1 : index
      %get3A_1374 = memref.load %arg1[%get3A_1372, %get3A_1373] : memref<20x8xf32, #tpu.memory_space<smem>>
      %broadcast_in_dim3A_1375 = vector.broadcast %get3A_1374 : f32 to vector<8x1152xf32>
      %select_n3A_1376 = arith.select %eq3A_1351, %broadcast_in_dim3A_1375, %select_n3A_1348 : vector<8x1152xi1>, vector<8x1152xf32>
      %eq3A_1377 = arith.constant 1.300000e+01 : f32
      %eq3A_1378 = vector.broadcast %eq3A_1377 : f32 to vector<8x1152xf32>
      %eq3A_1379 = arith.cmpf oeq, %select_n3A_987, %eq3A_1378 : vector<8x1152xf32>
      %get3A_1380 = arith.constant 13 : index
      %get3A_1381 = arith.constant 2 : index
      %get3A_1382 = memref.load %arg1[%get3A_1380, %get3A_1381] : memref<20x8xf32, #tpu.memory_space<smem>>
      %broadcast_in_dim3A_1383 = vector.broadcast %get3A_1382 : f32 to vector<8x1152xf32>
      %select_n3A_1384 = arith.select %eq3A_1379, %broadcast_in_dim3A_1383, %select_n3A_1356 : vector<8x1152xi1>, vector<8x1152xf32>
      %get3A_1385 = arith.constant 13 : index
      %get3A_1386 = arith.constant 3 : index
      %get3A_1387 = memref.load %arg1[%get3A_1385, %get3A_1386] : memref<20x8xf32, #tpu.memory_space<smem>>
      %broadcast_in_dim3A_1388 = vector.broadcast %get3A_1387 : f32 to vector<8x1152xf32>
      %select_n3A_1389 = arith.select %eq3A_1379, %broadcast_in_dim3A_1388, %select_n3A_1361 : vector<8x1152xi1>, vector<8x1152xf32>
      %get3A_1390 = arith.constant 13 : index
      %get3A_1391 = arith.constant 4 : index
      %get3A_1392 = memref.load %arg1[%get3A_1390, %get3A_1391] : memref<20x8xf32, #tpu.memory_space<smem>>
      %broadcast_in_dim3A_1393 = vector.broadcast %get3A_1392 : f32 to vector<8x1152xf32>
      %select_n3A_1394 = arith.select %eq3A_1379, %broadcast_in_dim3A_1393, %select_n3A_1366 : vector<8x1152xi1>, vector<8x1152xf32>
      %get3A_1395 = arith.constant 13 : index
      %get3A_1396 = arith.constant 5 : index
      %get3A_1397 = memref.load %arg1[%get3A_1395, %get3A_1396] : memref<20x8xf32, #tpu.memory_space<smem>>
      %broadcast_in_dim3A_1398 = vector.broadcast %get3A_1397 : f32 to vector<8x1152xf32>
      %select_n3A_1399 = arith.select %eq3A_1379, %broadcast_in_dim3A_1398, %select_n3A_1371 : vector<8x1152xi1>, vector<8x1152xf32>
      %get3A_1400 = arith.constant 13 : index
      %get3A_1401 = arith.constant 1 : index
      %get3A_1402 = memref.load %arg1[%get3A_1400, %get3A_1401] : memref<20x8xf32, #tpu.memory_space<smem>>
      %broadcast_in_dim3A_1403 = vector.broadcast %get3A_1402 : f32 to vector<8x1152xf32>
      %select_n3A_1404 = arith.select %eq3A_1379, %broadcast_in_dim3A_1403, %select_n3A_1376 : vector<8x1152xi1>, vector<8x1152xf32>
      %eq3A_1405 = arith.constant 1.400000e+01 : f32
      %eq3A_1406 = vector.broadcast %eq3A_1405 : f32 to vector<8x1152xf32>
      %eq3A_1407 = arith.cmpf oeq, %select_n3A_987, %eq3A_1406 : vector<8x1152xf32>
      %get3A_1408 = arith.constant 14 : index
      %get3A_1409 = arith.constant 2 : index
      %get3A_1410 = memref.load %arg1[%get3A_1408, %get3A_1409] : memref<20x8xf32, #tpu.memory_space<smem>>
      %broadcast_in_dim3A_1411 = vector.broadcast %get3A_1410 : f32 to vector<8x1152xf32>
      %select_n3A_1412 = arith.select %eq3A_1407, %broadcast_in_dim3A_1411, %select_n3A_1384 : vector<8x1152xi1>, vector<8x1152xf32>
      %get3A_1413 = arith.constant 14 : index
      %get3A_1414 = arith.constant 3 : index
      %get3A_1415 = memref.load %arg1[%get3A_1413, %get3A_1414] : memref<20x8xf32, #tpu.memory_space<smem>>
      %broadcast_in_dim3A_1416 = vector.broadcast %get3A_1415 : f32 to vector<8x1152xf32>
      %select_n3A_1417 = arith.select %eq3A_1407, %broadcast_in_dim3A_1416, %select_n3A_1389 : vector<8x1152xi1>, vector<8x1152xf32>
      %get3A_1418 = arith.constant 14 : index
      %get3A_1419 = arith.constant 4 : index
      %get3A_1420 = memref.load %arg1[%get3A_1418, %get3A_1419] : memref<20x8xf32, #tpu.memory_space<smem>>
      %broadcast_in_dim3A_1421 = vector.broadcast %get3A_1420 : f32 to vector<8x1152xf32>
      %select_n3A_1422 = arith.select %eq3A_1407, %broadcast_in_dim3A_1421, %select_n3A_1394 : vector<8x1152xi1>, vector<8x1152xf32>
      %get3A_1423 = arith.constant 14 : index
      %get3A_1424 = arith.constant 5 : index
      %get3A_1425 = memref.load %arg1[%get3A_1423, %get3A_1424] : memref<20x8xf32, #tpu.memory_space<smem>>
      %broadcast_in_dim3A_1426 = vector.broadcast %get3A_1425 : f32 to vector<8x1152xf32>
      %select_n3A_1427 = arith.select %eq3A_1407, %broadcast_in_dim3A_1426, %select_n3A_1399 : vector<8x1152xi1>, vector<8x1152xf32>
      %get3A_1428 = arith.constant 14 : index
      %get3A_1429 = arith.constant 1 : index
      %get3A_1430 = memref.load %arg1[%get3A_1428, %get3A_1429] : memref<20x8xf32, #tpu.memory_space<smem>>
      %broadcast_in_dim3A_1431 = vector.broadcast %get3A_1430 : f32 to vector<8x1152xf32>
      %select_n3A_1432 = arith.select %eq3A_1407, %broadcast_in_dim3A_1431, %select_n3A_1404 : vector<8x1152xi1>, vector<8x1152xf32>
      %eq3A_1433 = arith.constant 1.500000e+01 : f32
      %eq3A_1434 = vector.broadcast %eq3A_1433 : f32 to vector<8x1152xf32>
      %eq3A_1435 = arith.cmpf oeq, %select_n3A_987, %eq3A_1434 : vector<8x1152xf32>
      %get3A_1436 = arith.constant 15 : index
      %get3A_1437 = arith.constant 2 : index
      %get3A_1438 = memref.load %arg1[%get3A_1436, %get3A_1437] : memref<20x8xf32, #tpu.memory_space<smem>>
      %broadcast_in_dim3A_1439 = vector.broadcast %get3A_1438 : f32 to vector<8x1152xf32>
      %select_n3A_1440 = arith.select %eq3A_1435, %broadcast_in_dim3A_1439, %select_n3A_1412 : vector<8x1152xi1>, vector<8x1152xf32>
      %get3A_1441 = arith.constant 15 : index
      %get3A_1442 = arith.constant 3 : index
      %get3A_1443 = memref.load %arg1[%get3A_1441, %get3A_1442] : memref<20x8xf32, #tpu.memory_space<smem>>
      %broadcast_in_dim3A_1444 = vector.broadcast %get3A_1443 : f32 to vector<8x1152xf32>
      %select_n3A_1445 = arith.select %eq3A_1435, %broadcast_in_dim3A_1444, %select_n3A_1417 : vector<8x1152xi1>, vector<8x1152xf32>
      %get3A_1446 = arith.constant 15 : index
      %get3A_1447 = arith.constant 4 : index
      %get3A_1448 = memref.load %arg1[%get3A_1446, %get3A_1447] : memref<20x8xf32, #tpu.memory_space<smem>>
      %broadcast_in_dim3A_1449 = vector.broadcast %get3A_1448 : f32 to vector<8x1152xf32>
      %select_n3A_1450 = arith.select %eq3A_1435, %broadcast_in_dim3A_1449, %select_n3A_1422 : vector<8x1152xi1>, vector<8x1152xf32>
      %get3A_1451 = arith.constant 15 : index
      %get3A_1452 = arith.constant 5 : index
      %get3A_1453 = memref.load %arg1[%get3A_1451, %get3A_1452] : memref<20x8xf32, #tpu.memory_space<smem>>
      %broadcast_in_dim3A_1454 = vector.broadcast %get3A_1453 : f32 to vector<8x1152xf32>
      %select_n3A_1455 = arith.select %eq3A_1435, %broadcast_in_dim3A_1454, %select_n3A_1427 : vector<8x1152xi1>, vector<8x1152xf32>
      %get3A_1456 = arith.constant 15 : index
      %get3A_1457 = arith.constant 1 : index
      %get3A_1458 = memref.load %arg1[%get3A_1456, %get3A_1457] : memref<20x8xf32, #tpu.memory_space<smem>>
      %broadcast_in_dim3A_1459 = vector.broadcast %get3A_1458 : f32 to vector<8x1152xf32>
      %select_n3A_1460 = arith.select %eq3A_1435, %broadcast_in_dim3A_1459, %select_n3A_1432 : vector<8x1152xi1>, vector<8x1152xf32>
      %eq3A_1461 = arith.constant 1.600000e+01 : f32
      %eq3A_1462 = vector.broadcast %eq3A_1461 : f32 to vector<8x1152xf32>
      %eq3A_1463 = arith.cmpf oeq, %select_n3A_987, %eq3A_1462 : vector<8x1152xf32>
      %get3A_1464 = arith.constant 16 : index
      %get3A_1465 = arith.constant 2 : index
      %get3A_1466 = memref.load %arg1[%get3A_1464, %get3A_1465] : memref<20x8xf32, #tpu.memory_space<smem>>
      %broadcast_in_dim3A_1467 = vector.broadcast %get3A_1466 : f32 to vector<8x1152xf32>
      %select_n3A_1468 = arith.select %eq3A_1463, %broadcast_in_dim3A_1467, %select_n3A_1440 : vector<8x1152xi1>, vector<8x1152xf32>
      %get3A_1469 = arith.constant 16 : index
      %get3A_1470 = arith.constant 3 : index
      %get3A_1471 = memref.load %arg1[%get3A_1469, %get3A_1470] : memref<20x8xf32, #tpu.memory_space<smem>>
      %broadcast_in_dim3A_1472 = vector.broadcast %get3A_1471 : f32 to vector<8x1152xf32>
      %select_n3A_1473 = arith.select %eq3A_1463, %broadcast_in_dim3A_1472, %select_n3A_1445 : vector<8x1152xi1>, vector<8x1152xf32>
      %get3A_1474 = arith.constant 16 : index
      %get3A_1475 = arith.constant 4 : index
      %get3A_1476 = memref.load %arg1[%get3A_1474, %get3A_1475] : memref<20x8xf32, #tpu.memory_space<smem>>
      %broadcast_in_dim3A_1477 = vector.broadcast %get3A_1476 : f32 to vector<8x1152xf32>
      %select_n3A_1478 = arith.select %eq3A_1463, %broadcast_in_dim3A_1477, %select_n3A_1450 : vector<8x1152xi1>, vector<8x1152xf32>
      %get3A_1479 = arith.constant 16 : index
      %get3A_1480 = arith.constant 5 : index
      %get3A_1481 = memref.load %arg1[%get3A_1479, %get3A_1480] : memref<20x8xf32, #tpu.memory_space<smem>>
      %broadcast_in_dim3A_1482 = vector.broadcast %get3A_1481 : f32 to vector<8x1152xf32>
      %select_n3A_1483 = arith.select %eq3A_1463, %broadcast_in_dim3A_1482, %select_n3A_1455 : vector<8x1152xi1>, vector<8x1152xf32>
      %get3A_1484 = arith.constant 16 : index
      %get3A_1485 = arith.constant 1 : index
      %get3A_1486 = memref.load %arg1[%get3A_1484, %get3A_1485] : memref<20x8xf32, #tpu.memory_space<smem>>
      %broadcast_in_dim3A_1487 = vector.broadcast %get3A_1486 : f32 to vector<8x1152xf32>
      %select_n3A_1488 = arith.select %eq3A_1463, %broadcast_in_dim3A_1487, %select_n3A_1460 : vector<8x1152xi1>, vector<8x1152xf32>
      %eq3A_1489 = arith.constant 1.700000e+01 : f32
      %eq3A_1490 = vector.broadcast %eq3A_1489 : f32 to vector<8x1152xf32>
      %eq3A_1491 = arith.cmpf oeq, %select_n3A_987, %eq3A_1490 : vector<8x1152xf32>
      %get3A_1492 = arith.constant 17 : index
      %get3A_1493 = arith.constant 2 : index
      %get3A_1494 = memref.load %arg1[%get3A_1492, %get3A_1493] : memref<20x8xf32, #tpu.memory_space<smem>>
      %broadcast_in_dim3A_1495 = vector.broadcast %get3A_1494 : f32 to vector<8x1152xf32>
      %select_n3A_1496 = arith.select %eq3A_1491, %broadcast_in_dim3A_1495, %select_n3A_1468 : vector<8x1152xi1>, vector<8x1152xf32>
      %get3A_1497 = arith.constant 17 : index
      %get3A_1498 = arith.constant 3 : index
      %get3A_1499 = memref.load %arg1[%get3A_1497, %get3A_1498] : memref<20x8xf32, #tpu.memory_space<smem>>
      %broadcast_in_dim3A_1500 = vector.broadcast %get3A_1499 : f32 to vector<8x1152xf32>
      %select_n3A_1501 = arith.select %eq3A_1491, %broadcast_in_dim3A_1500, %select_n3A_1473 : vector<8x1152xi1>, vector<8x1152xf32>
      %get3A_1502 = arith.constant 17 : index
      %get3A_1503 = arith.constant 4 : index
      %get3A_1504 = memref.load %arg1[%get3A_1502, %get3A_1503] : memref<20x8xf32, #tpu.memory_space<smem>>
      %broadcast_in_dim3A_1505 = vector.broadcast %get3A_1504 : f32 to vector<8x1152xf32>
      %select_n3A_1506 = arith.select %eq3A_1491, %broadcast_in_dim3A_1505, %select_n3A_1478 : vector<8x1152xi1>, vector<8x1152xf32>
      %get3A_1507 = arith.constant 17 : index
      %get3A_1508 = arith.constant 5 : index
      %get3A_1509 = memref.load %arg1[%get3A_1507, %get3A_1508] : memref<20x8xf32, #tpu.memory_space<smem>>
      %broadcast_in_dim3A_1510 = vector.broadcast %get3A_1509 : f32 to vector<8x1152xf32>
      %select_n3A_1511 = arith.select %eq3A_1491, %broadcast_in_dim3A_1510, %select_n3A_1483 : vector<8x1152xi1>, vector<8x1152xf32>
      %get3A_1512 = arith.constant 17 : index
      %get3A_1513 = arith.constant 1 : index
      %get3A_1514 = memref.load %arg1[%get3A_1512, %get3A_1513] : memref<20x8xf32, #tpu.memory_space<smem>>
      %broadcast_in_dim3A_1515 = vector.broadcast %get3A_1514 : f32 to vector<8x1152xf32>
      %select_n3A_1516 = arith.select %eq3A_1491, %broadcast_in_dim3A_1515, %select_n3A_1488 : vector<8x1152xi1>, vector<8x1152xf32>
      %eq3A_1517 = arith.constant 1.800000e+01 : f32
      %eq3A_1518 = vector.broadcast %eq3A_1517 : f32 to vector<8x1152xf32>
      %eq3A_1519 = arith.cmpf oeq, %select_n3A_987, %eq3A_1518 : vector<8x1152xf32>
      %get3A_1520 = arith.constant 18 : index
      %get3A_1521 = arith.constant 2 : index
      %get3A_1522 = memref.load %arg1[%get3A_1520, %get3A_1521] : memref<20x8xf32, #tpu.memory_space<smem>>
      %broadcast_in_dim3A_1523 = vector.broadcast %get3A_1522 : f32 to vector<8x1152xf32>
      %select_n3A_1524 = arith.select %eq3A_1519, %broadcast_in_dim3A_1523, %select_n3A_1496 : vector<8x1152xi1>, vector<8x1152xf32>
      %get3A_1525 = arith.constant 18 : index
      %get3A_1526 = arith.constant 3 : index
      %get3A_1527 = memref.load %arg1[%get3A_1525, %get3A_1526] : memref<20x8xf32, #tpu.memory_space<smem>>
      %broadcast_in_dim3A_1528 = vector.broadcast %get3A_1527 : f32 to vector<8x1152xf32>
      %select_n3A_1529 = arith.select %eq3A_1519, %broadcast_in_dim3A_1528, %select_n3A_1501 : vector<8x1152xi1>, vector<8x1152xf32>
      %get3A_1530 = arith.constant 18 : index
      %get3A_1531 = arith.constant 4 : index
      %get3A_1532 = memref.load %arg1[%get3A_1530, %get3A_1531] : memref<20x8xf32, #tpu.memory_space<smem>>
      %broadcast_in_dim3A_1533 = vector.broadcast %get3A_1532 : f32 to vector<8x1152xf32>
      %select_n3A_1534 = arith.select %eq3A_1519, %broadcast_in_dim3A_1533, %select_n3A_1506 : vector<8x1152xi1>, vector<8x1152xf32>
      %get3A_1535 = arith.constant 18 : index
      %get3A_1536 = arith.constant 5 : index
      %get3A_1537 = memref.load %arg1[%get3A_1535, %get3A_1536] : memref<20x8xf32, #tpu.memory_space<smem>>
      %broadcast_in_dim3A_1538 = vector.broadcast %get3A_1537 : f32 to vector<8x1152xf32>
      %select_n3A_1539 = arith.select %eq3A_1519, %broadcast_in_dim3A_1538, %select_n3A_1511 : vector<8x1152xi1>, vector<8x1152xf32>
      %get3A_1540 = arith.constant 18 : index
      %get3A_1541 = arith.constant 1 : index
      %get3A_1542 = memref.load %arg1[%get3A_1540, %get3A_1541] : memref<20x8xf32, #tpu.memory_space<smem>>
      %broadcast_in_dim3A_1543 = vector.broadcast %get3A_1542 : f32 to vector<8x1152xf32>
      %select_n3A_1544 = arith.select %eq3A_1519, %broadcast_in_dim3A_1543, %select_n3A_1516 : vector<8x1152xi1>, vector<8x1152xf32>
      %eq3A_1545 = arith.constant 1.900000e+01 : f32
      %eq3A_1546 = vector.broadcast %eq3A_1545 : f32 to vector<8x1152xf32>
      %eq3A_1547 = arith.cmpf oeq, %select_n3A_987, %eq3A_1546 : vector<8x1152xf32>
      %get3A_1548 = arith.constant 19 : index
      %get3A_1549 = arith.constant 2 : index
      %get3A_1550 = memref.load %arg1[%get3A_1548, %get3A_1549] : memref<20x8xf32, #tpu.memory_space<smem>>
      %broadcast_in_dim3A_1551 = vector.broadcast %get3A_1550 : f32 to vector<8x1152xf32>
      %select_n3A_1552 = arith.select %eq3A_1547, %broadcast_in_dim3A_1551, %select_n3A_1524 : vector<8x1152xi1>, vector<8x1152xf32>
      %get3A_1553 = arith.constant 19 : index
      %get3A_1554 = arith.constant 3 : index
      %get3A_1555 = memref.load %arg1[%get3A_1553, %get3A_1554] : memref<20x8xf32, #tpu.memory_space<smem>>
      %broadcast_in_dim3A_1556 = vector.broadcast %get3A_1555 : f32 to vector<8x1152xf32>
      %select_n3A_1557 = arith.select %eq3A_1547, %broadcast_in_dim3A_1556, %select_n3A_1529 : vector<8x1152xi1>, vector<8x1152xf32>
      %get3A_1558 = arith.constant 19 : index
      %get3A_1559 = arith.constant 4 : index
      %get3A_1560 = memref.load %arg1[%get3A_1558, %get3A_1559] : memref<20x8xf32, #tpu.memory_space<smem>>
      %broadcast_in_dim3A_1561 = vector.broadcast %get3A_1560 : f32 to vector<8x1152xf32>
      %select_n3A_1562 = arith.select %eq3A_1547, %broadcast_in_dim3A_1561, %select_n3A_1534 : vector<8x1152xi1>, vector<8x1152xf32>
      %get3A_1563 = arith.constant 19 : index
      %get3A_1564 = arith.constant 5 : index
      %get3A_1565 = memref.load %arg1[%get3A_1563, %get3A_1564] : memref<20x8xf32, #tpu.memory_space<smem>>
      %broadcast_in_dim3A_1566 = vector.broadcast %get3A_1565 : f32 to vector<8x1152xf32>
      %select_n3A_1567 = arith.select %eq3A_1547, %broadcast_in_dim3A_1566, %select_n3A_1539 : vector<8x1152xi1>, vector<8x1152xf32>
      %get3A_1568 = arith.constant 19 : index
      %get3A_1569 = arith.constant 1 : index
      %get3A_1570 = memref.load %arg1[%get3A_1568, %get3A_1569] : memref<20x8xf32, #tpu.memory_space<smem>>
      %broadcast_in_dim3A_1571 = vector.broadcast %get3A_1570 : f32 to vector<8x1152xf32>
      %select_n3A_1572 = arith.select %eq3A_1547, %broadcast_in_dim3A_1571, %select_n3A_1544 : vector<8x1152xi1>, vector<8x1152xf32>
      %get3A_1573 = arith.constant 0 : index
      %get3A_1574 = arith.constant 0 : index
      %get3A_1575 = arith.constant 0 : index
      %get3A_1576 = vector.load %arg2[%get3A_1573, %get3A_1574, %get3A_1575] : memref<4x8x1152xf32, #tpu.memory_space<vmem>>, vector<1x8x1152xf32>
      %get3A_1577 = vector.shape_cast %get3A_1576 : vector<1x8x1152xf32> to vector<8x1152xf32>
      %get3A_1578 = arith.constant 1 : index
      %get3A_1579 = arith.constant 0 : index
      %get3A_1580 = arith.constant 0 : index
      %get3A_1581 = vector.load %arg2[%get3A_1578, %get3A_1579, %get3A_1580] : memref<4x8x1152xf32, #tpu.memory_space<vmem>>, vector<1x8x1152xf32>
      %get3A_1582 = vector.shape_cast %get3A_1581 : vector<1x8x1152xf32> to vector<8x1152xf32>
      %get3A_1583 = arith.constant 2 : index
      %get3A_1584 = arith.constant 0 : index
      %get3A_1585 = arith.constant 0 : index
      %get3A_1586 = vector.load %arg2[%get3A_1583, %get3A_1584, %get3A_1585] : memref<4x8x1152xf32, #tpu.memory_space<vmem>>, vector<1x8x1152xf32>
      %get3A_1587 = vector.shape_cast %get3A_1586 : vector<1x8x1152xf32> to vector<8x1152xf32>
      %get3A_1588 = arith.constant 3 : index
      %get3A_1589 = arith.constant 0 : index
      %get3A_1590 = arith.constant 0 : index
      %get3A_1591 = vector.load %arg2[%get3A_1588, %get3A_1589, %get3A_1590] : memref<4x8x1152xf32, #tpu.memory_space<vmem>>, vector<1x8x1152xf32>
      %get3A_1592 = vector.shape_cast %get3A_1591 : vector<1x8x1152xf32> to vector<8x1152xf32>
      %gt3A = arith.constant 0.000000e+00 : f32
      %gt3A_1593 = vector.broadcast %gt3A : f32 to vector<8x1152xf32>
      %gt3A_1594 = arith.cmpf ogt, %get3A_1587, %gt3A_1593 : vector<8x1152xf32>
      %jit3A_1595 = arith.constant 1.000000e+00 : f32
      %broadcast_in_dim3A_1596 = vector.broadcast %jit3A_1595 : f32 to vector<8x1152xf32>
      %select_n3A_1597 = arith.select %gt3A_1594, %get3A_1587, %broadcast_in_dim3A_1596 : vector<8x1152xi1>, vector<8x1152xf32>
      %gt3A_1598 = arith.constant 0.000000e+00 : f32
      %gt3A_1599 = vector.broadcast %gt3A_1598 : f32 to vector<8x1152xf32>
      %gt3A_1600 = arith.cmpf ogt, %get3A_1592, %gt3A_1599 : vector<8x1152xf32>
      %jit3A_1601 = arith.constant 1.000000e+00 : f32
      %broadcast_in_dim3A_1602 = vector.broadcast %jit3A_1601 : f32 to vector<8x1152xf32>
      %select_n3A_1603 = arith.select %gt3A_1600, %get3A_1592, %broadcast_in_dim3A_1602 : vector<8x1152xi1>, vector<8x1152xf32>
      %sub3A_1604 = arith.subf %select_n3A_1552, %get3A_1577 : vector<8x1152xf32>
      %mul3A_1605 = arith.constant 1.000000e-01 : f32
      %mul3A_1606 = vector.broadcast %mul3A_1605 : f32 to vector<8x1152xf32>
      %mul3A_1607 = arith.mulf %select_n3A_1597, %mul3A_1606 : vector<8x1152xf32>
      %div3A_1608 = arith.divf %sub3A_1604, %mul3A_1607 : vector<8x1152xf32>
      %swap3A_1609 = arith.constant 0 : index
      %swap3A_1610 = arith.constant 0 : index
      %swap3A_1611 = arith.constant 0 : index
      %swap3A_1612 = vector.load %arg12[%swap3A_1609, %swap3A_1610, %swap3A_1611] : memref<4x8x1152xf32, #tpu.memory_space<vmem>>, vector<1x8x1152xf32>
      %swap3A_1613 = vector.shape_cast %swap3A_1612 : vector<1x8x1152xf32> to vector<8x1152xf32>
      %swap3A_1614 = vector.shape_cast %div3A_1608 : vector<8x1152xf32> to vector<1x8x1152xf32>
      tpu.vector_store %arg12[%swap3A_1609, %swap3A_1610, %swap3A_1611], %swap3A_1614 {strides = array<i32>} : memref<4x8x1152xf32, #tpu.memory_space<vmem>>, vector<1x8x1152xf32>,
      %sub3A_1615 = arith.subf %select_n3A_1557, %get3A_1582 : vector<8x1152xf32>
      %mul3A_1616 = arith.constant 1.000000e-01 : f32
      %mul3A_1617 = vector.broadcast %mul3A_1616 : f32 to vector<8x1152xf32>
      %mul3A_1618 = arith.mulf %select_n3A_1603, %mul3A_1617 : vector<8x1152xf32>
      %div3A_1619 = arith.divf %sub3A_1615, %mul3A_1618 : vector<8x1152xf32>
      %swap3A_1620 = arith.constant 1 : index
      %swap3A_1621 = arith.constant 0 : index
      %swap3A_1622 = arith.constant 0 : index
      %swap3A_1623 = vector.load %arg12[%swap3A_1620, %swap3A_1621, %swap3A_1622] : memref<4x8x1152xf32, #tpu.memory_space<vmem>>, vector<1x8x1152xf32>
      %swap3A_1624 = vector.shape_cast %swap3A_1623 : vector<1x8x1152xf32> to vector<8x1152xf32>
      %swap3A_1625 = vector.shape_cast %div3A_1619 : vector<8x1152xf32> to vector<1x8x1152xf32>
      tpu.vector_store %arg12[%swap3A_1620, %swap3A_1621, %swap3A_1622], %swap3A_1625 {strides = array<i32>} : memref<4x8x1152xf32, #tpu.memory_space<vmem>>, vector<1x8x1152xf32>,
      %gt3A_1626 = arith.constant 0.000000e+00 : f32
      %gt3A_1627 = vector.broadcast %gt3A_1626 : f32 to vector<8x1152xf32>
      %gt3A_1628 = arith.cmpf ogt, %select_n3A_1562, %gt3A_1627 : vector<8x1152xf32>
      %jit3A_1629 = arith.constant 1.000000e+00 : f32
      %broadcast_in_dim3A_1630 = vector.broadcast %jit3A_1629 : f32 to vector<8x1152xf32>
      %select_n3A_1631 = arith.select %gt3A_1628, %select_n3A_1562, %broadcast_in_dim3A_1630 : vector<8x1152xi1>, vector<8x1152xf32>
      %div3A_1632 = arith.divf %select_n3A_1631, %select_n3A_1597 : vector<8x1152xf32>
      %log3A_1633 = math.log %div3A_1632 : vector<8x1152xf32>
      %mul3A_1634 = arith.constant 5.000000e+00 : f32
      %mul3A_1635 = vector.broadcast %mul3A_1634 : f32 to vector<8x1152xf32>
      %mul3A_1636 = arith.mulf %log3A_1633, %mul3A_1635 : vector<8x1152xf32>
      %swap3A_1637 = arith.constant 2 : index
      %swap3A_1638 = arith.constant 0 : index
      %swap3A_1639 = arith.constant 0 : index
      %swap3A_1640 = vector.load %arg12[%swap3A_1637, %swap3A_1638, %swap3A_1639] : memref<4x8x1152xf32, #tpu.memory_space<vmem>>, vector<1x8x1152xf32>
      %swap3A_1641 = vector.shape_cast %swap3A_1640 : vector<1x8x1152xf32> to vector<8x1152xf32>
      %swap3A_1642 = vector.shape_cast %mul3A_1636 : vector<8x1152xf32> to vector<1x8x1152xf32>
      tpu.vector_store %arg12[%swap3A_1637, %swap3A_1638, %swap3A_1639], %swap3A_1642 {strides = array<i32>} : memref<4x8x1152xf32, #tpu.memory_space<vmem>>, vector<1x8x1152xf32>,
      %gt3A_1643 = arith.constant 0.000000e+00 : f32
      %gt3A_1644 = vector.broadcast %gt3A_1643 : f32 to vector<8x1152xf32>
      %gt3A_1645 = arith.cmpf ogt, %select_n3A_1567, %gt3A_1644 : vector<8x1152xf32>
      %jit3A_1646 = arith.constant 1.000000e+00 : f32
      %broadcast_in_dim3A_1647 = vector.broadcast %jit3A_1646 : f32 to vector<8x1152xf32>
      %select_n3A_1648 = arith.select %gt3A_1645, %select_n3A_1567, %broadcast_in_dim3A_1647 : vector<8x1152xi1>, vector<8x1152xf32>
      %div3A_1649 = arith.divf %select_n3A_1648, %select_n3A_1603 : vector<8x1152xf32>
      %log3A_1650 = math.log %div3A_1649 : vector<8x1152xf32>
      %mul3A_1651 = arith.constant 5.000000e+00 : f32
      %mul3A_1652 = vector.broadcast %mul3A_1651 : f32 to vector<8x1152xf32>
      %mul3A_1653 = arith.mulf %log3A_1650, %mul3A_1652 : vector<8x1152xf32>
      %swap3A_1654 = arith.constant 3 : index
      %swap3A_1655 = arith.constant 0 : index
      %swap3A_1656 = arith.constant 0 : index
      %swap3A_1657 = vector.load %arg12[%swap3A_1654, %swap3A_1655, %swap3A_1656] : memref<4x8x1152xf32, #tpu.memory_space<vmem>>, vector<1x8x1152xf32>
      %swap3A_1658 = vector.shape_cast %swap3A_1657 : vector<1x8x1152xf32> to vector<8x1152xf32>
      %swap3A_1659 = vector.shape_cast %mul3A_1653 : vector<8x1152xf32> to vector<1x8x1152xf32>
      tpu.vector_store %arg12[%swap3A_1654, %swap3A_1655, %swap3A_1656], %swap3A_1659 {strides = array<i32>} : memref<4x8x1152xf32, #tpu.memory_space<vmem>>, vector<1x8x1152xf32>,
      %sub3A_1660 = arith.constant 1.000000e+00 : f32
      %sub3A_1661 = vector.broadcast %sub3A_1660 : f32 to vector<8x1152xf32>
      %sub3A_1662 = arith.subf %select_n3A_1572, %sub3A_1661 : vector<8x1152xf32>
      %jit3A_1663 = arith.constant -1.000000e+00 : f32
      %broadcast_in_dim3A_1664 = vector.broadcast %jit3A_1663 : f32 to vector<8x1152xf32>
      %select_n3A_1665 = arith.select %or3A_984, %sub3A_1662, %broadcast_in_dim3A_1664 : vector<8x1152xi1>, vector<8x1152xf32>
      %swap3A_1666 = arith.constant 0 : index
      %swap3A_1667 = arith.constant 0 : index
      %swap3A_1668 = vector.load %arg11[%swap3A_1666, %swap3A_1667] : memref<8x1152xf32, #tpu.memory_space<vmem>>, vector<8x1152xf32>
      tpu.vector_store %arg11[%swap3A_1666, %swap3A_1667], %select_n3A_1665 {strides = array<i32>} : memref<8x1152xf32, #tpu.memory_space<vmem>>, vector<8x1152xf32>,
      %swap3A_1669 = arith.constant 0 : index
      %swap3A_1670 = arith.constant 0 : index
      %swap3A_1671 = vector.load %arg10[%swap3A_1669, %swap3A_1670] : memref<8x1152xf32, #tpu.memory_space<vmem>>, vector<8x1152xf32>
      tpu.vector_store %arg10[%swap3A_1669, %swap3A_1670], %convert_element_type3A_989 {strides = array<i32>} : memref<8x1152xf32, #tpu.memory_space<vmem>>, vector<8x1152xf32>,
    } else {
    }
    %get3A = arith.constant 0 : index
    %get3A_2 = arith.constant 0 : index
    %get3A_3 = vector.load %arg10[%get3A, %get3A_2] : memref<8x1152xf32, #tpu.memory_space<vmem>>, vector<8x1152xf32>
    %get3A_4 = arith.constant 0 : index
    %get3A_5 = arith.constant 0 : index
    %get3A_6 = vector.load %arg11[%get3A_4, %get3A_5] : memref<8x1152xf32, #tpu.memory_space<vmem>>, vector<8x1152xf32>
    %get3A_7 = arith.constant 0 : index
    %get3A_8 = arith.constant 0 : index
    %get3A_9 = arith.constant 0 : index
    %get3A_10 = arith.constant 0 : index
    %get3A_11 = vector.load %arg7[%get3A_7, %get3A_8, %get3A_9, %get3A_10] : memref<1x21x8x1152xf32, #tpu.memory_space<vmem>>, vector<1x1x8x1152xf32>
    %get3A_12 = vector.shape_cast %get3A_11 : vector<1x1x8x1152xf32> to vector<8x1152xf32>
    %get3A_13 = arith.constant 0 : index
    %get3A_14 = arith.constant 1 : index
    %get3A_15 = arith.constant 0 : index
    %get3A_16 = arith.constant 0 : index
    %get3A_17 = vector.load %arg7[%get3A_13, %get3A_14, %get3A_15, %get3A_16] : memref<1x21x8x1152xf32, #tpu.memory_space<vmem>>, vector<1x1x8x1152xf32>
    %get3A_18 = vector.shape_cast %get3A_17 : vector<1x1x8x1152xf32> to vector<8x1152xf32>
    %get3A_19 = arith.constant 0 : index
    %get3A_20 = arith.constant 2 : index
    %get3A_21 = arith.constant 0 : index
    %get3A_22 = arith.constant 0 : index
    %get3A_23 = vector.load %arg7[%get3A_19, %get3A_20, %get3A_21, %get3A_22] : memref<1x21x8x1152xf32, #tpu.memory_space<vmem>>, vector<1x1x8x1152xf32>
    %get3A_24 = vector.shape_cast %get3A_23 : vector<1x1x8x1152xf32> to vector<8x1152xf32>
    %get3A_25 = arith.constant 0 : index
    %get3A_26 = arith.constant 3 : index
    %get3A_27 = arith.constant 0 : index
    %get3A_28 = arith.constant 0 : index
    %get3A_29 = vector.load %arg7[%get3A_25, %get3A_26, %get3A_27, %get3A_28] : memref<1x21x8x1152xf32, #tpu.memory_space<vmem>>, vector<1x1x8x1152xf32>
    %get3A_30 = vector.shape_cast %get3A_29 : vector<1x1x8x1152xf32> to vector<8x1152xf32>
    %get3A_31 = arith.constant 0 : index
    %get3A_32 = arith.constant 4 : index
    %get3A_33 = arith.constant 0 : index
    %get3A_34 = arith.constant 0 : index
    %get3A_35 = vector.load %arg7[%get3A_31, %get3A_32, %get3A_33, %get3A_34] : memref<1x21x8x1152xf32, #tpu.memory_space<vmem>>, vector<1x1x8x1152xf32>
    %get3A_36 = vector.shape_cast %get3A_35 : vector<1x1x8x1152xf32> to vector<8x1152xf32>
    %get3A_37 = arith.constant 0 : index
    %get3A_38 = arith.constant 5 : index
    %get3A_39 = arith.constant 0 : index
    %get3A_40 = arith.constant 0 : index
    %get3A_41 = vector.load %arg7[%get3A_37, %get3A_38, %get3A_39, %get3A_40] : memref<1x21x8x1152xf32, #tpu.memory_space<vmem>>, vector<1x1x8x1152xf32>
    %get3A_42 = vector.shape_cast %get3A_41 : vector<1x1x8x1152xf32> to vector<8x1152xf32>
    %get3A_43 = arith.constant 0 : index
    %get3A_44 = arith.constant 6 : index
    %get3A_45 = arith.constant 0 : index
    %get3A_46 = arith.constant 0 : index
    %get3A_47 = vector.load %arg7[%get3A_43, %get3A_44, %get3A_45, %get3A_46] : memref<1x21x8x1152xf32, #tpu.memory_space<vmem>>, vector<1x1x8x1152xf32>
    %get3A_48 = vector.shape_cast %get3A_47 : vector<1x1x8x1152xf32> to vector<8x1152xf32>
    %get3A_49 = arith.constant 0 : index
    %get3A_50 = arith.constant 7 : index
    %get3A_51 = arith.constant 0 : index
    %get3A_52 = arith.constant 0 : index
    %get3A_53 = vector.load %arg7[%get3A_49, %get3A_50, %get3A_51, %get3A_52] : memref<1x21x8x1152xf32, #tpu.memory_space<vmem>>, vector<1x1x8x1152xf32>
    %get3A_54 = vector.shape_cast %get3A_53 : vector<1x1x8x1152xf32> to vector<8x1152xf32>
    %get3A_55 = arith.constant 0 : index
    %get3A_56 = arith.constant 8 : index
    %get3A_57 = arith.constant 0 : index
    %get3A_58 = arith.constant 0 : index
    %get3A_59 = vector.load %arg7[%get3A_55, %get3A_56, %get3A_57, %get3A_58] : memref<1x21x8x1152xf32, #tpu.memory_space<vmem>>, vector<1x1x8x1152xf32>
    %get3A_60 = vector.shape_cast %get3A_59 : vector<1x1x8x1152xf32> to vector<8x1152xf32>
    %get3A_61 = arith.constant 0 : index
    %get3A_62 = arith.constant 9 : index
    %get3A_63 = arith.constant 0 : index
    %get3A_64 = arith.constant 0 : index
    %get3A_65 = vector.load %arg7[%get3A_61, %get3A_62, %get3A_63, %get3A_64] : memref<1x21x8x1152xf32, #tpu.memory_space<vmem>>, vector<1x1x8x1152xf32>
    %get3A_66 = vector.shape_cast %get3A_65 : vector<1x1x8x1152xf32> to vector<8x1152xf32>
    %get3A_67 = arith.constant 0 : index
    %get3A_68 = arith.constant 10 : index
    %get3A_69 = arith.constant 0 : index
    %get3A_70 = arith.constant 0 : index
    %get3A_71 = vector.load %arg7[%get3A_67, %get3A_68, %get3A_69, %get3A_70] : memref<1x21x8x1152xf32, #tpu.memory_space<vmem>>, vector<1x1x8x1152xf32>
    %get3A_72 = vector.shape_cast %get3A_71 : vector<1x1x8x1152xf32> to vector<8x1152xf32>
    %get3A_73 = arith.constant 0 : index
    %get3A_74 = arith.constant 11 : index
    %get3A_75 = arith.constant 0 : index
    %get3A_76 = arith.constant 0 : index
    %get3A_77 = vector.load %arg7[%get3A_73, %get3A_74, %get3A_75, %get3A_76] : memref<1x21x8x1152xf32, #tpu.memory_space<vmem>>, vector<1x1x8x1152xf32>
    %get3A_78 = vector.shape_cast %get3A_77 : vector<1x1x8x1152xf32> to vector<8x1152xf32>
    %get3A_79 = arith.constant 0 : index
    %get3A_80 = arith.constant 12 : index
    %get3A_81 = arith.constant 0 : index
    %get3A_82 = arith.constant 0 : index
    %get3A_83 = vector.load %arg7[%get3A_79, %get3A_80, %get3A_81, %get3A_82] : memref<1x21x8x1152xf32, #tpu.memory_space<vmem>>, vector<1x1x8x1152xf32>
    %get3A_84 = vector.shape_cast %get3A_83 : vector<1x1x8x1152xf32> to vector<8x1152xf32>
    %get3A_85 = arith.constant 0 : index
    %get3A_86 = arith.constant 13 : index
    %get3A_87 = arith.constant 0 : index
    %get3A_88 = arith.constant 0 : index
    %get3A_89 = vector.load %arg7[%get3A_85, %get3A_86, %get3A_87, %get3A_88] : memref<1x21x8x1152xf32, #tpu.memory_space<vmem>>, vector<1x1x8x1152xf32>
    %get3A_90 = vector.shape_cast %get3A_89 : vector<1x1x8x1152xf32> to vector<8x1152xf32>
    %get3A_91 = arith.constant 0 : index
    %get3A_92 = arith.constant 14 : index
    %get3A_93 = arith.constant 0 : index
    %get3A_94 = arith.constant 0 : index
    %get3A_95 = vector.load %arg7[%get3A_91, %get3A_92, %get3A_93, %get3A_94] : memref<1x21x8x1152xf32, #tpu.memory_space<vmem>>, vector<1x1x8x1152xf32>
    %get3A_96 = vector.shape_cast %get3A_95 : vector<1x1x8x1152xf32> to vector<8x1152xf32>
    %get3A_97 = arith.constant 0 : index
    %get3A_98 = arith.constant 15 : index
    %get3A_99 = arith.constant 0 : index
    %get3A_100 = arith.constant 0 : index
    %get3A_101 = vector.load %arg7[%get3A_97, %get3A_98, %get3A_99, %get3A_100] : memref<1x21x8x1152xf32, #tpu.memory_space<vmem>>, vector<1x1x8x1152xf32>
    %get3A_102 = vector.shape_cast %get3A_101 : vector<1x1x8x1152xf32> to vector<8x1152xf32>
    %get3A_103 = arith.constant 0 : index
    %get3A_104 = arith.constant 16 : index
    %get3A_105 = arith.constant 0 : index
    %get3A_106 = arith.constant 0 : index
    %get3A_107 = vector.load %arg7[%get3A_103, %get3A_104, %get3A_105, %get3A_106] : memref<1x21x8x1152xf32, #tpu.memory_space<vmem>>, vector<1x1x8x1152xf32>
    %get3A_108 = vector.shape_cast %get3A_107 : vector<1x1x8x1152xf32> to vector<8x1152xf32>
    %get3A_109 = arith.constant 0 : index
    %get3A_110 = arith.constant 17 : index
    %get3A_111 = arith.constant 0 : index
    %get3A_112 = arith.constant 0 : index
    %get3A_113 = vector.load %arg7[%get3A_109, %get3A_110, %get3A_111, %get3A_112] : memref<1x21x8x1152xf32, #tpu.memory_space<vmem>>, vector<1x1x8x1152xf32>
    %get3A_114 = vector.shape_cast %get3A_113 : vector<1x1x8x1152xf32> to vector<8x1152xf32>
    %get3A_115 = arith.constant 0 : index
    %get3A_116 = arith.constant 18 : index
    %get3A_117 = arith.constant 0 : index
    %get3A_118 = arith.constant 0 : index
    %get3A_119 = vector.load %arg7[%get3A_115, %get3A_116, %get3A_117, %get3A_118] : memref<1x21x8x1152xf32, #tpu.memory_space<vmem>>, vector<1x1x8x1152xf32>
    %get3A_120 = vector.shape_cast %get3A_119 : vector<1x1x8x1152xf32> to vector<8x1152xf32>
    %get3A_121 = arith.constant 0 : index
    %get3A_122 = arith.constant 19 : index
    %get3A_123 = arith.constant 0 : index
    %get3A_124 = arith.constant 0 : index
    %get3A_125 = vector.load %arg7[%get3A_121, %get3A_122, %get3A_123, %get3A_124] : memref<1x21x8x1152xf32, #tpu.memory_space<vmem>>, vector<1x1x8x1152xf32>
    %get3A_126 = vector.shape_cast %get3A_125 : vector<1x1x8x1152xf32> to vector<8x1152xf32>
    %get3A_127 = arith.constant 0 : index
    %get3A_128 = arith.constant 20 : index
    %get3A_129 = arith.constant 0 : index
    %get3A_130 = arith.constant 0 : index
    %get3A_131 = vector.load %arg7[%get3A_127, %get3A_128, %get3A_129, %get3A_130] : memref<1x21x8x1152xf32, #tpu.memory_space<vmem>>, vector<1x1x8x1152xf32>
    %get3A_132 = vector.shape_cast %get3A_131 : vector<1x1x8x1152xf32> to vector<8x1152xf32>
    %max3A = arith.maximumf %get3A_12, %get3A_18 : vector<8x1152xf32>
    %max3A_133 = arith.maximumf %max3A, %get3A_24 : vector<8x1152xf32>
    %max3A_134 = arith.maximumf %max3A_133, %get3A_30 : vector<8x1152xf32>
    %max3A_135 = arith.maximumf %max3A_134, %get3A_36 : vector<8x1152xf32>
    %max3A_136 = arith.maximumf %max3A_135, %get3A_42 : vector<8x1152xf32>
    %max3A_137 = arith.maximumf %max3A_136, %get3A_48 : vector<8x1152xf32>
    %max3A_138 = arith.maximumf %max3A_137, %get3A_54 : vector<8x1152xf32>
    %max3A_139 = arith.maximumf %max3A_138, %get3A_60 : vector<8x1152xf32>
    %max3A_140 = arith.maximumf %max3A_139, %get3A_66 : vector<8x1152xf32>
    %max3A_141 = arith.maximumf %max3A_140, %get3A_72 : vector<8x1152xf32>
    %max3A_142 = arith.maximumf %max3A_141, %get3A_78 : vector<8x1152xf32>
    %max3A_143 = arith.maximumf %max3A_142, %get3A_84 : vector<8x1152xf32>
    %max3A_144 = arith.maximumf %max3A_143, %get3A_90 : vector<8x1152xf32>
    %max3A_145 = arith.maximumf %max3A_144, %get3A_96 : vector<8x1152xf32>
    %max3A_146 = arith.maximumf %max3A_145, %get3A_102 : vector<8x1152xf32>
    %max3A_147 = arith.maximumf %max3A_146, %get3A_108 : vector<8x1152xf32>
    %max3A_148 = arith.maximumf %max3A_147, %get3A_114 : vector<8x1152xf32>
    %max3A_149 = arith.maximumf %max3A_148, %get3A_120 : vector<8x1152xf32>
    %max3A_150 = arith.maximumf %max3A_149, %get3A_126 : vector<8x1152xf32>
    %max3A_151 = arith.maximumf %max3A_150, %get3A_132 : vector<8x1152xf32>
    %broadcast_in_dim3A = arith.constant 0.000000e+00 : f32
    %broadcast_in_dim3A_152 = vector.broadcast %broadcast_in_dim3A : f32 to vector<8x1152xf32>
    %broadcast_in_dim3A_153 = arith.constant 0.000000e+00 : f32
    %broadcast_in_dim3A_154 = vector.broadcast %broadcast_in_dim3A_153 : f32 to vector<8x1152xf32>
    %sub3A = arith.subf %get3A_12, %max3A_151 : vector<8x1152xf32>
    %exp3A = math.exp %sub3A : vector<8x1152xf32>
    %add3A = arith.addf %broadcast_in_dim3A_152, %exp3A : vector<8x1152xf32>
    %eq3A_155 = arith.constant 0.000000e+00 : f32
    %eq3A_156 = vector.broadcast %eq3A_155 : f32 to vector<8x1152xf32>
    %eq3A_157 = arith.cmpf oeq, %get3A_6, %eq3A_156 : vector<8x1152xf32>
    %select_n3A = arith.select %eq3A_157, %exp3A, %broadcast_in_dim3A_154 : vector<8x1152xi1>, vector<8x1152xf32>
    %sub3A_158 = arith.subf %get3A_18, %max3A_151 : vector<8x1152xf32>
    %exp3A_159 = math.exp %sub3A_158 : vector<8x1152xf32>
    %add3A_160 = arith.addf %add3A, %exp3A_159 : vector<8x1152xf32>
    %eq3A_161 = arith.constant 1.000000e+00 : f32
    %eq3A_162 = vector.broadcast %eq3A_161 : f32 to vector<8x1152xf32>
    %eq3A_163 = arith.cmpf oeq, %get3A_6, %eq3A_162 : vector<8x1152xf32>
    %select_n3A_164 = arith.select %eq3A_163, %exp3A_159, %select_n3A : vector<8x1152xi1>, vector<8x1152xf32>
    %sub3A_165 = arith.subf %get3A_24, %max3A_151 : vector<8x1152xf32>
    %exp3A_166 = math.exp %sub3A_165 : vector<8x1152xf32>
    %add3A_167 = arith.addf %add3A_160, %exp3A_166 : vector<8x1152xf32>
    %eq3A_168 = arith.constant 2.000000e+00 : f32
    %eq3A_169 = vector.broadcast %eq3A_168 : f32 to vector<8x1152xf32>
    %eq3A_170 = arith.cmpf oeq, %get3A_6, %eq3A_169 : vector<8x1152xf32>
    %select_n3A_171 = arith.select %eq3A_170, %exp3A_166, %select_n3A_164 : vector<8x1152xi1>, vector<8x1152xf32>
    %sub3A_172 = arith.subf %get3A_30, %max3A_151 : vector<8x1152xf32>
    %exp3A_173 = math.exp %sub3A_172 : vector<8x1152xf32>
    %add3A_174 = arith.addf %add3A_167, %exp3A_173 : vector<8x1152xf32>
    %eq3A_175 = arith.constant 3.000000e+00 : f32
    %eq3A_176 = vector.broadcast %eq3A_175 : f32 to vector<8x1152xf32>
    %eq3A_177 = arith.cmpf oeq, %get3A_6, %eq3A_176 : vector<8x1152xf32>
    %select_n3A_178 = arith.select %eq3A_177, %exp3A_173, %select_n3A_171 : vector<8x1152xi1>, vector<8x1152xf32>
    %sub3A_179 = arith.subf %get3A_36, %max3A_151 : vector<8x1152xf32>
    %exp3A_180 = math.exp %sub3A_179 : vector<8x1152xf32>
    %add3A_181 = arith.addf %add3A_174, %exp3A_180 : vector<8x1152xf32>
    %eq3A_182 = arith.constant 4.000000e+00 : f32
    %eq3A_183 = vector.broadcast %eq3A_182 : f32 to vector<8x1152xf32>
    %eq3A_184 = arith.cmpf oeq, %get3A_6, %eq3A_183 : vector<8x1152xf32>
    %select_n3A_185 = arith.select %eq3A_184, %exp3A_180, %select_n3A_178 : vector<8x1152xi1>, vector<8x1152xf32>
    %sub3A_186 = arith.subf %get3A_42, %max3A_151 : vector<8x1152xf32>
    %exp3A_187 = math.exp %sub3A_186 : vector<8x1152xf32>
    %add3A_188 = arith.addf %add3A_181, %exp3A_187 : vector<8x1152xf32>
    %eq3A_189 = arith.constant 5.000000e+00 : f32
    %eq3A_190 = vector.broadcast %eq3A_189 : f32 to vector<8x1152xf32>
    %eq3A_191 = arith.cmpf oeq, %get3A_6, %eq3A_190 : vector<8x1152xf32>
    %select_n3A_192 = arith.select %eq3A_191, %exp3A_187, %select_n3A_185 : vector<8x1152xi1>, vector<8x1152xf32>
    %sub3A_193 = arith.subf %get3A_48, %max3A_151 : vector<8x1152xf32>
    %exp3A_194 = math.exp %sub3A_193 : vector<8x1152xf32>
    %add3A_195 = arith.addf %add3A_188, %exp3A_194 : vector<8x1152xf32>
    %eq3A_196 = arith.constant 6.000000e+00 : f32
    %eq3A_197 = vector.broadcast %eq3A_196 : f32 to vector<8x1152xf32>
    %eq3A_198 = arith.cmpf oeq, %get3A_6, %eq3A_197 : vector<8x1152xf32>
    %select_n3A_199 = arith.select %eq3A_198, %exp3A_194, %select_n3A_192 : vector<8x1152xi1>, vector<8x1152xf32>
    %sub3A_200 = arith.subf %get3A_54, %max3A_151 : vector<8x1152xf32>
    %exp3A_201 = math.exp %sub3A_200 : vector<8x1152xf32>
    %add3A_202 = arith.addf %add3A_195, %exp3A_201 : vector<8x1152xf32>
    %eq3A_203 = arith.constant 7.000000e+00 : f32
    %eq3A_204 = vector.broadcast %eq3A_203 : f32 to vector<8x1152xf32>
    %eq3A_205 = arith.cmpf oeq, %get3A_6, %eq3A_204 : vector<8x1152xf32>
    %select_n3A_206 = arith.select %eq3A_205, %exp3A_201, %select_n3A_199 : vector<8x1152xi1>, vector<8x1152xf32>
    %sub3A_207 = arith.subf %get3A_60, %max3A_151 : vector<8x1152xf32>
    %exp3A_208 = math.exp %sub3A_207 : vector<8x1152xf32>
    %add3A_209 = arith.addf %add3A_202, %exp3A_208 : vector<8x1152xf32>
    %eq3A_210 = arith.constant 8.000000e+00 : f32
    %eq3A_211 = vector.broadcast %eq3A_210 : f32 to vector<8x1152xf32>
    %eq3A_212 = arith.cmpf oeq, %get3A_6, %eq3A_211 : vector<8x1152xf32>
    %select_n3A_213 = arith.select %eq3A_212, %exp3A_208, %select_n3A_206 : vector<8x1152xi1>, vector<8x1152xf32>
    %sub3A_214 = arith.subf %get3A_66, %max3A_151 : vector<8x1152xf32>
    %exp3A_215 = math.exp %sub3A_214 : vector<8x1152xf32>
    %add3A_216 = arith.addf %add3A_209, %exp3A_215 : vector<8x1152xf32>
    %eq3A_217 = arith.constant 9.000000e+00 : f32
    %eq3A_218 = vector.broadcast %eq3A_217 : f32 to vector<8x1152xf32>
    %eq3A_219 = arith.cmpf oeq, %get3A_6, %eq3A_218 : vector<8x1152xf32>
    %select_n3A_220 = arith.select %eq3A_219, %exp3A_215, %select_n3A_213 : vector<8x1152xi1>, vector<8x1152xf32>
    %sub3A_221 = arith.subf %get3A_72, %max3A_151 : vector<8x1152xf32>
    %exp3A_222 = math.exp %sub3A_221 : vector<8x1152xf32>
    %add3A_223 = arith.addf %add3A_216, %exp3A_222 : vector<8x1152xf32>
    %eq3A_224 = arith.constant 1.000000e+01 : f32
    %eq3A_225 = vector.broadcast %eq3A_224 : f32 to vector<8x1152xf32>
    %eq3A_226 = arith.cmpf oeq, %get3A_6, %eq3A_225 : vector<8x1152xf32>
    %select_n3A_227 = arith.select %eq3A_226, %exp3A_222, %select_n3A_220 : vector<8x1152xi1>, vector<8x1152xf32>
    %sub3A_228 = arith.subf %get3A_78, %max3A_151 : vector<8x1152xf32>
    %exp3A_229 = math.exp %sub3A_228 : vector<8x1152xf32>
    %add3A_230 = arith.addf %add3A_223, %exp3A_229 : vector<8x1152xf32>
    %eq3A_231 = arith.constant 1.100000e+01 : f32
    %eq3A_232 = vector.broadcast %eq3A_231 : f32 to vector<8x1152xf32>
    %eq3A_233 = arith.cmpf oeq, %get3A_6, %eq3A_232 : vector<8x1152xf32>
    %select_n3A_234 = arith.select %eq3A_233, %exp3A_229, %select_n3A_227 : vector<8x1152xi1>, vector<8x1152xf32>
    %sub3A_235 = arith.subf %get3A_84, %max3A_151 : vector<8x1152xf32>
    %exp3A_236 = math.exp %sub3A_235 : vector<8x1152xf32>
    %add3A_237 = arith.addf %add3A_230, %exp3A_236 : vector<8x1152xf32>
    %eq3A_238 = arith.constant 1.200000e+01 : f32
    %eq3A_239 = vector.broadcast %eq3A_238 : f32 to vector<8x1152xf32>
    %eq3A_240 = arith.cmpf oeq, %get3A_6, %eq3A_239 : vector<8x1152xf32>
    %select_n3A_241 = arith.select %eq3A_240, %exp3A_236, %select_n3A_234 : vector<8x1152xi1>, vector<8x1152xf32>
    %sub3A_242 = arith.subf %get3A_90, %max3A_151 : vector<8x1152xf32>
    %exp3A_243 = math.exp %sub3A_242 : vector<8x1152xf32>
    %add3A_244 = arith.addf %add3A_237, %exp3A_243 : vector<8x1152xf32>
    %eq3A_245 = arith.constant 1.300000e+01 : f32
    %eq3A_246 = vector.broadcast %eq3A_245 : f32 to vector<8x1152xf32>
    %eq3A_247 = arith.cmpf oeq, %get3A_6, %eq3A_246 : vector<8x1152xf32>
    %select_n3A_248 = arith.select %eq3A_247, %exp3A_243, %select_n3A_241 : vector<8x1152xi1>, vector<8x1152xf32>
    %sub3A_249 = arith.subf %get3A_96, %max3A_151 : vector<8x1152xf32>
    %exp3A_250 = math.exp %sub3A_249 : vector<8x1152xf32>
    %add3A_251 = arith.addf %add3A_244, %exp3A_250 : vector<8x1152xf32>
    %eq3A_252 = arith.constant 1.400000e+01 : f32
    %eq3A_253 = vector.broadcast %eq3A_252 : f32 to vector<8x1152xf32>
    %eq3A_254 = arith.cmpf oeq, %get3A_6, %eq3A_253 : vector<8x1152xf32>
    %select_n3A_255 = arith.select %eq3A_254, %exp3A_250, %select_n3A_248 : vector<8x1152xi1>, vector<8x1152xf32>
    %sub3A_256 = arith.subf %get3A_102, %max3A_151 : vector<8x1152xf32>
    %exp3A_257 = math.exp %sub3A_256 : vector<8x1152xf32>
    %add3A_258 = arith.addf %add3A_251, %exp3A_257 : vector<8x1152xf32>
    %eq3A_259 = arith.constant 1.500000e+01 : f32
    %eq3A_260 = vector.broadcast %eq3A_259 : f32 to vector<8x1152xf32>
    %eq3A_261 = arith.cmpf oeq, %get3A_6, %eq3A_260 : vector<8x1152xf32>
    %select_n3A_262 = arith.select %eq3A_261, %exp3A_257, %select_n3A_255 : vector<8x1152xi1>, vector<8x1152xf32>
    %sub3A_263 = arith.subf %get3A_108, %max3A_151 : vector<8x1152xf32>
    %exp3A_264 = math.exp %sub3A_263 : vector<8x1152xf32>
    %add3A_265 = arith.addf %add3A_258, %exp3A_264 : vector<8x1152xf32>
    %eq3A_266 = arith.constant 1.600000e+01 : f32
    %eq3A_267 = vector.broadcast %eq3A_266 : f32 to vector<8x1152xf32>
    %eq3A_268 = arith.cmpf oeq, %get3A_6, %eq3A_267 : vector<8x1152xf32>
    %select_n3A_269 = arith.select %eq3A_268, %exp3A_264, %select_n3A_262 : vector<8x1152xi1>, vector<8x1152xf32>
    %sub3A_270 = arith.subf %get3A_114, %max3A_151 : vector<8x1152xf32>
    %exp3A_271 = math.exp %sub3A_270 : vector<8x1152xf32>
    %add3A_272 = arith.addf %add3A_265, %exp3A_271 : vector<8x1152xf32>
    %eq3A_273 = arith.constant 1.700000e+01 : f32
    %eq3A_274 = vector.broadcast %eq3A_273 : f32 to vector<8x1152xf32>
    %eq3A_275 = arith.cmpf oeq, %get3A_6, %eq3A_274 : vector<8x1152xf32>
    %select_n3A_276 = arith.select %eq3A_275, %exp3A_271, %select_n3A_269 : vector<8x1152xi1>, vector<8x1152xf32>
    %sub3A_277 = arith.subf %get3A_120, %max3A_151 : vector<8x1152xf32>
    %exp3A_278 = math.exp %sub3A_277 : vector<8x1152xf32>
    %add3A_279 = arith.addf %add3A_272, %exp3A_278 : vector<8x1152xf32>
    %eq3A_280 = arith.constant 1.800000e+01 : f32
    %eq3A_281 = vector.broadcast %eq3A_280 : f32 to vector<8x1152xf32>
    %eq3A_282 = arith.cmpf oeq, %get3A_6, %eq3A_281 : vector<8x1152xf32>
    %select_n3A_283 = arith.select %eq3A_282, %exp3A_278, %select_n3A_276 : vector<8x1152xi1>, vector<8x1152xf32>
    %sub3A_284 = arith.subf %get3A_126, %max3A_151 : vector<8x1152xf32>
    %exp3A_285 = math.exp %sub3A_284 : vector<8x1152xf32>
    %add3A_286 = arith.addf %add3A_279, %exp3A_285 : vector<8x1152xf32>
    %eq3A_287 = arith.constant 1.900000e+01 : f32
    %eq3A_288 = vector.broadcast %eq3A_287 : f32 to vector<8x1152xf32>
    %eq3A_289 = arith.cmpf oeq, %get3A_6, %eq3A_288 : vector<8x1152xf32>
    %select_n3A_290 = arith.select %eq3A_289, %exp3A_285, %select_n3A_283 : vector<8x1152xi1>, vector<8x1152xf32>
    %sub3A_291 = arith.subf %get3A_132, %max3A_151 : vector<8x1152xf32>
    %exp3A_292 = math.exp %sub3A_291 : vector<8x1152xf32>
    %add3A_293 = arith.addf %add3A_286, %exp3A_292 : vector<8x1152xf32>
    %eq3A_294 = arith.constant 2.000000e+01 : f32
    %eq3A_295 = vector.broadcast %eq3A_294 : f32 to vector<8x1152xf32>
    %eq3A_296 = arith.cmpf oeq, %get3A_6, %eq3A_295 : vector<8x1152xf32>
    %select_n3A_297 = arith.select %eq3A_296, %exp3A_292, %select_n3A_290 : vector<8x1152xi1>, vector<8x1152xf32>
    %div3A = arith.divf %select_n3A_297, %add3A_293 : vector<8x1152xf32>
    %jit3A = arith.constant 1.000000e-07 : f32
    %jit3A_298 = arith.constant 0.99999988 : f32
    %max3A_299 = vector.broadcast %jit3A : f32 to vector<8x1152xf32>
    %max3A_300 = arith.maximumf %max3A_299, %div3A : vector<8x1152xf32>
    %min3A = vector.broadcast %jit3A_298 : f32 to vector<8x1152xf32>
    %min3A_301 = arith.minimumf %min3A, %max3A_300 : vector<8x1152xf32>
    %log3A = math.log %min3A_301 : vector<8x1152xf32>
    %mul3A = arith.constant -2.500000e-01 : f32
    %mul3A_302 = vector.broadcast %mul3A : f32 to vector<8x1152xf32>
    %mul3A_303 = arith.mulf %mul3A_302, %log3A : vector<8x1152xf32>
    %sub3A_304 = arith.constant 1.000000e+00 : f32
    %sub3A_305 = vector.broadcast %sub3A_304 : f32 to vector<8x1152xf32>
    %sub3A_306 = arith.subf %sub3A_305, %min3A_301 : vector<8x1152xf32>
    %mul3A_307 = arith.mulf %mul3A_303, %sub3A_306 : vector<8x1152xf32>
    %sub3A_308 = arith.constant 1.000000e+00 : f32
    %sub3A_309 = vector.broadcast %sub3A_308 : f32 to vector<8x1152xf32>
    %sub3A_310 = arith.subf %sub3A_309, %min3A_301 : vector<8x1152xf32>
    %mul3A_311 = arith.mulf %mul3A_307, %sub3A_310 : vector<8x1152xf32>
    %mul3A_312 = arith.mulf %mul3A_311, %get3A_3 : vector<8x1152xf32>
    %reduce_sum3A = vector.shape_cast %mul3A_312 : vector<8x1152xf32> to vector<1x8x1152xf32>
    %reduce_sum3A_313 = arith.constant dense<0.000000e+00> : vector<1xf32>
    %reduce_sum3A_314 = vector.multi_reduction <add>, %reduce_sum3A, %reduce_sum3A_313 [1, 2] : vector<1x8x1152xf32> to vector<1xf32>
    %reduce_sum3A_315 = vector.shape_cast %reduce_sum3A_314 : vector<1xf32> to vector<1x1x1xf32>
    %reduce_sum3A_316 = vector.extract %reduce_sum3A_315[0, 0, 0] : f32 from vector<1x1x1xf32>
    %broadcast_in_dim3A_317 = arith.constant 0.000000e+00 : f32
    %broadcast_in_dim3A_318 = vector.broadcast %broadcast_in_dim3A_317 : f32 to vector<8x1152xf32>
    %get3A_319 = arith.constant 0 : index
    %get3A_320 = arith.constant 0 : index
    %get3A_321 = arith.constant 0 : index
    %get3A_322 = arith.constant 0 : index
    %get3A_323 = vector.load %arg8[%get3A_319, %get3A_320, %get3A_321, %get3A_322] : memref<1x4x8x1152xf32, #tpu.memory_space<vmem>>, vector<1x1x8x1152xf32>
    %get3A_324 = vector.shape_cast %get3A_323 : vector<1x1x8x1152xf32> to vector<8x1152xf32>
    %get3A_325 = arith.constant 0 : index
    %get3A_326 = arith.constant 0 : index
    %get3A_327 = arith.constant 0 : index
    %get3A_328 = vector.load %arg12[%get3A_325, %get3A_326, %get3A_327] : memref<4x8x1152xf32, #tpu.memory_space<vmem>>, vector<1x8x1152xf32>
    %get3A_329 = vector.shape_cast %get3A_328 : vector<1x8x1152xf32> to vector<8x1152xf32>
    %sub3A_330 = arith.subf %get3A_324, %get3A_329 : vector<8x1152xf32>
    %abs3A = math.absf %sub3A_330 : vector<8x1152xf32>
    %lt3A = arith.constant 1.000000e+00 : f32
    %lt3A_331 = vector.broadcast %lt3A : f32 to vector<8x1152xf32>
    %lt3A_332 = arith.cmpf olt, %abs3A, %lt3A_331 : vector<8x1152xf32>
    %mul3A_333 = arith.constant 5.000000e-01 : f32
    %mul3A_334 = vector.broadcast %mul3A_333 : f32 to vector<8x1152xf32>
    %mul3A_335 = arith.mulf %mul3A_334, %sub3A_330 : vector<8x1152xf32>
    %mul3A_336 = arith.mulf %mul3A_335, %sub3A_330 : vector<8x1152xf32>
    %sub3A_337 = arith.constant 5.000000e-01 : f32
    %sub3A_338 = vector.broadcast %sub3A_337 : f32 to vector<8x1152xf32>
    %sub3A_339 = arith.subf %abs3A, %sub3A_338 : vector<8x1152xf32>
    %select_n3A_340 = arith.select %lt3A_332, %mul3A_336, %sub3A_339 : vector<8x1152xi1>, vector<8x1152xf32>
    %add3A_341 = arith.addf %broadcast_in_dim3A_318, %select_n3A_340 : vector<8x1152xf32>
    %get3A_342 = arith.constant 0 : index
    %get3A_343 = arith.constant 1 : index
    %get3A_344 = arith.constant 0 : index
    %get3A_345 = arith.constant 0 : index
    %get3A_346 = vector.load %arg8[%get3A_342, %get3A_343, %get3A_344, %get3A_345] : memref<1x4x8x1152xf32, #tpu.memory_space<vmem>>, vector<1x1x8x1152xf32>
    %get3A_347 = vector.shape_cast %get3A_346 : vector<1x1x8x1152xf32> to vector<8x1152xf32>
    %get3A_348 = arith.constant 1 : index
    %get3A_349 = arith.constant 0 : index
    %get3A_350 = arith.constant 0 : index
    %get3A_351 = vector.load %arg12[%get3A_348, %get3A_349, %get3A_350] : memref<4x8x1152xf32, #tpu.memory_space<vmem>>, vector<1x8x1152xf32>
    %get3A_352 = vector.shape_cast %get3A_351 : vector<1x8x1152xf32> to vector<8x1152xf32>
    %sub3A_353 = arith.subf %get3A_347, %get3A_352 : vector<8x1152xf32>
    %abs3A_354 = math.absf %sub3A_353 : vector<8x1152xf32>
    %lt3A_355 = arith.constant 1.000000e+00 : f32
    %lt3A_356 = vector.broadcast %lt3A_355 : f32 to vector<8x1152xf32>
    %lt3A_357 = arith.cmpf olt, %abs3A_354, %lt3A_356 : vector<8x1152xf32>
    %mul3A_358 = arith.constant 5.000000e-01 : f32
    %mul3A_359 = vector.broadcast %mul3A_358 : f32 to vector<8x1152xf32>
    %mul3A_360 = arith.mulf %mul3A_359, %sub3A_353 : vector<8x1152xf32>
    %mul3A_361 = arith.mulf %mul3A_360, %sub3A_353 : vector<8x1152xf32>
    %sub3A_362 = arith.constant 5.000000e-01 : f32
    %sub3A_363 = vector.broadcast %sub3A_362 : f32 to vector<8x1152xf32>
    %sub3A_364 = arith.subf %abs3A_354, %sub3A_363 : vector<8x1152xf32>
    %select_n3A_365 = arith.select %lt3A_357, %mul3A_361, %sub3A_364 : vector<8x1152xi1>, vector<8x1152xf32>
    %add3A_366 = arith.addf %add3A_341, %select_n3A_365 : vector<8x1152xf32>
    %get3A_367 = arith.constant 0 : index
    %get3A_368 = arith.constant 2 : index
    %get3A_369 = arith.constant 0 : index
    %get3A_370 = arith.constant 0 : index
    %get3A_371 = vector.load %arg8[%get3A_367, %get3A_368, %get3A_369, %get3A_370] : memref<1x4x8x1152xf32, #tpu.memory_space<vmem>>, vector<1x1x8x1152xf32>
    %get3A_372 = vector.shape_cast %get3A_371 : vector<1x1x8x1152xf32> to vector<8x1152xf32>
    %get3A_373 = arith.constant 2 : index
    %get3A_374 = arith.constant 0 : index
    %get3A_375 = arith.constant 0 : index
    %get3A_376 = vector.load %arg12[%get3A_373, %get3A_374, %get3A_375] : memref<4x8x1152xf32, #tpu.memory_space<vmem>>, vector<1x8x1152xf32>
    %get3A_377 = vector.shape_cast %get3A_376 : vector<1x8x1152xf32> to vector<8x1152xf32>
    %sub3A_378 = arith.subf %get3A_372, %get3A_377 : vector<8x1152xf32>
    %abs3A_379 = math.absf %sub3A_378 : vector<8x1152xf32>
    %lt3A_380 = arith.constant 1.000000e+00 : f32
    %lt3A_381 = vector.broadcast %lt3A_380 : f32 to vector<8x1152xf32>
    %lt3A_382 = arith.cmpf olt, %abs3A_379, %lt3A_381 : vector<8x1152xf32>
    %mul3A_383 = arith.constant 5.000000e-01 : f32
    %mul3A_384 = vector.broadcast %mul3A_383 : f32 to vector<8x1152xf32>
    %mul3A_385 = arith.mulf %mul3A_384, %sub3A_378 : vector<8x1152xf32>
    %mul3A_386 = arith.mulf %mul3A_385, %sub3A_378 : vector<8x1152xf32>
    %sub3A_387 = arith.constant 5.000000e-01 : f32
    %sub3A_388 = vector.broadcast %sub3A_387 : f32 to vector<8x1152xf32>
    %sub3A_389 = arith.subf %abs3A_379, %sub3A_388 : vector<8x1152xf32>
    %select_n3A_390 = arith.select %lt3A_382, %mul3A_386, %sub3A_389 : vector<8x1152xi1>, vector<8x1152xf32>
    %add3A_391 = arith.addf %add3A_366, %select_n3A_390 : vector<8x1152xf32>
    %get3A_392 = arith.constant 0 : index
    %get3A_393 = arith.constant 3 : index
    %get3A_394 = arith.constant 0 : index
    %get3A_395 = arith.constant 0 : index
    %get3A_396 = vector.load %arg8[%get3A_392, %get3A_393, %get3A_394, %get3A_395] : memref<1x4x8x1152xf32, #tpu.memory_space<vmem>>, vector<1x1x8x1152xf32>
    %get3A_397 = vector.shape_cast %get3A_396 : vector<1x1x8x1152xf32> to vector<8x1152xf32>
    %get3A_398 = arith.constant 3 : index
    %get3A_399 = arith.constant 0 : index
    %get3A_400 = arith.constant 0 : index
    %get3A_401 = vector.load %arg12[%get3A_398, %get3A_399, %get3A_400] : memref<4x8x1152xf32, #tpu.memory_space<vmem>>, vector<1x8x1152xf32>
    %get3A_402 = vector.shape_cast %get3A_401 : vector<1x8x1152xf32> to vector<8x1152xf32>
    %sub3A_403 = arith.subf %get3A_397, %get3A_402 : vector<8x1152xf32>
    %abs3A_404 = math.absf %sub3A_403 : vector<8x1152xf32>
    %lt3A_405 = arith.constant 1.000000e+00 : f32
    %lt3A_406 = vector.broadcast %lt3A_405 : f32 to vector<8x1152xf32>
    %lt3A_407 = arith.cmpf olt, %abs3A_404, %lt3A_406 : vector<8x1152xf32>
    %mul3A_408 = arith.constant 5.000000e-01 : f32
    %mul3A_409 = vector.broadcast %mul3A_408 : f32 to vector<8x1152xf32>
    %mul3A_410 = arith.mulf %mul3A_409, %sub3A_403 : vector<8x1152xf32>
    %mul3A_411 = arith.mulf %mul3A_410, %sub3A_403 : vector<8x1152xf32>
    %sub3A_412 = arith.constant 5.000000e-01 : f32
    %sub3A_413 = vector.broadcast %sub3A_412 : f32 to vector<8x1152xf32>
    %sub3A_414 = arith.subf %abs3A_404, %sub3A_413 : vector<8x1152xf32>
    %select_n3A_415 = arith.select %lt3A_407, %mul3A_411, %sub3A_414 : vector<8x1152xi1>, vector<8x1152xf32>
    %add3A_416 = arith.addf %add3A_391, %select_n3A_415 : vector<8x1152xf32>
    %mul3A_417 = arith.mulf %add3A_416, %get3A_3 : vector<8x1152xf32>
    %reduce_sum3A_418 = vector.shape_cast %mul3A_417 : vector<8x1152xf32> to vector<1x8x1152xf32>
    %reduce_sum3A_419 = arith.constant dense<0.000000e+00> : vector<1xf32>
    %reduce_sum3A_420 = vector.multi_reduction <add>, %reduce_sum3A_418, %reduce_sum3A_419 [1, 2] : vector<1x8x1152xf32> to vector<1xf32>
    %reduce_sum3A_421 = vector.shape_cast %reduce_sum3A_420 : vector<1xf32> to vector<1x1x1xf32>
    %reduce_sum3A_422 = vector.extract %reduce_sum3A_421[0, 0, 0] : f32 from vector<1x1x1xf32>
    %get3A_423 = arith.constant 0 : index
    %get3A_424 = memref.load %arg13[%get3A_423] : memref<3xf32, #tpu.memory_space<smem>>
    %add3A_425 = arith.addf %get3A_424, %reduce_sum3A_316 : f32
    %swap3A = arith.constant 0 : index
    %swap3A_426 = memref.load %arg13[%swap3A] : memref<3xf32, #tpu.memory_space<smem>>
    memref.store %add3A_425, %arg13[%swap3A] : memref<3xf32, #tpu.memory_space<smem>>
    %get3A_427 = arith.constant 1 : index
    %get3A_428 = memref.load %arg13[%get3A_427] : memref<3xf32, #tpu.memory_space<smem>>
    %add3A_429 = arith.addf %get3A_428, %reduce_sum3A_422 : f32
    %swap3A_430 = arith.constant 1 : index
    %swap3A_431 = memref.load %arg13[%swap3A_430] : memref<3xf32, #tpu.memory_space<smem>>
    memref.store %add3A_429, %arg13[%swap3A_430] : memref<3xf32, #tpu.memory_space<smem>>
    %eq3A_432 = arith.constant 7 : i32
    %eq3A_433 = arith.cmpi eq, %arg0, %eq3A_432 : i32
    %convert_element_type3A_434 = arith.extui %eq3A_433 : i1 to i32
    %cond3A_435 = arith.constant 0 : i32
    %cond3A_436 = arith.cmpi ne, %convert_element_type3A_434, %cond3A_435 : i32
    scf.if %cond3A_436 {
      %get3A_437 = arith.constant 2 : index
      %get3A_438 = memref.load %arg13[%get3A_437] : memref<3xf32, #tpu.memory_space<smem>>
      %mul3A_439 = arith.constant 8.000000e+00 : f32
      %mul3A_440 = arith.mulf %mul3A_439, %get3A_438 : f32
      %div3A_441 = arith.constant 1.000000e+00 : f32
      %div3A_442 = arith.divf %div3A_441, %mul3A_440 : f32
      %get3A_443 = arith.constant 0 : index
      %get3A_444 = memref.load %arg13[%get3A_443] : memref<3xf32, #tpu.memory_space<smem>>
      %mul3A_445 = arith.mulf %get3A_444, %div3A_442 : f32
      %get3A_446 = arith.constant 1 : index
      %get3A_447 = memref.load %arg13[%get3A_446] : memref<3xf32, #tpu.memory_space<smem>>
      %mul3A_448 = arith.mulf %get3A_447, %div3A_442 : f32
      %iota3A = tpu.iota {dimensions = array<i32: 0>} : vector<8x128xi32>
      %iota3A_449 = tpu.iota {dimensions = array<i32: 1>} : vector<8x128xi32>
      %eq3A_450 = arith.constant 0 : i32
      %eq3A_451 = vector.broadcast %eq3A_450 : i32 to vector<8x128xi32>
      %eq3A_452 = arith.cmpi eq, %iota3A_449, %eq3A_451 : vector<8x128xi32>
      %add3A_453 = arith.addf %mul3A_445, %mul3A_448 : f32
      %eq3A_454 = arith.constant 1 : i32
      %eq3A_455 = vector.broadcast %eq3A_454 : i32 to vector<8x128xi32>
      %eq3A_456 = arith.cmpi eq, %iota3A_449, %eq3A_455 : vector<8x128xi32>
      %eq3A_457 = arith.constant 2 : i32
      %eq3A_458 = vector.broadcast %eq3A_457 : i32 to vector<8x128xi32>
      %eq3A_459 = arith.cmpi eq, %iota3A_449, %eq3A_458 : vector<8x128xi32>
      %jit3A_460 = arith.constant 0.000000e+00 : f32
      %broadcast_in_dim3A_461 = vector.broadcast %mul3A_445 : f32 to vector<8x128xf32>
      %broadcast_in_dim3A_462 = vector.broadcast %jit3A_460 : f32 to vector<8x128xf32>
      %select_n3A_463 = arith.select %eq3A_459, %broadcast_in_dim3A_461, %broadcast_in_dim3A_462 : vector<8x128xi1>, vector<8x128xf32>
      %broadcast_in_dim3A_464 = vector.broadcast %mul3A_448 : f32 to vector<8x128xf32>
      %select_n3A_465 = arith.select %eq3A_456, %broadcast_in_dim3A_464, %select_n3A_463 : vector<8x128xi1>, vector<8x128xf32>
      %broadcast_in_dim3A_466 = vector.broadcast %add3A_453 : f32 to vector<8x128xf32>
      %select_n3A_467 = arith.select %eq3A_452, %broadcast_in_dim3A_466, %select_n3A_465 : vector<8x128xi1>, vector<8x128xf32>
      %eq3A_468 = arith.constant 0 : i32
      %eq3A_469 = vector.broadcast %eq3A_468 : i32 to vector<8x128xi32>
      %eq3A_470 = arith.cmpi eq, %iota3A, %eq3A_469 : vector<8x128xi32>
      %jit3A_471 = arith.constant 0.000000e+00 : f32
      %broadcast_in_dim3A_472 = vector.broadcast %jit3A_471 : f32 to vector<8x128xf32>
      %select_n3A_473 = arith.select %eq3A_470, %select_n3A_467, %broadcast_in_dim3A_472 : vector<8x128xi1>, vector<8x128xf32>
      %swap3A_474 = arith.constant 0 : index
      %swap3A_475 = arith.constant 0 : index
      %swap3A_476 = vector.load %arg9[%swap3A_474, %swap3A_475] : memref<8x128xf32, #tpu.memory_space<vmem>>, vector<8x128xf32>
      tpu.vector_store %arg9[%swap3A_474, %swap3A_475], %select_n3A_473 {strides = array<i32>} : memref<8x128xf32, #tpu.memory_space<vmem>>, vector<8x128xf32>,
    } else {
    }
    return
  }
  func.func @transform_0(%arg0: i32) -> (i32, i32) {
    %c0_i32 = arith.constant 0 : i32
    %c0_i32_0 = arith.constant 0 : i32
    %c0_i32_1 = arith.constant 0 : i32
    return %c0_i32, %c0_i32_0 : i32, i32
  }
  func.func @transform_1(%arg0: i32) -> (i32, i32, i32) {
    %c0_i32 = arith.constant 0 : i32
    %c0_i32_0 = arith.constant 0 : i32
    %c0_i32_1 = arith.constant 0 : i32
    %c0_i32_2 = arith.constant 0 : i32
    return %c0_i32, %c0_i32_0, %c0_i32_1 : i32, i32, i32
  }
  func.func @transform_2(%arg0: i32) -> (i32, i32) {
    %c0_i32 = arith.constant 0 : i32
    %c0_i32_0 = arith.constant 0 : i32
    %c0_i32_1 = arith.constant 0 : i32
    return %c0_i32, %c0_i32_0 : i32, i32
  }
  func.func @transform_3(%arg0: i32) -> (i32, i32) {
    %c0_i32 = arith.constant 0 : i32
    %c0_i32_0 = arith.constant 0 : i32
    %c0_i32_1 = arith.constant 0 : i32
    return %c0_i32, %c0_i32_0 : i32, i32
  }
  func.func @transform_4(%arg0: i32) -> (i32, i32) {
    %c0_i32 = arith.constant 0 : i32
    %c0_i32_0 = arith.constant 0 : i32
    %c0_i32_1 = arith.constant 0 : i32
    return %c0_i32, %c0_i32_0 : i32, i32
  }
  func.func @transform_5(%arg0: i32) -> (i32, i32) {
    %c0_i32 = arith.constant 0 : i32
    %c0_i32_0 = arith.constant 0 : i32
    %c0_i32_1 = arith.constant 0 : i32
    return %c0_i32, %c0_i32_0 : i32, i32
  }
  func.func @transform_6(%arg0: i32) -> (i32, i32, i32, i32) {
    %c0_i32 = arith.constant 0 : i32
    %c0_i32_0 = arith.constant 0 : i32
    %c0_i32_1 = arith.constant 0 : i32
    %c0_i32_2 = arith.constant 0 : i32
    return %arg0, %c0_i32, %c0_i32_0, %c0_i32_1 : i32, i32, i32, i32
  }
  func.func @transform_7(%arg0: i32) -> (i32, i32, i32, i32) {
    %c0_i32 = arith.constant 0 : i32
    %c0_i32_0 = arith.constant 0 : i32
    %c0_i32_1 = arith.constant 0 : i32
    %c0_i32_2 = arith.constant 0 : i32
    return %arg0, %c0_i32, %c0_i32_0, %c0_i32_1 : i32, i32, i32, i32
  }
  func.func @transform_8(%arg0: i32) -> (i32, i32) {
    %c0_i32 = arith.constant 0 : i32
    %c0_i32_0 = arith.constant 0 : i32
    %c0_i32_1 = arith.constant 0 : i32
    return %c0_i32, %c0_i32_0 : i32, i32
  }
}

</mosaic_0001>

<sc_bundles>
// kernel: kernel.4.cloned.1.call-start
scs
__scs_entry_jumppad:
0x0: {  	(pc) =	sbr.rel $0x88, $3  }
0x1: {  	(tag) =	ssettag $0x0;
	lr =	simm.s32 $0x1  }
0x2: {  	[smem:$0x3F9D] =	sst lr;
	_ =	strace $0xD0000000  }
0x3: {  	_ = 	snop  }
0x4: {  	_ = 	snop  }
0x5: {  	_ = 	snop  }
0x6: {  	_ = 	snop  }
0x7: {  	_ = 	snop  }
__scs_overlays_trampoline_lowered:
0x8: {  	[smem:$0x3FAC] =	sst s0  }
0x9: {  	[smem:$0x3FAD] =	sst s1  }
0xa: {  	[smem:$0x3FAE] =	sst s2  }
0xb: {  	[smem:$0x3FAF] =	sst s3  }
0xc: {  	[smem:$0x3FB0] =	sst s4  }
0xd: {  	[smem:$0x3FB1] =	sst s5  }
0xe: {  	[smem:$0x3FB2] =	sst s6  }
0xf: {  	[smem:$0x3FB3] =	sst s7  }
0x10: {  	[smem:$0x3FB4] =	sst s8  }
0x11: {  	[smem:$0x3FB5] =	sst s9;
	s0 =	simm.s32 @!p0 $0x0  }
0x12: {  	s1 =	sld [smem:$0x3F9B];
	s0 =	simm.s32 @p0 $0x1  }
0x13: {  	[smem:$0x3FB6] =	sst s0;
	s0 =	simm.s32 @!p1 $0x0  }
0x14: {  	s2 =	sld [smem:$0x3F9A];
	s0 =	simm.s32 @p1 $0x1  }
0x15: {  	[smem:$0x3FB7] =	sst s0;
	s0 =	simm.s32 @!p2 $0x0  }
0x16: {  	s3 =	sld [smem:$0x3FDB];
	s0 =	simm.s32 @p2 $0x1  }
0x17: {  	s4 =	simm.s32 $0x1BF5;
	[smem:$0x3FB9] =	sst s0  }
0x18: {  	s0 =	sld [smem:$0x3F9C];
	_ =	swait.ge [sflag:s4], $0x0  }
0x19: {  	s7 =	sld [smem:$0x3F9D]  }
0x1a: {  	s8 =	sadd.s32 $0xFFFFE003, lr  }
0x1b: {  	s9 =	sadd.s32 $0xFFFFFEF7, lr;
	s5 =	simm.s32 $0xFFFFFFFF;
	p2 =	slt.u32 s8, $0xFFFFF086  }
0x1c: {  	p1 =	slt.u32 s9, $0xF7A;
	s5 =	simm.s32 @!p2 $0x0  }
0x1d: {  	s5 =	simm.s32 @p1 $0x1;
	p0 =	seq.s32 s7, s2  }
0x1e: {  	s7 =	smul.u32 @!p0 $0xF7A, s2;
	p2 =	seq.s32 @!p0 s5, $0x0  }
0x1f: {  	s9 =	smul.u32 $0xF7A, s1;
	s8 =	simm.s32 @!p0 $0x1BF5;
	p2 =	por !p2, p0  }
0x20: {  	[sflag:s8] =	ssyncset.s32 @!p0 $0xFFFFF086;
	s6 =	sadd.s32 @!p0 s3, s7;
	s7 =	simm.s32 @!p0 $0x108  }
0x21: {  	s3 =	sadd.s32 s3, s9;
	s6 =	sadd.s32 @!p0 $0x88, s6;
	s7 =	simm.s32 @p2 $0x1082  }
0x22: {  	[simem:s7], [sflag:s8] =	dma.local @!p0 [hbm:s6], $0xF7A  }
0x23: {  	s9 =	sor.u32 $0xD0000000, s2;
	s6 =	simm.s32 $0x108;
	_ =	swait.ge @!p0 [sflag:s8], $0x0  }
0x24: {  	s3 =	sadd.s32 $0x88, s3;
	s6 =	simm.s32 @!p1 $0x1082;
	[sflag:s4] =	ssyncset.s32 $0xFFFFF086  }
0x25: {  	[simem:s6], [sflag:s4] =	dma.local [hbm:s3], $0xF7A  }
0x26: {  	[smem:$0x3F9D] =	sst s1;
	(tag) =	ssettag s2;
	_ =	strace s9  }
0x27: {  	s1 =	sld [smem:$0x3FAD]  }
0x28: {  	s2 =	sld [smem:$0x3FAE]  }
0x29: {  	s4 =	sld [smem:$0x3FB0]  }
0x2a: {  	p0 =	seq.s32 s5, $0x0;
	s5 =	sld [smem:$0x3FB1]  }
0x2b: {  	s6 =	sld [smem:$0x3FB2]  }
0x2c: {  	s7 =	sld [smem:$0x3FB3]  }
0x2d: {  	s3 =	simm.s32 $0x108;
	s8 =	sld [smem:$0x3FB4]  }
0x2e: {  	s3 =	simm.s32 @!p0 $0x1082;
	s9 =	sld [smem:$0x3FB5]  }
0x2f: {  	lr =	sadd.s32 s0, s3;
	s0 =	sld [smem:$0x3FAC]  }
0x30: {  	s3 =	sld [smem:$0x3FAF]  }
0x31: {  	[smem:$0x3FB8] =	sst s10  }
0x32: {  	s10 =	sld [smem:$0x3FB6];
	_ =	sdelay $0x3  }
0x33: {  	p0 =	seq.s32 s10, $0x1;
	s10 =	sld [smem:$0x3FB8];
	_ =	sdelay $0x3  }
0x34: {  	[smem:$0x3FB8] =	sst s10  }
0x35: {  	s10 =	sld [smem:$0x3FB7];
	_ =	sdelay $0x3  }
0x36: {  	p1 =	seq.s32 s10, $0x1;
	s10 =	sld [smem:$0x3FB8];
	_ =	sdelay $0x3  }
0x37: {  	[smem:$0x3FB8] =	sst s10  }
0x38: {  	s10 =	sld [smem:$0x3FB9]  }
0x39: {  	_ = 	snop;
	(pc) =	sbr.ind lr, $3  }
0x3a: {  	_ = 	snop  }
0x3b: {  	_ = 	snop  }
0x3c: {  	p2 =	seq.s32 s10, $0x1;
	s10 =	sld [smem:$0x3FB8]  }
0x3d: {  	_ =	shalt  }
0x3e: {  	_ =	shalt  }
0x3f: {  	_ =	shalt  }
0x40: {  	_ =	shalt  }
0x41: {  	_ =	shalt  }
0x42: {  	_ =	shalt  }
0x43: {  	_ =	shalt  }
0x44: {  	_ =	shalt  }
0x45: {  	_ =	shalt  }
0x46: {  	_ =	shalt  }
0x47: {  	_ =	shalt  }
0x48: {  	_ =	shalt  }
0x49: {  	_ =	shalt  }
0x4a: {  	_ =	shalt  }
0x4b: {  	_ =	shalt  }
0x4c: {  	_ =	shalt  }
0x4d: {  	_ =	shalt  }
0x4e: {  	_ =	shalt  }
0x4f: {  	_ =	shalt  }
0x50: {  	_ =	shalt  }
0x51: {  	_ =	shalt  }
0x52: {  	_ =	shalt  }
0x53: {  	_ =	shalt  }
0x54: {  	_ =	shalt  }
0x55: {  	_ =	shalt  }
0x56: {  	_ =	shalt  }
0x57: {  	_ =	shalt  }
0x58: {  	_ =	shalt  }
0x59: {  	_ =	shalt  }
0x5a: {  	_ =	shalt  }
0x5b: {  	_ =	shalt  }
0x5c: {  	_ =	shalt  }
0x5d: {  	_ =	shalt  }
0x5e: {  	_ =	shalt  }
0x5f: {  	_ =	shalt  }
0x60: {  	_ =	shalt  }
0x61: {  	_ =	shalt  }
0x62: {  	_ =	shalt  }
0x63: {  	_ =	shalt  }
0x64: {  	_ =	shalt  }
0x65: {  	_ =	shalt  }
0x66: {  	_ =	shalt  }
0x67: {  	_ =	shalt  }
0x68: {  	_ =	shalt  }
0x69: {  	_ =	shalt  }
0x6a: {  	_ =	shalt  }
0x6b: {  	_ =	shalt  }
0x6c: {  	_ =	shalt  }
0x6d: {  	_ =	shalt  }
0x6e: {  	_ =	shalt  }
0x6f: {  	_ =	shalt  }
0x70: {  	_ =	shalt  }
0x71: {  	_ =	shalt  }
0x72: {  	_ =	shalt  }
0x73: {  	_ =	shalt  }
0x74: {  	_ =	shalt  }
0x75: {  	_ =	shalt  }
0x76: {  	_ =	shalt  }
0x77: {  	_ =	shalt  }
0x78: {  	_ =	shalt  }
0x79: {  	_ =	shalt  }
0x7a: {  	_ =	shalt  }
0x7b: {  	_ =	shalt  }
0x7c: {  	_ =	shalt  }
0x7d: {  	_ =	shalt  }
0x7e: {  	_ =	shalt  }
0x7f: {  	_ =	shalt  }
0x80: {  	_ =	shalt  }
0x81: {  	_ =	shalt  }
0x82: {  	_ =	shalt  }
0x83: {  	_ =	shalt  }
0x84: {  	_ =	shalt  }
0x85: {  	_ =	shalt  }
0x86: {  	_ =	shalt  }
0x87: {  	_ =	shalt  }
.Lfunc_end0:
.L_simem_size_0:
called_computation_lowered:
.L_overlay_start_0:
0x88: {  	s2 =	sld [smem:$0x3FD9]  }
0x89: {  	s3 =	sld [smem:$0x3FFE];
	_ =	sdelay $0x1  }
0x8a: {  	s1 =	srdreg.scid  }
0x8b: {  	s0 =	sand.u32 $0x1, s1  }
0x8c: {  	s14 =	sshll.u32 s0, $0xA;
	s2 =	sadd.s32 s3, s2  }
0x8d: {  	s2 =	sadd.s32 s2, s14  }
0x8e: {  	[smem:$0x3FC4] =	sst s2  }
0x8f: {  	_ = 	snop  }
0x90: {  	s2 =	sld [smem:$0x3FD0];
	_ =	sdelay $0x2  }
0x91: {  	s15 =	simm.s32 $0xA;
	s4 =	simm.s32 $0x10  }
0x92: {  	[smem:s4], [sflag:s15] =	dma.local [hbm:s2], $0x1  }
0x93: {  	_ =	swait.eq [sflag:s15], $0x1  }
0x94: {  	[sflag:s15] =	ssyncset.done $0x0  }
0x95: {  	[sflag:s15] =	ssyncadd.s32 $0xFFFFFFFF  }
0x96: {  	s16 =	sld [smem:$0x10];
	(tm) =	ssettm $0x1  }
0x97: {  	s17 =	sld [smem:$0x3FFB];
	_ =	sdelay $0x3  }
0x98: {  	_ =	strace s17  }
0x99: {  	s3 =	sld [smem:$0x3FFC];
	_ =	sdelay $0x3  }
0x9a: {  	_ =	strace s3  }
0x9b: {  	s3 =	sld [smem:$0x3FFD];
	_ =	sdelay $0x3  }
0x9c: {  	_ =	strace s3  }
0x9d: {  	_ =	strace $0x8FFFFFFF  }
0x9e: {  	s18 =	sld [smem:$0x3FDB];
	_ =	sdelay $0x1  }
0x9f: {  	s19 =	simm.s32 $_scs_section_size  }
0xa0: {  	s5 =	simm.s32 $_size__tile_overlayer_lowered;
	s6 =	simm.s32 $_tile_overlayer_lowered  }
0xa1: {  	s22 =	simm.s32 $0x1BFF;
	s21 =	sshll.u32 s6, $0x1;
	s3 =	sadd.s32 s19, s18  }
0xa2: {  	s7 =	simm.s32 $0x0;
	s20 =	sshll.u32 s5, $0x1;
	s5 =	sadd.s32 s21, s3  }
0xa3: {  	[timem:s7], [sflag:s22] =	dma.local [hbm:s5], s20  }
0xa4: {  	_ =	swait.ge [sflag:s22], s20  }
0xa5: {  	s4 =	ssub.s32 $0x0, s20;
	[sflag:s22] =	ssyncset.done $0x0  }
0xa6: {  	[sflag:s22] =	ssyncadd.s32 s4;
	_ =	sdelay $0x1  }
0xa7: {  	s23 =	simm.s32 $0x1B8B  }
0xa8: {  	_ =	swait.ge [sflag:s23], $0x1  }
0xa9: {  	[sflag:s23] =	ssyncset.done $0x0  }
0xaa: {  	s25 =	simm.s32 $0x1B8E;
	s24 =	sld [smem:$0x3FFE];
	[sflag:s23] =	ssyncadd.s32 $0xFFFFFFFF  }
0xab: {  	s26 =	simm.s32 $execute0_lowered;
	[smem:$0x3FD2] =	sst s25  }
0xac: {  	s5 =	sshll.u32 s26, $0x1;
	_ =	strace $0x80000046;
	[dreg:$0x1] =	wrdreg $0xFFFFFFFF  }
0xad: {  	s28 =	simm.s32 $_size_execute0_lowered;
	s3 =	sadd.s32 s3, s5;
	[dreg:$0x0] =	wrdreg $0x0  }
0xae: {  	s5 =	sshll.u32 s28, $0x1;
	[dreg:$0x2] =	wrdreg s3  }
0xaf: {  	[dreg:$0x3] =	wrdreg s5  }
0xb0: {  	[dreg:$0x4] =	wrdreg $0xC0  }
0xb1: {  	_ =	task [dreg:s7], $0x5FFFF  }
0xb2: {  	[dreg:$0x1] =	wrdreg $0xFFFFFFFF  }
0xb3: {  	[dreg:$0x0] =	wrdreg $0x60  }
0xb4: {  	[dreg:$0x2] =	wrdreg s24  }
0xb5: {  	[dreg:$0x3] =	wrdreg s16  }
0xb6: {  	[dreg:$0x4] =	wrdreg $0x9  }
0xb7: {  	_ =	task.clear_ibuf [dreg:s7], $0x5FFFF;
	_ =	strace $0x90000046  }
0xb8: {  	s29 =	simm.s32 $0x9;
	_ =	strace $0x80000048  }
0xb9: {  	_ =	swait.ge [sflag:s29], $0x1  }
0xba: {  	[sflag:s29] =	ssyncadd.s32 $0xFFFFFFFF  }
0xbb: {  	_ =	strace $0x90000048  }
0xbc: {  	_ =	sfence  }
0xbd: {  	s30 =	sld [smem:$0x0];
	_ =	sdelay $0x2  }
0xbe: {  	s31 =	sshll.u32 s1, $0xD;
	s1 =	sshrl.u32 s1, $0x2  }
0xbf: {  	s3 =	sand.u32 $0x4000, s31;
	s1 =	sadd.s32 s1, s30  }
0xc0: {  	s0 =	sor.u32 s3, s0;
	s1 =	sshll.u32 s1, $0x11  }
0xc1: {  	s0 =	sor.u32 s1, s0  }
0xc2: {  	s0 =	sadd.s32 $0x8F2B, s0  }
0xc3: {  	[sflag:s0] =	ssyncadd.remote.s32 $0x1  }
0xc4: {  	_ =	sfence.sel $0xFFFF  }
0xc5: {  	[dreg:$0x0] =	wrdreg $0xFFFFFFFF;
	(pc) =	sbr.abs _section_cstart, $3  }
0xc6: {  	[dreg:$0x1] =	wrdreg $0xFFFFFFFF  }
0xc7: {  	_ =	task.clear_ibuf [dreg:s7], $0x2FFFF;
	_ =	strace $0x9FFFFFFF  }
0xc8: {  	(tm) =	ssettm $0x7FFFFFFF  }
0xc9: {  	_ =	shalt  }
tec
execute0_lowered:
.L_overlay_start_1:
0x0: {  	(tag) =	ssettag $0x1  }
0x1: {  	vm0 =	vcmask $0x300;
	v0 =	vimm.f32 $1.500000000e+01  }
0x2: {  	vm14 =	vcmask $0x704;
	v0 =	vsel vm0, $0x0, v0  }
0x3: {  	s0 =	srdreg.scid;
	s4 =	rddreg [dreg:$0x0];
	vm15 =	vcmask $0xB08;
	v0 =	vsel vm14, $0x3F800000, v0  }
0x4: {  	s2 =	rddreg [dreg:$0x1];
	vm4 =	vcmask $0xF0C;
	s3 =	simm.s32 $0x0;
	s15 =	simm.s32 $0x180;
	v0 =	vsel vm15, $0x40000000, v0  }
0x5: {  	vm5 =	vcmask $0x1310;
	s16 =	simm.s32 $0x300;
	s17 =	simm.s32 $0x480;
	s18 =	simm.s32 $0x600;
	v0 =	vsel vm4, $0x40400000, v0  }
0x6: {  	vm6 =	vcmask $0x1714;
	s19 =	simm.s32 $0x680;
	s20 =	simm.s32 $0x800;
	s21 =	simm.s32 $0x980;
	v0 =	vsel vm5, $0x40800000, v0  }
0x7: {  	vm7 =	vcmask $0x1B18;
	s22 =	simm.s32 $0xB00;
	s23 =	simm.s32 $0x0;
	s7 =	sand.u32 $0x1, s0;
	v0 =	vsel vm6, $0x40A00000, v0  }
0x8: {  	vm8 =	vcmask $0x1F1C;
	s0 =	stileid.u32;
	s1 =	sshll.u32 s7, $0x4;
	s13 =	smul.u32 $0x1200, s7;
	v0 =	vsel vm7, $0x40C00000, v0  }
0x9: {  	vm9 =	vcmask $0x2320;
	[smem:$0x7FF] =	sst s3;
	s14 =	smul.u32 $0x120, s0;
	s5 =	sor.u32 s0, s1;
	v0 =	vsel vm8, $0x40E00000, v0  }
0xa: {  	vm10 =	vcmask $0x2724;
	s8 =	ssub.s32 $0x2, s7;
	s1 =	rddreg [dreg:$0x2];
	s6 =	smul.u32 $0x120, s5;
	v0 =	vsel vm9, $0x41000000, v0  }
0xb: {  	vm11 =	vcmask $0x2B28;
	_ =	strace $0x80000047;
	s31 =	sshrl.u32 s8, $0x1;
	s5 =	smul.u32 $0x28, s5;
	v0 =	vsel vm10, $0x41100000, v0  }
0xc: {  	vm12 =	vcmask $0x2F2C;
	s12 =	ssub.s32 s8, s31;
	s13 =	sadd.s32 s14, s13;
	s14 =	simm.s32 $0x1;
	v0 =	vsel vm11, $0x41200000, v0  }
0xd: {  	vm13 =	vcmask $0x3330;
	s12 =	smax.u32 s12, $0x1;
	s6 =	sshrl.u32 s6, $0x3;
	s11 =	sadd.s32 s5, s4;
	v0 =	vsel vm12, $0x41300000, v0  }
0xe: {  	vm14 =	vcmask $0x3734;
	s9 =	sadd.s32 s6, s4;
	s10 =	sadd.s32 $0x2A00, s11;
	s11 =	sadd.s32 $0x3000, s11;
	v0 =	vsel vm13, $0x41400000, v0  }
0xf: {  	vm15 =	vcmask $0x3B38;
	s4 =	sadd.s32 $0x1800, s9;
	s5 =	sadd.s32 $0x1E00, s9;
	s6 =	sadd.s32 $0x2400, s9;
	v0 =	vsel vm14, $0x41500000, v0  }
0x10: {  	v55 =	vimm.f32 $0.0e+00;
	s7 =	sadd.s32 $0x1200, s9;
	s8 =	sadd.s32 $0x3600, s9;
	s9 =	sadd.s32 $0x3C00, s9;
	v54 =	vsel vm15, $0x41600000, v0  }
.LBB2_1:
0x11: {  	[tilespmem:s3], [sflag:$0x1] =	stream.linear.gather [hbm4b:s4+s3], $0x120, $0x38;
	[tilespmem:$0xC80] =	vst v63  }
0x12: {  	_ =	swait.ge [sflag:s14], $0x120  }
0x13: {  	[sflag:s14] =	ssyncset.done $0x0  }
0x14: {  	[sflag:s14] =	ssyncadd.s32 $0xFFFFFEE0  }
0x15: {  	[tilespmem:s15], [sflag:$0x1] =	stream.linear.gather [hbm4b:s5+s3], $0x120, $0x38;
	[tilespmem:$0xC80] =	vst v63  }
0x16: {  	_ =	swait.ge [sflag:s14], $0x120  }
0x17: {  	[sflag:s14] =	ssyncset.done $0x0  }
0x18: {  	[sflag:s14] =	ssyncadd.s32 $0xFFFFFEE0  }
0x19: {  	[tilespmem:s16], [sflag:$0x1] =	stream.linear.gather [hbm4b:s6+s3], $0x120, $0x38;
	[tilespmem:$0xC80] =	vst v63  }
0x1a: {  	_ =	swait.ge [sflag:s14], $0x120  }
0x1b: {  	[sflag:s14] =	ssyncset.done $0x0  }
0x1c: {  	[sflag:s14] =	ssyncadd.s32 $0xFFFFFEE0  }
0x1d: {  	[tilespmem:s17], [sflag:$0x1] =	stream.linear.gather [hbm4b:s7+s3], $0x120, $0x38;
	[tilespmem:$0xC80] =	vst v63  }
0x1e: {  	_ =	swait.ge [sflag:s14], $0x120  }
0x1f: {  	[sflag:s14] =	ssyncset.done $0x0  }
0x20: {  	[sflag:s14] =	ssyncadd.s32 $0xFFFFFEE0  }
0x21: {  	[tilespmem:s18], [sflag:$0x1] =	stream.linear.gather [hbm4b:s2+s3], $0x80, $0x38;
	[tilespmem:$0xC80] =	vst v63  }
0x22: {  	_ =	swait.ge [sflag:s14], $0x80  }
0x23: {  	[sflag:s14] =	ssyncset.done $0x0  }
0x24: {  	[sflag:s14] =	ssyncadd.s32 $0xFFFFFF80  }
0x25: {  	[tilespmem:$0xB00] =	vst v55  }
0x26: {  	[tilespmem:$0xB10] =	vst v55  }
0x27: {  	[tilespmem:$0xB20] =	vst v55  }
0x28: {  	[tilespmem:$0xB30] =	vst v55  }
0x29: {  	[tilespmem:$0xB40] =	vst v55  }
0x2a: {  	[tilespmem:$0xB50] =	vst v55  }
0x2b: {  	[tilespmem:$0xB60] =	vst v55  }
0x2c: {  	[tilespmem:$0xB70] =	vst v55  }
0x2d: {  	v1 =	vld [tilespmem:$0x640];
	[tilespmem:$0xB80] =	vst v55  }
0x2e: {  	v0 =	vld [tilespmem:$0x600];
	[tilespmem:$0xB90] =	vst v55  }
0x2f: {  	v2 =	vld [tilespmem:$0x660];
	[tilespmem:$0xBA0] =	vst v55  }
0x30: {  	[tilespmem:$0xBB0] =	vst v55  }
0x31: {  	v3 =	vld [tilespmem:$0x620];
	[tilespmem:$0xBC0] =	vst v55  }
0x32: {  	v5 =	vld [tilespmem:$0x670];
	[tilespmem:$0xBD0] =	vst v55;
	v1 =	vmul.f32 $5.000000000e-01, v1  }
0x33: {  	[tilespmem:$0xBE0] =	vst v55  }
0x34: {  	[tilespmem:$0xBF0] =	vst v55;
	v2 =	vmul.f32 $5.000000000e-01, v2;
	v8 =	vsub.f32 v0, v1;
	v0 =	vadd.f32 v1, v0  }
0x35: {  	[tilespmem:$0xC00] =	vst v55  }
0x36: {  	[tilespmem:$0xC10] =	vst v55;
	v9 =	vsub.f32 v3, v2;
	v2 =	vadd.f32 v2, v3;
	v0 =	vmin.f32 v0, $1.000000000e+00  }
0x37: {  	[tilespmem:$0xC20] =	vst v55;
	v48 =	vmul.f32 $5.000000000e-01, v5;
	v5 =	vmax.f32 v8, $0.0e+00;
	v53 =	vbroadcast v0, $0x0  }
0x38: {  	v4 =	vld [tilespmem:$0x650];
	[tilespmem:$0xC30] =	vst v55;
	v2 =	vmin.f32 v2, $1.000000000e+00;
	v56 =	vbroadcast v5, $0x0  }
0x39: {  	v7 =	vld [tilespmem:$0x630];
	v8 =	vmax.f32 v9, $0.0e+00;
	v57 =	vbroadcast v2, $0x0;
	[tilespmem:$0x1FB90] =	vst v53  }
0x3a: {  	v58 =	vbroadcast v8, $0x0;
	[tilespmem:$0x1FBA0] =	vst v56  }
0x3b: {  	v59 =	vbroadcast v0, $0x1;
	[tilespmem:$0x1FBB0] =	vst v57  }
0x3c: {  	v6 =	vld [tilespmem:$0x610];
	v60 =	vbroadcast v5, $0x1;
	[tilespmem:$0x1FBC0] =	vst v58  }
0x3d: {  	v61 =	vbroadcast v2, $0x1;
	[tilespmem:$0x1FBD0] =	vst v59  }
0x3e: {  	v47 =	vmul.f32 $5.000000000e-01, v4;
	v4 =	vadd.f32 v48, v7;
	v62 =	vbroadcast v8, $0x1;
	[tilespmem:$0x1FBE0] =	vst v60  }
0x3f: {  	v63 =	vbroadcast v0, $0x2;
	[tilespmem:$0x1FBF0] =	vst v61  }
0x40: {  	v30 =	vmin.f32 v4, $1.000000000e+00;
	v4 =	vbroadcast v5, $0x2;
	[tilespmem:$0x1FC00] =	vst v62  }
0x41: {  	v49 =	vsub.f32 v6, v47;
	v1 =	vadd.f32 v47, v6;
	v6 =	vbroadcast v2, $0x2;
	[tilespmem:$0x1FC10] =	vst v63  }
0x42: {  	v9 =	vsub.f32 v7, v48;
	v7 =	vbroadcast v8, $0x2;
	[tilespmem:$0x1FC20] =	vst v4  }
0x43: {  	v32 =	vbroadcast v0, $0x3;
	[tilespmem:$0x1FC30] =	vst v6  }
0x44: {  	v33 =	vbroadcast v5, $0x3;
	[tilespmem:$0x1FC40] =	vst v7  }
0x45: {  	v35 =	vbroadcast v2, $0x3;
	[tilespmem:$0x1FC50] =	vst v32  }
0x46: {  	v36 =	vbroadcast v8, $0x3;
	[tilespmem:$0x1FC60] =	vst v33  }
0x47: {  	v37 =	vbroadcast v0, $0x4;
	[tilespmem:$0x1FC70] =	vst v35  }
0x48: {  	v39 =	vbroadcast v5, $0x4;
	[tilespmem:$0x1FC80] =	vst v36  }
0x49: {  	v40 =	vbroadcast v2, $0x4;
	[tilespmem:$0x1FC90] =	vst v37  }
0x4a: {  	v41 =	vbroadcast v8, $0x4;
	[tilespmem:$0x1FCA0] =	vst v39  }
0x4b: {  	v42 =	vbroadcast v0, $0x5;
	[tilespmem:$0x1FCB0] =	vst v40  }
0x4c: {  	v43 =	vbroadcast v5, $0x5;
	[tilespmem:$0x1FCC0] =	vst v41  }
0x4d: {  	v44 =	vbroadcast v2, $0x5;
	[tilespmem:$0x1FCD0] =	vst v42  }
0x4e: {  	v45 =	vbroadcast v8, $0x5;
	[tilespmem:$0x1FCE0] =	vst v43  }
0x4f: {  	v46 =	vbroadcast v0, $0x6;
	[tilespmem:$0x1FCF0] =	vst v44  }
0x50: {  	v47 =	vbroadcast v5, $0x6;
	[tilespmem:$0x1FD00] =	vst v45  }
0x51: {  	v50 =	vsub.f32 v0, v5;
	v51 =	vsub.f32 v2, v8;
	v48 =	vbroadcast v2, $0x6;
	[tilespmem:$0x1FD10] =	vst v46  }
0x52: {  	v26 =	vmax.f32 v49, $0.0e+00;
	v49 =	vbroadcast v8, $0x6;
	[tilespmem:$0x1FD20] =	vst v47  }
0x53: {  	v18 =	vmul.f32 v51, v50;
	[tilespmem:$0x1FD30] =	vst v48;
	v50 =	vbroadcast v0, $0x7  }
0x54: {  	[tilespmem:$0x1FD40] =	vst v49;
	v51 =	vbroadcast v5, $0x7  }
0x55: {  	v53 =	vbroadcast v8, $0x7;
	[tilespmem:$0x1FD50] =	vst v50  }
0x56: {  	v56 =	vbroadcast v0, $0x8;
	[tilespmem:$0x1FD60] =	vst v51  }
0x57: {  	v57 =	vbroadcast v5, $0x8;
	[tilespmem:$0x1FD80] =	vst v53  }
0x58: {  	v58 =	vbroadcast v2, $0x8;
	[tilespmem:$0x1FD90] =	vst v56  }
0x59: {  	v59 =	vbroadcast v8, $0x8;
	[tilespmem:$0x1FDA0] =	vst v57  }
0x5a: {  	v60 =	vbroadcast v0, $0x9;
	[tilespmem:$0x1FDB0] =	vst v58  }
0x5b: {  	v61 =	vbroadcast v5, $0x9;
	[tilespmem:$0x1FDC0] =	vst v59  }
0x5c: {  	v62 =	vbroadcast v2, $0x9;
	[tilespmem:$0x1FDD0] =	vst v60  }
0x5d: {  	v63 =	vbroadcast v0, $0xA;
	[tilespmem:$0x1FDE0] =	vst v61  }
0x5e: {  	v6 =	vbroadcast v5, $0xA;
	[tilespmem:$0x1FDF0] =	vst v62  }
0x5f: {  	v7 =	vbroadcast v2, $0xA;
	[tilespmem:$0x1FE00] =	vst v63  }
0x60: {  	v32 =	vbroadcast v0, $0xB;
	[tilespmem:$0x1FE10] =	vst v6  }
0x61: {  	v33 =	vbroadcast v5, $0xB;
	[tilespmem:$0x1FE20] =	vst v7  }
0x62: {  	v35 =	vbroadcast v2, $0xB;
	[tilespmem:$0x1FE30] =	vst v32  }
0x63: {  	v36 =	vbroadcast v0, $0xC;
	[tilespmem:$0x1FE40] =	vst v33  }
0x64: {  	v37 =	vbroadcast v5, $0xC;
	[tilespmem:$0x1FE50] =	vst v35  }
0x65: {  	v39 =	vbroadcast v2, $0xC;
	[tilespmem:$0x1FE60] =	vst v36  }
0x66: {  	v40 =	vbroadcast v0, $0xD;
	[tilespmem:$0x1FE70] =	vst v37  }
0x67: {  	v41 =	vbroadcast v5, $0xD;
	[tilespmem:$0x1FE80] =	vst v39  }
0x68: {  	v42 =	vbroadcast v2, $0xD;
	[tilespmem:$0x1FE90] =	vst v40  }
0x69: {  	v43 =	vbroadcast v0, $0xE;
	[tilespmem:$0x1FEA0] =	vst v41  }
0x6a: {  	v44 =	vbroadcast v5, $0xE;
	[tilespmem:$0x1FEB0] =	vst v42  }
0x6b: {  	v45 =	vbroadcast v2, $0xE;
	[tilespmem:$0x1FEC0] =	vst v43  }
0x6c: {  	v0 =	vbroadcast v0, $0xF;
	[tilespmem:$0x1FED0] =	vst v44  }
0x6d: {  	v46 =	vbroadcast v5, $0xF;
	[tilespmem:$0x1FEE0] =	vst v45  }
0x6e: {  	v47 =	vbroadcast v2, $0xF;
	[tilespmem:$0x1FEF0] =	vst v0  }
0x6f: {  	v22 =	vmin.f32 v1, $1.000000000e+00;
	v34 =	vmax.f32 v9, $0.0e+00;
	v48 =	vbroadcast v8, $0x9;
	[tilespmem:$0x1FF00] =	vst v46  }
0x70: {  	v1 =	vsub.f32 v22, v26;
	v52 =	vsub.f32 v30, v34;
	v49 =	vbroadcast v8, $0xA;
	[tilespmem:$0x1FF10] =	vst v47  }
0x71: {  	[tilespmem:$0x1FF20] =	vst v48  }
0x72: {  	v38 =	vmul.f32 v52, v1;
	v1 =	vimm.f32 $-1.000000000e+00;
	[tilespmem:$0x1FF30] =	vst v49  }
0x73: {  	[tilespmem:$0x980] =	vst v1  }
0x74: {  	[tilespmem:$0x990] =	vst v1  }
0x75: {  	[tilespmem:$0x9A0] =	vst v1  }
0x76: {  	[tilespmem:$0x9B0] =	vst v1  }
0x77: {  	[tilespmem:$0x9C0] =	vst v1  }
0x78: {  	[tilespmem:$0x9D0] =	vst v1  }
0x79: {  	[tilespmem:$0x9E0] =	vst v1  }
0x7a: {  	[tilespmem:$0x9F0] =	vst v1  }
0x7b: {  	[tilespmem:$0xA00] =	vst v1  }
0x7c: {  	[tilespmem:$0xA10] =	vst v1  }
0x7d: {  	[tilespmem:$0xA20] =	vst v1  }
0x7e: {  	[tilespmem:$0xA30] =	vst v1  }
0x7f: {  	v19 =	vbroadcast v22, $0x0;
	v20 =	vbroadcast v22, $0x1;
	[tilespmem:$0xA40] =	vst v1  }
0x80: {  	v21 =	vbroadcast v22, $0x2;
	v22 =	vbroadcast v22, $0x3;
	[tilespmem:$0xA50] =	vst v1  }
0x81: {  	v23 =	vbroadcast v26, $0x0;
	v24 =	vbroadcast v26, $0x1;
	[tilespmem:$0xA60] =	vst v1  }
0x82: {  	v25 =	vbroadcast v26, $0x2;
	v26 =	vbroadcast v26, $0x3;
	[tilespmem:$0xA70] =	vst v1  }
0x83: {  	v27 =	vbroadcast v30, $0x0;
	v28 =	vbroadcast v30, $0x1;
	[tilespmem:$0xA80] =	vst v1  }
0x84: {  	v29 =	vbroadcast v30, $0x2;
	v30 =	vbroadcast v30, $0x3;
	[tilespmem:$0xA90] =	vst v1  }
0x85: {  	v31 =	vbroadcast v34, $0x0;
	v52 =	vbroadcast v2, $0x7;
	[tilespmem:$0xAA0] =	vst v1  }
0x86: {  	v50 =	vbroadcast v8, $0xB;
	v51 =	vbroadcast v8, $0xC;
	[tilespmem:$0xAB0] =	vst v1  }
0x87: {  	v53 =	vbroadcast v8, $0xE;
	v56 =	vbroadcast v8, $0xF;
	[tilespmem:$0x1FD70] =	vst v52  }
0x88: {  	v57 =	vbroadcast v18, $0x0;
	v58 =	vbroadcast v18, $0x1;
	[tilespmem:$0x1FF40] =	vst v50  }
0x89: {  	v59 =	vbroadcast v18, $0x2;
	v60 =	vbroadcast v18, $0x3;
	[tilespmem:$0x1FF50] =	vst v51  }
0x8a: {  	v61 =	vbroadcast v18, $0x4;
	v62 =	vbroadcast v18, $0x5;
	[tilespmem:$0x1FF70] =	vst v53  }
0x8b: {  	v63 =	vbroadcast v18, $0x6;
	v10 =	vbroadcast v18, $0x7;
	[tilespmem:$0x1FF80] =	vst v56  }
0x8c: {  	v11 =	vbroadcast v18, $0x8;
	v12 =	vbroadcast v18, $0x9;
	[tilespmem:$0x1FF90] =	vst v57  }
0x8d: {  	v13 =	vbroadcast v18, $0xA;
	v14 =	vbroadcast v18, $0xB;
	[tilespmem:$0x1FFA0] =	vst v58  }
0x8e: {  	v15 =	vbroadcast v18, $0xC;
	v16 =	vbroadcast v18, $0xD;
	[tilespmem:$0x1FFB0] =	vst v59  }
0x8f: {  	v17 =	vbroadcast v18, $0xE;
	v18 =	vbroadcast v18, $0xF;
	[tilespmem:$0x1FFC0] =	vst v60  }
0x90: {  	v32 =	vbroadcast v34, $0x1;
	v33 =	vbroadcast v34, $0x2;
	[tilespmem:$0x1FFD0] =	vst v61  }
0x91: {  	v34 =	vbroadcast v34, $0x3;
	v52 =	vbroadcast v8, $0xD;
	[tilespmem:$0x1FFE0] =	vst v62  }
0x92: {  	[tilespmem:$0x1FFF0] =	vst v63;
	v35 =	vbroadcast v38, $0x0;
	v36 =	vbroadcast v38, $0x1  }
0x93: {  	s24 =	smov.u32 s13;
	s25 =	simm.s32 $0x0;
	v37 =	vbroadcast v38, $0x2;
	v38 =	vbroadcast v38, $0x3;
	[tilespmem:$0x1FF60] =	vst v52  }
.LBB2_2:
0x94: {  	v0 =	vld [tilespmem:$0x1FB90]  }
0x95: {  	s26 =	sshra.s32 s25, $0x2;
	v48 =	vld [tilespmem:$0x1FBA0]  }
0x96: {  	v39 =	vld [tilespmem:s26+$0x300]  }
0x97: {  	v40 =	vld [tilespmem:s26+$0x480]  }
0x98: {  	v41 =	vld [tilespmem:s26+$0x0]  }
0x99: {  	v42 =	vld [tilespmem:s26+$0x180]  }
0x9a: {  	v49 =	vld [tilespmem:$0x1FBB0]  }
0x9b: {  	v51 =	vld [tilespmem:$0x1FBC0];
	v39 =	vmul.f32 $5.000000000e-01, v39  }
0x9c: {  	v53 =	vld [tilespmem:$0x1FBD0];
	v40 =	vmul.f32 $5.000000000e-01, v40  }
0x9d: {  	v57 =	vld [tilespmem:$0x1FBE0];
	v43 =	vsub.f32 v41, v39;
	v39 =	vadd.f32 v39, v41  }
0x9e: {  	v58 =	vld [tilespmem:$0x1FBF0];
	v7 =	vsub.f32 v42, v40;
	v40 =	vadd.f32 v40, v42  }
0x9f: {  	v59 =	vld [tilespmem:$0x1FC00];
	v43 =	vmax.f32 v43, $0.0e+00  }
0xa0: {  	v61 =	vld [tilespmem:$0x1FF90];
	v44 =	vmin.f32 v39, $1.000000000e+00;
	v41 =	vmax.f32 v7, $0.0e+00;
	v42 =	vmin.f32 v40, $1.000000000e+00  }
0xa1: {  	v4 =	vld [tilespmem:$0x1FC10];
	v39 =	vsub.f32 v44, v43;
	v40 =	vsub.f32 v42, v41  }
0xa2: {  	v63 =	vld [tilespmem:$0x1FFA0];
	v45 =	vmin.f32 v44, v0;
	v46 =	vmax.f32 v43, v48;
	v50 =	vmin.f32 v42, v49  }
0xa3: {  	v6 =	vld [tilespmem:$0x1FC20];
	v52 =	vmax.f32 v41, v51;
	v56 =	vmin.f32 v44, v53;
	v47 =	vmax.f32 v43, v57  }
0xa4: {  	v48 =	vmin.f32 v42, v58;
	v49 =	vmax.f32 v41, v59;
	v51 =	vld [tilespmem:$0x1FC30];
	v45 =	vsub.f32 v45, v46  }
0xa5: {  	v46 =	vsub.f32 v56, v47;
	v40 =	vmul.f32 v40, v39;
	v39 =	vsub.f32 v50, v52;
	v52 =	vld [tilespmem:$0x1FC40]  }
0xa6: {  	v5 =	vmin.f32 v44, v4;
	v60 =	vsub.f32 v48, v49  }
0xa7: {  	v45 =	vmax.f32 v45, $0.0e+00;
	v46 =	vmax.f32 v46, $0.0e+00;
	v39 =	vmax.f32 v39, $0.0e+00  }
0xa8: {  	v59 =	vld [tilespmem:$0x1FFB0];
	v47 =	vmax.f32 v60, $0.0e+00;
	v62 =	vadd.f32 v40, v61;
	v39 =	vmul.f32 v39, v45  }
0xa9: {  	v7 =	vmax.f32 v43, v6;
	v46 =	vmul.f32 v47, v46;
	v3 =	vadd.f32 v40, v63  }
0xaa: {  	v50 =	vmin.f32 v42, v51;
	v45 =	vsub.f32 v62, v39;
	v51 =	vmax.f32 v41, v52  }
0xab: {  	v48 =	vsub.f32 v5, v7;
	v53 =	vsub.f32 v50, v51  }
0xac: {  	v47 =	vsub.f32 v3, v46;
	v45 =	vadd.f32 $1.000000010e-10, v45  }
0xad: {  	v6 =	vld [tilespmem:$0x1FC60];
	v57 =	vmax.f32 v48, $0.0e+00;
	v60 =	vadd.f32 v40, v59;
	v58 =	vmax.f32 v53, $0.0e+00  }
0xae: {  	v62 =	vld [tilespmem:$0x1FC50];
	v56 =	vadd.f32 $1.000000010e-10, v47;
	(erf) = vrcp.f32 v45;
	v47 =	vmul.f32 v58, v57  }
0xaf: {  	v58 =	vld [tilespmem:$0x1FC80]  }
0xb0: {  	(erf) = vrcp.f32 v56;
	v56 =	vld [tilespmem:$0x1FC70];
	v61 =	vsub.f32 v60, v47;
	_ =	sdelay $0x1  }
0xb1: {  	v7 =	vmax.f32 v43, v6;
	v6 =	vld [tilespmem:$0x1FC90];
	v45 =	vadd.f32 $1.000000010e-10, v61  }
0xb2: {  	v5 =	vld [tilespmem:$0x980];
	v63 =	vmin.f32 v44, v62  }
0xb3: {  	v59 =	vsub.f32 v63, v7;
	v63 =	vld [tilespmem:$0x1FFC0];
	(erf) = vrcp.f32 v45  }
0xb4: {  	v61 =	vld [tilespmem:$0xB00];
	v52 =	vmax.f32 v41, v58;
	v57 =	vmin.f32 v42, v56  }
0xb5: {  	v60 =	vsub.f32 v57, v52;
	v57 =	vld [tilespmem:$0x1FCA0]  }
0xb6: {  	s28 =	scvt.s32.f32 s24;
	v7 =	vmin.f32 v44, v6;
	v6 =	vld [tilespmem:$0x1FCD0];
	v4 =	vpop (erf)  }
0xb7: {  	v45 =	vmax.f32 v60, $0.0e+00;
	v48 =	vmul.f32 v4, v39;
	v39 =	vmax.f32 v59, $0.0e+00  }
0xb8: {  	v2 =	vadd.f32 v40, v63;
	v62 =	vpop (erf);
	v53 =	vmul.f32 v45, v39;
	v39 =	vadd.f32 s28, v54  }
0xb9: {  	v59 =	vld [tilespmem:$0x1FCB0];
	v51 =	vmul.f32 v62, v46;
	vm15 =	vgt.f32 v48, v5  }
0xba: {  	v56 =	vmax.f32 v43, v57;
	v4 =	vsub.f32 v2, v53;
	v45 =	vsel vm15, v39, v61;
	v61 =	vld [tilespmem:$0x1FCC0]  }
0xbb: {  	vm0 =	vgt.f32 v48, $-1.000000000e+00;
	v58 =	vsub.f32 v7, v56;
	v7 =	vmin.f32 v44, v6;
	v6 =	vld [tilespmem:$0x1FD00]  }
0xbc: {  	v3 =	vnsel vm0, $0xBF800000, v48;
	v46 =	vsel vm15, v48, v5;
	v5 =	vpop (erf);
	v48 =	vadd.f32 $1.000000010e-10, v4;
	v4 =	vld [tilespmem:$0x1FCE0]  }
0xbd: {  	v9 =	vmov v54;
	v54 =	vmul.f32 v5, v47;
	v5 =	vld [tilespmem:$0x1FCF0];
	_ =	sdelay $0x1  }
0xbe: {  	vm1 =	vgt.f32 v51, v3  }
0xbf: {  	v52 =	vld [tilespmem:$0x990];
	v49 =	vsel vm1, $0x3F800000, v55;
	v60 =	vmin.f32 v42, v59;
	v56 =	vmax.f32 v58, $0.0e+00  }
0xc0: {  	v55 =	vld [tilespmem:$0xB10];
	(erf) = vrcp.f32 v48;
	v62 =	vmax.f32 v41, v61;
	v59 =	vmax.f32 v41, v6  }
0xc1: {  	v61 =	vld [tilespmem:$0x1FFE0];
	v63 =	vsub.f32 v60, v62;
	v57 =	vmax.f32 v43, v4;
	v58 =	vmin.f32 v42, v5  }
0xc2: {  	v48 =	vsub.f32 v7, v57;
	v7 =	vsub.f32 v58, v59;
	v59 =	vld [tilespmem:$0x1FFD0]  }
0xc3: {  	v6 =	vld [tilespmem:$0x1FD30]  }
0xc4: {  	vm4 =	vgt.f32 v51, v52;
	v60 =	vmax.f32 v63, $0.0e+00;
	v63 =	vld [tilespmem:$0x1FD10]  }
0xc5: {  	v50 =	vsel vm1, v51, v3;
	v47 =	vsel vm4, v51, v52;
	v4 =	vld [tilespmem:$0x1FD20]  }
0xc6: {  	vm1 =	vgt.f32 v54, v50;
	v51 =	vmul.f32 v60, v56;
	v57 =	vmax.f32 v7, $0.0e+00;
	v7 =	vld [tilespmem:$0x1FD40]  }
0xc7: {  	v48 =	vmax.f32 v48, $0.0e+00;
	v62 =	vadd.f32 v40, v61;
	v60 =	vadd.f32 v40, v59  }
0xc8: {  	v61 =	vmin.f32 v42, v6;
	v57 =	vmul.f32 v57, v48;
	v48 =	vsel vm4, v39, v55  }
0xc9: {  	v56 =	vld [tilespmem:$0x9A0];
	v55 =	vsel vm1, $0x40000000, v49;
	v49 =	vmin.f32 v44, v63;
	v63 =	vpop (erf);
	v52 =	vsub.f32 v60, v51  }
0xca: {  	v5 =	vmax.f32 v43, v4;
	v59 =	vsel vm1, v54, v50;
	v53 =	vmul.f32 v63, v53;
	v63 =	vld [tilespmem:$0x1FFF0]  }
0xcb: {  	v6 =	vld [tilespmem:$0x1FD50];
	v50 =	vadd.f32 $1.000000010e-10, v52;
	v52 =	vsub.f32 v62, v57;
	v62 =	vmax.f32 v41, v7  }
0xcc: {  	v60 =	vsub.f32 v49, v5;
	v61 =	vsub.f32 v61, v62;
	_ =	sdelay $0x1  }
0xcd: {  	v58 =	vld [tilespmem:$0xB20];
	vm5 =	vgt.f32 v54, v56;
	v60 =	vmax.f32 v60, $0.0e+00;
	v62 =	vmax.f32 v61, $0.0e+00  }
0xce: {  	v49 =	vsel vm5, v54, v56;
	v4 =	vadd.f32 v40, v63;
	v63 =	vld [tilespmem:$0x1FD60];
	v56 =	vmul.f32 v62, v60  }
0xcf: {  	v7 =	vmin.f32 v44, v6;
	v6 =	vld [tilespmem:$0x1FD80]  }
0xd0: {  	v5 =	vsub.f32 v4, v56;
	v4 =	vld [tilespmem:$0x1FD70];
	_ =	sdelay $0x1  }
0xd1: {  	v52 =	vadd.f32 $1.000000010e-10, v52  }
0xd2: {  	(erf) = vrcp.f32 v50;
	v3 =	vmax.f32 v43, v63  }
0xd3: {  	v50 =	vsel vm5, v39, v58;
	(erf) = vrcp.f32 v52;
	v63 =	vld [tilespmem:$0x1FD90];
	v58 =	vsub.f32 v7, v3  }
0xd4: {  	v7 =	vmax.f32 v41, v6;
	v52 =	vadd.f32 $1.000000010e-10, v5;
	v5 =	vmin.f32 v42, v4;
	v4 =	vld [tilespmem:$0x1FDA0]  }
0xd5: {  	v60 =	vsub.f32 v5, v7;
	v5 =	vld [tilespmem:$0x1FDB0]  }
0xd6: {  	v7 =	vld [tilespmem:$0x1FDC0];
	_ =	sdelay $0x3  }
0xd7: {  	v61 =	vmin.f32 v44, v63  }
0xd8: {  	v62 =	vmax.f32 v43, v4;
	v6 =	vmin.f32 v42, v5;
	v1 =	vmax.f32 v41, v7  }
0xd9: {  	v61 =	vsub.f32 v61, v62;
	v1 =	vsub.f32 v6, v1  }
0xda: {  	v54 =	vld [tilespmem:$0x9B0];
	v58 =	vmax.f32 v58, $0.0e+00  }
0xdb: {  	v60 =	vmax.f32 v60, $0.0e+00;
	v6 =	vmax.f32 v61, $0.0e+00;
	v1 =	vmax.f32 v1, $0.0e+00  }
0xdc: {  	v58 =	vmul.f32 v60, v58;
	v5 =	vadd.f32 v40, v10;
	v1 =	vmul.f32 v1, v6;
	v6 =	vld [tilespmem:$0x1FDE0]  }
0xdd: {  	v4 =	vpop (erf)  }
0xde: {  	v0 =	vmul.f32 v4, v51;
	v4 =	vsub.f32 v5, v58  }
0xdf: {  	v2 =	vld [tilespmem:$0x1FDD0];
	vm6 =	vgt.f32 v53, v54  }
0xe0: {  	vm1 =	vgt.f32 v53, v59;
	v7 =	vpop (erf);
	v51 =	vsel vm6, v53, v54;
	v54 =	vadd.f32 $1.000000010e-10, v4;
	v4 =	vld [tilespmem:$0x1FDF0]  }
0xe1: {  	v59 =	vsel vm1, v53, v59;
	v53 =	vmul.f32 v7, v57;
	v7 =	vmax.f32 v43, v6;
	v6 =	vld [tilespmem:$0x1FF20];
	_ =	sdelay $0x2  }
0xe2: {  	v5 =	vadd.f32 v40, v11  }
0xe3: {  	(erf) = vrcp.f32 v52;
	v52 =	vmin.f32 v44, v2;
	v60 =	vld [tilespmem:$0xB30]  }
0xe4: {  	v57 =	vsub.f32 v5, v1;
	v5 =	vmin.f32 v42, v4;
	v2 =	vmax.f32 v41, v6  }
0xe5: {  	v3 =	vld [tilespmem:$0x1FE00];
	v7 =	vsub.f32 v52, v7;
	v2 =	vsub.f32 v5, v2  }
0xe6: {  	(erf) = vrcp.f32 v54;
	v6 =	vld [tilespmem:$0x1FE10]  }
0xe7: {  	v57 =	vadd.f32 $1.000000010e-10, v57;
	v54 =	vmax.f32 v7, $0.0e+00;
	v2 =	vmax.f32 v2, $0.0e+00  }
0xe8: {  	v4 =	vadd.f32 v40, v12;
	v52 =	vsel vm6, v39, v60;
	v60 =	vld [tilespmem:$0x9D0];
	v2 =	vmul.f32 v2, v54  }
0xe9: {  	v55 =	vsel vm1, $0x40400000, v55  }
0xea: {  	vm1 =	vgt.f32 v0, v59;
	(erf) = vrcp.f32 v57;
	v54 =	vsub.f32 v4, v2;
	v4 =	vld [tilespmem:$0x1FF30]  }
0xeb: {  	v61 =	vsel vm1, $0x40800000, v55;
	v55 =	vmin.f32 v44, v3;
	v7 =	vld [tilespmem:$0x1FE20];
	v63 =	vmax.f32 v43, v6  }
0xec: {  	v62 =	vld [tilespmem:$0x9C0];
	v59 =	vsel vm1, v0, v59;
	v63 =	vsub.f32 v55, v63  }
0xed: {  	vm4 =	vgt.f32 v53, v59;
	vm1 =	vgt.f32 v53, v60  }
0xee: {  	v57 =	vsel vm4, v53, v59;
	v53 =	vsel vm1, v53, v60;
	v60 =	vmax.f32 v63, $0.0e+00;
	v63 =	vld [tilespmem:$0x1FE40]  }
0xef: {  	v4 =	vmax.f32 v41, v4  }
0xf0: {  	v3 =	vmin.f32 v42, v7  }
0xf1: {  	vm0 =	vgt.f32 v0, v62;
	v59 =	vld [tilespmem:$0x9E0];
	v5 =	vpop (erf);
	v3 =	vsub.f32 v3, v4  }
0xf2: {  	v56 =	vmul.f32 v5, v56;
	v5 =	vld [tilespmem:$0x1FE30];
	v55 =	vsel vm0, v0, v62;
	v4 =	vpop (erf)  }
0xf3: {  	v54 =	vadd.f32 $1.000000010e-10, v54;
	v7 =	vmax.f32 v43, v63;
	v63 =	vld [tilespmem:$0x1FF40];
	v3 =	vmax.f32 v3, $0.0e+00;
	v62 =	vpop (erf)  }
0xf4: {  	v3 =	vmul.f32 v3, v60;
	v60 =	vadd.f32 v40, v13;
	v1 =	vmul.f32 v62, v1;
	v62 =	vld [tilespmem:$0x1FE50]  }
0xf5: {  	vm2 =	vgt.f32 v56, v57  }
0xf6: {  	(erf) = vrcp.f32 v54;
	v4 =	vmul.f32 v4, v58;
	v58 =	vsub.f32 v60, v3  }
0xf7: {  	vm3 =	vgt.f32 v56, v59;
	v57 =	vsel vm2, v56, v57;
	v0 =	vld [tilespmem:$0x9F0]  }
0xf8: {  	v54 =	vsel vm3, v56, v59;
	v59 =	vld [tilespmem:$0xA00];
	v56 =	vmin.f32 v44, v5;
	v58 =	vadd.f32 $1.000000010e-10, v58  }
0xf9: {  	v60 =	vsub.f32 v56, v7;
	v7 =	vmax.f32 v41, v63;
	v63 =	vld [tilespmem:$0x1FE70];
	v62 =	vmin.f32 v42, v62  }
0xfa: {  	(erf) = vrcp.f32 v58;
	v58 =	vsub.f32 v62, v7;
	v62 =	vld [tilespmem:$0x1FE60];
	_ =	sdelay $0x1  }
0xfb: {  	v6 =	vld [tilespmem:$0x1FF50];
	vm5 =	vgt.f32 v4, v57;
	vm6 =	vgt.f32 v4, v0  }
0xfc: {  	v5 =	vld [tilespmem:$0x1FE80];
	v57 =	vsel vm5, v4, v57;
	v56 =	vsel vm6, v4, v0  }
0xfd: {  	v8 =	vld [tilespmem:$0x1FE90];
	vm7 =	vgt.f32 v1, v57;
	vm8 =	vgt.f32 v1, v59;
	v4 =	vmax.f32 v60, $0.0e+00  }
0xfe: {  	v59 =	vsel vm8, v1, v59;
	v63 =	vmax.f32 v43, v63;
	v7 =	vpop (erf);
	v60 =	vmin.f32 v44, v62  }
0xff: {  	v60 =	vsub.f32 v60, v63;
	v63 =	vsel vm7, v1, v57;
	v1 =	vmul.f32 v7, v2;
	_ =	sdelay $0x1  }
0x100: {  	v6 =	vmax.f32 v41, v6;
	v5 =	vmin.f32 v42, v5;
	vm10 =	vgt.f32 v1, v63  }
0x101: {  	v5 =	vsub.f32 v5, v6;
	v6 =	vsel vm10, v1, v63;
	v63 =	vmin.f32 v44, v8;
	v8 =	vld [tilespmem:$0x1FEA0]  }
0x102: {  	v0 =	vmax.f32 v58, $0.0e+00  }
0x103: {  	v5 =	vmax.f32 v5, $0.0e+00;
	v0 =	vmul.f32 v0, v4;
	v4 =	vmax.f32 v60, $0.0e+00  }
0x104: {  	v60 =	vadd.f32 v40, v15;
	v4 =	vmul.f32 v5, v4;
	_ =	sdelay $0x1  }
0x105: {  	v5 =	vsub.f32 v60, v4;
	v60 =	vmax.f32 v43, v8;
	v8 =	vld [tilespmem:$0x1FF60];
	_ =	sdelay $0x4  }
0x106: {  	v58 =	vadd.f32 v40, v14;
	v63 =	vsub.f32 v63, v60;
	v60 =	vmax.f32 v41, v8;
	v8 =	vld [tilespmem:$0x1FEC0];
	_ =	sdelay $0x1  }
0x107: {  	v58 =	vsub.f32 v58, v0;
	_ =	sdelay $0x1  }
0x108: {  	v2 =	vadd.f32 $1.000000010e-10, v58;
	v58 =	vld [tilespmem:$0x1FEB0]  }
0x109: {  	v57 =	vmin.f32 v44, v8;
	v8 =	vld [tilespmem:$0x1FED0];
	_ =	sdelay $0x3  }
0x10a: {  	v7 =	vpop (erf)  }
0x10b: {  	v3 =	vmul.f32 v7, v3;
	v7 =	vmin.f32 v42, v58;
	v58 =	vmax.f32 v43, v8;
	v8 =	vld [tilespmem:$0x1FEE0];
	_ =	sdelay $0x4  }
0x10c: {  	v7 =	vsub.f32 v7, v60;
	v60 =	vmin.f32 v42, v8;
	v8 =	vld [tilespmem:$0x1FF70];
	_ =	sdelay $0x4  }
0x10d: {  	(erf) = vrcp.f32 v2;
	v2 =	vmax.f32 v63, $0.0e+00;
	v63 =	vmax.f32 v41, v8  }
0x10e: {  	v57 =	vsub.f32 v57, v58;
	v58 =	vsub.f32 v60, v63  }
0x10f: {  	v8 =	vld [tilespmem:$0x1FF00]  }
0x110: {  	v63 =	vmax.f32 v57, $0.0e+00;
	v57 =	vmax.f32 v58, $0.0e+00;
	v58 =	vld [tilespmem:$0x1FEF0];
	_ =	sdelay $0x3  }
0x111: {  	v62 =	vld [tilespmem:$0xA10];
	v7 =	vmax.f32 v7, $0.0e+00  }
0x112: {  	v60 =	vmul.f32 v7, v2;
	v7 =	vmin.f32 v44, v58;
	v58 =	vmax.f32 v43, v8;
	v8 =	vld [tilespmem:$0x1FF10]  }
0x113: {  	[tilespmem:$0x980] =	vst v46  }
0x114: {  	v46 =	vld [tilespmem:$0xB70];
	[tilespmem:$0x990] =	vst v47  }
0x115: {  	[tilespmem:$0xB10] =	vst v48  }
0x116: {  	v47 =	vld [tilespmem:$0xB80];
	v48 =	vmin.f32 v44, v21;
	[tilespmem:$0x9A0] =	vst v49;
	v49 =	vmin.f32 v42, v29;
	v61 =	vsel vm4, $0x40A00000, v61  }
0x117: {  	vm9 =	vgt.f32 v1, v62;
	v57 =	vmul.f32 v57, v63;
	v63 =	vmin.f32 v42, v8;
	v8 =	vld [tilespmem:$0x1FF80]  }
0x118: {  	[tilespmem:$0xB20] =	vst v50;
	v50 =	vsel vm2, $0x40C00000, v61;
	v1 =	vsel vm9, v1, v62;
	v62 =	vld [tilespmem:$0xA20];
	v5 =	vadd.f32 $1.000000010e-10, v5  }
0x119: {  	[tilespmem:$0x9D0] =	vst v53;
	v53 =	vadd.f32 v40, v36;
	v50 =	vsel vm5, $0x40E00000, v50;
	v46 =	vsel vm6, v39, v46  }
0x11a: {  	(erf) = vrcp.f32 v5;
	v5 =	vadd.f32 v40, v17;
	v2 =	vadd.f32 v40, v16  }
0x11b: {  	v50 =	vsel vm7, $0x41000000, v50;
	v47 =	vsel vm8, v39, v47;
	vm12 =	vgt.f32 v3, v6  }
0x11c: {  	v2 =	vsub.f32 v2, v60;
	v5 =	vsub.f32 v5, v57;
	v8 =	vmax.f32 v41, v8  }
0x11d: {  	vm11 =	vgt.f32 v3, v62;
	v7 =	vsub.f32 v7, v58;
	v8 =	vsub.f32 v63, v8  }
0x11e: {  	v6 =	vsel vm12, v3, v6;
	v3 =	vsel vm11, v3, v62;
	v2 =	vadd.f32 $1.000000010e-10, v2  }
0x11f: {  	v5 =	vadd.f32 $1.000000010e-10, v5;
	v7 =	vmax.f32 v7, $0.0e+00;
	v8 =	vmax.f32 v8, $0.0e+00  }
0x120: {  	v62 =	vpop (erf);
	(erf) = vrcp.f32 v2;
	v2 =	vld [tilespmem:$0xB40];
	v63 =	vadd.f32 v40, v18;
	v58 =	vmul.f32 v8, v7  }
0x121: {  	v50 =	vsel vm10, $0x41100000, v50;
	v0 =	vmul.f32 v62, v0;
	(erf) = vrcp.f32 v5;
	v5 =	vld [tilespmem:$0xB60]  }
0x122: {  	v50 =	vsel vm12, $0x41200000, v50;
	v7 =	vsub.f32 v63, v58;
	v63 =	vmax.f32 v41, v31  }
0x123: {  	v62 =	vmax.f32 v43, v23;
	vm7 =	vgt.f32 v0, v6;
	v8 =	vmin.f32 v44, v19  }
0x124: {  	v50 =	vsel vm7, $0x41300000, v50;
	v8 =	vsub.f32 v8, v62;
	v62 =	vmin.f32 v42, v27  }
0x125: {  	[tilespmem:$0xB30] =	vst v52;
	v52 =	vld [tilespmem:$0xA40];
	v6 =	vsel vm7, v0, v6;
	v62 =	vsub.f32 v62, v63;
	v7 =	vadd.f32 $1.000000010e-10, v7;
	v63 =	vpop (erf)  }
0x126: {  	v2 =	vsel vm0, v39, v2;
	v5 =	vsel vm3, v39, v5;
	v4 =	vmul.f32 v63, v4  }
0x127: {  	(erf) = vrcp.f32 v7;
	v7 =	vmax.f32 v8, $0.0e+00;
	v8 =	vmax.f32 v62, $0.0e+00  }
0x128: {  	[tilespmem:$0xB00] =	vst v45;
	v62 =	vmin.f32 v44, v20;
	v45 =	vmul.f32 v8, v7;
	v8 =	vmax.f32 v43, v24  }
0x129: {  	v63 =	vld [tilespmem:$0xB50];
	v44 =	vmin.f32 v44, v22;
	v7 =	vsub.f32 v62, v8;
	v8 =	vmin.f32 v42, v28  }
0x12a: {  	[tilespmem:$0x9B0] =	vst v51;
	v62 =	vmax.f32 v41, v32;
	v42 =	vmin.f32 v42, v30;
	vm10 =	vgt.f32 v4, v52  }
0x12b: {  	[tilespmem:$0x9C0] =	vst v55;
	v8 =	vsub.f32 v8, v62;
	v62 =	vmax.f32 v43, v25;
	v43 =	vmax.f32 v43, v26  }
0x12c: {  	v61 =	vld [tilespmem:$0xB90];
	[tilespmem:$0x9E0] =	vst v54;
	v48 =	vsub.f32 v48, v62;
	v62 =	vmax.f32 v41, v33;
	v7 =	vmax.f32 v7, $0.0e+00  }
0x12d: {  	[tilespmem:$0x9F0] =	vst v56;
	v43 =	vsub.f32 v44, v43;
	v41 =	vmax.f32 v41, v34;
	v49 =	vsub.f32 v49, v62  }
0x12e: {  	[tilespmem:$0xB70] =	vst v46;
	v51 =	vsel vm1, v39, v63;
	v8 =	vmax.f32 v8, $0.0e+00;
	v63 =	vadd.f32 v40, v35  }
0x12f: {  	[tilespmem:$0xB40] =	vst v2;
	v41 =	vsub.f32 v42, v41;
	v2 =	vmul.f32 v8, v7;
	v8 =	vmax.f32 v48, $0.0e+00  }
0x130: {  	[tilespmem:$0xA00] =	vst v59;
	v44 =	vld [tilespmem:$0xA30];
	v43 =	vmax.f32 v43, $0.0e+00;
	v62 =	vmax.f32 v49, $0.0e+00;
	v48 =	vsub.f32 v63, v45  }
0x131: {  	[tilespmem:$0xB80] =	vst v47;
	v49 =	vsel vm9, v39, v61;
	v63 =	vadd.f32 v40, v37;
	v41 =	vmax.f32 v41, $0.0e+00  }
0x132: {  	[tilespmem:$0xB60] =	vst v5;
	v61 =	vld [tilespmem:$0xBB0];
	v8 =	vmul.f32 v62, v8;
	v5 =	vsub.f32 v53, v2;
	v62 =	vadd.f32 $1.000000010e-10, v48  }
0x133: {  	[tilespmem:$0xA10] =	vst v1;
	v7 =	vld [tilespmem:$0xBA0];
	v40 =	vadd.f32 v40, v38;
	vm9 =	vgt.f32 v4, v6;
	v41 =	vmul.f32 v41, v43  }
0x134: {  	[tilespmem:$0xA20] =	vst v3;
	v53 =	vld [tilespmem:$0xBC0];
	v5 =	vadd.f32 $1.000000010e-10, v5;
	v56 =	vsub.f32 v63, v8;
	(erf) = vrcp.f32 v62  }
0x135: {  	v59 =	vld [tilespmem:$0xA50];
	[tilespmem:$0xB50] =	vst v51;
	vm8 =	vgt.f32 v0, v44;
	v48 =	vsel vm9, v4, v6;
	v40 =	vsub.f32 v40, v41  }
0x136: {  	[tilespmem:$0xB90] =	vst v49;
	v4 =	vsel vm10, v4, v52;
	v63 =	vld [tilespmem:$0xA60];
	(erf) = vrcp.f32 v5;
	v46 =	vadd.f32 $1.000000010e-10, v56  }
0x137: {  	v0 =	vsel vm8, v0, v44;
	[tilespmem:$0xA40] =	vst v4;
	v62 =	vld [tilespmem:$0xBD0];
	v42 =	vsel vm8, v39, v61;
	v61 =	vpop (erf);
	v40 =	vadd.f32 $1.000000010e-10, v40  }
0x138: {  	v49 =	vld [tilespmem:$0xBE0];
	v7 =	vsel vm11, v39, v7;
	[tilespmem:$0xA30] =	vst v0;
	v3 =	vmul.f32 v61, v60;
	(erf) = vrcp.f32 v46  }
0x139: {  	v51 =	vld [tilespmem:$0xA70];
	[tilespmem:$0xBA0] =	vst v7;
	v7 =	vsel vm9, $0x41400000, v50;
	v1 =	vsel vm10, v39, v53;
	v50 =	vpop (erf);
	(erf) = vrcp.f32 v40  }
0x13a: {  	[tilespmem:$0xBB0] =	vst v42;
	v53 =	vld [tilespmem:$0xBF0];
	v52 =	vmul.f32 v50, v57;
	v56 =	vpop (erf);
	vm11 =	vgt.f32 v3, v48;
	vm12 =	vgt.f32 v3, v59  }
0x13b: {  	[tilespmem:$0xBC0] =	vst v1;
	v57 =	vld [tilespmem:$0xA80];
	v1 =	vmul.f32 v56, v58;
	v0 =	vsel vm11, v3, v48;
	v3 =	vsel vm12, v3, v59  }
0x13c: {  	v61 =	vld [tilespmem:$0xA90];
	v5 =	vsel vm12, v39, v62;
	vm14 =	vgt.f32 v52, v63;
	[tilespmem:$0xA50] =	vst v3;
	vm13 =	vgt.f32 v52, v0  }
0x13d: {  	v59 =	vld [tilespmem:$0xC00];
	[tilespmem:$0xBD0] =	vst v5;
	v4 =	vsel vm14, v52, v63;
	v6 =	vsel vm14, v39, v49;
	v0 =	vsel vm13, v52, v0;
	v60 =	vpop (erf)  }
0x13e: {  	v47 =	vld [tilespmem:$0xAA0];
	vm7 =	vgt.f32 v1, v51;
	[tilespmem:$0xA60] =	vst v4;
	vm15 =	vgt.f32 v1, v0;
	v62 =	vmul.f32 v60, v45  }
0x13f: {  	v63 =	vld [tilespmem:$0xC10];
	[tilespmem:$0xBE0] =	vst v6;
	v46 =	vsel vm7, v39, v53;
	v0 =	vsel vm15, v1, v0;
	v1 =	vsel vm7, v1, v51;
	v45 =	vpop (erf)  }
0x140: {  	v49 =	vld [tilespmem:$0xC20];
	[tilespmem:$0xBF0] =	vst v46;
	v48 =	vmul.f32 v45, v2;
	vm8 =	vgt.f32 v62, v0;
	vm9 =	vgt.f32 v62, v57  }
0x141: {  	v50 =	vsel vm11, $0x41500000, v7;
	v52 =	vld [tilespmem:$0xAB0];
	[tilespmem:$0xA70] =	vst v1;
	v51 =	vpop (erf);
	v0 =	vsel vm8, v62, v0;
	v4 =	vsel vm9, v62, v57  }
0x142: {  	v3 =	vsel vm9, v39, v59;
	vm10 =	vgt.f32 v48, v61;
	v53 =	vmul.f32 v51, v8;
	v56 =	vpop (erf);
	[tilespmem:$0xA80] =	vst v4  }
0x143: {  	v57 =	vsel vm13, $0x41600000, v50;
	v8 =	vld [tilespmem:$0xC30];
	[tilespmem:$0xC00] =	vst v3;
	v58 =	vsel vm10, v48, v61;
	v7 =	vmul.f32 v56, v41  }
0x144: {  	vm11 =	vgt.f32 v48, v0;
	v5 =	vsel vm10, v39, v63;
	[tilespmem:$0xA90] =	vst v58;
	vm12 =	vgt.f32 v53, v47  }
0x145: {  	v59 =	vsel vm15, $0x41700000, v57;
	v0 =	vsel vm11, v48, v0;
	[tilespmem:$0xC10] =	vst v5;
	v60 =	vsel vm12, v53, v47  }
0x146: {  	p0 =	sne.s32 s25, $0x440;
	vm13 =	vgt.f32 v53, v0;
	v2 =	vsel vm12, v39, v49;
	vm14 =	vgt.f32 v7, v52;
	[tilespmem:$0xAA0] =	vst v60  }
.Ltmp0:
0x147: {  	v1 =	vsel vm8, $0x41800000, v59;
	v0 =	vsel vm13, v53, v0;
	[tilespmem:$0xC20] =	vst v2;
	v61 =	vsel vm14, v7, v52;
	(pc) =	sbr.rel @p0 .LBB2_2-.Ltmp0, $4  }
0x148: {  	v1 =	vsel vm11, $0x41880000, v1;
	v62 =	vsel vm14, v39, v8;
	[tilespmem:$0xAB0] =	vst v61;
	vm15 =	vgt.f32 v7, v0  }
0x149: {  	v1 =	vsel vm13, $0x41900000, v1;
	v0 =	vsel vm15, v7, v0;
	[tilespmem:$0xC30] =	vst v62  }
0x14a: {  	v63 =	vsel vm15, $0x41980000, v1;
	[tilespmem:s26+$0x680] =	vst v0  }
0x14b: {  	s24 =	sadd.s32 $0x10, s24;
	s25 =	sadd.s32 $0x40, s25;
	v55 =	vimm.f32 $0.0e+00;
	v54 =	vmov v9;
	[tilespmem:s26+$0x800] =	vst v63  }
0x14c: {  	[hbm4b:s8+s3] =	stream.linear.scatter [tilespmem:s19], [sflag:$0x1], $0x120, $0x38;
	[tilespmem:$0xC80] =	vst v63  }
0x14d: {  	_ =	swait.ge [sflag:s14], $0x120  }
0x14e: {  	[sflag:s14] =	ssyncset.done $0x0  }
0x14f: {  	[sflag:s14] =	ssyncadd.s32 $0xFFFFFEE0  }
0x150: {  	[hbm4b:s9+s3] =	stream.linear.scatter [tilespmem:s20], [sflag:$0x1], $0x120, $0x38;
	[tilespmem:$0xC80] =	vst v63  }
0x151: {  	_ =	swait.ge [sflag:s14], $0x120  }
0x152: {  	[sflag:s14] =	ssyncset.done $0x0  }
0x153: {  	[sflag:s14] =	ssyncadd.s32 $0xFFFFFEE0  }
0x154: {  	[hbm4b:s10+s3] =	stream.linear.scatter [tilespmem:s21], [sflag:$0x1], $0x140, $0x38;
	[tilespmem:$0xC80] =	vst v63  }
0x155: {  	s23 =	sadd.s32 $0x1, s23;
	_ =	swait.ge [sflag:s14], $0x140  }
0x156: {  	p0 =	sne.s32 s23, s12;
	[sflag:s14] =	ssyncset.done $0x0  }
.Ltmp1:
0x157: {  	[sflag:s14] =	ssyncadd.s32 $0xFFFFFEC0;
	(pc) =	sbr.rel @p0 .LBB2_1-.Ltmp1, $4  }
0x158: {  	[hbm4b:s11+s3] =	stream.linear.scatter [tilespmem:s22], [sflag:$0x1], $0x140, $0x38;
	[tilespmem:$0xC80] =	vst v63  }
0x159: {  	_ =	swait.ge [sflag:s14], $0x140  }
0x15a: {  	[sflag:s14] =	ssyncset.done $0x0  }
0x15b: {  	[sflag:s14] =	ssyncadd.s32 $0xFFFFFEC0  }
0x15c: {  	_ =	sfence.sel $0x180000  }
0x15d: {  	[bflag:$0x0] =	sbarrier.arrive $0xFFFF  }
0x15e: {  	p0 =	sne.s32 s0, $0x0;
	_ =	strace $0x90000047  }
0x15f: {  	s0 =	sadd.s32 @!p0 $0x100000, s1;
	[bflag:$0x2] =	sbarrier.arrive $0xFFFF  }
0x160: {  	[sflag:s0] =	ssyncadd.tile.s32 @!p0 $0x1;
	_ =	shalt  }
.Lfunc_end2:
_tile_overlayer_lowered:
.L_overlay_start_2:
0x161: {  	(tag) =	ssettag $0x2  }
0x162: {  	s0 =	rddreg [dreg:$0x0];
	s2 =	stileid.u32  }
0x163: {  	s1 =	rddreg [dreg:$0x1];
	p0 =	sne.s32 s2, $0x0  }
0x164: {  	s3 =	rddreg [dreg:$0x2];
	[bflag:$0x3] =	sbarrier.arrive $0xFFFF;
	s2 =	simm.s32 @!p0 $0x1C01  }
0x165: {  	[timem:s3], [sflag:s2] =	dma.local @!p0 [hbm:s0], s1  }
0x166: {  	s0 =	simm.s32 @!p0 $0x1  }
0x167: {  	_ =	swait.ge @!p0 [sflag:s0], s1  }
0x168: {  	s1 =	ssub.s32 @!p0 $0x0, s1;
	[sflag:s0] =	ssyncset.done @!p0 $0x0  }
0x169: {  	[sflag:s0] =	ssyncadd.s32 @!p0 s1  }
0x16a: {  	[bflag:$0x3] =	sbarrier.arrive $0xFFFF  }
0x16b: {  	_ =	shalt  }

</sc_bundles>
